<compile_context>
chip_gen: v7x
topology: tpu7x:2x2x1
jax: 0.10.2.dev20260603
libtpu: 0.0.44.dev20260713+nightly
codegen_flags: <defaults>
</compile_context>

<pallas_src>
import functools

import jax
import jax.numpy as jnp
from jax import lax
from jax.experimental import pallas as pl
from jax.experimental.pallas import tpu as pltpu
from jax.experimental.pallas import tpu_sc as plsc

N = 10000
E = 320000
NC = 2
NS = 16
NW = NC * NS
EW = E // NW
C = 128
CHUNKS = 80
EWP = C * CHUNKS
C2 = 32
RS = 10
CHUNKS2 = EWP // C2
NGRP2 = CHUNKS2 // RS
PAD = EWP - EW
N_ACC = N
RPS = 632
RPS_LAST = N - 15 * RPS

_MESH = plsc.VectorSubcoreMesh(core_axis_name="c", subcore_axis_name="s")


def _init_acc(sid, zeros_hbm, acc_sh):
    @pl.when(sid < NS - 1)
    def _():
        pltpu.sync_copy(zeros_hbm, acc_sh.at[pl.ds(sid * RPS, RPS)])

    @pl.when(sid == NS - 1)
    def _():
        pltpu.sync_copy(zeros_hbm.at[pl.ds(0, RPS_LAST)],
                        acc_sh.at[pl.ds(sid * RPS, RPS_LAST)])


def _copy_out(cid, sid, acc_sh, out_hbm):
    @pl.when(sid < NS - 1)
    def _():
        pltpu.sync_copy(acc_sh.at[pl.ds(sid * RPS, RPS)],
                        out_hbm.at[cid, pl.ds(sid * RPS, RPS)])

    @pl.when(sid == NS - 1)
    def _():
        pltpu.sync_copy(acc_sh.at[pl.ds(sid * RPS, RPS_LAST)],
                        out_hbm.at[cid, pl.ds(sid * RPS, RPS_LAST)])



@functools.partial(
    pl.kernel,
    out_type=jax.ShapeDtypeStruct((NC, N, 128), jnp.float32),
    mesh=_MESH,
    scratch_types=[
        [pltpu.VMEM((C2,), jnp.int32)] * RS,
        [pltpu.VMEM((C2,), jnp.int32)] * RS,
        [pltpu.VMEM((C2, 128), jnp.float32)] * RS,
        pltpu.VMEM_SHARED((N_ACC, 128), jnp.float32),
        [pltpu.SemaphoreType.DMA] * RS,
        [pltpu.SemaphoreType.DMA] * RS,
        [pltpu.SemaphoreType.DMA] * RS,
    ],
)
def _scatter_kernel(y_hbm, src_hbm, dst_hbm, zeros_hbm, out_hbm,
                    srcv, dstv, rows, acc_sh, isem, gsem, ssem):
    cid = lax.axis_index("c")
    sid = lax.axis_index("s")
    wid = sid * NC + cid
    ebase = wid * EWP

    def idx_async(c, b):
        base = ebase + c * C2
        pltpu.async_copy(src_hbm.at[pl.ds(base, C2)], srcv[b], isem[b])
        pltpu.async_copy(dst_hbm.at[pl.ds(base, C2)], dstv[b], isem[b])

    def idx_wait(c, b):
        base = ebase + c * C2
        pltpu.make_async_copy(src_hbm.at[pl.ds(base, C2)], srcv[b], isem[b]).wait()
        pltpu.make_async_copy(dst_hbm.at[pl.ds(base, C2)], dstv[b], isem[b]).wait()

    def gather(b):
        pltpu.async_copy(y_hbm.at[srcv[b]], rows[b], gsem[b])

    def gather_wait(b):
        pltpu.make_async_copy(y_hbm.at[srcv[b]], rows[b], gsem[b]).wait()

    def scatter(b):
        pltpu.async_copy(rows[b], acc_sh.at[dstv[b]], ssem[b], add=True)

    def scatter_wait(b):
        pltpu.make_async_copy(rows[b], acc_sh.at[dstv[b]], ssem[b]).wait()

    _init_acc(sid, zeros_hbm, acc_sh)
    for b in range(RS):
        idx_async(b, b)
    for b in range(RS):
        idx_wait(b, b)
        gather(b)
    plsc.subcore_barrier()

    def body(g, _):
        cn = RS * g
        for b in range(RS):
            gather_wait(b)
            scatter(b)
        for b in range(RS):
            scatter_wait(b)
            idx_async(cn + b, b)
        for b in range(RS):
            idx_wait(cn + b, b)
            gather(b)
        return 0

    lax.fori_loop(1, NGRP2, body, 0)
    for b in range(RS):
        gather_wait(b)
        scatter(b)
    for b in range(RS):
        scatter_wait(b)
    plsc.subcore_barrier()
    _copy_out(cid, sid, acc_sh, out_hbm)



@functools.partial(
    pl.kernel,
    out_type=jax.ShapeDtypeStruct((NC, N, 128), jnp.float32),
    mesh=_MESH,
    scratch_types=[
        [pltpu.VMEM((C,), jnp.int32)] * 8,
        pltpu.VMEM((C, 128), jnp.float32),
        pltpu.VMEM_SHARED((N_ACC, 128), jnp.float32),
        [pltpu.SemaphoreType.DMA] * 8,
        [pltpu.SemaphoreType.DMA] * 8,
    ],
)
def _deg_kernel(dst_hbm, ones_hbm, zeros_hbm, out_hbm,
                dstv, ones_v, acc_sh, isem, ssem):
    cid = lax.axis_index("c")
    sid = lax.axis_index("s")
    wid = sid * NC + cid
    ebase = wid * EWP

    def idx_async(c, b):
        pltpu.async_copy(dst_hbm.at[pl.ds(ebase + c * C, C)], dstv[b], isem[b])

    def idx_wait(c, b):
        pltpu.make_async_copy(dst_hbm.at[pl.ds(ebase + c * C, C)],
                              dstv[b], isem[b]).wait()

    def scatter(b):
        pltpu.async_copy(ones_v, acc_sh.at[dstv[b]], ssem[b], add=True)

    def scatter_wait(b):
        pltpu.make_async_copy(ones_v, acc_sh.at[dstv[b]], ssem[b]).wait()

    _init_acc(sid, zeros_hbm, acc_sh)
    pltpu.sync_copy(ones_hbm, ones_v)
    for b in range(8):
        idx_async(b, b)
    plsc.subcore_barrier()
    for b in range(8):
        idx_wait(b, b)
        scatter(b)

    def body(g, _):
        cn = 8 * g
        for b in range(8):
            scatter_wait(b)
            idx_async(cn + b, b)
        for b in range(8):
            idx_wait(cn + b, b)
            scatter(b)
        return 0

    lax.fori_loop(1, CHUNKS // 8, body, 0)
    for b in range(8):
        scatter_wait(b)
    plsc.subcore_barrier()
    _copy_out(cid, sid, acc_sh, out_hbm)



_ROWS = 1000
_GRID = N // _ROWS


def _elu(v):
    return jnp.where(v > 0, v, jnp.exp(jnp.minimum(v, 0.0)) - 1.0)


def _row_gate():
    base = pl.program_id(0) * _ROWS
    rows = base + lax.broadcasted_iota(jnp.int32, (_ROWS, 1), 0)
    return (rows >= NW * PAD).astype(jnp.float32)


def _t1_body(x_ref, w_ref, degp_ref, y_ref, dinv_ref):
    deg = degp_ref[0, :, 0:1] + degp_ref[1, :, 0:1] + _row_gate()
    dinv = lax.rsqrt(deg)
    dinv_ref[...] = dinv
    y_ref[...] = jnp.dot(x_ref[...], w_ref[...],
                         preferred_element_type=jnp.float32) * dinv


def _t1(x, W1, degp):
    return pl.pallas_call(
        _t1_body,
        grid=(_GRID,),
        in_specs=[
            pl.BlockSpec((_ROWS, 128), lambda i: (i, 0)),
            pl.BlockSpec((128, 128), lambda i: (0, 0)),
            pl.BlockSpec((2, _ROWS, 128), lambda i: (0, i, 0)),
        ],
        out_specs=[
            pl.BlockSpec((_ROWS, 128), lambda i: (i, 0)),
            pl.BlockSpec((_ROWS, 1), lambda i: (i, 0)),
        ],
        out_shape=[
            jax.ShapeDtypeStruct((N, 128), jnp.float32),
            jax.ShapeDtypeStruct((N, 1), jnp.float32),
        ],
    )(x, W1, degp)


def _t2_body(p0_ref, p1_ref, y_ref, dinv_ref, b_ref, w_ref, o_ref):
    agg = p0_ref[...] + p1_ref[...] + y_ref[...] * _row_gate()
    h = _elu(agg * dinv_ref[...] + b_ref[...])
    o_ref[...] = jnp.dot(h, w_ref[...],
                         preferred_element_type=jnp.float32) * dinv_ref[...]


def _t2(p0, p1, y1, dinv, b1, W2):
    return pl.pallas_call(
        _t2_body,
        grid=(_GRID,),
        in_specs=[
            pl.BlockSpec((_ROWS, 128), lambda i: (i, 0)),
            pl.BlockSpec((_ROWS, 128), lambda i: (i, 0)),
            pl.BlockSpec((_ROWS, 128), lambda i: (i, 0)),
            pl.BlockSpec((_ROWS, 1), lambda i: (i, 0)),
            pl.BlockSpec((1, 128), lambda i: (0, 0)),
            pl.BlockSpec((128, 128), lambda i: (0, 0)),
        ],
        out_specs=pl.BlockSpec((_ROWS, 128), lambda i: (i, 0)),
        out_shape=jax.ShapeDtypeStruct((N, 128), jnp.float32),
    )(p0, p1, y1, dinv, b1, W2)


def _t3_body(p0_ref, p1_ref, y_ref, dinv_ref, b_ref, w_ref, bl_ref, o_ref):
    agg = p0_ref[...] + p1_ref[...] + y_ref[...] * _row_gate()
    h = _elu(agg * dinv_ref[...] + b_ref[...])
    o_ref[...] = jnp.dot(h, w_ref[...],
                         preferred_element_type=jnp.float32) + bl_ref[...]


def _t3(p0, p1, y2, dinv, b2, Wl, bl):
    return pl.pallas_call(
        _t3_body,
        grid=(_GRID,),
        in_specs=[
            pl.BlockSpec((_ROWS, 128), lambda i: (i, 0)),
            pl.BlockSpec((_ROWS, 128), lambda i: (i, 0)),
            pl.BlockSpec((_ROWS, 128), lambda i: (i, 0)),
            pl.BlockSpec((_ROWS, 1), lambda i: (i, 0)),
            pl.BlockSpec((1, 128), lambda i: (0, 0)),
            pl.BlockSpec((128, 64), lambda i: (0, 0)),
            pl.BlockSpec((1, 64), lambda i: (0, 0)),
        ],
        out_specs=pl.BlockSpec((_ROWS, 64), lambda i: (i, 0)),
        out_shape=jax.ShapeDtypeStruct((N, 64), jnp.float32),
    )(p0, p1, y2, dinv, b2, Wl, bl)


def kernel(x, edge_index, W1, b1, W2, b2, Wl, bl):
    src = edge_index[0].astype(jnp.int32)
    dst = edge_index[1].astype(jnp.int32)
    pad_dst = jnp.arange(NW * PAD, dtype=jnp.int32).reshape(NW, PAD)
    srcp = jnp.concatenate([src.reshape(NW, EW), pad_dst], axis=1).reshape(NW * EWP)
    dstp = jnp.concatenate([dst.reshape(NW, EW), pad_dst], axis=1).reshape(NW * EWP)
    ones = jnp.ones((C, 128), jnp.float32)
    zeros = jnp.zeros((RPS, 128), jnp.float32)

    degp = _deg_kernel(dstp, ones, zeros)

    y1, dinv = _t1(x, W1, degp)
    p1 = _scatter_kernel(y1, srcp, dstp, zeros)
    y2 = _t2(p1[0], p1[1], y1, dinv, b1.reshape(1, 128), W2)
    p2 = _scatter_kernel(y2, srcp, dstp, zeros)
    out = _t3(p2[0], p2[1], y2, dinv, b2.reshape(1, 128), Wl,
              bl.reshape(1, 64))
    return out

# --- scband reference (transcript-rebuilt; emitter-appended) ---
"""Pipeline reference for scband-gcn-84593675862697 (READ-ONLY COPY).

The authoritative reference and input builder live on the scoring server;
editing this copy changes nothing except your own understanding.
"""

import jax, jax.numpy as jnp
import numpy as np

N_NODES = 10000


def gcn_conv(x, edge_index, W, b):
    # PyG GCNConv: x' = W x, then symmetric-norm aggregation with self-loops, then + bias
    n = x.shape[0]
    src = edge_index[0]
    dst = edge_index[1]
    loop = jnp.arange(n, dtype=src.dtype)
    src = jnp.concatenate([src, loop])
    dst = jnp.concatenate([dst, loop])
    xw = x @ W  # linear transform (no bias yet)
    ew = jnp.ones(src.shape[0], dtype=x.dtype)
    deg = jax.ops.segment_sum(ew, dst, num_segments=n)
    dinv = jnp.where(deg > 0, deg ** -0.5, 0.0)
    norm = dinv[src] * dinv[dst]
    msg = xw[src] * norm[:, None]
    out = jax.ops.segment_sum(msg, dst, num_segments=n)
    return out + b


def setup_inputs(seed: int = 0) -> dict:
    key = jax.random.key(seed)
    ks = jax.random.split(key, 8)
    in_ch, hid_ch, out_ch = 128, 128, 64
    x = jax.random.normal(ks[0], (N_NODES, in_ch), dtype=jnp.float32)
    edge_index = jax.random.randint(ks[1], (2, 320000), 0, N_NODES, dtype=jnp.int64)
    s = 1.0 / np.sqrt(in_ch)
    W1 = jax.random.uniform(ks[2], (in_ch, hid_ch), jnp.float32, -s, s)
    b1 = jnp.zeros((hid_ch,), jnp.float32)
    s2 = 1.0 / np.sqrt(hid_ch)
    W2 = jax.random.uniform(ks[3], (hid_ch, hid_ch), jnp.float32, -s2, s2)
    b2 = jnp.zeros((hid_ch,), jnp.float32)
    Wl = jax.random.uniform(ks[4], (hid_ch, out_ch), jnp.float32, -s2, s2)
    bl = jax.random.uniform(ks[5], (out_ch,), jnp.float32, -s2, s2)
    return {"x": x, "edge_index": edge_index, "W1": W1, "b1": b1, "W2": W2, "b2": b2, "Wl": Wl, "bl": bl}


def reference(x, edge_index, W1, b1, W2, b2, Wl, bl):
    # eval mode: dropout is identity
    h = gcn_conv(x, edge_index, W1, b1)
    h = jax.nn.elu(h)
    h = gcn_conv(h, edge_index, W2, b2)
    h = jax.nn.elu(h)
    out = h @ Wl + bl
    return out

if __name__ == "__main__":
    import jax
    _d = setup_inputs()
    print(jax.jit(kernel)(*tuple(_d.values())))

</pallas_src>

<mosaic_0001>
#map = affine_map<(d0, d1) -> (0, 0)>
#map1 = affine_map<(d0, d1) -> (0)>
#map2 = affine_map<(d0, d1) -> (0, 0, 0)>
module attributes {stable_mosaic.version = 14 : i64} {
  func.func @_scatter_kernel(%arg0: i32, %arg1: i32, %arg2: memref<10000x128xf32, #tpu.memory_space<hbm>>, %arg3: memref<327680xi32, #tpu.memory_space<hbm>>, %arg4: memref<327680xi32, #tpu.memory_space<hbm>>, %arg5: memref<632x128xf32, #tpu.memory_space<hbm>>, %arg6: memref<2x10000x128xf32, #tpu.memory_space<hbm>>, %arg7: memref<32xi32, #tpu.memory_space<vmem>>, %arg8: memref<32xi32, #tpu.memory_space<vmem>>, %arg9: memref<32xi32, #tpu.memory_space<vmem>>, %arg10: memref<32xi32, #tpu.memory_space<vmem>>, %arg11: memref<32xi32, #tpu.memory_space<vmem>>, %arg12: memref<32xi32, #tpu.memory_space<vmem>>, %arg13: memref<32xi32, #tpu.memory_space<vmem>>, %arg14: memref<32xi32, #tpu.memory_space<vmem>>, %arg15: memref<32xi32, #tpu.memory_space<vmem>>, %arg16: memref<32xi32, #tpu.memory_space<vmem>>, %arg17: memref<32xi32, #tpu.memory_space<vmem>>, %arg18: memref<32xi32, #tpu.memory_space<vmem>>, %arg19: memref<32xi32, #tpu.memory_space<vmem>>, %arg20: memref<32xi32, #tpu.memory_space<vmem>>, %arg21: memref<32xi32, #tpu.memory_space<vmem>>, %arg22: memref<32xi32, #tpu.memory_space<vmem>>, %arg23: memref<32xi32, #tpu.memory_space<vmem>>, %arg24: memref<32xi32, #tpu.memory_space<vmem>>, %arg25: memref<32xi32, #tpu.memory_space<vmem>>, %arg26: memref<32xi32, #tpu.memory_space<vmem>>, %arg27: memref<32x128xf32, #tpu.memory_space<vmem>>, %arg28: memref<32x128xf32, #tpu.memory_space<vmem>>, %arg29: memref<32x128xf32, #tpu.memory_space<vmem>>, %arg30: memref<32x128xf32, #tpu.memory_space<vmem>>, %arg31: memref<32x128xf32, #tpu.memory_space<vmem>>, %arg32: memref<32x128xf32, #tpu.memory_space<vmem>>, %arg33: memref<32x128xf32, #tpu.memory_space<vmem>>, %arg34: memref<32x128xf32, #tpu.memory_space<vmem>>, %arg35: memref<32x128xf32, #tpu.memory_space<vmem>>, %arg36: memref<32x128xf32, #tpu.memory_space<vmem>>, %arg37: memref<10000x128xf32, #tpu.memory_space<vmem_shared>>, %arg38: memref<!tpu.dma_semaphore, #tpu.memory_space<semaphore_mem>>, %arg39: memref<!tpu.dma_semaphore, #tpu.memory_space<semaphore_mem>>, %arg40: memref<!tpu.dma_semaphore, #tpu.memory_space<semaphore_mem>>, %arg41: memref<!tpu.dma_semaphore, #tpu.memory_space<semaphore_mem>>, %arg42: memref<!tpu.dma_semaphore, #tpu.memory_space<semaphore_mem>>, %arg43: memref<!tpu.dma_semaphore, #tpu.memory_space<semaphore_mem>>, %arg44: memref<!tpu.dma_semaphore, #tpu.memory_space<semaphore_mem>>, %arg45: memref<!tpu.dma_semaphore, #tpu.memory_space<semaphore_mem>>, %arg46: memref<!tpu.dma_semaphore, #tpu.memory_space<semaphore_mem>>, %arg47: memref<!tpu.dma_semaphore, #tpu.memory_space<semaphore_mem>>, %arg48: memref<!tpu.dma_semaphore, #tpu.memory_space<semaphore_mem>>, %arg49: memref<!tpu.dma_semaphore, #tpu.memory_space<semaphore_mem>>, %arg50: memref<!tpu.dma_semaphore, #tpu.memory_space<semaphore_mem>>, %arg51: memref<!tpu.dma_semaphore, #tpu.memory_space<semaphore_mem>>, %arg52: memref<!tpu.dma_semaphore, #tpu.memory_space<semaphore_mem>>, %arg53: memref<!tpu.dma_semaphore, #tpu.memory_space<semaphore_mem>>, %arg54: memref<!tpu.dma_semaphore, #tpu.memory_space<semaphore_mem>>, %arg55: memref<!tpu.dma_semaphore, #tpu.memory_space<semaphore_mem>>, %arg56: memref<!tpu.dma_semaphore, #tpu.memory_space<semaphore_mem>>, %arg57: memref<!tpu.dma_semaphore, #tpu.memory_space<semaphore_mem>>, %arg58: memref<!tpu.dma_semaphore, #tpu.memory_space<semaphore_mem>>, %arg59: memref<!tpu.dma_semaphore, #tpu.memory_space<semaphore_mem>>, %arg60: memref<!tpu.dma_semaphore, #tpu.memory_space<semaphore_mem>>, %arg61: memref<!tpu.dma_semaphore, #tpu.memory_space<semaphore_mem>>, %arg62: memref<!tpu.dma_semaphore, #tpu.memory_space<semaphore_mem>>, %arg63: memref<!tpu.dma_semaphore, #tpu.memory_space<semaphore_mem>>, %arg64: memref<!tpu.dma_semaphore, #tpu.memory_space<semaphore_mem>>, %arg65: memref<!tpu.dma_semaphore, #tpu.memory_space<semaphore_mem>>, %arg66: memref<!tpu.dma_semaphore, #tpu.memory_space<semaphore_mem>>, %arg67: memref<!tpu.dma_semaphore, #tpu.memory_space<semaphore_mem>>) attributes {dimension_semantics = [#tpu.dimension_semantics<core_parallel>, #tpu.dimension_semantics<subcore_parallel>], iteration_bounds = array<i64: 2, 16>, scalar_prefetch = 0 : i64, scratch_operands = 61 : i64, tpu.core_type = #tpu.core_type<sc_vector_subcore>, window_params = [{transform_indices = #map}, {transform_indices = #map1}, {transform_indices = #map1}, {transform_indices = #map}, {transform_indices = #map2}]} {
    %mul3A = arith.constant 2 : i32
    %mul3A_0 = arith.muli %arg1, %mul3A : i32
    %add3A = arith.addi %mul3A_0, %arg0 : i32
    %mul3A_1 = arith.constant 10240 : i32
    %mul3A_2 = arith.muli %add3A, %mul3A_1 : i32
    %lt3A = arith.constant 15 : i32
    %lt3A_3 = arith.cmpi slt, %arg1, %lt3A : i32
    %convert_element_type3A = arith.extui %lt3A_3 : i1 to i32
    %cond3A = arith.constant 0 : i32
    %cond3A_4 = arith.cmpi ne, %convert_element_type3A, %cond3A : i32
    scf.if %cond3A_4 {
      %mul3A_264 = arith.constant 632 : i32
      %mul3A_265 = arith.muli %arg1, %mul3A_264 : i32
      "tpu.region"() ({
        %run_scoped3A = tpu.sem_alloc : memref<!tpu.dma_semaphore, #tpu.memory_space<semaphore_mem>>
        %dma_start3A_266 = arith.constant 0 : i32
        %dma_start3A_267 = tpu.memref_slice %arg37[%mul3A_265, %dma_start3A_266] : memref<10000x128xf32, #tpu.memory_space<vmem_shared>> -> memref<632x128xf32, #tpu.memory_space<vmem_shared>>
        tpu.enqueue_dma source(%arg5 : memref<632x128xf32, #tpu.memory_space<hbm>>) target(%dma_start3A_267 : memref<632x128xf32, #tpu.memory_space<vmem_shared>>) target_semaphore(%run_scoped3A : memref<!tpu.dma_semaphore, #tpu.memory_space<semaphore_mem>>)
        %dma_wait3A_268 = arith.constant 0 : i32
        %dma_wait3A_269 = tpu.memref_slice %arg37[%mul3A_265, %dma_wait3A_268] : memref<10000x128xf32, #tpu.memory_space<vmem_shared>> -> memref<632x128xf32, #tpu.memory_space<vmem_shared>>
        tpu.wait_dma2 semaphore(%run_scoped3A : memref<!tpu.dma_semaphore, #tpu.memory_space<semaphore_mem>>) src(%arg5 : memref<632x128xf32, #tpu.memory_space<hbm>>) dst(%dma_wait3A_269 : memref<632x128xf32, #tpu.memory_space<vmem_shared>>)
        tpu.yield
      }) : () -> ()
    } else {
    }
    %eq3A = arith.constant 15 : i32
    %eq3A_5 = arith.cmpi eq, %arg1, %eq3A : i32
    %convert_element_type3A_6 = arith.extui %eq3A_5 : i1 to i32
    %cond3A_7 = arith.constant 0 : i32
    %cond3A_8 = arith.cmpi ne, %convert_element_type3A_6, %cond3A_7 : i32
    scf.if %cond3A_8 {
      %mul3A_264 = arith.constant 632 : i32
      %mul3A_265 = arith.muli %arg1, %mul3A_264 : i32
      "tpu.region"() ({
        %run_scoped3A = tpu.sem_alloc : memref<!tpu.dma_semaphore, #tpu.memory_space<semaphore_mem>>
        %dma_start3A_266 = arith.constant 0 : i32
        %dma_start3A_267 = tpu.memref_slice %arg37[%mul3A_265, %dma_start3A_266] : memref<10000x128xf32, #tpu.memory_space<vmem_shared>> -> memref<520x128xf32, #tpu.memory_space<vmem_shared>>
        %dma_start3A_268 = arith.constant 0 : i32
        %dma_start3A_269 = arith.constant 0 : i32
        %dma_start3A_270 = tpu.memref_slice %arg5[%dma_start3A_268, %dma_start3A_269] : memref<632x128xf32, #tpu.memory_space<hbm>> -> memref<520x128xf32, #tpu.memory_space<hbm>>
        tpu.enqueue_dma source(%dma_start3A_270 : memref<520x128xf32, #tpu.memory_space<hbm>>) target(%dma_start3A_267 : memref<520x128xf32, #tpu.memory_space<vmem_shared>>) target_semaphore(%run_scoped3A : memref<!tpu.dma_semaphore, #tpu.memory_space<semaphore_mem>>)
        %dma_wait3A_271 = arith.constant 0 : i32
        %dma_wait3A_272 = tpu.memref_slice %arg37[%mul3A_265, %dma_wait3A_271] : memref<10000x128xf32, #tpu.memory_space<vmem_shared>> -> memref<520x128xf32, #tpu.memory_space<vmem_shared>>
        %dma_wait3A_273 = arith.constant 0 : i32
        %dma_wait3A_274 = arith.constant 0 : i32
        %dma_wait3A_275 = tpu.memref_slice %arg5[%dma_wait3A_273, %dma_wait3A_274] : memref<632x128xf32, #tpu.memory_space<hbm>> -> memref<520x128xf32, #tpu.memory_space<hbm>>
        tpu.wait_dma2 semaphore(%run_scoped3A : memref<!tpu.dma_semaphore, #tpu.memory_space<semaphore_mem>>) src(%dma_wait3A_275 : memref<520x128xf32, #tpu.memory_space<hbm>>) dst(%dma_wait3A_272 : memref<520x128xf32, #tpu.memory_space<vmem_shared>>)
        tpu.yield
      }) : () -> ()
    } else {
    }
    %add3A_9 = arith.constant 0 : i32
    %add3A_10 = arith.addi %mul3A_2, %add3A_9 : i32
    %dma_start3A = tpu.memref_slice %arg3[%add3A_10] : memref<327680xi32, #tpu.memory_space<hbm>> -> memref<32xi32, #tpu.memory_space<hbm>>
    %dma_start3A_11 = tpu.memref_slice %arg3[%add3A_10] : memref<327680xi32, #tpu.memory_space<hbm>> -> memref<32xi32, #tpu.memory_space<hbm>>
    tpu.enqueue_dma source(%dma_start3A_11 : memref<32xi32, #tpu.memory_space<hbm>>) target(%arg7 : memref<32xi32, #tpu.memory_space<vmem>>) target_semaphore(%arg38 : memref<!tpu.dma_semaphore, #tpu.memory_space<semaphore_mem>>)
    %dma_start3A_12 = tpu.memref_slice %arg4[%add3A_10] : memref<327680xi32, #tpu.memory_space<hbm>> -> memref<32xi32, #tpu.memory_space<hbm>>
    %dma_start3A_13 = tpu.memref_slice %arg4[%add3A_10] : memref<327680xi32, #tpu.memory_space<hbm>> -> memref<32xi32, #tpu.memory_space<hbm>>
    tpu.enqueue_dma source(%dma_start3A_13 : memref<32xi32, #tpu.memory_space<hbm>>) target(%arg17 : memref<32xi32, #tpu.memory_space<vmem>>) target_semaphore(%arg38 : memref<!tpu.dma_semaphore, #tpu.memory_space<semaphore_mem>>)
    %add3A_14 = arith.constant 32 : i32
    %add3A_15 = arith.addi %mul3A_2, %add3A_14 : i32
    %dma_start3A_16 = tpu.memref_slice %arg3[%add3A_15] : memref<327680xi32, #tpu.memory_space<hbm>> -> memref<32xi32, #tpu.memory_space<hbm>>
    %dma_start3A_17 = tpu.memref_slice %arg3[%add3A_15] : memref<327680xi32, #tpu.memory_space<hbm>> -> memref<32xi32, #tpu.memory_space<hbm>>
    tpu.enqueue_dma source(%dma_start3A_17 : memref<32xi32, #tpu.memory_space<hbm>>) target(%arg8 : memref<32xi32, #tpu.memory_space<vmem>>) target_semaphore(%arg39 : memref<!tpu.dma_semaphore, #tpu.memory_space<semaphore_mem>>)
    %dma_start3A_18 = tpu.memref_slice %arg4[%add3A_15] : memref<327680xi32, #tpu.memory_space<hbm>> -> memref<32xi32, #tpu.memory_space<hbm>>
    %dma_start3A_19 = tpu.memref_slice %arg4[%add3A_15] : memref<327680xi32, #tpu.memory_space<hbm>> -> memref<32xi32, #tpu.memory_space<hbm>>
    tpu.enqueue_dma source(%dma_start3A_19 : memref<32xi32, #tpu.memory_space<hbm>>) target(%arg18 : memref<32xi32, #tpu.memory_space<vmem>>) target_semaphore(%arg39 : memref<!tpu.dma_semaphore, #tpu.memory_space<semaphore_mem>>)
    %add3A_20 = arith.constant 64 : i32
    %add3A_21 = arith.addi %mul3A_2, %add3A_20 : i32
    %dma_start3A_22 = tpu.memref_slice %arg3[%add3A_21] : memref<327680xi32, #tpu.memory_space<hbm>> -> memref<32xi32, #tpu.memory_space<hbm>>
    %dma_start3A_23 = tpu.memref_slice %arg3[%add3A_21] : memref<327680xi32, #tpu.memory_space<hbm>> -> memref<32xi32, #tpu.memory_space<hbm>>
    tpu.enqueue_dma source(%dma_start3A_23 : memref<32xi32, #tpu.memory_space<hbm>>) target(%arg9 : memref<32xi32, #tpu.memory_space<vmem>>) target_semaphore(%arg40 : memref<!tpu.dma_semaphore, #tpu.memory_space<semaphore_mem>>)
    %dma_start3A_24 = tpu.memref_slice %arg4[%add3A_21] : memref<327680xi32, #tpu.memory_space<hbm>> -> memref<32xi32, #tpu.memory_space<hbm>>
    %dma_start3A_25 = tpu.memref_slice %arg4[%add3A_21] : memref<327680xi32, #tpu.memory_space<hbm>> -> memref<32xi32, #tpu.memory_space<hbm>>
    tpu.enqueue_dma source(%dma_start3A_25 : memref<32xi32, #tpu.memory_space<hbm>>) target(%arg19 : memref<32xi32, #tpu.memory_space<vmem>>) target_semaphore(%arg40 : memref<!tpu.dma_semaphore, #tpu.memory_space<semaphore_mem>>)
    %add3A_26 = arith.constant 96 : i32
    %add3A_27 = arith.addi %mul3A_2, %add3A_26 : i32
    %dma_start3A_28 = tpu.memref_slice %arg3[%add3A_27] : memref<327680xi32, #tpu.memory_space<hbm>> -> memref<32xi32, #tpu.memory_space<hbm>>
    %dma_start3A_29 = tpu.memref_slice %arg3[%add3A_27] : memref<327680xi32, #tpu.memory_space<hbm>> -> memref<32xi32, #tpu.memory_space<hbm>>
    tpu.enqueue_dma source(%dma_start3A_29 : memref<32xi32, #tpu.memory_space<hbm>>) target(%arg10 : memref<32xi32, #tpu.memory_space<vmem>>) target_semaphore(%arg41 : memref<!tpu.dma_semaphore, #tpu.memory_space<semaphore_mem>>)
    %dma_start3A_30 = tpu.memref_slice %arg4[%add3A_27] : memref<327680xi32, #tpu.memory_space<hbm>> -> memref<32xi32, #tpu.memory_space<hbm>>
    %dma_start3A_31 = tpu.memref_slice %arg4[%add3A_27] : memref<327680xi32, #tpu.memory_space<hbm>> -> memref<32xi32, #tpu.memory_space<hbm>>
    tpu.enqueue_dma source(%dma_start3A_31 : memref<32xi32, #tpu.memory_space<hbm>>) target(%arg20 : memref<32xi32, #tpu.memory_space<vmem>>) target_semaphore(%arg41 : memref<!tpu.dma_semaphore, #tpu.memory_space<semaphore_mem>>)
    %add3A_32 = arith.constant 128 : i32
    %add3A_33 = arith.addi %mul3A_2, %add3A_32 : i32
    %dma_start3A_34 = tpu.memref_slice %arg3[%add3A_33] : memref<327680xi32, #tpu.memory_space<hbm>> -> memref<32xi32, #tpu.memory_space<hbm>>
    %dma_start3A_35 = tpu.memref_slice %arg3[%add3A_33] : memref<327680xi32, #tpu.memory_space<hbm>> -> memref<32xi32, #tpu.memory_space<hbm>>
    tpu.enqueue_dma source(%dma_start3A_35 : memref<32xi32, #tpu.memory_space<hbm>>) target(%arg11 : memref<32xi32, #tpu.memory_space<vmem>>) target_semaphore(%arg42 : memref<!tpu.dma_semaphore, #tpu.memory_space<semaphore_mem>>)
    %dma_start3A_36 = tpu.memref_slice %arg4[%add3A_33] : memref<327680xi32, #tpu.memory_space<hbm>> -> memref<32xi32, #tpu.memory_space<hbm>>
    %dma_start3A_37 = tpu.memref_slice %arg4[%add3A_33] : memref<327680xi32, #tpu.memory_space<hbm>> -> memref<32xi32, #tpu.memory_space<hbm>>
    tpu.enqueue_dma source(%dma_start3A_37 : memref<32xi32, #tpu.memory_space<hbm>>) target(%arg21 : memref<32xi32, #tpu.memory_space<vmem>>) target_semaphore(%arg42 : memref<!tpu.dma_semaphore, #tpu.memory_space<semaphore_mem>>)
    %add3A_38 = arith.constant 160 : i32
    %add3A_39 = arith.addi %mul3A_2, %add3A_38 : i32
    %dma_start3A_40 = tpu.memref_slice %arg3[%add3A_39] : memref<327680xi32, #tpu.memory_space<hbm>> -> memref<32xi32, #tpu.memory_space<hbm>>
    %dma_start3A_41 = tpu.memref_slice %arg3[%add3A_39] : memref<327680xi32, #tpu.memory_space<hbm>> -> memref<32xi32, #tpu.memory_space<hbm>>
    tpu.enqueue_dma source(%dma_start3A_41 : memref<32xi32, #tpu.memory_space<hbm>>) target(%arg12 : memref<32xi32, #tpu.memory_space<vmem>>) target_semaphore(%arg43 : memref<!tpu.dma_semaphore, #tpu.memory_space<semaphore_mem>>)
    %dma_start3A_42 = tpu.memref_slice %arg4[%add3A_39] : memref<327680xi32, #tpu.memory_space<hbm>> -> memref<32xi32, #tpu.memory_space<hbm>>
    %dma_start3A_43 = tpu.memref_slice %arg4[%add3A_39] : memref<327680xi32, #tpu.memory_space<hbm>> -> memref<32xi32, #tpu.memory_space<hbm>>
    tpu.enqueue_dma source(%dma_start3A_43 : memref<32xi32, #tpu.memory_space<hbm>>) target(%arg22 : memref<32xi32, #tpu.memory_space<vmem>>) target_semaphore(%arg43 : memref<!tpu.dma_semaphore, #tpu.memory_space<semaphore_mem>>)
    %add3A_44 = arith.constant 192 : i32
    %add3A_45 = arith.addi %mul3A_2, %add3A_44 : i32
    %dma_start3A_46 = tpu.memref_slice %arg3[%add3A_45] : memref<327680xi32, #tpu.memory_space<hbm>> -> memref<32xi32, #tpu.memory_space<hbm>>
    %dma_start3A_47 = tpu.memref_slice %arg3[%add3A_45] : memref<327680xi32, #tpu.memory_space<hbm>> -> memref<32xi32, #tpu.memory_space<hbm>>
    tpu.enqueue_dma source(%dma_start3A_47 : memref<32xi32, #tpu.memory_space<hbm>>) target(%arg13 : memref<32xi32, #tpu.memory_space<vmem>>) target_semaphore(%arg44 : memref<!tpu.dma_semaphore, #tpu.memory_space<semaphore_mem>>)
    %dma_start3A_48 = tpu.memref_slice %arg4[%add3A_45] : memref<327680xi32, #tpu.memory_space<hbm>> -> memref<32xi32, #tpu.memory_space<hbm>>
    %dma_start3A_49 = tpu.memref_slice %arg4[%add3A_45] : memref<327680xi32, #tpu.memory_space<hbm>> -> memref<32xi32, #tpu.memory_space<hbm>>
    tpu.enqueue_dma source(%dma_start3A_49 : memref<32xi32, #tpu.memory_space<hbm>>) target(%arg23 : memref<32xi32, #tpu.memory_space<vmem>>) target_semaphore(%arg44 : memref<!tpu.dma_semaphore, #tpu.memory_space<semaphore_mem>>)
    %add3A_50 = arith.constant 224 : i32
    %add3A_51 = arith.addi %mul3A_2, %add3A_50 : i32
    %dma_start3A_52 = tpu.memref_slice %arg3[%add3A_51] : memref<327680xi32, #tpu.memory_space<hbm>> -> memref<32xi32, #tpu.memory_space<hbm>>
    %dma_start3A_53 = tpu.memref_slice %arg3[%add3A_51] : memref<327680xi32, #tpu.memory_space<hbm>> -> memref<32xi32, #tpu.memory_space<hbm>>
    tpu.enqueue_dma source(%dma_start3A_53 : memref<32xi32, #tpu.memory_space<hbm>>) target(%arg14 : memref<32xi32, #tpu.memory_space<vmem>>) target_semaphore(%arg45 : memref<!tpu.dma_semaphore, #tpu.memory_space<semaphore_mem>>)
    %dma_start3A_54 = tpu.memref_slice %arg4[%add3A_51] : memref<327680xi32, #tpu.memory_space<hbm>> -> memref<32xi32, #tpu.memory_space<hbm>>
    %dma_start3A_55 = tpu.memref_slice %arg4[%add3A_51] : memref<327680xi32, #tpu.memory_space<hbm>> -> memref<32xi32, #tpu.memory_space<hbm>>
    tpu.enqueue_dma source(%dma_start3A_55 : memref<32xi32, #tpu.memory_space<hbm>>) target(%arg24 : memref<32xi32, #tpu.memory_space<vmem>>) target_semaphore(%arg45 : memref<!tpu.dma_semaphore, #tpu.memory_space<semaphore_mem>>)
    %add3A_56 = arith.constant 256 : i32
    %add3A_57 = arith.addi %mul3A_2, %add3A_56 : i32
    %dma_start3A_58 = tpu.memref_slice %arg3[%add3A_57] : memref<327680xi32, #tpu.memory_space<hbm>> -> memref<32xi32, #tpu.memory_space<hbm>>
    %dma_start3A_59 = tpu.memref_slice %arg3[%add3A_57] : memref<327680xi32, #tpu.memory_space<hbm>> -> memref<32xi32, #tpu.memory_space<hbm>>
    tpu.enqueue_dma source(%dma_start3A_59 : memref<32xi32, #tpu.memory_space<hbm>>) target(%arg15 : memref<32xi32, #tpu.memory_space<vmem>>) target_semaphore(%arg46 : memref<!tpu.dma_semaphore, #tpu.memory_space<semaphore_mem>>)
    %dma_start3A_60 = tpu.memref_slice %arg4[%add3A_57] : memref<327680xi32, #tpu.memory_space<hbm>> -> memref<32xi32, #tpu.memory_space<hbm>>
    %dma_start3A_61 = tpu.memref_slice %arg4[%add3A_57] : memref<327680xi32, #tpu.memory_space<hbm>> -> memref<32xi32, #tpu.memory_space<hbm>>
    tpu.enqueue_dma source(%dma_start3A_61 : memref<32xi32, #tpu.memory_space<hbm>>) target(%arg25 : memref<32xi32, #tpu.memory_space<vmem>>) target_semaphore(%arg46 : memref<!tpu.dma_semaphore, #tpu.memory_space<semaphore_mem>>)
    %add3A_62 = arith.constant 288 : i32
    %add3A_63 = arith.addi %mul3A_2, %add3A_62 : i32
    %dma_start3A_64 = tpu.memref_slice %arg3[%add3A_63] : memref<327680xi32, #tpu.memory_space<hbm>> -> memref<32xi32, #tpu.memory_space<hbm>>
    %dma_start3A_65 = tpu.memref_slice %arg3[%add3A_63] : memref<327680xi32, #tpu.memory_space<hbm>> -> memref<32xi32, #tpu.memory_space<hbm>>
    tpu.enqueue_dma source(%dma_start3A_65 : memref<32xi32, #tpu.memory_space<hbm>>) target(%arg16 : memref<32xi32, #tpu.memory_space<vmem>>) target_semaphore(%arg47 : memref<!tpu.dma_semaphore, #tpu.memory_space<semaphore_mem>>)
    %dma_start3A_66 = tpu.memref_slice %arg4[%add3A_63] : memref<327680xi32, #tpu.memory_space<hbm>> -> memref<32xi32, #tpu.memory_space<hbm>>
    %dma_start3A_67 = tpu.memref_slice %arg4[%add3A_63] : memref<327680xi32, #tpu.memory_space<hbm>> -> memref<32xi32, #tpu.memory_space<hbm>>
    tpu.enqueue_dma source(%dma_start3A_67 : memref<32xi32, #tpu.memory_space<hbm>>) target(%arg26 : memref<32xi32, #tpu.memory_space<vmem>>) target_semaphore(%arg47 : memref<!tpu.dma_semaphore, #tpu.memory_space<semaphore_mem>>)
    %add3A_68 = arith.constant 0 : i32
    %add3A_69 = arith.addi %mul3A_2, %add3A_68 : i32
    %dma_wait3A = tpu.memref_slice %arg3[%add3A_69] : memref<327680xi32, #tpu.memory_space<hbm>> -> memref<32xi32, #tpu.memory_space<hbm>>
    %dma_wait3A_70 = tpu.memref_slice %arg3[%add3A_69] : memref<327680xi32, #tpu.memory_space<hbm>> -> memref<32xi32, #tpu.memory_space<hbm>>
    tpu.wait_dma2 semaphore(%arg38 : memref<!tpu.dma_semaphore, #tpu.memory_space<semaphore_mem>>) src(%dma_wait3A_70 : memref<32xi32, #tpu.memory_space<hbm>>) dst(%arg7 : memref<32xi32, #tpu.memory_space<vmem>>)
    %dma_wait3A_71 = tpu.memref_slice %arg4[%add3A_69] : memref<327680xi32, #tpu.memory_space<hbm>> -> memref<32xi32, #tpu.memory_space<hbm>>
    %dma_wait3A_72 = tpu.memref_slice %arg4[%add3A_69] : memref<327680xi32, #tpu.memory_space<hbm>> -> memref<32xi32, #tpu.memory_space<hbm>>
    tpu.wait_dma2 semaphore(%arg38 : memref<!tpu.dma_semaphore, #tpu.memory_space<semaphore_mem>>) src(%dma_wait3A_72 : memref<32xi32, #tpu.memory_space<hbm>>) dst(%arg17 : memref<32xi32, #tpu.memory_space<vmem>>)
    %dma_start3A_73 = arith.constant 0 : i32
    %dma_start3A_74 = arith.constant 0 : i32
    %dma_start3A_75 = tpu.memref_slice %arg2[%dma_start3A_73, %dma_start3A_74] : memref<10000x128xf32, #tpu.memory_space<hbm>> -> memref<10000x128xf32, #tpu.memory_space<hbm>>
    tpu.enqueue_indirect_dma source(%dma_start3A_75 : memref<10000x128xf32, #tpu.memory_space<hbm>>) target(%arg27 : memref<32x128xf32, #tpu.memory_space<vmem>>) offsets(%arg7 : memref<32xi32, #tpu.memory_space<vmem>>) semaphore(%arg48 : memref<!tpu.dma_semaphore, #tpu.memory_space<semaphore_mem>>)
    %add3A_76 = arith.constant 32 : i32
    %add3A_77 = arith.addi %mul3A_2, %add3A_76 : i32
    %dma_wait3A_78 = tpu.memref_slice %arg3[%add3A_77] : memref<327680xi32, #tpu.memory_space<hbm>> -> memref<32xi32, #tpu.memory_space<hbm>>
    %dma_wait3A_79 = tpu.memref_slice %arg3[%add3A_77] : memref<327680xi32, #tpu.memory_space<hbm>> -> memref<32xi32, #tpu.memory_space<hbm>>
    tpu.wait_dma2 semaphore(%arg39 : memref<!tpu.dma_semaphore, #tpu.memory_space<semaphore_mem>>) src(%dma_wait3A_79 : memref<32xi32, #tpu.memory_space<hbm>>) dst(%arg8 : memref<32xi32, #tpu.memory_space<vmem>>)
    %dma_wait3A_80 = tpu.memref_slice %arg4[%add3A_77] : memref<327680xi32, #tpu.memory_space<hbm>> -> memref<32xi32, #tpu.memory_space<hbm>>
    %dma_wait3A_81 = tpu.memref_slice %arg4[%add3A_77] : memref<327680xi32, #tpu.memory_space<hbm>> -> memref<32xi32, #tpu.memory_space<hbm>>
    tpu.wait_dma2 semaphore(%arg39 : memref<!tpu.dma_semaphore, #tpu.memory_space<semaphore_mem>>) src(%dma_wait3A_81 : memref<32xi32, #tpu.memory_space<hbm>>) dst(%arg18 : memref<32xi32, #tpu.memory_space<vmem>>)
    %dma_start3A_82 = arith.constant 0 : i32
    %dma_start3A_83 = arith.constant 0 : i32
    %dma_start3A_84 = tpu.memref_slice %arg2[%dma_start3A_82, %dma_start3A_83] : memref<10000x128xf32, #tpu.memory_space<hbm>> -> memref<10000x128xf32, #tpu.memory_space<hbm>>
    tpu.enqueue_indirect_dma source(%dma_start3A_84 : memref<10000x128xf32, #tpu.memory_space<hbm>>) target(%arg28 : memref<32x128xf32, #tpu.memory_space<vmem>>) offsets(%arg8 : memref<32xi32, #tpu.memory_space<vmem>>) semaphore(%arg49 : memref<!tpu.dma_semaphore, #tpu.memory_space<semaphore_mem>>)
    %add3A_85 = arith.constant 64 : i32
    %add3A_86 = arith.addi %mul3A_2, %add3A_85 : i32
    %dma_wait3A_87 = tpu.memref_slice %arg3[%add3A_86] : memref<327680xi32, #tpu.memory_space<hbm>> -> memref<32xi32, #tpu.memory_space<hbm>>
    %dma_wait3A_88 = tpu.memref_slice %arg3[%add3A_86] : memref<327680xi32, #tpu.memory_space<hbm>> -> memref<32xi32, #tpu.memory_space<hbm>>
    tpu.wait_dma2 semaphore(%arg40 : memref<!tpu.dma_semaphore, #tpu.memory_space<semaphore_mem>>) src(%dma_wait3A_88 : memref<32xi32, #tpu.memory_space<hbm>>) dst(%arg9 : memref<32xi32, #tpu.memory_space<vmem>>)
    %dma_wait3A_89 = tpu.memref_slice %arg4[%add3A_86] : memref<327680xi32, #tpu.memory_space<hbm>> -> memref<32xi32, #tpu.memory_space<hbm>>
    %dma_wait3A_90 = tpu.memref_slice %arg4[%add3A_86] : memref<327680xi32, #tpu.memory_space<hbm>> -> memref<32xi32, #tpu.memory_space<hbm>>
    tpu.wait_dma2 semaphore(%arg40 : memref<!tpu.dma_semaphore, #tpu.memory_space<semaphore_mem>>) src(%dma_wait3A_90 : memref<32xi32, #tpu.memory_space<hbm>>) dst(%arg19 : memref<32xi32, #tpu.memory_space<vmem>>)
    %dma_start3A_91 = arith.constant 0 : i32
    %dma_start3A_92 = arith.constant 0 : i32
    %dma_start3A_93 = tpu.memref_slice %arg2[%dma_start3A_91, %dma_start3A_92] : memref<10000x128xf32, #tpu.memory_space<hbm>> -> memref<10000x128xf32, #tpu.memory_space<hbm>>
    tpu.enqueue_indirect_dma source(%dma_start3A_93 : memref<10000x128xf32, #tpu.memory_space<hbm>>) target(%arg29 : memref<32x128xf32, #tpu.memory_space<vmem>>) offsets(%arg9 : memref<32xi32, #tpu.memory_space<vmem>>) semaphore(%arg50 : memref<!tpu.dma_semaphore, #tpu.memory_space<semaphore_mem>>)
    %add3A_94 = arith.constant 96 : i32
    %add3A_95 = arith.addi %mul3A_2, %add3A_94 : i32
    %dma_wait3A_96 = tpu.memref_slice %arg3[%add3A_95] : memref<327680xi32, #tpu.memory_space<hbm>> -> memref<32xi32, #tpu.memory_space<hbm>>
    %dma_wait3A_97 = tpu.memref_slice %arg3[%add3A_95] : memref<327680xi32, #tpu.memory_space<hbm>> -> memref<32xi32, #tpu.memory_space<hbm>>
    tpu.wait_dma2 semaphore(%arg41 : memref<!tpu.dma_semaphore, #tpu.memory_space<semaphore_mem>>) src(%dma_wait3A_97 : memref<32xi32, #tpu.memory_space<hbm>>) dst(%arg10 : memref<32xi32, #tpu.memory_space<vmem>>)
    %dma_wait3A_98 = tpu.memref_slice %arg4[%add3A_95] : memref<327680xi32, #tpu.memory_space<hbm>> -> memref<32xi32, #tpu.memory_space<hbm>>
    %dma_wait3A_99 = tpu.memref_slice %arg4[%add3A_95] : memref<327680xi32, #tpu.memory_space<hbm>> -> memref<32xi32, #tpu.memory_space<hbm>>
    tpu.wait_dma2 semaphore(%arg41 : memref<!tpu.dma_semaphore, #tpu.memory_space<semaphore_mem>>) src(%dma_wait3A_99 : memref<32xi32, #tpu.memory_space<hbm>>) dst(%arg20 : memref<32xi32, #tpu.memory_space<vmem>>)
    %dma_start3A_100 = arith.constant 0 : i32
    %dma_start3A_101 = arith.constant 0 : i32
    %dma_start3A_102 = tpu.memref_slice %arg2[%dma_start3A_100, %dma_start3A_101] : memref<10000x128xf32, #tpu.memory_space<hbm>> -> memref<10000x128xf32, #tpu.memory_space<hbm>>
    tpu.enqueue_indirect_dma source(%dma_start3A_102 : memref<10000x128xf32, #tpu.memory_space<hbm>>) target(%arg30 : memref<32x128xf32, #tpu.memory_space<vmem>>) offsets(%arg10 : memref<32xi32, #tpu.memory_space<vmem>>) semaphore(%arg51 : memref<!tpu.dma_semaphore, #tpu.memory_space<semaphore_mem>>)
    %add3A_103 = arith.constant 128 : i32
    %add3A_104 = arith.addi %mul3A_2, %add3A_103 : i32
    %dma_wait3A_105 = tpu.memref_slice %arg3[%add3A_104] : memref<327680xi32, #tpu.memory_space<hbm>> -> memref<32xi32, #tpu.memory_space<hbm>>
    %dma_wait3A_106 = tpu.memref_slice %arg3[%add3A_104] : memref<327680xi32, #tpu.memory_space<hbm>> -> memref<32xi32, #tpu.memory_space<hbm>>
    tpu.wait_dma2 semaphore(%arg42 : memref<!tpu.dma_semaphore, #tpu.memory_space<semaphore_mem>>) src(%dma_wait3A_106 : memref<32xi32, #tpu.memory_space<hbm>>) dst(%arg11 : memref<32xi32, #tpu.memory_space<vmem>>)
    %dma_wait3A_107 = tpu.memref_slice %arg4[%add3A_104] : memref<327680xi32, #tpu.memory_space<hbm>> -> memref<32xi32, #tpu.memory_space<hbm>>
    %dma_wait3A_108 = tpu.memref_slice %arg4[%add3A_104] : memref<327680xi32, #tpu.memory_space<hbm>> -> memref<32xi32, #tpu.memory_space<hbm>>
    tpu.wait_dma2 semaphore(%arg42 : memref<!tpu.dma_semaphore, #tpu.memory_space<semaphore_mem>>) src(%dma_wait3A_108 : memref<32xi32, #tpu.memory_space<hbm>>) dst(%arg21 : memref<32xi32, #tpu.memory_space<vmem>>)
    %dma_start3A_109 = arith.constant 0 : i32
    %dma_start3A_110 = arith.constant 0 : i32
    %dma_start3A_111 = tpu.memref_slice %arg2[%dma_start3A_109, %dma_start3A_110] : memref<10000x128xf32, #tpu.memory_space<hbm>> -> memref<10000x128xf32, #tpu.memory_space<hbm>>
    tpu.enqueue_indirect_dma source(%dma_start3A_111 : memref<10000x128xf32, #tpu.memory_space<hbm>>) target(%arg31 : memref<32x128xf32, #tpu.memory_space<vmem>>) offsets(%arg11 : memref<32xi32, #tpu.memory_space<vmem>>) semaphore(%arg52 : memref<!tpu.dma_semaphore, #tpu.memory_space<semaphore_mem>>)
    %add3A_112 = arith.constant 160 : i32
    %add3A_113 = arith.addi %mul3A_2, %add3A_112 : i32
    %dma_wait3A_114 = tpu.memref_slice %arg3[%add3A_113] : memref<327680xi32, #tpu.memory_space<hbm>> -> memref<32xi32, #tpu.memory_space<hbm>>
    %dma_wait3A_115 = tpu.memref_slice %arg3[%add3A_113] : memref<327680xi32, #tpu.memory_space<hbm>> -> memref<32xi32, #tpu.memory_space<hbm>>
    tpu.wait_dma2 semaphore(%arg43 : memref<!tpu.dma_semaphore, #tpu.memory_space<semaphore_mem>>) src(%dma_wait3A_115 : memref<32xi32, #tpu.memory_space<hbm>>) dst(%arg12 : memref<32xi32, #tpu.memory_space<vmem>>)
    %dma_wait3A_116 = tpu.memref_slice %arg4[%add3A_113] : memref<327680xi32, #tpu.memory_space<hbm>> -> memref<32xi32, #tpu.memory_space<hbm>>
    %dma_wait3A_117 = tpu.memref_slice %arg4[%add3A_113] : memref<327680xi32, #tpu.memory_space<hbm>> -> memref<32xi32, #tpu.memory_space<hbm>>
    tpu.wait_dma2 semaphore(%arg43 : memref<!tpu.dma_semaphore, #tpu.memory_space<semaphore_mem>>) src(%dma_wait3A_117 : memref<32xi32, #tpu.memory_space<hbm>>) dst(%arg22 : memref<32xi32, #tpu.memory_space<vmem>>)
    %dma_start3A_118 = arith.constant 0 : i32
    %dma_start3A_119 = arith.constant 0 : i32
    %dma_start3A_120 = tpu.memref_slice %arg2[%dma_start3A_118, %dma_start3A_119] : memref<10000x128xf32, #tpu.memory_space<hbm>> -> memref<10000x128xf32, #tpu.memory_space<hbm>>
    tpu.enqueue_indirect_dma source(%dma_start3A_120 : memref<10000x128xf32, #tpu.memory_space<hbm>>) target(%arg32 : memref<32x128xf32, #tpu.memory_space<vmem>>) offsets(%arg12 : memref<32xi32, #tpu.memory_space<vmem>>) semaphore(%arg53 : memref<!tpu.dma_semaphore, #tpu.memory_space<semaphore_mem>>)
    %add3A_121 = arith.constant 192 : i32
    %add3A_122 = arith.addi %mul3A_2, %add3A_121 : i32
    %dma_wait3A_123 = tpu.memref_slice %arg3[%add3A_122] : memref<327680xi32, #tpu.memory_space<hbm>> -> memref<32xi32, #tpu.memory_space<hbm>>
    %dma_wait3A_124 = tpu.memref_slice %arg3[%add3A_122] : memref<327680xi32, #tpu.memory_space<hbm>> -> memref<32xi32, #tpu.memory_space<hbm>>
    tpu.wait_dma2 semaphore(%arg44 : memref<!tpu.dma_semaphore, #tpu.memory_space<semaphore_mem>>) src(%dma_wait3A_124 : memref<32xi32, #tpu.memory_space<hbm>>) dst(%arg13 : memref<32xi32, #tpu.memory_space<vmem>>)
    %dma_wait3A_125 = tpu.memref_slice %arg4[%add3A_122] : memref<327680xi32, #tpu.memory_space<hbm>> -> memref<32xi32, #tpu.memory_space<hbm>>
    %dma_wait3A_126 = tpu.memref_slice %arg4[%add3A_122] : memref<327680xi32, #tpu.memory_space<hbm>> -> memref<32xi32, #tpu.memory_space<hbm>>
    tpu.wait_dma2 semaphore(%arg44 : memref<!tpu.dma_semaphore, #tpu.memory_space<semaphore_mem>>) src(%dma_wait3A_126 : memref<32xi32, #tpu.memory_space<hbm>>) dst(%arg23 : memref<32xi32, #tpu.memory_space<vmem>>)
    %dma_start3A_127 = arith.constant 0 : i32
    %dma_start3A_128 = arith.constant 0 : i32
    %dma_start3A_129 = tpu.memref_slice %arg2[%dma_start3A_127, %dma_start3A_128] : memref<10000x128xf32, #tpu.memory_space<hbm>> -> memref<10000x128xf32, #tpu.memory_space<hbm>>
    tpu.enqueue_indirect_dma source(%dma_start3A_129 : memref<10000x128xf32, #tpu.memory_space<hbm>>) target(%arg33 : memref<32x128xf32, #tpu.memory_space<vmem>>) offsets(%arg13 : memref<32xi32, #tpu.memory_space<vmem>>) semaphore(%arg54 : memref<!tpu.dma_semaphore, #tpu.memory_space<semaphore_mem>>)
    %add3A_130 = arith.constant 224 : i32
    %add3A_131 = arith.addi %mul3A_2, %add3A_130 : i32
    %dma_wait3A_132 = tpu.memref_slice %arg3[%add3A_131] : memref<327680xi32, #tpu.memory_space<hbm>> -> memref<32xi32, #tpu.memory_space<hbm>>
    %dma_wait3A_133 = tpu.memref_slice %arg3[%add3A_131] : memref<327680xi32, #tpu.memory_space<hbm>> -> memref<32xi32, #tpu.memory_space<hbm>>
    tpu.wait_dma2 semaphore(%arg45 : memref<!tpu.dma_semaphore, #tpu.memory_space<semaphore_mem>>) src(%dma_wait3A_133 : memref<32xi32, #tpu.memory_space<hbm>>) dst(%arg14 : memref<32xi32, #tpu.memory_space<vmem>>)
    %dma_wait3A_134 = tpu.memref_slice %arg4[%add3A_131] : memref<327680xi32, #tpu.memory_space<hbm>> -> memref<32xi32, #tpu.memory_space<hbm>>
    %dma_wait3A_135 = tpu.memref_slice %arg4[%add3A_131] : memref<327680xi32, #tpu.memory_space<hbm>> -> memref<32xi32, #tpu.memory_space<hbm>>
    tpu.wait_dma2 semaphore(%arg45 : memref<!tpu.dma_semaphore, #tpu.memory_space<semaphore_mem>>) src(%dma_wait3A_135 : memref<32xi32, #tpu.memory_space<hbm>>) dst(%arg24 : memref<32xi32, #tpu.memory_space<vmem>>)
    %dma_start3A_136 = arith.constant 0 : i32
    %dma_start3A_137 = arith.constant 0 : i32
    %dma_start3A_138 = tpu.memref_slice %arg2[%dma_start3A_136, %dma_start3A_137] : memref<10000x128xf32, #tpu.memory_space<hbm>> -> memref<10000x128xf32, #tpu.memory_space<hbm>>
    tpu.enqueue_indirect_dma source(%dma_start3A_138 : memref<10000x128xf32, #tpu.memory_space<hbm>>) target(%arg34 : memref<32x128xf32, #tpu.memory_space<vmem>>) offsets(%arg14 : memref<32xi32, #tpu.memory_space<vmem>>) semaphore(%arg55 : memref<!tpu.dma_semaphore, #tpu.memory_space<semaphore_mem>>)
    %add3A_139 = arith.constant 256 : i32
    %add3A_140 = arith.addi %mul3A_2, %add3A_139 : i32
    %dma_wait3A_141 = tpu.memref_slice %arg3[%add3A_140] : memref<327680xi32, #tpu.memory_space<hbm>> -> memref<32xi32, #tpu.memory_space<hbm>>
    %dma_wait3A_142 = tpu.memref_slice %arg3[%add3A_140] : memref<327680xi32, #tpu.memory_space<hbm>> -> memref<32xi32, #tpu.memory_space<hbm>>
    tpu.wait_dma2 semaphore(%arg46 : memref<!tpu.dma_semaphore, #tpu.memory_space<semaphore_mem>>) src(%dma_wait3A_142 : memref<32xi32, #tpu.memory_space<hbm>>) dst(%arg15 : memref<32xi32, #tpu.memory_space<vmem>>)
    %dma_wait3A_143 = tpu.memref_slice %arg4[%add3A_140] : memref<327680xi32, #tpu.memory_space<hbm>> -> memref<32xi32, #tpu.memory_space<hbm>>
    %dma_wait3A_144 = tpu.memref_slice %arg4[%add3A_140] : memref<327680xi32, #tpu.memory_space<hbm>> -> memref<32xi32, #tpu.memory_space<hbm>>
    tpu.wait_dma2 semaphore(%arg46 : memref<!tpu.dma_semaphore, #tpu.memory_space<semaphore_mem>>) src(%dma_wait3A_144 : memref<32xi32, #tpu.memory_space<hbm>>) dst(%arg25 : memref<32xi32, #tpu.memory_space<vmem>>)
    %dma_start3A_145 = arith.constant 0 : i32
    %dma_start3A_146 = arith.constant 0 : i32
    %dma_start3A_147 = tpu.memref_slice %arg2[%dma_start3A_145, %dma_start3A_146] : memref<10000x128xf32, #tpu.memory_space<hbm>> -> memref<10000x128xf32, #tpu.memory_space<hbm>>
    tpu.enqueue_indirect_dma source(%dma_start3A_147 : memref<10000x128xf32, #tpu.memory_space<hbm>>) target(%arg35 : memref<32x128xf32, #tpu.memory_space<vmem>>) offsets(%arg15 : memref<32xi32, #tpu.memory_space<vmem>>) semaphore(%arg56 : memref<!tpu.dma_semaphore, #tpu.memory_space<semaphore_mem>>)
    %add3A_148 = arith.constant 288 : i32
    %add3A_149 = arith.addi %mul3A_2, %add3A_148 : i32
    %dma_wait3A_150 = tpu.memref_slice %arg3[%add3A_149] : memref<327680xi32, #tpu.memory_space<hbm>> -> memref<32xi32, #tpu.memory_space<hbm>>
    %dma_wait3A_151 = tpu.memref_slice %arg3[%add3A_149] : memref<327680xi32, #tpu.memory_space<hbm>> -> memref<32xi32, #tpu.memory_space<hbm>>
    tpu.wait_dma2 semaphore(%arg47 : memref<!tpu.dma_semaphore, #tpu.memory_space<semaphore_mem>>) src(%dma_wait3A_151 : memref<32xi32, #tpu.memory_space<hbm>>) dst(%arg16 : memref<32xi32, #tpu.memory_space<vmem>>)
    %dma_wait3A_152 = tpu.memref_slice %arg4[%add3A_149] : memref<327680xi32, #tpu.memory_space<hbm>> -> memref<32xi32, #tpu.memory_space<hbm>>
    %dma_wait3A_153 = tpu.memref_slice %arg4[%add3A_149] : memref<327680xi32, #tpu.memory_space<hbm>> -> memref<32xi32, #tpu.memory_space<hbm>>
    tpu.wait_dma2 semaphore(%arg47 : memref<!tpu.dma_semaphore, #tpu.memory_space<semaphore_mem>>) src(%dma_wait3A_153 : memref<32xi32, #tpu.memory_space<hbm>>) dst(%arg26 : memref<32xi32, #tpu.memory_space<vmem>>)
    %dma_start3A_154 = arith.constant 0 : i32
    %dma_start3A_155 = arith.constant 0 : i32
    %dma_start3A_156 = tpu.memref_slice %arg2[%dma_start3A_154, %dma_start3A_155] : memref<10000x128xf32, #tpu.memory_space<hbm>> -> memref<10000x128xf32, #tpu.memory_space<hbm>>
    tpu.enqueue_indirect_dma source(%dma_start3A_156 : memref<10000x128xf32, #tpu.memory_space<hbm>>) target(%arg36 : memref<32x128xf32, #tpu.memory_space<vmem>>) offsets(%arg16 : memref<32xi32, #tpu.memory_space<vmem>>) semaphore(%arg57 : memref<!tpu.dma_semaphore, #tpu.memory_space<semaphore_mem>>)
    %barrier3A = arith.constant 0 : index
    tpu.barrier barrier_id(%barrier3A)
    %scan3A = arith.constant 0 : i32
    %scan3A_157 = arith.constant 1 : i32
    %scan3A_158 = arith.constant 31 : i32
    %scan3A_159 = arith.addi %scan3A_157, %scan3A_158 : i32
    %scan3A_160 = arith.constant 1 : i32
    %scan3A_161 = scf.for %scan3A_264 = %scan3A_157 to %scan3A_159 step %scan3A_160 iter_args(%scan3A_265 = %scan3A) -> (i32)  : i32 {
      %mul3A_266 = arith.constant 10 : i32
      %mul3A_267 = arith.muli %mul3A_266, %scan3A_264 : i32
      %dma_wait3A_268 = arith.constant 0 : i32
      %dma_wait3A_269 = arith.constant 0 : i32
      %dma_wait3A_270 = tpu.memref_slice %arg2[%dma_wait3A_268, %dma_wait3A_269] : memref<10000x128xf32, #tpu.memory_space<hbm>> -> memref<10000x128xf32, #tpu.memory_space<hbm>>
      tpu.wait_indirect_dma semaphore(%arg48 : memref<!tpu.dma_semaphore, #tpu.memory_space<semaphore_mem>>) src(%dma_wait3A_270 : memref<10000x128xf32, #tpu.memory_space<hbm>>) dst(%arg27 : memref<32x128xf32, #tpu.memory_space<vmem>>)
      %dma_start3A_271 = arith.constant 0 : i32
      %dma_start3A_272 = arith.constant 0 : i32
      %dma_start3A_273 = tpu.memref_slice %arg37[%dma_start3A_271, %dma_start3A_272] : memref<10000x128xf32, #tpu.memory_space<vmem_shared>> -> memref<10000x128xf32, #tpu.memory_space<vmem_shared>>
      tpu.enqueue_indirect_dma source(%arg27 : memref<32x128xf32, #tpu.memory_space<vmem>>) target(%dma_start3A_273 : memref<10000x128xf32, #tpu.memory_space<vmem_shared>>) offsets(%arg17 : memref<32xi32, #tpu.memory_space<vmem>>) semaphore(%arg58 : memref<!tpu.dma_semaphore, #tpu.memory_space<semaphore_mem>>) {add = true}
      %dma_wait3A_274 = arith.constant 0 : i32
      %dma_wait3A_275 = arith.constant 0 : i32
      %dma_wait3A_276 = tpu.memref_slice %arg2[%dma_wait3A_274, %dma_wait3A_275] : memref<10000x128xf32, #tpu.memory_space<hbm>> -> memref<10000x128xf32, #tpu.memory_space<hbm>>
      tpu.wait_indirect_dma semaphore(%arg49 : memref<!tpu.dma_semaphore, #tpu.memory_space<semaphore_mem>>) src(%dma_wait3A_276 : memref<10000x128xf32, #tpu.memory_space<hbm>>) dst(%arg28 : memref<32x128xf32, #tpu.memory_space<vmem>>)
      %dma_start3A_277 = arith.constant 0 : i32
      %dma_start3A_278 = arith.constant 0 : i32
      %dma_start3A_279 = tpu.memref_slice %arg37[%dma_start3A_277, %dma_start3A_278] : memref<10000x128xf32, #tpu.memory_space<vmem_shared>> -> memref<10000x128xf32, #tpu.memory_space<vmem_shared>>
      tpu.enqueue_indirect_dma source(%arg28 : memref<32x128xf32, #tpu.memory_space<vmem>>) target(%dma_start3A_279 : memref<10000x128xf32, #tpu.memory_space<vmem_shared>>) offsets(%arg18 : memref<32xi32, #tpu.memory_space<vmem>>) semaphore(%arg59 : memref<!tpu.dma_semaphore, #tpu.memory_space<semaphore_mem>>) {add = true}
      %dma_wait3A_280 = arith.constant 0 : i32
      %dma_wait3A_281 = arith.constant 0 : i32
      %dma_wait3A_282 = tpu.memref_slice %arg2[%dma_wait3A_280, %dma_wait3A_281] : memref<10000x128xf32, #tpu.memory_space<hbm>> -> memref<10000x128xf32, #tpu.memory_space<hbm>>
      tpu.wait_indirect_dma semaphore(%arg50 : memref<!tpu.dma_semaphore, #tpu.memory_space<semaphore_mem>>) src(%dma_wait3A_282 : memref<10000x128xf32, #tpu.memory_space<hbm>>) dst(%arg29 : memref<32x128xf32, #tpu.memory_space<vmem>>)
      %dma_start3A_283 = arith.constant 0 : i32
      %dma_start3A_284 = arith.constant 0 : i32
      %dma_start3A_285 = tpu.memref_slice %arg37[%dma_start3A_283, %dma_start3A_284] : memref<10000x128xf32, #tpu.memory_space<vmem_shared>> -> memref<10000x128xf32, #tpu.memory_space<vmem_shared>>
      tpu.enqueue_indirect_dma source(%arg29 : memref<32x128xf32, #tpu.memory_space<vmem>>) target(%dma_start3A_285 : memref<10000x128xf32, #tpu.memory_space<vmem_shared>>) offsets(%arg19 : memref<32xi32, #tpu.memory_space<vmem>>) semaphore(%arg60 : memref<!tpu.dma_semaphore, #tpu.memory_space<semaphore_mem>>) {add = true}
      %dma_wait3A_286 = arith.constant 0 : i32
      %dma_wait3A_287 = arith.constant 0 : i32
      %dma_wait3A_288 = tpu.memref_slice %arg2[%dma_wait3A_286, %dma_wait3A_287] : memref<10000x128xf32, #tpu.memory_space<hbm>> -> memref<10000x128xf32, #tpu.memory_space<hbm>>
      tpu.wait_indirect_dma semaphore(%arg51 : memref<!tpu.dma_semaphore, #tpu.memory_space<semaphore_mem>>) src(%dma_wait3A_288 : memref<10000x128xf32, #tpu.memory_space<hbm>>) dst(%arg30 : memref<32x128xf32, #tpu.memory_space<vmem>>)
      %dma_start3A_289 = arith.constant 0 : i32
      %dma_start3A_290 = arith.constant 0 : i32
      %dma_start3A_291 = tpu.memref_slice %arg37[%dma_start3A_289, %dma_start3A_290] : memref<10000x128xf32, #tpu.memory_space<vmem_shared>> -> memref<10000x128xf32, #tpu.memory_space<vmem_shared>>
      tpu.enqueue_indirect_dma source(%arg30 : memref<32x128xf32, #tpu.memory_space<vmem>>) target(%dma_start3A_291 : memref<10000x128xf32, #tpu.memory_space<vmem_shared>>) offsets(%arg20 : memref<32xi32, #tpu.memory_space<vmem>>) semaphore(%arg61 : memref<!tpu.dma_semaphore, #tpu.memory_space<semaphore_mem>>) {add = true}
      %dma_wait3A_292 = arith.constant 0 : i32
      %dma_wait3A_293 = arith.constant 0 : i32
      %dma_wait3A_294 = tpu.memref_slice %arg2[%dma_wait3A_292, %dma_wait3A_293] : memref<10000x128xf32, #tpu.memory_space<hbm>> -> memref<10000x128xf32, #tpu.memory_space<hbm>>
      tpu.wait_indirect_dma semaphore(%arg52 : memref<!tpu.dma_semaphore, #tpu.memory_space<semaphore_mem>>) src(%dma_wait3A_294 : memref<10000x128xf32, #tpu.memory_space<hbm>>) dst(%arg31 : memref<32x128xf32, #tpu.memory_space<vmem>>)
      %dma_start3A_295 = arith.constant 0 : i32
      %dma_start3A_296 = arith.constant 0 : i32
      %dma_start3A_297 = tpu.memref_slice %arg37[%dma_start3A_295, %dma_start3A_296] : memref<10000x128xf32, #tpu.memory_space<vmem_shared>> -> memref<10000x128xf32, #tpu.memory_space<vmem_shared>>
      tpu.enqueue_indirect_dma source(%arg31 : memref<32x128xf32, #tpu.memory_space<vmem>>) target(%dma_start3A_297 : memref<10000x128xf32, #tpu.memory_space<vmem_shared>>) offsets(%arg21 : memref<32xi32, #tpu.memory_space<vmem>>) semaphore(%arg62 : memref<!tpu.dma_semaphore, #tpu.memory_space<semaphore_mem>>) {add = true}
      %dma_wait3A_298 = arith.constant 0 : i32
      %dma_wait3A_299 = arith.constant 0 : i32
      %dma_wait3A_300 = tpu.memref_slice %arg2[%dma_wait3A_298, %dma_wait3A_299] : memref<10000x128xf32, #tpu.memory_space<hbm>> -> memref<10000x128xf32, #tpu.memory_space<hbm>>
      tpu.wait_indirect_dma semaphore(%arg53 : memref<!tpu.dma_semaphore, #tpu.memory_space<semaphore_mem>>) src(%dma_wait3A_300 : memref<10000x128xf32, #tpu.memory_space<hbm>>) dst(%arg32 : memref<32x128xf32, #tpu.memory_space<vmem>>)
      %dma_start3A_301 = arith.constant 0 : i32
      %dma_start3A_302 = arith.constant 0 : i32
      %dma_start3A_303 = tpu.memref_slice %arg37[%dma_start3A_301, %dma_start3A_302] : memref<10000x128xf32, #tpu.memory_space<vmem_shared>> -> memref<10000x128xf32, #tpu.memory_space<vmem_shared>>
      tpu.enqueue_indirect_dma source(%arg32 : memref<32x128xf32, #tpu.memory_space<vmem>>) target(%dma_start3A_303 : memref<10000x128xf32, #tpu.memory_space<vmem_shared>>) offsets(%arg22 : memref<32xi32, #tpu.memory_space<vmem>>) semaphore(%arg63 : memref<!tpu.dma_semaphore, #tpu.memory_space<semaphore_mem>>) {add = true}
      %dma_wait3A_304 = arith.constant 0 : i32
      %dma_wait3A_305 = arith.constant 0 : i32
      %dma_wait3A_306 = tpu.memref_slice %arg2[%dma_wait3A_304, %dma_wait3A_305] : memref<10000x128xf32, #tpu.memory_space<hbm>> -> memref<10000x128xf32, #tpu.memory_space<hbm>>
      tpu.wait_indirect_dma semaphore(%arg54 : memref<!tpu.dma_semaphore, #tpu.memory_space<semaphore_mem>>) src(%dma_wait3A_306 : memref<10000x128xf32, #tpu.memory_space<hbm>>) dst(%arg33 : memref<32x128xf32, #tpu.memory_space<vmem>>)
      %dma_start3A_307 = arith.constant 0 : i32
      %dma_start3A_308 = arith.constant 0 : i32
      %dma_start3A_309 = tpu.memref_slice %arg37[%dma_start3A_307, %dma_start3A_308] : memref<10000x128xf32, #tpu.memory_space<vmem_shared>> -> memref<10000x128xf32, #tpu.memory_space<vmem_shared>>
      tpu.enqueue_indirect_dma source(%arg33 : memref<32x128xf32, #tpu.memory_space<vmem>>) target(%dma_start3A_309 : memref<10000x128xf32, #tpu.memory_space<vmem_shared>>) offsets(%arg23 : memref<32xi32, #tpu.memory_space<vmem>>) semaphore(%arg64 : memref<!tpu.dma_semaphore, #tpu.memory_space<semaphore_mem>>) {add = true}
      %dma_wait3A_310 = arith.constant 0 : i32
      %dma_wait3A_311 = arith.constant 0 : i32
      %dma_wait3A_312 = tpu.memref_slice %arg2[%dma_wait3A_310, %dma_wait3A_311] : memref<10000x128xf32, #tpu.memory_space<hbm>> -> memref<10000x128xf32, #tpu.memory_space<hbm>>
      tpu.wait_indirect_dma semaphore(%arg55 : memref<!tpu.dma_semaphore, #tpu.memory_space<semaphore_mem>>) src(%dma_wait3A_312 : memref<10000x128xf32, #tpu.memory_space<hbm>>) dst(%arg34 : memref<32x128xf32, #tpu.memory_space<vmem>>)
      %dma_start3A_313 = arith.constant 0 : i32
      %dma_start3A_314 = arith.constant 0 : i32
      %dma_start3A_315 = tpu.memref_slice %arg37[%dma_start3A_313, %dma_start3A_314] : memref<10000x128xf32, #tpu.memory_space<vmem_shared>> -> memref<10000x128xf32, #tpu.memory_space<vmem_shared>>
      tpu.enqueue_indirect_dma source(%arg34 : memref<32x128xf32, #tpu.memory_space<vmem>>) target(%dma_start3A_315 : memref<10000x128xf32, #tpu.memory_space<vmem_shared>>) offsets(%arg24 : memref<32xi32, #tpu.memory_space<vmem>>) semaphore(%arg65 : memref<!tpu.dma_semaphore, #tpu.memory_space<semaphore_mem>>) {add = true}
      %dma_wait3A_316 = arith.constant 0 : i32
      %dma_wait3A_317 = arith.constant 0 : i32
      %dma_wait3A_318 = tpu.memref_slice %arg2[%dma_wait3A_316, %dma_wait3A_317] : memref<10000x128xf32, #tpu.memory_space<hbm>> -> memref<10000x128xf32, #tpu.memory_space<hbm>>
      tpu.wait_indirect_dma semaphore(%arg56 : memref<!tpu.dma_semaphore, #tpu.memory_space<semaphore_mem>>) src(%dma_wait3A_318 : memref<10000x128xf32, #tpu.memory_space<hbm>>) dst(%arg35 : memref<32x128xf32, #tpu.memory_space<vmem>>)
      %dma_start3A_319 = arith.constant 0 : i32
      %dma_start3A_320 = arith.constant 0 : i32
      %dma_start3A_321 = tpu.memref_slice %arg37[%dma_start3A_319, %dma_start3A_320] : memref<10000x128xf32, #tpu.memory_space<vmem_shared>> -> memref<10000x128xf32, #tpu.memory_space<vmem_shared>>
      tpu.enqueue_indirect_dma source(%arg35 : memref<32x128xf32, #tpu.memory_space<vmem>>) target(%dma_start3A_321 : memref<10000x128xf32, #tpu.memory_space<vmem_shared>>) offsets(%arg25 : memref<32xi32, #tpu.memory_space<vmem>>) semaphore(%arg66 : memref<!tpu.dma_semaphore, #tpu.memory_space<semaphore_mem>>) {add = true}
      %dma_wait3A_322 = arith.constant 0 : i32
      %dma_wait3A_323 = arith.constant 0 : i32
      %dma_wait3A_324 = tpu.memref_slice %arg2[%dma_wait3A_322, %dma_wait3A_323] : memref<10000x128xf32, #tpu.memory_space<hbm>> -> memref<10000x128xf32, #tpu.memory_space<hbm>>
      tpu.wait_indirect_dma semaphore(%arg57 : memref<!tpu.dma_semaphore, #tpu.memory_space<semaphore_mem>>) src(%dma_wait3A_324 : memref<10000x128xf32, #tpu.memory_space<hbm>>) dst(%arg36 : memref<32x128xf32, #tpu.memory_space<vmem>>)
      %dma_start3A_325 = arith.constant 0 : i32
      %dma_start3A_326 = arith.constant 0 : i32
      %dma_start3A_327 = tpu.memref_slice %arg37[%dma_start3A_325, %dma_start3A_326] : memref<10000x128xf32, #tpu.memory_space<vmem_shared>> -> memref<10000x128xf32, #tpu.memory_space<vmem_shared>>
      tpu.enqueue_indirect_dma source(%arg36 : memref<32x128xf32, #tpu.memory_space<vmem>>) target(%dma_start3A_327 : memref<10000x128xf32, #tpu.memory_space<vmem_shared>>) offsets(%arg26 : memref<32xi32, #tpu.memory_space<vmem>>) semaphore(%arg67 : memref<!tpu.dma_semaphore, #tpu.memory_space<semaphore_mem>>) {add = true}
      %dma_wait3A_328 = arith.constant 0 : i32
      %dma_wait3A_329 = arith.constant 0 : i32
      %dma_wait3A_330 = tpu.memref_slice %arg37[%dma_wait3A_328, %dma_wait3A_329] : memref<10000x128xf32, #tpu.memory_space<vmem_shared>> -> memref<10000x128xf32, #tpu.memory_space<vmem_shared>>
      tpu.wait_indirect_dma semaphore(%arg58 : memref<!tpu.dma_semaphore, #tpu.memory_space<semaphore_mem>>) src(%arg27 : memref<32x128xf32, #tpu.memory_space<vmem>>) dst(%dma_wait3A_330 : memref<10000x128xf32, #tpu.memory_space<vmem_shared>>)
      %add3A_331 = arith.constant 0 : i32
      %add3A_332 = arith.addi %mul3A_267, %add3A_331 : i32
      %mul3A_333 = arith.constant 32 : i32
      %mul3A_334 = arith.muli %add3A_332, %mul3A_333 : i32
      %add3A_335 = arith.addi %mul3A_2, %mul3A_334 : i32
      %dma_start3A_336 = tpu.memref_slice %arg3[%add3A_335] : memref<327680xi32, #tpu.memory_space<hbm>> -> memref<32xi32, #tpu.memory_space<hbm>>
      %dma_start3A_337 = tpu.memref_slice %arg3[%add3A_335] : memref<327680xi32, #tpu.memory_space<hbm>> -> memref<32xi32, #tpu.memory_space<hbm>>
      tpu.enqueue_dma source(%dma_start3A_337 : memref<32xi32, #tpu.memory_space<hbm>>) target(%arg7 : memref<32xi32, #tpu.memory_space<vmem>>) target_semaphore(%arg38 : memref<!tpu.dma_semaphore, #tpu.memory_space<semaphore_mem>>)
      %dma_start3A_338 = tpu.memref_slice %arg4[%add3A_335] : memref<327680xi32, #tpu.memory_space<hbm>> -> memref<32xi32, #tpu.memory_space<hbm>>
      %dma_start3A_339 = tpu.memref_slice %arg4[%add3A_335] : memref<327680xi32, #tpu.memory_space<hbm>> -> memref<32xi32, #tpu.memory_space<hbm>>
      tpu.enqueue_dma source(%dma_start3A_339 : memref<32xi32, #tpu.memory_space<hbm>>) target(%arg17 : memref<32xi32, #tpu.memory_space<vmem>>) target_semaphore(%arg38 : memref<!tpu.dma_semaphore, #tpu.memory_space<semaphore_mem>>)
      %dma_wait3A_340 = arith.constant 0 : i32
      %dma_wait3A_341 = arith.constant 0 : i32
      %dma_wait3A_342 = tpu.memref_slice %arg37[%dma_wait3A_340, %dma_wait3A_341] : memref<10000x128xf32, #tpu.memory_space<vmem_shared>> -> memref<10000x128xf32, #tpu.memory_space<vmem_shared>>
      tpu.wait_indirect_dma semaphore(%arg59 : memref<!tpu.dma_semaphore, #tpu.memory_space<semaphore_mem>>) src(%arg28 : memref<32x128xf32, #tpu.memory_space<vmem>>) dst(%dma_wait3A_342 : memref<10000x128xf32, #tpu.memory_space<vmem_shared>>)
      %add3A_343 = arith.constant 1 : i32
      %add3A_344 = arith.addi %mul3A_267, %add3A_343 : i32
      %mul3A_345 = arith.constant 32 : i32
      %mul3A_346 = arith.muli %add3A_344, %mul3A_345 : i32
      %add3A_347 = arith.addi %mul3A_2, %mul3A_346 : i32
      %dma_start3A_348 = tpu.memref_slice %arg3[%add3A_347] : memref<327680xi32, #tpu.memory_space<hbm>> -> memref<32xi32, #tpu.memory_space<hbm>>
      %dma_start3A_349 = tpu.memref_slice %arg3[%add3A_347] : memref<327680xi32, #tpu.memory_space<hbm>> -> memref<32xi32, #tpu.memory_space<hbm>>
      tpu.enqueue_dma source(%dma_start3A_349 : memref<32xi32, #tpu.memory_space<hbm>>) target(%arg8 : memref<32xi32, #tpu.memory_space<vmem>>) target_semaphore(%arg39 : memref<!tpu.dma_semaphore, #tpu.memory_space<semaphore_mem>>)
      %dma_start3A_350 = tpu.memref_slice %arg4[%add3A_347] : memref<327680xi32, #tpu.memory_space<hbm>> -> memref<32xi32, #tpu.memory_space<hbm>>
      %dma_start3A_351 = tpu.memref_slice %arg4[%add3A_347] : memref<327680xi32, #tpu.memory_space<hbm>> -> memref<32xi32, #tpu.memory_space<hbm>>
      tpu.enqueue_dma source(%dma_start3A_351 : memref<32xi32, #tpu.memory_space<hbm>>) target(%arg18 : memref<32xi32, #tpu.memory_space<vmem>>) target_semaphore(%arg39 : memref<!tpu.dma_semaphore, #tpu.memory_space<semaphore_mem>>)
      %dma_wait3A_352 = arith.constant 0 : i32
      %dma_wait3A_353 = arith.constant 0 : i32
      %dma_wait3A_354 = tpu.memref_slice %arg37[%dma_wait3A_352, %dma_wait3A_353] : memref<10000x128xf32, #tpu.memory_space<vmem_shared>> -> memref<10000x128xf32, #tpu.memory_space<vmem_shared>>
      tpu.wait_indirect_dma semaphore(%arg60 : memref<!tpu.dma_semaphore, #tpu.memory_space<semaphore_mem>>) src(%arg29 : memref<32x128xf32, #tpu.memory_space<vmem>>) dst(%dma_wait3A_354 : memref<10000x128xf32, #tpu.memory_space<vmem_shared>>)
      %add3A_355 = arith.constant 2 : i32
      %add3A_356 = arith.addi %mul3A_267, %add3A_355 : i32
      %mul3A_357 = arith.constant 32 : i32
      %mul3A_358 = arith.muli %add3A_356, %mul3A_357 : i32
      %add3A_359 = arith.addi %mul3A_2, %mul3A_358 : i32
      %dma_start3A_360 = tpu.memref_slice %arg3[%add3A_359] : memref<327680xi32, #tpu.memory_space<hbm>> -> memref<32xi32, #tpu.memory_space<hbm>>
      %dma_start3A_361 = tpu.memref_slice %arg3[%add3A_359] : memref<327680xi32, #tpu.memory_space<hbm>> -> memref<32xi32, #tpu.memory_space<hbm>>
      tpu.enqueue_dma source(%dma_start3A_361 : memref<32xi32, #tpu.memory_space<hbm>>) target(%arg9 : memref<32xi32, #tpu.memory_space<vmem>>) target_semaphore(%arg40 : memref<!tpu.dma_semaphore, #tpu.memory_space<semaphore_mem>>)
      %dma_start3A_362 = tpu.memref_slice %arg4[%add3A_359] : memref<327680xi32, #tpu.memory_space<hbm>> -> memref<32xi32, #tpu.memory_space<hbm>>
      %dma_start3A_363 = tpu.memref_slice %arg4[%add3A_359] : memref<327680xi32, #tpu.memory_space<hbm>> -> memref<32xi32, #tpu.memory_space<hbm>>
      tpu.enqueue_dma source(%dma_start3A_363 : memref<32xi32, #tpu.memory_space<hbm>>) target(%arg19 : memref<32xi32, #tpu.memory_space<vmem>>) target_semaphore(%arg40 : memref<!tpu.dma_semaphore, #tpu.memory_space<semaphore_mem>>)
      %dma_wait3A_364 = arith.constant 0 : i32
      %dma_wait3A_365 = arith.constant 0 : i32
      %dma_wait3A_366 = tpu.memref_slice %arg37[%dma_wait3A_364, %dma_wait3A_365] : memref<10000x128xf32, #tpu.memory_space<vmem_shared>> -> memref<10000x128xf32, #tpu.memory_space<vmem_shared>>
      tpu.wait_indirect_dma semaphore(%arg61 : memref<!tpu.dma_semaphore, #tpu.memory_space<semaphore_mem>>) src(%arg30 : memref<32x128xf32, #tpu.memory_space<vmem>>) dst(%dma_wait3A_366 : memref<10000x128xf32, #tpu.memory_space<vmem_shared>>)
      %add3A_367 = arith.constant 3 : i32
      %add3A_368 = arith.addi %mul3A_267, %add3A_367 : i32
      %mul3A_369 = arith.constant 32 : i32
      %mul3A_370 = arith.muli %add3A_368, %mul3A_369 : i32
      %add3A_371 = arith.addi %mul3A_2, %mul3A_370 : i32
      %dma_start3A_372 = tpu.memref_slice %arg3[%add3A_371] : memref<327680xi32, #tpu.memory_space<hbm>> -> memref<32xi32, #tpu.memory_space<hbm>>
      %dma_start3A_373 = tpu.memref_slice %arg3[%add3A_371] : memref<327680xi32, #tpu.memory_space<hbm>> -> memref<32xi32, #tpu.memory_space<hbm>>
      tpu.enqueue_dma source(%dma_start3A_373 : memref<32xi32, #tpu.memory_space<hbm>>) target(%arg10 : memref<32xi32, #tpu.memory_space<vmem>>) target_semaphore(%arg41 : memref<!tpu.dma_semaphore, #tpu.memory_space<semaphore_mem>>)
      %dma_start3A_374 = tpu.memref_slice %arg4[%add3A_371] : memref<327680xi32, #tpu.memory_space<hbm>> -> memref<32xi32, #tpu.memory_space<hbm>>
      %dma_start3A_375 = tpu.memref_slice %arg4[%add3A_371] : memref<327680xi32, #tpu.memory_space<hbm>> -> memref<32xi32, #tpu.memory_space<hbm>>
      tpu.enqueue_dma source(%dma_start3A_375 : memref<32xi32, #tpu.memory_space<hbm>>) target(%arg20 : memref<32xi32, #tpu.memory_space<vmem>>) target_semaphore(%arg41 : memref<!tpu.dma_semaphore, #tpu.memory_space<semaphore_mem>>)
      %dma_wait3A_376 = arith.constant 0 : i32
      %dma_wait3A_377 = arith.constant 0 : i32
      %dma_wait3A_378 = tpu.memref_slice %arg37[%dma_wait3A_376, %dma_wait3A_377] : memref<10000x128xf32, #tpu.memory_space<vmem_shared>> -> memref<10000x128xf32, #tpu.memory_space<vmem_shared>>
      tpu.wait_indirect_dma semaphore(%arg62 : memref<!tpu.dma_semaphore, #tpu.memory_space<semaphore_mem>>) src(%arg31 : memref<32x128xf32, #tpu.memory_space<vmem>>) dst(%dma_wait3A_378 : memref<10000x128xf32, #tpu.memory_space<vmem_shared>>)
      %add3A_379 = arith.constant 4 : i32
      %add3A_380 = arith.addi %mul3A_267, %add3A_379 : i32
      %mul3A_381 = arith.constant 32 : i32
      %mul3A_382 = arith.muli %add3A_380, %mul3A_381 : i32
      %add3A_383 = arith.addi %mul3A_2, %mul3A_382 : i32
      %dma_start3A_384 = tpu.memref_slice %arg3[%add3A_383] : memref<327680xi32, #tpu.memory_space<hbm>> -> memref<32xi32, #tpu.memory_space<hbm>>
      %dma_start3A_385 = tpu.memref_slice %arg3[%add3A_383] : memref<327680xi32, #tpu.memory_space<hbm>> -> memref<32xi32, #tpu.memory_space<hbm>>
      tpu.enqueue_dma source(%dma_start3A_385 : memref<32xi32, #tpu.memory_space<hbm>>) target(%arg11 : memref<32xi32, #tpu.memory_space<vmem>>) target_semaphore(%arg42 : memref<!tpu.dma_semaphore, #tpu.memory_space<semaphore_mem>>)
      %dma_start3A_386 = tpu.memref_slice %arg4[%add3A_383] : memref<327680xi32, #tpu.memory_space<hbm>> -> memref<32xi32, #tpu.memory_space<hbm>>
      %dma_start3A_387 = tpu.memref_slice %arg4[%add3A_383] : memref<327680xi32, #tpu.memory_space<hbm>> -> memref<32xi32, #tpu.memory_space<hbm>>
      tpu.enqueue_dma source(%dma_start3A_387 : memref<32xi32, #tpu.memory_space<hbm>>) target(%arg21 : memref<32xi32, #tpu.memory_space<vmem>>) target_semaphore(%arg42 : memref<!tpu.dma_semaphore, #tpu.memory_space<semaphore_mem>>)
      %dma_wait3A_388 = arith.constant 0 : i32
      %dma_wait3A_389 = arith.constant 0 : i32
      %dma_wait3A_390 = tpu.memref_slice %arg37[%dma_wait3A_388, %dma_wait3A_389] : memref<10000x128xf32, #tpu.memory_space<vmem_shared>> -> memref<10000x128xf32, #tpu.memory_space<vmem_shared>>
      tpu.wait_indirect_dma semaphore(%arg63 : memref<!tpu.dma_semaphore, #tpu.memory_space<semaphore_mem>>) src(%arg32 : memref<32x128xf32, #tpu.memory_space<vmem>>) dst(%dma_wait3A_390 : memref<10000x128xf32, #tpu.memory_space<vmem_shared>>)
      %add3A_391 = arith.constant 5 : i32
      %add3A_392 = arith.addi %mul3A_267, %add3A_391 : i32
      %mul3A_393 = arith.constant 32 : i32
      %mul3A_394 = arith.muli %add3A_392, %mul3A_393 : i32
      %add3A_395 = arith.addi %mul3A_2, %mul3A_394 : i32
      %dma_start3A_396 = tpu.memref_slice %arg3[%add3A_395] : memref<327680xi32, #tpu.memory_space<hbm>> -> memref<32xi32, #tpu.memory_space<hbm>>
      %dma_start3A_397 = tpu.memref_slice %arg3[%add3A_395] : memref<327680xi32, #tpu.memory_space<hbm>> -> memref<32xi32, #tpu.memory_space<hbm>>
      tpu.enqueue_dma source(%dma_start3A_397 : memref<32xi32, #tpu.memory_space<hbm>>) target(%arg12 : memref<32xi32, #tpu.memory_space<vmem>>) target_semaphore(%arg43 : memref<!tpu.dma_semaphore, #tpu.memory_space<semaphore_mem>>)
      %dma_start3A_398 = tpu.memref_slice %arg4[%add3A_395] : memref<327680xi32, #tpu.memory_space<hbm>> -> memref<32xi32, #tpu.memory_space<hbm>>
      %dma_start3A_399 = tpu.memref_slice %arg4[%add3A_395] : memref<327680xi32, #tpu.memory_space<hbm>> -> memref<32xi32, #tpu.memory_space<hbm>>
      tpu.enqueue_dma source(%dma_start3A_399 : memref<32xi32, #tpu.memory_space<hbm>>) target(%arg22 : memref<32xi32, #tpu.memory_space<vmem>>) target_semaphore(%arg43 : memref<!tpu.dma_semaphore, #tpu.memory_space<semaphore_mem>>)
      %dma_wait3A_400 = arith.constant 0 : i32
      %dma_wait3A_401 = arith.constant 0 : i32
      %dma_wait3A_402 = tpu.memref_slice %arg37[%dma_wait3A_400, %dma_wait3A_401] : memref<10000x128xf32, #tpu.memory_space<vmem_shared>> -> memref<10000x128xf32, #tpu.memory_space<vmem_shared>>
      tpu.wait_indirect_dma semaphore(%arg64 : memref<!tpu.dma_semaphore, #tpu.memory_space<semaphore_mem>>) src(%arg33 : memref<32x128xf32, #tpu.memory_space<vmem>>) dst(%dma_wait3A_402 : memref<10000x128xf32, #tpu.memory_space<vmem_shared>>)
      %add3A_403 = arith.constant 6 : i32
      %add3A_404 = arith.addi %mul3A_267, %add3A_403 : i32
      %mul3A_405 = arith.constant 32 : i32
      %mul3A_406 = arith.muli %add3A_404, %mul3A_405 : i32
      %add3A_407 = arith.addi %mul3A_2, %mul3A_406 : i32
      %dma_start3A_408 = tpu.memref_slice %arg3[%add3A_407] : memref<327680xi32, #tpu.memory_space<hbm>> -> memref<32xi32, #tpu.memory_space<hbm>>
      %dma_start3A_409 = tpu.memref_slice %arg3[%add3A_407] : memref<327680xi32, #tpu.memory_space<hbm>> -> memref<32xi32, #tpu.memory_space<hbm>>
      tpu.enqueue_dma source(%dma_start3A_409 : memref<32xi32, #tpu.memory_space<hbm>>) target(%arg13 : memref<32xi32, #tpu.memory_space<vmem>>) target_semaphore(%arg44 : memref<!tpu.dma_semaphore, #tpu.memory_space<semaphore_mem>>)
      %dma_start3A_410 = tpu.memref_slice %arg4[%add3A_407] : memref<327680xi32, #tpu.memory_space<hbm>> -> memref<32xi32, #tpu.memory_space<hbm>>
      %dma_start3A_411 = tpu.memref_slice %arg4[%add3A_407] : memref<327680xi32, #tpu.memory_space<hbm>> -> memref<32xi32, #tpu.memory_space<hbm>>
      tpu.enqueue_dma source(%dma_start3A_411 : memref<32xi32, #tpu.memory_space<hbm>>) target(%arg23 : memref<32xi32, #tpu.memory_space<vmem>>) target_semaphore(%arg44 : memref<!tpu.dma_semaphore, #tpu.memory_space<semaphore_mem>>)
      %dma_wait3A_412 = arith.constant 0 : i32
      %dma_wait3A_413 = arith.constant 0 : i32
      %dma_wait3A_414 = tpu.memref_slice %arg37[%dma_wait3A_412, %dma_wait3A_413] : memref<10000x128xf32, #tpu.memory_space<vmem_shared>> -> memref<10000x128xf32, #tpu.memory_space<vmem_shared>>
      tpu.wait_indirect_dma semaphore(%arg65 : memref<!tpu.dma_semaphore, #tpu.memory_space<semaphore_mem>>) src(%arg34 : memref<32x128xf32, #tpu.memory_space<vmem>>) dst(%dma_wait3A_414 : memref<10000x128xf32, #tpu.memory_space<vmem_shared>>)
      %add3A_415 = arith.constant 7 : i32
      %add3A_416 = arith.addi %mul3A_267, %add3A_415 : i32
      %mul3A_417 = arith.constant 32 : i32
      %mul3A_418 = arith.muli %add3A_416, %mul3A_417 : i32
      %add3A_419 = arith.addi %mul3A_2, %mul3A_418 : i32
      %dma_start3A_420 = tpu.memref_slice %arg3[%add3A_419] : memref<327680xi32, #tpu.memory_space<hbm>> -> memref<32xi32, #tpu.memory_space<hbm>>
      %dma_start3A_421 = tpu.memref_slice %arg3[%add3A_419] : memref<327680xi32, #tpu.memory_space<hbm>> -> memref<32xi32, #tpu.memory_space<hbm>>
      tpu.enqueue_dma source(%dma_start3A_421 : memref<32xi32, #tpu.memory_space<hbm>>) target(%arg14 : memref<32xi32, #tpu.memory_space<vmem>>) target_semaphore(%arg45 : memref<!tpu.dma_semaphore, #tpu.memory_space<semaphore_mem>>)
      %dma_start3A_422 = tpu.memref_slice %arg4[%add3A_419] : memref<327680xi32, #tpu.memory_space<hbm>> -> memref<32xi32, #tpu.memory_space<hbm>>
      %dma_start3A_423 = tpu.memref_slice %arg4[%add3A_419] : memref<327680xi32, #tpu.memory_space<hbm>> -> memref<32xi32, #tpu.memory_space<hbm>>
      tpu.enqueue_dma source(%dma_start3A_423 : memref<32xi32, #tpu.memory_space<hbm>>) target(%arg24 : memref<32xi32, #tpu.memory_space<vmem>>) target_semaphore(%arg45 : memref<!tpu.dma_semaphore, #tpu.memory_space<semaphore_mem>>)
      %dma_wait3A_424 = arith.constant 0 : i32
      %dma_wait3A_425 = arith.constant 0 : i32
      %dma_wait3A_426 = tpu.memref_slice %arg37[%dma_wait3A_424, %dma_wait3A_425] : memref<10000x128xf32, #tpu.memory_space<vmem_shared>> -> memref<10000x128xf32, #tpu.memory_space<vmem_shared>>
      tpu.wait_indirect_dma semaphore(%arg66 : memref<!tpu.dma_semaphore, #tpu.memory_space<semaphore_mem>>) src(%arg35 : memref<32x128xf32, #tpu.memory_space<vmem>>) dst(%dma_wait3A_426 : memref<10000x128xf32, #tpu.memory_space<vmem_shared>>)
      %add3A_427 = arith.constant 8 : i32
      %add3A_428 = arith.addi %mul3A_267, %add3A_427 : i32
      %mul3A_429 = arith.constant 32 : i32
      %mul3A_430 = arith.muli %add3A_428, %mul3A_429 : i32
      %add3A_431 = arith.addi %mul3A_2, %mul3A_430 : i32
      %dma_start3A_432 = tpu.memref_slice %arg3[%add3A_431] : memref<327680xi32, #tpu.memory_space<hbm>> -> memref<32xi32, #tpu.memory_space<hbm>>
      %dma_start3A_433 = tpu.memref_slice %arg3[%add3A_431] : memref<327680xi32, #tpu.memory_space<hbm>> -> memref<32xi32, #tpu.memory_space<hbm>>
      tpu.enqueue_dma source(%dma_start3A_433 : memref<32xi32, #tpu.memory_space<hbm>>) target(%arg15 : memref<32xi32, #tpu.memory_space<vmem>>) target_semaphore(%arg46 : memref<!tpu.dma_semaphore, #tpu.memory_space<semaphore_mem>>)
      %dma_start3A_434 = tpu.memref_slice %arg4[%add3A_431] : memref<327680xi32, #tpu.memory_space<hbm>> -> memref<32xi32, #tpu.memory_space<hbm>>
      %dma_start3A_435 = tpu.memref_slice %arg4[%add3A_431] : memref<327680xi32, #tpu.memory_space<hbm>> -> memref<32xi32, #tpu.memory_space<hbm>>
      tpu.enqueue_dma source(%dma_start3A_435 : memref<32xi32, #tpu.memory_space<hbm>>) target(%arg25 : memref<32xi32, #tpu.memory_space<vmem>>) target_semaphore(%arg46 : memref<!tpu.dma_semaphore, #tpu.memory_space<semaphore_mem>>)
      %dma_wait3A_436 = arith.constant 0 : i32
      %dma_wait3A_437 = arith.constant 0 : i32
      %dma_wait3A_438 = tpu.memref_slice %arg37[%dma_wait3A_436, %dma_wait3A_437] : memref<10000x128xf32, #tpu.memory_space<vmem_shared>> -> memref<10000x128xf32, #tpu.memory_space<vmem_shared>>
      tpu.wait_indirect_dma semaphore(%arg67 : memref<!tpu.dma_semaphore, #tpu.memory_space<semaphore_mem>>) src(%arg36 : memref<32x128xf32, #tpu.memory_space<vmem>>) dst(%dma_wait3A_438 : memref<10000x128xf32, #tpu.memory_space<vmem_shared>>)
      %add3A_439 = arith.constant 9 : i32
      %add3A_440 = arith.addi %mul3A_267, %add3A_439 : i32
      %mul3A_441 = arith.constant 32 : i32
      %mul3A_442 = arith.muli %add3A_440, %mul3A_441 : i32
      %add3A_443 = arith.addi %mul3A_2, %mul3A_442 : i32
      %dma_start3A_444 = tpu.memref_slice %arg3[%add3A_443] : memref<327680xi32, #tpu.memory_space<hbm>> -> memref<32xi32, #tpu.memory_space<hbm>>
      %dma_start3A_445 = tpu.memref_slice %arg3[%add3A_443] : memref<327680xi32, #tpu.memory_space<hbm>> -> memref<32xi32, #tpu.memory_space<hbm>>
      tpu.enqueue_dma source(%dma_start3A_445 : memref<32xi32, #tpu.memory_space<hbm>>) target(%arg16 : memref<32xi32, #tpu.memory_space<vmem>>) target_semaphore(%arg47 : memref<!tpu.dma_semaphore, #tpu.memory_space<semaphore_mem>>)
      %dma_start3A_446 = tpu.memref_slice %arg4[%add3A_443] : memref<327680xi32, #tpu.memory_space<hbm>> -> memref<32xi32, #tpu.memory_space<hbm>>
      %dma_start3A_447 = tpu.memref_slice %arg4[%add3A_443] : memref<327680xi32, #tpu.memory_space<hbm>> -> memref<32xi32, #tpu.memory_space<hbm>>
      tpu.enqueue_dma source(%dma_start3A_447 : memref<32xi32, #tpu.memory_space<hbm>>) target(%arg26 : memref<32xi32, #tpu.memory_space<vmem>>) target_semaphore(%arg47 : memref<!tpu.dma_semaphore, #tpu.memory_space<semaphore_mem>>)
      %add3A_448 = arith.constant 0 : i32
      %add3A_449 = arith.addi %mul3A_267, %add3A_448 : i32
      %mul3A_450 = arith.constant 32 : i32
      %mul3A_451 = arith.muli %add3A_449, %mul3A_450 : i32
      %add3A_452 = arith.addi %mul3A_2, %mul3A_451 : i32
      %dma_wait3A_453 = tpu.memref_slice %arg3[%add3A_452] : memref<327680xi32, #tpu.memory_space<hbm>> -> memref<32xi32, #tpu.memory_space<hbm>>
      %dma_wait3A_454 = tpu.memref_slice %arg3[%add3A_452] : memref<327680xi32, #tpu.memory_space<hbm>> -> memref<32xi32, #tpu.memory_space<hbm>>
      tpu.wait_dma2 semaphore(%arg38 : memref<!tpu.dma_semaphore, #tpu.memory_space<semaphore_mem>>) src(%dma_wait3A_454 : memref<32xi32, #tpu.memory_space<hbm>>) dst(%arg7 : memref<32xi32, #tpu.memory_space<vmem>>)
      %dma_wait3A_455 = tpu.memref_slice %arg4[%add3A_452] : memref<327680xi32, #tpu.memory_space<hbm>> -> memref<32xi32, #tpu.memory_space<hbm>>
      %dma_wait3A_456 = tpu.memref_slice %arg4[%add3A_452] : memref<327680xi32, #tpu.memory_space<hbm>> -> memref<32xi32, #tpu.memory_space<hbm>>
      tpu.wait_dma2 semaphore(%arg38 : memref<!tpu.dma_semaphore, #tpu.memory_space<semaphore_mem>>) src(%dma_wait3A_456 : memref<32xi32, #tpu.memory_space<hbm>>) dst(%arg17 : memref<32xi32, #tpu.memory_space<vmem>>)
      %dma_start3A_457 = arith.constant 0 : i32
      %dma_start3A_458 = arith.constant 0 : i32
      %dma_start3A_459 = tpu.memref_slice %arg2[%dma_start3A_457, %dma_start3A_458] : memref<10000x128xf32, #tpu.memory_space<hbm>> -> memref<10000x128xf32, #tpu.memory_space<hbm>>
      tpu.enqueue_indirect_dma source(%dma_start3A_459 : memref<10000x128xf32, #tpu.memory_space<hbm>>) target(%arg27 : memref<32x128xf32, #tpu.memory_space<vmem>>) offsets(%arg7 : memref<32xi32, #tpu.memory_space<vmem>>) semaphore(%arg48 : memref<!tpu.dma_semaphore, #tpu.memory_space<semaphore_mem>>)
      %add3A_460 = arith.constant 1 : i32
      %add3A_461 = arith.addi %mul3A_267, %add3A_460 : i32
      %mul3A_462 = arith.constant 32 : i32
      %mul3A_463 = arith.muli %add3A_461, %mul3A_462 : i32
      %add3A_464 = arith.addi %mul3A_2, %mul3A_463 : i32
      %dma_wait3A_465 = tpu.memref_slice %arg3[%add3A_464] : memref<327680xi32, #tpu.memory_space<hbm>> -> memref<32xi32, #tpu.memory_space<hbm>>
      %dma_wait3A_466 = tpu.memref_slice %arg3[%add3A_464] : memref<327680xi32, #tpu.memory_space<hbm>> -> memref<32xi32, #tpu.memory_space<hbm>>
      tpu.wait_dma2 semaphore(%arg39 : memref<!tpu.dma_semaphore, #tpu.memory_space<semaphore_mem>>) src(%dma_wait3A_466 : memref<32xi32, #tpu.memory_space<hbm>>) dst(%arg8 : memref<32xi32, #tpu.memory_space<vmem>>)
      %dma_wait3A_467 = tpu.memref_slice %arg4[%add3A_464] : memref<327680xi32, #tpu.memory_space<hbm>> -> memref<32xi32, #tpu.memory_space<hbm>>
      %dma_wait3A_468 = tpu.memref_slice %arg4[%add3A_464] : memref<327680xi32, #tpu.memory_space<hbm>> -> memref<32xi32, #tpu.memory_space<hbm>>
      tpu.wait_dma2 semaphore(%arg39 : memref<!tpu.dma_semaphore, #tpu.memory_space<semaphore_mem>>) src(%dma_wait3A_468 : memref<32xi32, #tpu.memory_space<hbm>>) dst(%arg18 : memref<32xi32, #tpu.memory_space<vmem>>)
      %dma_start3A_469 = arith.constant 0 : i32
      %dma_start3A_470 = arith.constant 0 : i32
      %dma_start3A_471 = tpu.memref_slice %arg2[%dma_start3A_469, %dma_start3A_470] : memref<10000x128xf32, #tpu.memory_space<hbm>> -> memref<10000x128xf32, #tpu.memory_space<hbm>>
      tpu.enqueue_indirect_dma source(%dma_start3A_471 : memref<10000x128xf32, #tpu.memory_space<hbm>>) target(%arg28 : memref<32x128xf32, #tpu.memory_space<vmem>>) offsets(%arg8 : memref<32xi32, #tpu.memory_space<vmem>>) semaphore(%arg49 : memref<!tpu.dma_semaphore, #tpu.memory_space<semaphore_mem>>)
      %add3A_472 = arith.constant 2 : i32
      %add3A_473 = arith.addi %mul3A_267, %add3A_472 : i32
      %mul3A_474 = arith.constant 32 : i32
      %mul3A_475 = arith.muli %add3A_473, %mul3A_474 : i32
      %add3A_476 = arith.addi %mul3A_2, %mul3A_475 : i32
      %dma_wait3A_477 = tpu.memref_slice %arg3[%add3A_476] : memref<327680xi32, #tpu.memory_space<hbm>> -> memref<32xi32, #tpu.memory_space<hbm>>
      %dma_wait3A_478 = tpu.memref_slice %arg3[%add3A_476] : memref<327680xi32, #tpu.memory_space<hbm>> -> memref<32xi32, #tpu.memory_space<hbm>>
      tpu.wait_dma2 semaphore(%arg40 : memref<!tpu.dma_semaphore, #tpu.memory_space<semaphore_mem>>) src(%dma_wait3A_478 : memref<32xi32, #tpu.memory_space<hbm>>) dst(%arg9 : memref<32xi32, #tpu.memory_space<vmem>>)
      %dma_wait3A_479 = tpu.memref_slice %arg4[%add3A_476] : memref<327680xi32, #tpu.memory_space<hbm>> -> memref<32xi32, #tpu.memory_space<hbm>>
      %dma_wait3A_480 = tpu.memref_slice %arg4[%add3A_476] : memref<327680xi32, #tpu.memory_space<hbm>> -> memref<32xi32, #tpu.memory_space<hbm>>
      tpu.wait_dma2 semaphore(%arg40 : memref<!tpu.dma_semaphore, #tpu.memory_space<semaphore_mem>>) src(%dma_wait3A_480 : memref<32xi32, #tpu.memory_space<hbm>>) dst(%arg19 : memref<32xi32, #tpu.memory_space<vmem>>)
      %dma_start3A_481 = arith.constant 0 : i32
      %dma_start3A_482 = arith.constant 0 : i32
      %dma_start3A_483 = tpu.memref_slice %arg2[%dma_start3A_481, %dma_start3A_482] : memref<10000x128xf32, #tpu.memory_space<hbm>> -> memref<10000x128xf32, #tpu.memory_space<hbm>>
      tpu.enqueue_indirect_dma source(%dma_start3A_483 : memref<10000x128xf32, #tpu.memory_space<hbm>>) target(%arg29 : memref<32x128xf32, #tpu.memory_space<vmem>>) offsets(%arg9 : memref<32xi32, #tpu.memory_space<vmem>>) semaphore(%arg50 : memref<!tpu.dma_semaphore, #tpu.memory_space<semaphore_mem>>)
      %add3A_484 = arith.constant 3 : i32
      %add3A_485 = arith.addi %mul3A_267, %add3A_484 : i32
      %mul3A_486 = arith.constant 32 : i32
      %mul3A_487 = arith.muli %add3A_485, %mul3A_486 : i32
      %add3A_488 = arith.addi %mul3A_2, %mul3A_487 : i32
      %dma_wait3A_489 = tpu.memref_slice %arg3[%add3A_488] : memref<327680xi32, #tpu.memory_space<hbm>> -> memref<32xi32, #tpu.memory_space<hbm>>
      %dma_wait3A_490 = tpu.memref_slice %arg3[%add3A_488] : memref<327680xi32, #tpu.memory_space<hbm>> -> memref<32xi32, #tpu.memory_space<hbm>>
      tpu.wait_dma2 semaphore(%arg41 : memref<!tpu.dma_semaphore, #tpu.memory_space<semaphore_mem>>) src(%dma_wait3A_490 : memref<32xi32, #tpu.memory_space<hbm>>) dst(%arg10 : memref<32xi32, #tpu.memory_space<vmem>>)
      %dma_wait3A_491 = tpu.memref_slice %arg4[%add3A_488] : memref<327680xi32, #tpu.memory_space<hbm>> -> memref<32xi32, #tpu.memory_space<hbm>>
      %dma_wait3A_492 = tpu.memref_slice %arg4[%add3A_488] : memref<327680xi32, #tpu.memory_space<hbm>> -> memref<32xi32, #tpu.memory_space<hbm>>
      tpu.wait_dma2 semaphore(%arg41 : memref<!tpu.dma_semaphore, #tpu.memory_space<semaphore_mem>>) src(%dma_wait3A_492 : memref<32xi32, #tpu.memory_space<hbm>>) dst(%arg20 : memref<32xi32, #tpu.memory_space<vmem>>)
      %dma_start3A_493 = arith.constant 0 : i32
      %dma_start3A_494 = arith.constant 0 : i32
      %dma_start3A_495 = tpu.memref_slice %arg2[%dma_start3A_493, %dma_start3A_494] : memref<10000x128xf32, #tpu.memory_space<hbm>> -> memref<10000x128xf32, #tpu.memory_space<hbm>>
      tpu.enqueue_indirect_dma source(%dma_start3A_495 : memref<10000x128xf32, #tpu.memory_space<hbm>>) target(%arg30 : memref<32x128xf32, #tpu.memory_space<vmem>>) offsets(%arg10 : memref<32xi32, #tpu.memory_space<vmem>>) semaphore(%arg51 : memref<!tpu.dma_semaphore, #tpu.memory_space<semaphore_mem>>)
      %add3A_496 = arith.constant 4 : i32
      %add3A_497 = arith.addi %mul3A_267, %add3A_496 : i32
      %mul3A_498 = arith.constant 32 : i32
      %mul3A_499 = arith.muli %add3A_497, %mul3A_498 : i32
      %add3A_500 = arith.addi %mul3A_2, %mul3A_499 : i32
      %dma_wait3A_501 = tpu.memref_slice %arg3[%add3A_500] : memref<327680xi32, #tpu.memory_space<hbm>> -> memref<32xi32, #tpu.memory_space<hbm>>
      %dma_wait3A_502 = tpu.memref_slice %arg3[%add3A_500] : memref<327680xi32, #tpu.memory_space<hbm>> -> memref<32xi32, #tpu.memory_space<hbm>>
      tpu.wait_dma2 semaphore(%arg42 : memref<!tpu.dma_semaphore, #tpu.memory_space<semaphore_mem>>) src(%dma_wait3A_502 : memref<32xi32, #tpu.memory_space<hbm>>) dst(%arg11 : memref<32xi32, #tpu.memory_space<vmem>>)
      %dma_wait3A_503 = tpu.memref_slice %arg4[%add3A_500] : memref<327680xi32, #tpu.memory_space<hbm>> -> memref<32xi32, #tpu.memory_space<hbm>>
      %dma_wait3A_504 = tpu.memref_slice %arg4[%add3A_500] : memref<327680xi32, #tpu.memory_space<hbm>> -> memref<32xi32, #tpu.memory_space<hbm>>
      tpu.wait_dma2 semaphore(%arg42 : memref<!tpu.dma_semaphore, #tpu.memory_space<semaphore_mem>>) src(%dma_wait3A_504 : memref<32xi32, #tpu.memory_space<hbm>>) dst(%arg21 : memref<32xi32, #tpu.memory_space<vmem>>)
      %dma_start3A_505 = arith.constant 0 : i32
      %dma_start3A_506 = arith.constant 0 : i32
      %dma_start3A_507 = tpu.memref_slice %arg2[%dma_start3A_505, %dma_start3A_506] : memref<10000x128xf32, #tpu.memory_space<hbm>> -> memref<10000x128xf32, #tpu.memory_space<hbm>>
      tpu.enqueue_indirect_dma source(%dma_start3A_507 : memref<10000x128xf32, #tpu.memory_space<hbm>>) target(%arg31 : memref<32x128xf32, #tpu.memory_space<vmem>>) offsets(%arg11 : memref<32xi32, #tpu.memory_space<vmem>>) semaphore(%arg52 : memref<!tpu.dma_semaphore, #tpu.memory_space<semaphore_mem>>)
      %add3A_508 = arith.constant 5 : i32
      %add3A_509 = arith.addi %mul3A_267, %add3A_508 : i32
      %mul3A_510 = arith.constant 32 : i32
      %mul3A_511 = arith.muli %add3A_509, %mul3A_510 : i32
      %add3A_512 = arith.addi %mul3A_2, %mul3A_511 : i32
      %dma_wait3A_513 = tpu.memref_slice %arg3[%add3A_512] : memref<327680xi32, #tpu.memory_space<hbm>> -> memref<32xi32, #tpu.memory_space<hbm>>
      %dma_wait3A_514 = tpu.memref_slice %arg3[%add3A_512] : memref<327680xi32, #tpu.memory_space<hbm>> -> memref<32xi32, #tpu.memory_space<hbm>>
      tpu.wait_dma2 semaphore(%arg43 : memref<!tpu.dma_semaphore, #tpu.memory_space<semaphore_mem>>) src(%dma_wait3A_514 : memref<32xi32, #tpu.memory_space<hbm>>) dst(%arg12 : memref<32xi32, #tpu.memory_space<vmem>>)
      %dma_wait3A_515 = tpu.memref_slice %arg4[%add3A_512] : memref<327680xi32, #tpu.memory_space<hbm>> -> memref<32xi32, #tpu.memory_space<hbm>>
      %dma_wait3A_516 = tpu.memref_slice %arg4[%add3A_512] : memref<327680xi32, #tpu.memory_space<hbm>> -> memref<32xi32, #tpu.memory_space<hbm>>
      tpu.wait_dma2 semaphore(%arg43 : memref<!tpu.dma_semaphore, #tpu.memory_space<semaphore_mem>>) src(%dma_wait3A_516 : memref<32xi32, #tpu.memory_space<hbm>>) dst(%arg22 : memref<32xi32, #tpu.memory_space<vmem>>)
      %dma_start3A_517 = arith.constant 0 : i32
      %dma_start3A_518 = arith.constant 0 : i32
      %dma_start3A_519 = tpu.memref_slice %arg2[%dma_start3A_517, %dma_start3A_518] : memref<10000x128xf32, #tpu.memory_space<hbm>> -> memref<10000x128xf32, #tpu.memory_space<hbm>>
      tpu.enqueue_indirect_dma source(%dma_start3A_519 : memref<10000x128xf32, #tpu.memory_space<hbm>>) target(%arg32 : memref<32x128xf32, #tpu.memory_space<vmem>>) offsets(%arg12 : memref<32xi32, #tpu.memory_space<vmem>>) semaphore(%arg53 : memref<!tpu.dma_semaphore, #tpu.memory_space<semaphore_mem>>)
      %add3A_520 = arith.constant 6 : i32
      %add3A_521 = arith.addi %mul3A_267, %add3A_520 : i32
      %mul3A_522 = arith.constant 32 : i32
      %mul3A_523 = arith.muli %add3A_521, %mul3A_522 : i32
      %add3A_524 = arith.addi %mul3A_2, %mul3A_523 : i32
      %dma_wait3A_525 = tpu.memref_slice %arg3[%add3A_524] : memref<327680xi32, #tpu.memory_space<hbm>> -> memref<32xi32, #tpu.memory_space<hbm>>
      %dma_wait3A_526 = tpu.memref_slice %arg3[%add3A_524] : memref<327680xi32, #tpu.memory_space<hbm>> -> memref<32xi32, #tpu.memory_space<hbm>>
      tpu.wait_dma2 semaphore(%arg44 : memref<!tpu.dma_semaphore, #tpu.memory_space<semaphore_mem>>) src(%dma_wait3A_526 : memref<32xi32, #tpu.memory_space<hbm>>) dst(%arg13 : memref<32xi32, #tpu.memory_space<vmem>>)
      %dma_wait3A_527 = tpu.memref_slice %arg4[%add3A_524] : memref<327680xi32, #tpu.memory_space<hbm>> -> memref<32xi32, #tpu.memory_space<hbm>>
      %dma_wait3A_528 = tpu.memref_slice %arg4[%add3A_524] : memref<327680xi32, #tpu.memory_space<hbm>> -> memref<32xi32, #tpu.memory_space<hbm>>
      tpu.wait_dma2 semaphore(%arg44 : memref<!tpu.dma_semaphore, #tpu.memory_space<semaphore_mem>>) src(%dma_wait3A_528 : memref<32xi32, #tpu.memory_space<hbm>>) dst(%arg23 : memref<32xi32, #tpu.memory_space<vmem>>)
      %dma_start3A_529 = arith.constant 0 : i32
      %dma_start3A_530 = arith.constant 0 : i32
      %dma_start3A_531 = tpu.memref_slice %arg2[%dma_start3A_529, %dma_start3A_530] : memref<10000x128xf32, #tpu.memory_space<hbm>> -> memref<10000x128xf32, #tpu.memory_space<hbm>>
      tpu.enqueue_indirect_dma source(%dma_start3A_531 : memref<10000x128xf32, #tpu.memory_space<hbm>>) target(%arg33 : memref<32x128xf32, #tpu.memory_space<vmem>>) offsets(%arg13 : memref<32xi32, #tpu.memory_space<vmem>>) semaphore(%arg54 : memref<!tpu.dma_semaphore, #tpu.memory_space<semaphore_mem>>)
      %add3A_532 = arith.constant 7 : i32
      %add3A_533 = arith.addi %mul3A_267, %add3A_532 : i32
      %mul3A_534 = arith.constant 32 : i32
      %mul3A_535 = arith.muli %add3A_533, %mul3A_534 : i32
      %add3A_536 = arith.addi %mul3A_2, %mul3A_535 : i32
      %dma_wait3A_537 = tpu.memref_slice %arg3[%add3A_536] : memref<327680xi32, #tpu.memory_space<hbm>> -> memref<32xi32, #tpu.memory_space<hbm>>
      %dma_wait3A_538 = tpu.memref_slice %arg3[%add3A_536] : memref<327680xi32, #tpu.memory_space<hbm>> -> memref<32xi32, #tpu.memory_space<hbm>>
      tpu.wait_dma2 semaphore(%arg45 : memref<!tpu.dma_semaphore, #tpu.memory_space<semaphore_mem>>) src(%dma_wait3A_538 : memref<32xi32, #tpu.memory_space<hbm>>) dst(%arg14 : memref<32xi32, #tpu.memory_space<vmem>>)
      %dma_wait3A_539 = tpu.memref_slice %arg4[%add3A_536] : memref<327680xi32, #tpu.memory_space<hbm>> -> memref<32xi32, #tpu.memory_space<hbm>>
      %dma_wait3A_540 = tpu.memref_slice %arg4[%add3A_536] : memref<327680xi32, #tpu.memory_space<hbm>> -> memref<32xi32, #tpu.memory_space<hbm>>
      tpu.wait_dma2 semaphore(%arg45 : memref<!tpu.dma_semaphore, #tpu.memory_space<semaphore_mem>>) src(%dma_wait3A_540 : memref<32xi32, #tpu.memory_space<hbm>>) dst(%arg24 : memref<32xi32, #tpu.memory_space<vmem>>)
      %dma_start3A_541 = arith.constant 0 : i32
      %dma_start3A_542 = arith.constant 0 : i32
      %dma_start3A_543 = tpu.memref_slice %arg2[%dma_start3A_541, %dma_start3A_542] : memref<10000x128xf32, #tpu.memory_space<hbm>> -> memref<10000x128xf32, #tpu.memory_space<hbm>>
      tpu.enqueue_indirect_dma source(%dma_start3A_543 : memref<10000x128xf32, #tpu.memory_space<hbm>>) target(%arg34 : memref<32x128xf32, #tpu.memory_space<vmem>>) offsets(%arg14 : memref<32xi32, #tpu.memory_space<vmem>>) semaphore(%arg55 : memref<!tpu.dma_semaphore, #tpu.memory_space<semaphore_mem>>)
      %add3A_544 = arith.constant 8 : i32
      %add3A_545 = arith.addi %mul3A_267, %add3A_544 : i32
      %mul3A_546 = arith.constant 32 : i32
      %mul3A_547 = arith.muli %add3A_545, %mul3A_546 : i32
      %add3A_548 = arith.addi %mul3A_2, %mul3A_547 : i32
      %dma_wait3A_549 = tpu.memref_slice %arg3[%add3A_548] : memref<327680xi32, #tpu.memory_space<hbm>> -> memref<32xi32, #tpu.memory_space<hbm>>
      %dma_wait3A_550 = tpu.memref_slice %arg3[%add3A_548] : memref<327680xi32, #tpu.memory_space<hbm>> -> memref<32xi32, #tpu.memory_space<hbm>>
      tpu.wait_dma2 semaphore(%arg46 : memref<!tpu.dma_semaphore, #tpu.memory_space<semaphore_mem>>) src(%dma_wait3A_550 : memref<32xi32, #tpu.memory_space<hbm>>) dst(%arg15 : memref<32xi32, #tpu.memory_space<vmem>>)
      %dma_wait3A_551 = tpu.memref_slice %arg4[%add3A_548] : memref<327680xi32, #tpu.memory_space<hbm>> -> memref<32xi32, #tpu.memory_space<hbm>>
      %dma_wait3A_552 = tpu.memref_slice %arg4[%add3A_548] : memref<327680xi32, #tpu.memory_space<hbm>> -> memref<32xi32, #tpu.memory_space<hbm>>
      tpu.wait_dma2 semaphore(%arg46 : memref<!tpu.dma_semaphore, #tpu.memory_space<semaphore_mem>>) src(%dma_wait3A_552 : memref<32xi32, #tpu.memory_space<hbm>>) dst(%arg25 : memref<32xi32, #tpu.memory_space<vmem>>)
      %dma_start3A_553 = arith.constant 0 : i32
      %dma_start3A_554 = arith.constant 0 : i32
      %dma_start3A_555 = tpu.memref_slice %arg2[%dma_start3A_553, %dma_start3A_554] : memref<10000x128xf32, #tpu.memory_space<hbm>> -> memref<10000x128xf32, #tpu.memory_space<hbm>>
      tpu.enqueue_indirect_dma source(%dma_start3A_555 : memref<10000x128xf32, #tpu.memory_space<hbm>>) target(%arg35 : memref<32x128xf32, #tpu.memory_space<vmem>>) offsets(%arg15 : memref<32xi32, #tpu.memory_space<vmem>>) semaphore(%arg56 : memref<!tpu.dma_semaphore, #tpu.memory_space<semaphore_mem>>)
      %add3A_556 = arith.constant 9 : i32
      %add3A_557 = arith.addi %mul3A_267, %add3A_556 : i32
      %mul3A_558 = arith.constant 32 : i32
      %mul3A_559 = arith.muli %add3A_557, %mul3A_558 : i32
      %add3A_560 = arith.addi %mul3A_2, %mul3A_559 : i32
      %dma_wait3A_561 = tpu.memref_slice %arg3[%add3A_560] : memref<327680xi32, #tpu.memory_space<hbm>> -> memref<32xi32, #tpu.memory_space<hbm>>
      %dma_wait3A_562 = tpu.memref_slice %arg3[%add3A_560] : memref<327680xi32, #tpu.memory_space<hbm>> -> memref<32xi32, #tpu.memory_space<hbm>>
      tpu.wait_dma2 semaphore(%arg47 : memref<!tpu.dma_semaphore, #tpu.memory_space<semaphore_mem>>) src(%dma_wait3A_562 : memref<32xi32, #tpu.memory_space<hbm>>) dst(%arg16 : memref<32xi32, #tpu.memory_space<vmem>>)
      %dma_wait3A_563 = tpu.memref_slice %arg4[%add3A_560] : memref<327680xi32, #tpu.memory_space<hbm>> -> memref<32xi32, #tpu.memory_space<hbm>>
      %dma_wait3A_564 = tpu.memref_slice %arg4[%add3A_560] : memref<327680xi32, #tpu.memory_space<hbm>> -> memref<32xi32, #tpu.memory_space<hbm>>
      tpu.wait_dma2 semaphore(%arg47 : memref<!tpu.dma_semaphore, #tpu.memory_space<semaphore_mem>>) src(%dma_wait3A_564 : memref<32xi32, #tpu.memory_space<hbm>>) dst(%arg26 : memref<32xi32, #tpu.memory_space<vmem>>)
      %dma_start3A_565 = arith.constant 0 : i32
      %dma_start3A_566 = arith.constant 0 : i32
      %dma_start3A_567 = tpu.memref_slice %arg2[%dma_start3A_565, %dma_start3A_566] : memref<10000x128xf32, #tpu.memory_space<hbm>> -> memref<10000x128xf32, #tpu.memory_space<hbm>>
      tpu.enqueue_indirect_dma source(%dma_start3A_567 : memref<10000x128xf32, #tpu.memory_space<hbm>>) target(%arg36 : memref<32x128xf32, #tpu.memory_space<vmem>>) offsets(%arg16 : memref<32xi32, #tpu.memory_space<vmem>>) semaphore(%arg57 : memref<!tpu.dma_semaphore, #tpu.memory_space<semaphore_mem>>)
      %scan3A_568 = arith.constant 0 : i32
      scf.yield %scan3A_568 : i32
    }
    %scan3A_162 = arith.constant 31 : i32
    %dma_wait3A_163 = arith.constant 0 : i32
    %dma_wait3A_164 = arith.constant 0 : i32
    %dma_wait3A_165 = tpu.memref_slice %arg2[%dma_wait3A_163, %dma_wait3A_164] : memref<10000x128xf32, #tpu.memory_space<hbm>> -> memref<10000x128xf32, #tpu.memory_space<hbm>>
    tpu.wait_indirect_dma semaphore(%arg48 : memref<!tpu.dma_semaphore, #tpu.memory_space<semaphore_mem>>) src(%dma_wait3A_165 : memref<10000x128xf32, #tpu.memory_space<hbm>>) dst(%arg27 : memref<32x128xf32, #tpu.memory_space<vmem>>)
    %dma_start3A_166 = arith.constant 0 : i32
    %dma_start3A_167 = arith.constant 0 : i32
    %dma_start3A_168 = tpu.memref_slice %arg37[%dma_start3A_166, %dma_start3A_167] : memref<10000x128xf32, #tpu.memory_space<vmem_shared>> -> memref<10000x128xf32, #tpu.memory_space<vmem_shared>>
    tpu.enqueue_indirect_dma source(%arg27 : memref<32x128xf32, #tpu.memory_space<vmem>>) target(%dma_start3A_168 : memref<10000x128xf32, #tpu.memory_space<vmem_shared>>) offsets(%arg17 : memref<32xi32, #tpu.memory_space<vmem>>) semaphore(%arg58 : memref<!tpu.dma_semaphore, #tpu.memory_space<semaphore_mem>>) {add = true}
    %dma_wait3A_169 = arith.constant 0 : i32
    %dma_wait3A_170 = arith.constant 0 : i32
    %dma_wait3A_171 = tpu.memref_slice %arg2[%dma_wait3A_169, %dma_wait3A_170] : memref<10000x128xf32, #tpu.memory_space<hbm>> -> memref<10000x128xf32, #tpu.memory_space<hbm>>
    tpu.wait_indirect_dma semaphore(%arg49 : memref<!tpu.dma_semaphore, #tpu.memory_space<semaphore_mem>>) src(%dma_wait3A_171 : memref<10000x128xf32, #tpu.memory_space<hbm>>) dst(%arg28 : memref<32x128xf32, #tpu.memory_space<vmem>>)
    %dma_start3A_172 = arith.constant 0 : i32
    %dma_start3A_173 = arith.constant 0 : i32
    %dma_start3A_174 = tpu.memref_slice %arg37[%dma_start3A_172, %dma_start3A_173] : memref<10000x128xf32, #tpu.memory_space<vmem_shared>> -> memref<10000x128xf32, #tpu.memory_space<vmem_shared>>
    tpu.enqueue_indirect_dma source(%arg28 : memref<32x128xf32, #tpu.memory_space<vmem>>) target(%dma_start3A_174 : memref<10000x128xf32, #tpu.memory_space<vmem_shared>>) offsets(%arg18 : memref<32xi32, #tpu.memory_space<vmem>>) semaphore(%arg59 : memref<!tpu.dma_semaphore, #tpu.memory_space<semaphore_mem>>) {add = true}
    %dma_wait3A_175 = arith.constant 0 : i32
    %dma_wait3A_176 = arith.constant 0 : i32
    %dma_wait3A_177 = tpu.memref_slice %arg2[%dma_wait3A_175, %dma_wait3A_176] : memref<10000x128xf32, #tpu.memory_space<hbm>> -> memref<10000x128xf32, #tpu.memory_space<hbm>>
    tpu.wait_indirect_dma semaphore(%arg50 : memref<!tpu.dma_semaphore, #tpu.memory_space<semaphore_mem>>) src(%dma_wait3A_177 : memref<10000x128xf32, #tpu.memory_space<hbm>>) dst(%arg29 : memref<32x128xf32, #tpu.memory_space<vmem>>)
    %dma_start3A_178 = arith.constant 0 : i32
    %dma_start3A_179 = arith.constant 0 : i32
    %dma_start3A_180 = tpu.memref_slice %arg37[%dma_start3A_178, %dma_start3A_179] : memref<10000x128xf32, #tpu.memory_space<vmem_shared>> -> memref<10000x128xf32, #tpu.memory_space<vmem_shared>>
    tpu.enqueue_indirect_dma source(%arg29 : memref<32x128xf32, #tpu.memory_space<vmem>>) target(%dma_start3A_180 : memref<10000x128xf32, #tpu.memory_space<vmem_shared>>) offsets(%arg19 : memref<32xi32, #tpu.memory_space<vmem>>) semaphore(%arg60 : memref<!tpu.dma_semaphore, #tpu.memory_space<semaphore_mem>>) {add = true}
    %dma_wait3A_181 = arith.constant 0 : i32
    %dma_wait3A_182 = arith.constant 0 : i32
    %dma_wait3A_183 = tpu.memref_slice %arg2[%dma_wait3A_181, %dma_wait3A_182] : memref<10000x128xf32, #tpu.memory_space<hbm>> -> memref<10000x128xf32, #tpu.memory_space<hbm>>
    tpu.wait_indirect_dma semaphore(%arg51 : memref<!tpu.dma_semaphore, #tpu.memory_space<semaphore_mem>>) src(%dma_wait3A_183 : memref<10000x128xf32, #tpu.memory_space<hbm>>) dst(%arg30 : memref<32x128xf32, #tpu.memory_space<vmem>>)
    %dma_start3A_184 = arith.constant 0 : i32
    %dma_start3A_185 = arith.constant 0 : i32
    %dma_start3A_186 = tpu.memref_slice %arg37[%dma_start3A_184, %dma_start3A_185] : memref<10000x128xf32, #tpu.memory_space<vmem_shared>> -> memref<10000x128xf32, #tpu.memory_space<vmem_shared>>
    tpu.enqueue_indirect_dma source(%arg30 : memref<32x128xf32, #tpu.memory_space<vmem>>) target(%dma_start3A_186 : memref<10000x128xf32, #tpu.memory_space<vmem_shared>>) offsets(%arg20 : memref<32xi32, #tpu.memory_space<vmem>>) semaphore(%arg61 : memref<!tpu.dma_semaphore, #tpu.memory_space<semaphore_mem>>) {add = true}
    %dma_wait3A_187 = arith.constant 0 : i32
    %dma_wait3A_188 = arith.constant 0 : i32
    %dma_wait3A_189 = tpu.memref_slice %arg2[%dma_wait3A_187, %dma_wait3A_188] : memref<10000x128xf32, #tpu.memory_space<hbm>> -> memref<10000x128xf32, #tpu.memory_space<hbm>>
    tpu.wait_indirect_dma semaphore(%arg52 : memref<!tpu.dma_semaphore, #tpu.memory_space<semaphore_mem>>) src(%dma_wait3A_189 : memref<10000x128xf32, #tpu.memory_space<hbm>>) dst(%arg31 : memref<32x128xf32, #tpu.memory_space<vmem>>)
    %dma_start3A_190 = arith.constant 0 : i32
    %dma_start3A_191 = arith.constant 0 : i32
    %dma_start3A_192 = tpu.memref_slice %arg37[%dma_start3A_190, %dma_start3A_191] : memref<10000x128xf32, #tpu.memory_space<vmem_shared>> -> memref<10000x128xf32, #tpu.memory_space<vmem_shared>>
    tpu.enqueue_indirect_dma source(%arg31 : memref<32x128xf32, #tpu.memory_space<vmem>>) target(%dma_start3A_192 : memref<10000x128xf32, #tpu.memory_space<vmem_shared>>) offsets(%arg21 : memref<32xi32, #tpu.memory_space<vmem>>) semaphore(%arg62 : memref<!tpu.dma_semaphore, #tpu.memory_space<semaphore_mem>>) {add = true}
    %dma_wait3A_193 = arith.constant 0 : i32
    %dma_wait3A_194 = arith.constant 0 : i32
    %dma_wait3A_195 = tpu.memref_slice %arg2[%dma_wait3A_193, %dma_wait3A_194] : memref<10000x128xf32, #tpu.memory_space<hbm>> -> memref<10000x128xf32, #tpu.memory_space<hbm>>
    tpu.wait_indirect_dma semaphore(%arg53 : memref<!tpu.dma_semaphore, #tpu.memory_space<semaphore_mem>>) src(%dma_wait3A_195 : memref<10000x128xf32, #tpu.memory_space<hbm>>) dst(%arg32 : memref<32x128xf32, #tpu.memory_space<vmem>>)
    %dma_start3A_196 = arith.constant 0 : i32
    %dma_start3A_197 = arith.constant 0 : i32
    %dma_start3A_198 = tpu.memref_slice %arg37[%dma_start3A_196, %dma_start3A_197] : memref<10000x128xf32, #tpu.memory_space<vmem_shared>> -> memref<10000x128xf32, #tpu.memory_space<vmem_shared>>
    tpu.enqueue_indirect_dma source(%arg32 : memref<32x128xf32, #tpu.memory_space<vmem>>) target(%dma_start3A_198 : memref<10000x128xf32, #tpu.memory_space<vmem_shared>>) offsets(%arg22 : memref<32xi32, #tpu.memory_space<vmem>>) semaphore(%arg63 : memref<!tpu.dma_semaphore, #tpu.memory_space<semaphore_mem>>) {add = true}
    %dma_wait3A_199 = arith.constant 0 : i32
    %dma_wait3A_200 = arith.constant 0 : i32
    %dma_wait3A_201 = tpu.memref_slice %arg2[%dma_wait3A_199, %dma_wait3A_200] : memref<10000x128xf32, #tpu.memory_space<hbm>> -> memref<10000x128xf32, #tpu.memory_space<hbm>>
    tpu.wait_indirect_dma semaphore(%arg54 : memref<!tpu.dma_semaphore, #tpu.memory_space<semaphore_mem>>) src(%dma_wait3A_201 : memref<10000x128xf32, #tpu.memory_space<hbm>>) dst(%arg33 : memref<32x128xf32, #tpu.memory_space<vmem>>)
    %dma_start3A_202 = arith.constant 0 : i32
    %dma_start3A_203 = arith.constant 0 : i32
    %dma_start3A_204 = tpu.memref_slice %arg37[%dma_start3A_202, %dma_start3A_203] : memref<10000x128xf32, #tpu.memory_space<vmem_shared>> -> memref<10000x128xf32, #tpu.memory_space<vmem_shared>>
    tpu.enqueue_indirect_dma source(%arg33 : memref<32x128xf32, #tpu.memory_space<vmem>>) target(%dma_start3A_204 : memref<10000x128xf32, #tpu.memory_space<vmem_shared>>) offsets(%arg23 : memref<32xi32, #tpu.memory_space<vmem>>) semaphore(%arg64 : memref<!tpu.dma_semaphore, #tpu.memory_space<semaphore_mem>>) {add = true}
    %dma_wait3A_205 = arith.constant 0 : i32
    %dma_wait3A_206 = arith.constant 0 : i32
    %dma_wait3A_207 = tpu.memref_slice %arg2[%dma_wait3A_205, %dma_wait3A_206] : memref<10000x128xf32, #tpu.memory_space<hbm>> -> memref<10000x128xf32, #tpu.memory_space<hbm>>
    tpu.wait_indirect_dma semaphore(%arg55 : memref<!tpu.dma_semaphore, #tpu.memory_space<semaphore_mem>>) src(%dma_wait3A_207 : memref<10000x128xf32, #tpu.memory_space<hbm>>) dst(%arg34 : memref<32x128xf32, #tpu.memory_space<vmem>>)
    %dma_start3A_208 = arith.constant 0 : i32
    %dma_start3A_209 = arith.constant 0 : i32
    %dma_start3A_210 = tpu.memref_slice %arg37[%dma_start3A_208, %dma_start3A_209] : memref<10000x128xf32, #tpu.memory_space<vmem_shared>> -> memref<10000x128xf32, #tpu.memory_space<vmem_shared>>
    tpu.enqueue_indirect_dma source(%arg34 : memref<32x128xf32, #tpu.memory_space<vmem>>) target(%dma_start3A_210 : memref<10000x128xf32, #tpu.memory_space<vmem_shared>>) offsets(%arg24 : memref<32xi32, #tpu.memory_space<vmem>>) semaphore(%arg65 : memref<!tpu.dma_semaphore, #tpu.memory_space<semaphore_mem>>) {add = true}
    %dma_wait3A_211 = arith.constant 0 : i32
    %dma_wait3A_212 = arith.constant 0 : i32
    %dma_wait3A_213 = tpu.memref_slice %arg2[%dma_wait3A_211, %dma_wait3A_212] : memref<10000x128xf32, #tpu.memory_space<hbm>> -> memref<10000x128xf32, #tpu.memory_space<hbm>>
    tpu.wait_indirect_dma semaphore(%arg56 : memref<!tpu.dma_semaphore, #tpu.memory_space<semaphore_mem>>) src(%dma_wait3A_213 : memref<10000x128xf32, #tpu.memory_space<hbm>>) dst(%arg35 : memref<32x128xf32, #tpu.memory_space<vmem>>)
    %dma_start3A_214 = arith.constant 0 : i32
    %dma_start3A_215 = arith.constant 0 : i32
    %dma_start3A_216 = tpu.memref_slice %arg37[%dma_start3A_214, %dma_start3A_215] : memref<10000x128xf32, #tpu.memory_space<vmem_shared>> -> memref<10000x128xf32, #tpu.memory_space<vmem_shared>>
    tpu.enqueue_indirect_dma source(%arg35 : memref<32x128xf32, #tpu.memory_space<vmem>>) target(%dma_start3A_216 : memref<10000x128xf32, #tpu.memory_space<vmem_shared>>) offsets(%arg25 : memref<32xi32, #tpu.memory_space<vmem>>) semaphore(%arg66 : memref<!tpu.dma_semaphore, #tpu.memory_space<semaphore_mem>>) {add = true}
    %dma_wait3A_217 = arith.constant 0 : i32
    %dma_wait3A_218 = arith.constant 0 : i32
    %dma_wait3A_219 = tpu.memref_slice %arg2[%dma_wait3A_217, %dma_wait3A_218] : memref<10000x128xf32, #tpu.memory_space<hbm>> -> memref<10000x128xf32, #tpu.memory_space<hbm>>
    tpu.wait_indirect_dma semaphore(%arg57 : memref<!tpu.dma_semaphore, #tpu.memory_space<semaphore_mem>>) src(%dma_wait3A_219 : memref<10000x128xf32, #tpu.memory_space<hbm>>) dst(%arg36 : memref<32x128xf32, #tpu.memory_space<vmem>>)
    %dma_start3A_220 = arith.constant 0 : i32
    %dma_start3A_221 = arith.constant 0 : i32
    %dma_start3A_222 = tpu.memref_slice %arg37[%dma_start3A_220, %dma_start3A_221] : memref<10000x128xf32, #tpu.memory_space<vmem_shared>> -> memref<10000x128xf32, #tpu.memory_space<vmem_shared>>
    tpu.enqueue_indirect_dma source(%arg36 : memref<32x128xf32, #tpu.memory_space<vmem>>) target(%dma_start3A_222 : memref<10000x128xf32, #tpu.memory_space<vmem_shared>>) offsets(%arg26 : memref<32xi32, #tpu.memory_space<vmem>>) semaphore(%arg67 : memref<!tpu.dma_semaphore, #tpu.memory_space<semaphore_mem>>) {add = true}
    %dma_wait3A_223 = arith.constant 0 : i32
    %dma_wait3A_224 = arith.constant 0 : i32
    %dma_wait3A_225 = tpu.memref_slice %arg37[%dma_wait3A_223, %dma_wait3A_224] : memref<10000x128xf32, #tpu.memory_space<vmem_shared>> -> memref<10000x128xf32, #tpu.memory_space<vmem_shared>>
    tpu.wait_indirect_dma semaphore(%arg58 : memref<!tpu.dma_semaphore, #tpu.memory_space<semaphore_mem>>) src(%arg27 : memref<32x128xf32, #tpu.memory_space<vmem>>) dst(%dma_wait3A_225 : memref<10000x128xf32, #tpu.memory_space<vmem_shared>>)
    %dma_wait3A_226 = arith.constant 0 : i32
    %dma_wait3A_227 = arith.constant 0 : i32
    %dma_wait3A_228 = tpu.memref_slice %arg37[%dma_wait3A_226, %dma_wait3A_227] : memref<10000x128xf32, #tpu.memory_space<vmem_shared>> -> memref<10000x128xf32, #tpu.memory_space<vmem_shared>>
    tpu.wait_indirect_dma semaphore(%arg59 : memref<!tpu.dma_semaphore, #tpu.memory_space<semaphore_mem>>) src(%arg28 : memref<32x128xf32, #tpu.memory_space<vmem>>) dst(%dma_wait3A_228 : memref<10000x128xf32, #tpu.memory_space<vmem_shared>>)
    %dma_wait3A_229 = arith.constant 0 : i32
    %dma_wait3A_230 = arith.constant 0 : i32
    %dma_wait3A_231 = tpu.memref_slice %arg37[%dma_wait3A_229, %dma_wait3A_230] : memref<10000x128xf32, #tpu.memory_space<vmem_shared>> -> memref<10000x128xf32, #tpu.memory_space<vmem_shared>>
    tpu.wait_indirect_dma semaphore(%arg60 : memref<!tpu.dma_semaphore, #tpu.memory_space<semaphore_mem>>) src(%arg29 : memref<32x128xf32, #tpu.memory_space<vmem>>) dst(%dma_wait3A_231 : memref<10000x128xf32, #tpu.memory_space<vmem_shared>>)
    %dma_wait3A_232 = arith.constant 0 : i32
    %dma_wait3A_233 = arith.constant 0 : i32
    %dma_wait3A_234 = tpu.memref_slice %arg37[%dma_wait3A_232, %dma_wait3A_233] : memref<10000x128xf32, #tpu.memory_space<vmem_shared>> -> memref<10000x128xf32, #tpu.memory_space<vmem_shared>>
    tpu.wait_indirect_dma semaphore(%arg61 : memref<!tpu.dma_semaphore, #tpu.memory_space<semaphore_mem>>) src(%arg30 : memref<32x128xf32, #tpu.memory_space<vmem>>) dst(%dma_wait3A_234 : memref<10000x128xf32, #tpu.memory_space<vmem_shared>>)
    %dma_wait3A_235 = arith.constant 0 : i32
    %dma_wait3A_236 = arith.constant 0 : i32
    %dma_wait3A_237 = tpu.memref_slice %arg37[%dma_wait3A_235, %dma_wait3A_236] : memref<10000x128xf32, #tpu.memory_space<vmem_shared>> -> memref<10000x128xf32, #tpu.memory_space<vmem_shared>>
    tpu.wait_indirect_dma semaphore(%arg62 : memref<!tpu.dma_semaphore, #tpu.memory_space<semaphore_mem>>) src(%arg31 : memref<32x128xf32, #tpu.memory_space<vmem>>) dst(%dma_wait3A_237 : memref<10000x128xf32, #tpu.memory_space<vmem_shared>>)
    %dma_wait3A_238 = arith.constant 0 : i32
    %dma_wait3A_239 = arith.constant 0 : i32
    %dma_wait3A_240 = tpu.memref_slice %arg37[%dma_wait3A_238, %dma_wait3A_239] : memref<10000x128xf32, #tpu.memory_space<vmem_shared>> -> memref<10000x128xf32, #tpu.memory_space<vmem_shared>>
    tpu.wait_indirect_dma semaphore(%arg63 : memref<!tpu.dma_semaphore, #tpu.memory_space<semaphore_mem>>) src(%arg32 : memref<32x128xf32, #tpu.memory_space<vmem>>) dst(%dma_wait3A_240 : memref<10000x128xf32, #tpu.memory_space<vmem_shared>>)
    %dma_wait3A_241 = arith.constant 0 : i32
    %dma_wait3A_242 = arith.constant 0 : i32
    %dma_wait3A_243 = tpu.memref_slice %arg37[%dma_wait3A_241, %dma_wait3A_242] : memref<10000x128xf32, #tpu.memory_space<vmem_shared>> -> memref<10000x128xf32, #tpu.memory_space<vmem_shared>>
    tpu.wait_indirect_dma semaphore(%arg64 : memref<!tpu.dma_semaphore, #tpu.memory_space<semaphore_mem>>) src(%arg33 : memref<32x128xf32, #tpu.memory_space<vmem>>) dst(%dma_wait3A_243 : memref<10000x128xf32, #tpu.memory_space<vmem_shared>>)
    %dma_wait3A_244 = arith.constant 0 : i32
    %dma_wait3A_245 = arith.constant 0 : i32
    %dma_wait3A_246 = tpu.memref_slice %arg37[%dma_wait3A_244, %dma_wait3A_245] : memref<10000x128xf32, #tpu.memory_space<vmem_shared>> -> memref<10000x128xf32, #tpu.memory_space<vmem_shared>>
    tpu.wait_indirect_dma semaphore(%arg65 : memref<!tpu.dma_semaphore, #tpu.memory_space<semaphore_mem>>) src(%arg34 : memref<32x128xf32, #tpu.memory_space<vmem>>) dst(%dma_wait3A_246 : memref<10000x128xf32, #tpu.memory_space<vmem_shared>>)
    %dma_wait3A_247 = arith.constant 0 : i32
    %dma_wait3A_248 = arith.constant 0 : i32
    %dma_wait3A_249 = tpu.memref_slice %arg37[%dma_wait3A_247, %dma_wait3A_248] : memref<10000x128xf32, #tpu.memory_space<vmem_shared>> -> memref<10000x128xf32, #tpu.memory_space<vmem_shared>>
    tpu.wait_indirect_dma semaphore(%arg66 : memref<!tpu.dma_semaphore, #tpu.memory_space<semaphore_mem>>) src(%arg35 : memref<32x128xf32, #tpu.memory_space<vmem>>) dst(%dma_wait3A_249 : memref<10000x128xf32, #tpu.memory_space<vmem_shared>>)
    %dma_wait3A_250 = arith.constant 0 : i32
    %dma_wait3A_251 = arith.constant 0 : i32
    %dma_wait3A_252 = tpu.memref_slice %arg37[%dma_wait3A_250, %dma_wait3A_251] : memref<10000x128xf32, #tpu.memory_space<vmem_shared>> -> memref<10000x128xf32, #tpu.memory_space<vmem_shared>>
    tpu.wait_indirect_dma semaphore(%arg67 : memref<!tpu.dma_semaphore, #tpu.memory_space<semaphore_mem>>) src(%arg36 : memref<32x128xf32, #tpu.memory_space<vmem>>) dst(%dma_wait3A_252 : memref<10000x128xf32, #tpu.memory_space<vmem_shared>>)
    %barrier3A_253 = arith.constant 0 : index
    tpu.barrier barrier_id(%barrier3A_253)
    %lt3A_254 = arith.constant 15 : i32
    %lt3A_255 = arith.cmpi slt, %arg1, %lt3A_254 : i32
    %convert_element_type3A_256 = arith.extui %lt3A_255 : i1 to i32
    %cond3A_257 = arith.constant 0 : i32
    %cond3A_258 = arith.cmpi ne, %convert_element_type3A_256, %cond3A_257 : i32
    scf.if %cond3A_258 {
      %mul3A_264 = arith.constant 632 : i32
      %mul3A_265 = arith.muli %arg1, %mul3A_264 : i32
      %mul3A_266 = arith.constant 632 : i32
      %mul3A_267 = arith.muli %arg1, %mul3A_266 : i32
      "tpu.region"() ({
        %run_scoped3A = tpu.sem_alloc : memref<!tpu.dma_semaphore, #tpu.memory_space<semaphore_mem>>
        %dma_start3A_268 = arith.constant 0 : i32
        %dma_start3A_269 = tpu.memref_slice %arg6[%arg0, %mul3A_267, %dma_start3A_268] : memref<2x10000x128xf32, #tpu.memory_space<hbm>> -> memref<1x632x128xf32, #tpu.memory_space<hbm>>
        %dma_start3A_270 = tpu.memref_squeeze %dma_start3A_269 : memref<1x632x128xf32, #tpu.memory_space<hbm>> -> memref<632x128xf32, #tpu.memory_space<hbm>>
        %dma_start3A_271 = arith.constant 0 : i32
        %dma_start3A_272 = tpu.memref_slice %arg37[%mul3A_265, %dma_start3A_271] : memref<10000x128xf32, #tpu.memory_space<vmem_shared>> -> memref<632x128xf32, #tpu.memory_space<vmem_shared>>
        tpu.enqueue_dma source(%dma_start3A_272 : memref<632x128xf32, #tpu.memory_space<vmem_shared>>) target(%dma_start3A_270 : memref<632x128xf32, #tpu.memory_space<hbm>>) target_semaphore(%run_scoped3A : memref<!tpu.dma_semaphore, #tpu.memory_space<semaphore_mem>>)
        %dma_wait3A_273 = arith.constant 0 : i32
        %dma_wait3A_274 = tpu.memref_slice %arg6[%arg0, %mul3A_267, %dma_wait3A_273] : memref<2x10000x128xf32, #tpu.memory_space<hbm>> -> memref<1x632x128xf32, #tpu.memory_space<hbm>>
        %dma_wait3A_275 = tpu.memref_squeeze %dma_wait3A_274 : memref<1x632x128xf32, #tpu.memory_space<hbm>> -> memref<632x128xf32, #tpu.memory_space<hbm>>
        %dma_wait3A_276 = arith.constant 0 : i32
        %dma_wait3A_277 = tpu.memref_slice %arg37[%mul3A_265, %dma_wait3A_276] : memref<10000x128xf32, #tpu.memory_space<vmem_shared>> -> memref<632x128xf32, #tpu.memory_space<vmem_shared>>
        tpu.wait_dma2 semaphore(%run_scoped3A : memref<!tpu.dma_semaphore, #tpu.memory_space<semaphore_mem>>) src(%dma_wait3A_277 : memref<632x128xf32, #tpu.memory_space<vmem_shared>>) dst(%dma_wait3A_275 : memref<632x128xf32, #tpu.memory_space<hbm>>)
        tpu.yield
      }) : () -> ()
    } else {
    }
    %eq3A_259 = arith.constant 15 : i32
    %eq3A_260 = arith.cmpi eq, %arg1, %eq3A_259 : i32
    %convert_element_type3A_261 = arith.extui %eq3A_260 : i1 to i32
    %cond3A_262 = arith.constant 0 : i32
    %cond3A_263 = arith.cmpi ne, %convert_element_type3A_261, %cond3A_262 : i32
    scf.if %cond3A_263 {
      %mul3A_264 = arith.constant 632 : i32
      %mul3A_265 = arith.muli %arg1, %mul3A_264 : i32
      %mul3A_266 = arith.constant 632 : i32
      %mul3A_267 = arith.muli %arg1, %mul3A_266 : i32
      "tpu.region"() ({
        %run_scoped3A = tpu.sem_alloc : memref<!tpu.dma_semaphore, #tpu.memory_space<semaphore_mem>>
        %dma_start3A_268 = arith.constant 0 : i32
        %dma_start3A_269 = tpu.memref_slice %arg6[%arg0, %mul3A_267, %dma_start3A_268] : memref<2x10000x128xf32, #tpu.memory_space<hbm>> -> memref<1x520x128xf32, #tpu.memory_space<hbm>>
        %dma_start3A_270 = tpu.memref_squeeze %dma_start3A_269 : memref<1x520x128xf32, #tpu.memory_space<hbm>> -> memref<520x128xf32, #tpu.memory_space<hbm>>
        %dma_start3A_271 = arith.constant 0 : i32
        %dma_start3A_272 = tpu.memref_slice %arg37[%mul3A_265, %dma_start3A_271] : memref<10000x128xf32, #tpu.memory_space<vmem_shared>> -> memref<520x128xf32, #tpu.memory_space<vmem_shared>>
        tpu.enqueue_dma source(%dma_start3A_272 : memref<520x128xf32, #tpu.memory_space<vmem_shared>>) target(%dma_start3A_270 : memref<520x128xf32, #tpu.memory_space<hbm>>) target_semaphore(%run_scoped3A : memref<!tpu.dma_semaphore, #tpu.memory_space<semaphore_mem>>)
        %dma_wait3A_273 = arith.constant 0 : i32
        %dma_wait3A_274 = tpu.memref_slice %arg6[%arg0, %mul3A_267, %dma_wait3A_273] : memref<2x10000x128xf32, #tpu.memory_space<hbm>> -> memref<1x520x128xf32, #tpu.memory_space<hbm>>
        %dma_wait3A_275 = tpu.memref_squeeze %dma_wait3A_274 : memref<1x520x128xf32, #tpu.memory_space<hbm>> -> memref<520x128xf32, #tpu.memory_space<hbm>>
        %dma_wait3A_276 = arith.constant 0 : i32
        %dma_wait3A_277 = tpu.memref_slice %arg37[%mul3A_265, %dma_wait3A_276] : memref<10000x128xf32, #tpu.memory_space<vmem_shared>> -> memref<520x128xf32, #tpu.memory_space<vmem_shared>>
        tpu.wait_dma2 semaphore(%run_scoped3A : memref<!tpu.dma_semaphore, #tpu.memory_space<semaphore_mem>>) src(%dma_wait3A_277 : memref<520x128xf32, #tpu.memory_space<vmem_shared>>) dst(%dma_wait3A_275 : memref<520x128xf32, #tpu.memory_space<hbm>>)
        tpu.yield
      }) : () -> ()
    } else {
    }
    return
  }
}

#map = affine_map<(d0, d1) -> (0)>
#map1 = affine_map<(d0, d1) -> (0, 0)>
#map2 = affine_map<(d0, d1) -> (0, 0, 0)>
module attributes {stable_mosaic.version = 14 : i64} {
  func.func @_deg_kernel(%arg0: i32, %arg1: i32, %arg2: memref<327680xi32, #tpu.memory_space<hbm>>, %arg3: memref<128x128xf32, #tpu.memory_space<hbm>>, %arg4: memref<632x128xf32, #tpu.memory_space<hbm>>, %arg5: memref<2x10000x128xf32, #tpu.memory_space<hbm>>, %arg6: memref<128xi32, #tpu.memory_space<vmem>>, %arg7: memref<128xi32, #tpu.memory_space<vmem>>, %arg8: memref<128xi32, #tpu.memory_space<vmem>>, %arg9: memref<128xi32, #tpu.memory_space<vmem>>, %arg10: memref<128xi32, #tpu.memory_space<vmem>>, %arg11: memref<128xi32, #tpu.memory_space<vmem>>, %arg12: memref<128xi32, #tpu.memory_space<vmem>>, %arg13: memref<128xi32, #tpu.memory_space<vmem>>, %arg14: memref<128x128xf32, #tpu.memory_space<vmem>>, %arg15: memref<10000x128xf32, #tpu.memory_space<vmem_shared>>, %arg16: memref<!tpu.dma_semaphore, #tpu.memory_space<semaphore_mem>>, %arg17: memref<!tpu.dma_semaphore, #tpu.memory_space<semaphore_mem>>, %arg18: memref<!tpu.dma_semaphore, #tpu.memory_space<semaphore_mem>>, %arg19: memref<!tpu.dma_semaphore, #tpu.memory_space<semaphore_mem>>, %arg20: memref<!tpu.dma_semaphore, #tpu.memory_space<semaphore_mem>>, %arg21: memref<!tpu.dma_semaphore, #tpu.memory_space<semaphore_mem>>, %arg22: memref<!tpu.dma_semaphore, #tpu.memory_space<semaphore_mem>>, %arg23: memref<!tpu.dma_semaphore, #tpu.memory_space<semaphore_mem>>, %arg24: memref<!tpu.dma_semaphore, #tpu.memory_space<semaphore_mem>>, %arg25: memref<!tpu.dma_semaphore, #tpu.memory_space<semaphore_mem>>, %arg26: memref<!tpu.dma_semaphore, #tpu.memory_space<semaphore_mem>>, %arg27: memref<!tpu.dma_semaphore, #tpu.memory_space<semaphore_mem>>, %arg28: memref<!tpu.dma_semaphore, #tpu.memory_space<semaphore_mem>>, %arg29: memref<!tpu.dma_semaphore, #tpu.memory_space<semaphore_mem>>, %arg30: memref<!tpu.dma_semaphore, #tpu.memory_space<semaphore_mem>>, %arg31: memref<!tpu.dma_semaphore, #tpu.memory_space<semaphore_mem>>) attributes {dimension_semantics = [#tpu.dimension_semantics<core_parallel>, #tpu.dimension_semantics<subcore_parallel>], iteration_bounds = array<i64: 2, 16>, scalar_prefetch = 0 : i64, scratch_operands = 26 : i64, tpu.core_type = #tpu.core_type<sc_vector_subcore>, window_params = [{transform_indices = #map}, {transform_indices = #map1}, {transform_indices = #map1}, {transform_indices = #map2}]} {
    %mul3A = arith.constant 2 : i32
    %mul3A_0 = arith.muli %arg1, %mul3A : i32
    %add3A = arith.addi %mul3A_0, %arg0 : i32
    %mul3A_1 = arith.constant 10240 : i32
    %mul3A_2 = arith.muli %add3A, %mul3A_1 : i32
    %lt3A = arith.constant 15 : i32
    %lt3A_3 = arith.cmpi slt, %arg1, %lt3A : i32
    %convert_element_type3A = arith.extui %lt3A_3 : i1 to i32
    %cond3A = arith.constant 0 : i32
    %cond3A_4 = arith.cmpi ne, %convert_element_type3A, %cond3A : i32
    scf.if %cond3A_4 {
      %mul3A_136 = arith.constant 632 : i32
      %mul3A_137 = arith.muli %arg1, %mul3A_136 : i32
      "tpu.region"() ({
        %run_scoped3A = tpu.sem_alloc : memref<!tpu.dma_semaphore, #tpu.memory_space<semaphore_mem>>
        %dma_start3A_138 = arith.constant 0 : i32
        %dma_start3A_139 = tpu.memref_slice %arg15[%mul3A_137, %dma_start3A_138] : memref<10000x128xf32, #tpu.memory_space<vmem_shared>> -> memref<632x128xf32, #tpu.memory_space<vmem_shared>>
        tpu.enqueue_dma source(%arg4 : memref<632x128xf32, #tpu.memory_space<hbm>>) target(%dma_start3A_139 : memref<632x128xf32, #tpu.memory_space<vmem_shared>>) target_semaphore(%run_scoped3A : memref<!tpu.dma_semaphore, #tpu.memory_space<semaphore_mem>>)
        %dma_wait3A_140 = arith.constant 0 : i32
        %dma_wait3A_141 = tpu.memref_slice %arg15[%mul3A_137, %dma_wait3A_140] : memref<10000x128xf32, #tpu.memory_space<vmem_shared>> -> memref<632x128xf32, #tpu.memory_space<vmem_shared>>
        tpu.wait_dma2 semaphore(%run_scoped3A : memref<!tpu.dma_semaphore, #tpu.memory_space<semaphore_mem>>) src(%arg4 : memref<632x128xf32, #tpu.memory_space<hbm>>) dst(%dma_wait3A_141 : memref<632x128xf32, #tpu.memory_space<vmem_shared>>)
        tpu.yield
      }) : () -> ()
    } else {
    }
    %eq3A = arith.constant 15 : i32
    %eq3A_5 = arith.cmpi eq, %arg1, %eq3A : i32
    %convert_element_type3A_6 = arith.extui %eq3A_5 : i1 to i32
    %cond3A_7 = arith.constant 0 : i32
    %cond3A_8 = arith.cmpi ne, %convert_element_type3A_6, %cond3A_7 : i32
    scf.if %cond3A_8 {
      %mul3A_136 = arith.constant 632 : i32
      %mul3A_137 = arith.muli %arg1, %mul3A_136 : i32
      "tpu.region"() ({
        %run_scoped3A = tpu.sem_alloc : memref<!tpu.dma_semaphore, #tpu.memory_space<semaphore_mem>>
        %dma_start3A_138 = arith.constant 0 : i32
        %dma_start3A_139 = tpu.memref_slice %arg15[%mul3A_137, %dma_start3A_138] : memref<10000x128xf32, #tpu.memory_space<vmem_shared>> -> memref<520x128xf32, #tpu.memory_space<vmem_shared>>
        %dma_start3A_140 = arith.constant 0 : i32
        %dma_start3A_141 = arith.constant 0 : i32
        %dma_start3A_142 = tpu.memref_slice %arg4[%dma_start3A_140, %dma_start3A_141] : memref<632x128xf32, #tpu.memory_space<hbm>> -> memref<520x128xf32, #tpu.memory_space<hbm>>
        tpu.enqueue_dma source(%dma_start3A_142 : memref<520x128xf32, #tpu.memory_space<hbm>>) target(%dma_start3A_139 : memref<520x128xf32, #tpu.memory_space<vmem_shared>>) target_semaphore(%run_scoped3A : memref<!tpu.dma_semaphore, #tpu.memory_space<semaphore_mem>>)
        %dma_wait3A_143 = arith.constant 0 : i32
        %dma_wait3A_144 = tpu.memref_slice %arg15[%mul3A_137, %dma_wait3A_143] : memref<10000x128xf32, #tpu.memory_space<vmem_shared>> -> memref<520x128xf32, #tpu.memory_space<vmem_shared>>
        %dma_wait3A_145 = arith.constant 0 : i32
        %dma_wait3A_146 = arith.constant 0 : i32
        %dma_wait3A_147 = tpu.memref_slice %arg4[%dma_wait3A_145, %dma_wait3A_146] : memref<632x128xf32, #tpu.memory_space<hbm>> -> memref<520x128xf32, #tpu.memory_space<hbm>>
        tpu.wait_dma2 semaphore(%run_scoped3A : memref<!tpu.dma_semaphore, #tpu.memory_space<semaphore_mem>>) src(%dma_wait3A_147 : memref<520x128xf32, #tpu.memory_space<hbm>>) dst(%dma_wait3A_144 : memref<520x128xf32, #tpu.memory_space<vmem_shared>>)
        tpu.yield
      }) : () -> ()
    } else {
    }
    "tpu.region"() ({
      %run_scoped3A = tpu.sem_alloc : memref<!tpu.dma_semaphore, #tpu.memory_space<semaphore_mem>>
      tpu.enqueue_dma source(%arg3 : memref<128x128xf32, #tpu.memory_space<hbm>>) target(%arg14 : memref<128x128xf32, #tpu.memory_space<vmem>>) target_semaphore(%run_scoped3A : memref<!tpu.dma_semaphore, #tpu.memory_space<semaphore_mem>>)
      tpu.wait_dma2 semaphore(%run_scoped3A : memref<!tpu.dma_semaphore, #tpu.memory_space<semaphore_mem>>) src(%arg3 : memref<128x128xf32, #tpu.memory_space<hbm>>) dst(%arg14 : memref<128x128xf32, #tpu.memory_space<vmem>>)
      tpu.yield
    }) : () -> ()
    %add3A_9 = arith.constant 0 : i32
    %add3A_10 = arith.addi %mul3A_2, %add3A_9 : i32
    %dma_start3A = tpu.memref_slice %arg2[%add3A_10] : memref<327680xi32, #tpu.memory_space<hbm>> -> memref<128xi32, #tpu.memory_space<hbm>>
    %dma_start3A_11 = tpu.memref_slice %arg2[%add3A_10] : memref<327680xi32, #tpu.memory_space<hbm>> -> memref<128xi32, #tpu.memory_space<hbm>>
    tpu.enqueue_dma source(%dma_start3A_11 : memref<128xi32, #tpu.memory_space<hbm>>) target(%arg6 : memref<128xi32, #tpu.memory_space<vmem>>) target_semaphore(%arg16 : memref<!tpu.dma_semaphore, #tpu.memory_space<semaphore_mem>>)
    %add3A_12 = arith.constant 128 : i32
    %add3A_13 = arith.addi %mul3A_2, %add3A_12 : i32
    %dma_start3A_14 = tpu.memref_slice %arg2[%add3A_13] : memref<327680xi32, #tpu.memory_space<hbm>> -> memref<128xi32, #tpu.memory_space<hbm>>
    %dma_start3A_15 = tpu.memref_slice %arg2[%add3A_13] : memref<327680xi32, #tpu.memory_space<hbm>> -> memref<128xi32, #tpu.memory_space<hbm>>
    tpu.enqueue_dma source(%dma_start3A_15 : memref<128xi32, #tpu.memory_space<hbm>>) target(%arg7 : memref<128xi32, #tpu.memory_space<vmem>>) target_semaphore(%arg17 : memref<!tpu.dma_semaphore, #tpu.memory_space<semaphore_mem>>)
    %add3A_16 = arith.constant 256 : i32
    %add3A_17 = arith.addi %mul3A_2, %add3A_16 : i32
    %dma_start3A_18 = tpu.memref_slice %arg2[%add3A_17] : memref<327680xi32, #tpu.memory_space<hbm>> -> memref<128xi32, #tpu.memory_space<hbm>>
    %dma_start3A_19 = tpu.memref_slice %arg2[%add3A_17] : memref<327680xi32, #tpu.memory_space<hbm>> -> memref<128xi32, #tpu.memory_space<hbm>>
    tpu.enqueue_dma source(%dma_start3A_19 : memref<128xi32, #tpu.memory_space<hbm>>) target(%arg8 : memref<128xi32, #tpu.memory_space<vmem>>) target_semaphore(%arg18 : memref<!tpu.dma_semaphore, #tpu.memory_space<semaphore_mem>>)
    %add3A_20 = arith.constant 384 : i32
    %add3A_21 = arith.addi %mul3A_2, %add3A_20 : i32
    %dma_start3A_22 = tpu.memref_slice %arg2[%add3A_21] : memref<327680xi32, #tpu.memory_space<hbm>> -> memref<128xi32, #tpu.memory_space<hbm>>
    %dma_start3A_23 = tpu.memref_slice %arg2[%add3A_21] : memref<327680xi32, #tpu.memory_space<hbm>> -> memref<128xi32, #tpu.memory_space<hbm>>
    tpu.enqueue_dma source(%dma_start3A_23 : memref<128xi32, #tpu.memory_space<hbm>>) target(%arg9 : memref<128xi32, #tpu.memory_space<vmem>>) target_semaphore(%arg19 : memref<!tpu.dma_semaphore, #tpu.memory_space<semaphore_mem>>)
    %add3A_24 = arith.constant 512 : i32
    %add3A_25 = arith.addi %mul3A_2, %add3A_24 : i32
    %dma_start3A_26 = tpu.memref_slice %arg2[%add3A_25] : memref<327680xi32, #tpu.memory_space<hbm>> -> memref<128xi32, #tpu.memory_space<hbm>>
    %dma_start3A_27 = tpu.memref_slice %arg2[%add3A_25] : memref<327680xi32, #tpu.memory_space<hbm>> -> memref<128xi32, #tpu.memory_space<hbm>>
    tpu.enqueue_dma source(%dma_start3A_27 : memref<128xi32, #tpu.memory_space<hbm>>) target(%arg10 : memref<128xi32, #tpu.memory_space<vmem>>) target_semaphore(%arg20 : memref<!tpu.dma_semaphore, #tpu.memory_space<semaphore_mem>>)
    %add3A_28 = arith.constant 640 : i32
    %add3A_29 = arith.addi %mul3A_2, %add3A_28 : i32
    %dma_start3A_30 = tpu.memref_slice %arg2[%add3A_29] : memref<327680xi32, #tpu.memory_space<hbm>> -> memref<128xi32, #tpu.memory_space<hbm>>
    %dma_start3A_31 = tpu.memref_slice %arg2[%add3A_29] : memref<327680xi32, #tpu.memory_space<hbm>> -> memref<128xi32, #tpu.memory_space<hbm>>
    tpu.enqueue_dma source(%dma_start3A_31 : memref<128xi32, #tpu.memory_space<hbm>>) target(%arg11 : memref<128xi32, #tpu.memory_space<vmem>>) target_semaphore(%arg21 : memref<!tpu.dma_semaphore, #tpu.memory_space<semaphore_mem>>)
    %add3A_32 = arith.constant 768 : i32
    %add3A_33 = arith.addi %mul3A_2, %add3A_32 : i32
    %dma_start3A_34 = tpu.memref_slice %arg2[%add3A_33] : memref<327680xi32, #tpu.memory_space<hbm>> -> memref<128xi32, #tpu.memory_space<hbm>>
    %dma_start3A_35 = tpu.memref_slice %arg2[%add3A_33] : memref<327680xi32, #tpu.memory_space<hbm>> -> memref<128xi32, #tpu.memory_space<hbm>>
    tpu.enqueue_dma source(%dma_start3A_35 : memref<128xi32, #tpu.memory_space<hbm>>) target(%arg12 : memref<128xi32, #tpu.memory_space<vmem>>) target_semaphore(%arg22 : memref<!tpu.dma_semaphore, #tpu.memory_space<semaphore_mem>>)
    %add3A_36 = arith.constant 896 : i32
    %add3A_37 = arith.addi %mul3A_2, %add3A_36 : i32
    %dma_start3A_38 = tpu.memref_slice %arg2[%add3A_37] : memref<327680xi32, #tpu.memory_space<hbm>> -> memref<128xi32, #tpu.memory_space<hbm>>
    %dma_start3A_39 = tpu.memref_slice %arg2[%add3A_37] : memref<327680xi32, #tpu.memory_space<hbm>> -> memref<128xi32, #tpu.memory_space<hbm>>
    tpu.enqueue_dma source(%dma_start3A_39 : memref<128xi32, #tpu.memory_space<hbm>>) target(%arg13 : memref<128xi32, #tpu.memory_space<vmem>>) target_semaphore(%arg23 : memref<!tpu.dma_semaphore, #tpu.memory_space<semaphore_mem>>)
    %barrier3A = arith.constant 0 : index
    tpu.barrier barrier_id(%barrier3A)
    %add3A_40 = arith.constant 0 : i32
    %add3A_41 = arith.addi %mul3A_2, %add3A_40 : i32
    %dma_wait3A = tpu.memref_slice %arg2[%add3A_41] : memref<327680xi32, #tpu.memory_space<hbm>> -> memref<128xi32, #tpu.memory_space<hbm>>
    %dma_wait3A_42 = tpu.memref_slice %arg2[%add3A_41] : memref<327680xi32, #tpu.memory_space<hbm>> -> memref<128xi32, #tpu.memory_space<hbm>>
    tpu.wait_dma2 semaphore(%arg16 : memref<!tpu.dma_semaphore, #tpu.memory_space<semaphore_mem>>) src(%dma_wait3A_42 : memref<128xi32, #tpu.memory_space<hbm>>) dst(%arg6 : memref<128xi32, #tpu.memory_space<vmem>>)
    %dma_start3A_43 = arith.constant 0 : i32
    %dma_start3A_44 = arith.constant 0 : i32
    %dma_start3A_45 = tpu.memref_slice %arg15[%dma_start3A_43, %dma_start3A_44] : memref<10000x128xf32, #tpu.memory_space<vmem_shared>> -> memref<10000x128xf32, #tpu.memory_space<vmem_shared>>
    tpu.enqueue_indirect_dma source(%arg14 : memref<128x128xf32, #tpu.memory_space<vmem>>) target(%dma_start3A_45 : memref<10000x128xf32, #tpu.memory_space<vmem_shared>>) offsets(%arg6 : memref<128xi32, #tpu.memory_space<vmem>>) semaphore(%arg24 : memref<!tpu.dma_semaphore, #tpu.memory_space<semaphore_mem>>) {add = true}
    %add3A_46 = arith.constant 128 : i32
    %add3A_47 = arith.addi %mul3A_2, %add3A_46 : i32
    %dma_wait3A_48 = tpu.memref_slice %arg2[%add3A_47] : memref<327680xi32, #tpu.memory_space<hbm>> -> memref<128xi32, #tpu.memory_space<hbm>>
    %dma_wait3A_49 = tpu.memref_slice %arg2[%add3A_47] : memref<327680xi32, #tpu.memory_space<hbm>> -> memref<128xi32, #tpu.memory_space<hbm>>
    tpu.wait_dma2 semaphore(%arg17 : memref<!tpu.dma_semaphore, #tpu.memory_space<semaphore_mem>>) src(%dma_wait3A_49 : memref<128xi32, #tpu.memory_space<hbm>>) dst(%arg7 : memref<128xi32, #tpu.memory_space<vmem>>)
    %dma_start3A_50 = arith.constant 0 : i32
    %dma_start3A_51 = arith.constant 0 : i32
    %dma_start3A_52 = tpu.memref_slice %arg15[%dma_start3A_50, %dma_start3A_51] : memref<10000x128xf32, #tpu.memory_space<vmem_shared>> -> memref<10000x128xf32, #tpu.memory_space<vmem_shared>>
    tpu.enqueue_indirect_dma source(%arg14 : memref<128x128xf32, #tpu.memory_space<vmem>>) target(%dma_start3A_52 : memref<10000x128xf32, #tpu.memory_space<vmem_shared>>) offsets(%arg7 : memref<128xi32, #tpu.memory_space<vmem>>) semaphore(%arg25 : memref<!tpu.dma_semaphore, #tpu.memory_space<semaphore_mem>>) {add = true}
    %add3A_53 = arith.constant 256 : i32
    %add3A_54 = arith.addi %mul3A_2, %add3A_53 : i32
    %dma_wait3A_55 = tpu.memref_slice %arg2[%add3A_54] : memref<327680xi32, #tpu.memory_space<hbm>> -> memref<128xi32, #tpu.memory_space<hbm>>
    %dma_wait3A_56 = tpu.memref_slice %arg2[%add3A_54] : memref<327680xi32, #tpu.memory_space<hbm>> -> memref<128xi32, #tpu.memory_space<hbm>>
    tpu.wait_dma2 semaphore(%arg18 : memref<!tpu.dma_semaphore, #tpu.memory_space<semaphore_mem>>) src(%dma_wait3A_56 : memref<128xi32, #tpu.memory_space<hbm>>) dst(%arg8 : memref<128xi32, #tpu.memory_space<vmem>>)
    %dma_start3A_57 = arith.constant 0 : i32
    %dma_start3A_58 = arith.constant 0 : i32
    %dma_start3A_59 = tpu.memref_slice %arg15[%dma_start3A_57, %dma_start3A_58] : memref<10000x128xf32, #tpu.memory_space<vmem_shared>> -> memref<10000x128xf32, #tpu.memory_space<vmem_shared>>
    tpu.enqueue_indirect_dma source(%arg14 : memref<128x128xf32, #tpu.memory_space<vmem>>) target(%dma_start3A_59 : memref<10000x128xf32, #tpu.memory_space<vmem_shared>>) offsets(%arg8 : memref<128xi32, #tpu.memory_space<vmem>>) semaphore(%arg26 : memref<!tpu.dma_semaphore, #tpu.memory_space<semaphore_mem>>) {add = true}
    %add3A_60 = arith.constant 384 : i32
    %add3A_61 = arith.addi %mul3A_2, %add3A_60 : i32
    %dma_wait3A_62 = tpu.memref_slice %arg2[%add3A_61] : memref<327680xi32, #tpu.memory_space<hbm>> -> memref<128xi32, #tpu.memory_space<hbm>>
    %dma_wait3A_63 = tpu.memref_slice %arg2[%add3A_61] : memref<327680xi32, #tpu.memory_space<hbm>> -> memref<128xi32, #tpu.memory_space<hbm>>
    tpu.wait_dma2 semaphore(%arg19 : memref<!tpu.dma_semaphore, #tpu.memory_space<semaphore_mem>>) src(%dma_wait3A_63 : memref<128xi32, #tpu.memory_space<hbm>>) dst(%arg9 : memref<128xi32, #tpu.memory_space<vmem>>)
    %dma_start3A_64 = arith.constant 0 : i32
    %dma_start3A_65 = arith.constant 0 : i32
    %dma_start3A_66 = tpu.memref_slice %arg15[%dma_start3A_64, %dma_start3A_65] : memref<10000x128xf32, #tpu.memory_space<vmem_shared>> -> memref<10000x128xf32, #tpu.memory_space<vmem_shared>>
    tpu.enqueue_indirect_dma source(%arg14 : memref<128x128xf32, #tpu.memory_space<vmem>>) target(%dma_start3A_66 : memref<10000x128xf32, #tpu.memory_space<vmem_shared>>) offsets(%arg9 : memref<128xi32, #tpu.memory_space<vmem>>) semaphore(%arg27 : memref<!tpu.dma_semaphore, #tpu.memory_space<semaphore_mem>>) {add = true}
    %add3A_67 = arith.constant 512 : i32
    %add3A_68 = arith.addi %mul3A_2, %add3A_67 : i32
    %dma_wait3A_69 = tpu.memref_slice %arg2[%add3A_68] : memref<327680xi32, #tpu.memory_space<hbm>> -> memref<128xi32, #tpu.memory_space<hbm>>
    %dma_wait3A_70 = tpu.memref_slice %arg2[%add3A_68] : memref<327680xi32, #tpu.memory_space<hbm>> -> memref<128xi32, #tpu.memory_space<hbm>>
    tpu.wait_dma2 semaphore(%arg20 : memref<!tpu.dma_semaphore, #tpu.memory_space<semaphore_mem>>) src(%dma_wait3A_70 : memref<128xi32, #tpu.memory_space<hbm>>) dst(%arg10 : memref<128xi32, #tpu.memory_space<vmem>>)
    %dma_start3A_71 = arith.constant 0 : i32
    %dma_start3A_72 = arith.constant 0 : i32
    %dma_start3A_73 = tpu.memref_slice %arg15[%dma_start3A_71, %dma_start3A_72] : memref<10000x128xf32, #tpu.memory_space<vmem_shared>> -> memref<10000x128xf32, #tpu.memory_space<vmem_shared>>
    tpu.enqueue_indirect_dma source(%arg14 : memref<128x128xf32, #tpu.memory_space<vmem>>) target(%dma_start3A_73 : memref<10000x128xf32, #tpu.memory_space<vmem_shared>>) offsets(%arg10 : memref<128xi32, #tpu.memory_space<vmem>>) semaphore(%arg28 : memref<!tpu.dma_semaphore, #tpu.memory_space<semaphore_mem>>) {add = true}
    %add3A_74 = arith.constant 640 : i32
    %add3A_75 = arith.addi %mul3A_2, %add3A_74 : i32
    %dma_wait3A_76 = tpu.memref_slice %arg2[%add3A_75] : memref<327680xi32, #tpu.memory_space<hbm>> -> memref<128xi32, #tpu.memory_space<hbm>>
    %dma_wait3A_77 = tpu.memref_slice %arg2[%add3A_75] : memref<327680xi32, #tpu.memory_space<hbm>> -> memref<128xi32, #tpu.memory_space<hbm>>
    tpu.wait_dma2 semaphore(%arg21 : memref<!tpu.dma_semaphore, #tpu.memory_space<semaphore_mem>>) src(%dma_wait3A_77 : memref<128xi32, #tpu.memory_space<hbm>>) dst(%arg11 : memref<128xi32, #tpu.memory_space<vmem>>)
    %dma_start3A_78 = arith.constant 0 : i32
    %dma_start3A_79 = arith.constant 0 : i32
    %dma_start3A_80 = tpu.memref_slice %arg15[%dma_start3A_78, %dma_start3A_79] : memref<10000x128xf32, #tpu.memory_space<vmem_shared>> -> memref<10000x128xf32, #tpu.memory_space<vmem_shared>>
    tpu.enqueue_indirect_dma source(%arg14 : memref<128x128xf32, #tpu.memory_space<vmem>>) target(%dma_start3A_80 : memref<10000x128xf32, #tpu.memory_space<vmem_shared>>) offsets(%arg11 : memref<128xi32, #tpu.memory_space<vmem>>) semaphore(%arg29 : memref<!tpu.dma_semaphore, #tpu.memory_space<semaphore_mem>>) {add = true}
    %add3A_81 = arith.constant 768 : i32
    %add3A_82 = arith.addi %mul3A_2, %add3A_81 : i32
    %dma_wait3A_83 = tpu.memref_slice %arg2[%add3A_82] : memref<327680xi32, #tpu.memory_space<hbm>> -> memref<128xi32, #tpu.memory_space<hbm>>
    %dma_wait3A_84 = tpu.memref_slice %arg2[%add3A_82] : memref<327680xi32, #tpu.memory_space<hbm>> -> memref<128xi32, #tpu.memory_space<hbm>>
    tpu.wait_dma2 semaphore(%arg22 : memref<!tpu.dma_semaphore, #tpu.memory_space<semaphore_mem>>) src(%dma_wait3A_84 : memref<128xi32, #tpu.memory_space<hbm>>) dst(%arg12 : memref<128xi32, #tpu.memory_space<vmem>>)
    %dma_start3A_85 = arith.constant 0 : i32
    %dma_start3A_86 = arith.constant 0 : i32
    %dma_start3A_87 = tpu.memref_slice %arg15[%dma_start3A_85, %dma_start3A_86] : memref<10000x128xf32, #tpu.memory_space<vmem_shared>> -> memref<10000x128xf32, #tpu.memory_space<vmem_shared>>
    tpu.enqueue_indirect_dma source(%arg14 : memref<128x128xf32, #tpu.memory_space<vmem>>) target(%dma_start3A_87 : memref<10000x128xf32, #tpu.memory_space<vmem_shared>>) offsets(%arg12 : memref<128xi32, #tpu.memory_space<vmem>>) semaphore(%arg30 : memref<!tpu.dma_semaphore, #tpu.memory_space<semaphore_mem>>) {add = true}
    %add3A_88 = arith.constant 896 : i32
    %add3A_89 = arith.addi %mul3A_2, %add3A_88 : i32
    %dma_wait3A_90 = tpu.memref_slice %arg2[%add3A_89] : memref<327680xi32, #tpu.memory_space<hbm>> -> memref<128xi32, #tpu.memory_space<hbm>>
    %dma_wait3A_91 = tpu.memref_slice %arg2[%add3A_89] : memref<327680xi32, #tpu.memory_space<hbm>> -> memref<128xi32, #tpu.memory_space<hbm>>
    tpu.wait_dma2 semaphore(%arg23 : memref<!tpu.dma_semaphore, #tpu.memory_space<semaphore_mem>>) src(%dma_wait3A_91 : memref<128xi32, #tpu.memory_space<hbm>>) dst(%arg13 : memref<128xi32, #tpu.memory_space<vmem>>)
    %dma_start3A_92 = arith.constant 0 : i32
    %dma_start3A_93 = arith.constant 0 : i32
    %dma_start3A_94 = tpu.memref_slice %arg15[%dma_start3A_92, %dma_start3A_93] : memref<10000x128xf32, #tpu.memory_space<vmem_shared>> -> memref<10000x128xf32, #tpu.memory_space<vmem_shared>>
    tpu.enqueue_indirect_dma source(%arg14 : memref<128x128xf32, #tpu.memory_space<vmem>>) target(%dma_start3A_94 : memref<10000x128xf32, #tpu.memory_space<vmem_shared>>) offsets(%arg13 : memref<128xi32, #tpu.memory_space<vmem>>) semaphore(%arg31 : memref<!tpu.dma_semaphore, #tpu.memory_space<semaphore_mem>>) {add = true}
    %scan3A = arith.constant 0 : i32
    %scan3A_95 = arith.constant 1 : i32
    %scan3A_96 = arith.constant 9 : i32
    %scan3A_97 = arith.addi %scan3A_95, %scan3A_96 : i32
    %scan3A_98 = arith.constant 1 : i32
    %scan3A_99 = scf.for %scan3A_136 = %scan3A_95 to %scan3A_97 step %scan3A_98 iter_args(%scan3A_137 = %scan3A) -> (i32)  : i32 {
      %mul3A_138 = arith.constant 8 : i32
      %mul3A_139 = arith.muli %mul3A_138, %scan3A_136 : i32
      %dma_wait3A_140 = arith.constant 0 : i32
      %dma_wait3A_141 = arith.constant 0 : i32
      %dma_wait3A_142 = tpu.memref_slice %arg15[%dma_wait3A_140, %dma_wait3A_141] : memref<10000x128xf32, #tpu.memory_space<vmem_shared>> -> memref<10000x128xf32, #tpu.memory_space<vmem_shared>>
      tpu.wait_indirect_dma semaphore(%arg24 : memref<!tpu.dma_semaphore, #tpu.memory_space<semaphore_mem>>) src(%arg14 : memref<128x128xf32, #tpu.memory_space<vmem>>) dst(%dma_wait3A_142 : memref<10000x128xf32, #tpu.memory_space<vmem_shared>>)
      %add3A_143 = arith.constant 0 : i32
      %add3A_144 = arith.addi %mul3A_139, %add3A_143 : i32
      %mul3A_145 = arith.constant 128 : i32
      %mul3A_146 = arith.muli %add3A_144, %mul3A_145 : i32
      %add3A_147 = arith.addi %mul3A_2, %mul3A_146 : i32
      %dma_start3A_148 = tpu.memref_slice %arg2[%add3A_147] : memref<327680xi32, #tpu.memory_space<hbm>> -> memref<128xi32, #tpu.memory_space<hbm>>
      %dma_start3A_149 = tpu.memref_slice %arg2[%add3A_147] : memref<327680xi32, #tpu.memory_space<hbm>> -> memref<128xi32, #tpu.memory_space<hbm>>
      tpu.enqueue_dma source(%dma_start3A_149 : memref<128xi32, #tpu.memory_space<hbm>>) target(%arg6 : memref<128xi32, #tpu.memory_space<vmem>>) target_semaphore(%arg16 : memref<!tpu.dma_semaphore, #tpu.memory_space<semaphore_mem>>)
      %dma_wait3A_150 = arith.constant 0 : i32
      %dma_wait3A_151 = arith.constant 0 : i32
      %dma_wait3A_152 = tpu.memref_slice %arg15[%dma_wait3A_150, %dma_wait3A_151] : memref<10000x128xf32, #tpu.memory_space<vmem_shared>> -> memref<10000x128xf32, #tpu.memory_space<vmem_shared>>
      tpu.wait_indirect_dma semaphore(%arg25 : memref<!tpu.dma_semaphore, #tpu.memory_space<semaphore_mem>>) src(%arg14 : memref<128x128xf32, #tpu.memory_space<vmem>>) dst(%dma_wait3A_152 : memref<10000x128xf32, #tpu.memory_space<vmem_shared>>)
      %add3A_153 = arith.constant 1 : i32
      %add3A_154 = arith.addi %mul3A_139, %add3A_153 : i32
      %mul3A_155 = arith.constant 128 : i32
      %mul3A_156 = arith.muli %add3A_154, %mul3A_155 : i32
      %add3A_157 = arith.addi %mul3A_2, %mul3A_156 : i32
      %dma_start3A_158 = tpu.memref_slice %arg2[%add3A_157] : memref<327680xi32, #tpu.memory_space<hbm>> -> memref<128xi32, #tpu.memory_space<hbm>>
      %dma_start3A_159 = tpu.memref_slice %arg2[%add3A_157] : memref<327680xi32, #tpu.memory_space<hbm>> -> memref<128xi32, #tpu.memory_space<hbm>>
      tpu.enqueue_dma source(%dma_start3A_159 : memref<128xi32, #tpu.memory_space<hbm>>) target(%arg7 : memref<128xi32, #tpu.memory_space<vmem>>) target_semaphore(%arg17 : memref<!tpu.dma_semaphore, #tpu.memory_space<semaphore_mem>>)
      %dma_wait3A_160 = arith.constant 0 : i32
      %dma_wait3A_161 = arith.constant 0 : i32
      %dma_wait3A_162 = tpu.memref_slice %arg15[%dma_wait3A_160, %dma_wait3A_161] : memref<10000x128xf32, #tpu.memory_space<vmem_shared>> -> memref<10000x128xf32, #tpu.memory_space<vmem_shared>>
      tpu.wait_indirect_dma semaphore(%arg26 : memref<!tpu.dma_semaphore, #tpu.memory_space<semaphore_mem>>) src(%arg14 : memref<128x128xf32, #tpu.memory_space<vmem>>) dst(%dma_wait3A_162 : memref<10000x128xf32, #tpu.memory_space<vmem_shared>>)
      %add3A_163 = arith.constant 2 : i32
      %add3A_164 = arith.addi %mul3A_139, %add3A_163 : i32
      %mul3A_165 = arith.constant 128 : i32
      %mul3A_166 = arith.muli %add3A_164, %mul3A_165 : i32
      %add3A_167 = arith.addi %mul3A_2, %mul3A_166 : i32
      %dma_start3A_168 = tpu.memref_slice %arg2[%add3A_167] : memref<327680xi32, #tpu.memory_space<hbm>> -> memref<128xi32, #tpu.memory_space<hbm>>
      %dma_start3A_169 = tpu.memref_slice %arg2[%add3A_167] : memref<327680xi32, #tpu.memory_space<hbm>> -> memref<128xi32, #tpu.memory_space<hbm>>
      tpu.enqueue_dma source(%dma_start3A_169 : memref<128xi32, #tpu.memory_space<hbm>>) target(%arg8 : memref<128xi32, #tpu.memory_space<vmem>>) target_semaphore(%arg18 : memref<!tpu.dma_semaphore, #tpu.memory_space<semaphore_mem>>)
      %dma_wait3A_170 = arith.constant 0 : i32
      %dma_wait3A_171 = arith.constant 0 : i32
      %dma_wait3A_172 = tpu.memref_slice %arg15[%dma_wait3A_170, %dma_wait3A_171] : memref<10000x128xf32, #tpu.memory_space<vmem_shared>> -> memref<10000x128xf32, #tpu.memory_space<vmem_shared>>
      tpu.wait_indirect_dma semaphore(%arg27 : memref<!tpu.dma_semaphore, #tpu.memory_space<semaphore_mem>>) src(%arg14 : memref<128x128xf32, #tpu.memory_space<vmem>>) dst(%dma_wait3A_172 : memref<10000x128xf32, #tpu.memory_space<vmem_shared>>)
      %add3A_173 = arith.constant 3 : i32
      %add3A_174 = arith.addi %mul3A_139, %add3A_173 : i32
      %mul3A_175 = arith.constant 128 : i32
      %mul3A_176 = arith.muli %add3A_174, %mul3A_175 : i32
      %add3A_177 = arith.addi %mul3A_2, %mul3A_176 : i32
      %dma_start3A_178 = tpu.memref_slice %arg2[%add3A_177] : memref<327680xi32, #tpu.memory_space<hbm>> -> memref<128xi32, #tpu.memory_space<hbm>>
      %dma_start3A_179 = tpu.memref_slice %arg2[%add3A_177] : memref<327680xi32, #tpu.memory_space<hbm>> -> memref<128xi32, #tpu.memory_space<hbm>>
      tpu.enqueue_dma source(%dma_start3A_179 : memref<128xi32, #tpu.memory_space<hbm>>) target(%arg9 : memref<128xi32, #tpu.memory_space<vmem>>) target_semaphore(%arg19 : memref<!tpu.dma_semaphore, #tpu.memory_space<semaphore_mem>>)
      %dma_wait3A_180 = arith.constant 0 : i32
      %dma_wait3A_181 = arith.constant 0 : i32
      %dma_wait3A_182 = tpu.memref_slice %arg15[%dma_wait3A_180, %dma_wait3A_181] : memref<10000x128xf32, #tpu.memory_space<vmem_shared>> -> memref<10000x128xf32, #tpu.memory_space<vmem_shared>>
      tpu.wait_indirect_dma semaphore(%arg28 : memref<!tpu.dma_semaphore, #tpu.memory_space<semaphore_mem>>) src(%arg14 : memref<128x128xf32, #tpu.memory_space<vmem>>) dst(%dma_wait3A_182 : memref<10000x128xf32, #tpu.memory_space<vmem_shared>>)
      %add3A_183 = arith.constant 4 : i32
      %add3A_184 = arith.addi %mul3A_139, %add3A_183 : i32
      %mul3A_185 = arith.constant 128 : i32
      %mul3A_186 = arith.muli %add3A_184, %mul3A_185 : i32
      %add3A_187 = arith.addi %mul3A_2, %mul3A_186 : i32
      %dma_start3A_188 = tpu.memref_slice %arg2[%add3A_187] : memref<327680xi32, #tpu.memory_space<hbm>> -> memref<128xi32, #tpu.memory_space<hbm>>
      %dma_start3A_189 = tpu.memref_slice %arg2[%add3A_187] : memref<327680xi32, #tpu.memory_space<hbm>> -> memref<128xi32, #tpu.memory_space<hbm>>
      tpu.enqueue_dma source(%dma_start3A_189 : memref<128xi32, #tpu.memory_space<hbm>>) target(%arg10 : memref<128xi32, #tpu.memory_space<vmem>>) target_semaphore(%arg20 : memref<!tpu.dma_semaphore, #tpu.memory_space<semaphore_mem>>)
      %dma_wait3A_190 = arith.constant 0 : i32
      %dma_wait3A_191 = arith.constant 0 : i32
      %dma_wait3A_192 = tpu.memref_slice %arg15[%dma_wait3A_190, %dma_wait3A_191] : memref<10000x128xf32, #tpu.memory_space<vmem_shared>> -> memref<10000x128xf32, #tpu.memory_space<vmem_shared>>
      tpu.wait_indirect_dma semaphore(%arg29 : memref<!tpu.dma_semaphore, #tpu.memory_space<semaphore_mem>>) src(%arg14 : memref<128x128xf32, #tpu.memory_space<vmem>>) dst(%dma_wait3A_192 : memref<10000x128xf32, #tpu.memory_space<vmem_shared>>)
      %add3A_193 = arith.constant 5 : i32
      %add3A_194 = arith.addi %mul3A_139, %add3A_193 : i32
      %mul3A_195 = arith.constant 128 : i32
      %mul3A_196 = arith.muli %add3A_194, %mul3A_195 : i32
      %add3A_197 = arith.addi %mul3A_2, %mul3A_196 : i32
      %dma_start3A_198 = tpu.memref_slice %arg2[%add3A_197] : memref<327680xi32, #tpu.memory_space<hbm>> -> memref<128xi32, #tpu.memory_space<hbm>>
      %dma_start3A_199 = tpu.memref_slice %arg2[%add3A_197] : memref<327680xi32, #tpu.memory_space<hbm>> -> memref<128xi32, #tpu.memory_space<hbm>>
      tpu.enqueue_dma source(%dma_start3A_199 : memref<128xi32, #tpu.memory_space<hbm>>) target(%arg11 : memref<128xi32, #tpu.memory_space<vmem>>) target_semaphore(%arg21 : memref<!tpu.dma_semaphore, #tpu.memory_space<semaphore_mem>>)
      %dma_wait3A_200 = arith.constant 0 : i32
      %dma_wait3A_201 = arith.constant 0 : i32
      %dma_wait3A_202 = tpu.memref_slice %arg15[%dma_wait3A_200, %dma_wait3A_201] : memref<10000x128xf32, #tpu.memory_space<vmem_shared>> -> memref<10000x128xf32, #tpu.memory_space<vmem_shared>>
      tpu.wait_indirect_dma semaphore(%arg30 : memref<!tpu.dma_semaphore, #tpu.memory_space<semaphore_mem>>) src(%arg14 : memref<128x128xf32, #tpu.memory_space<vmem>>) dst(%dma_wait3A_202 : memref<10000x128xf32, #tpu.memory_space<vmem_shared>>)
      %add3A_203 = arith.constant 6 : i32
      %add3A_204 = arith.addi %mul3A_139, %add3A_203 : i32
      %mul3A_205 = arith.constant 128 : i32
      %mul3A_206 = arith.muli %add3A_204, %mul3A_205 : i32
      %add3A_207 = arith.addi %mul3A_2, %mul3A_206 : i32
      %dma_start3A_208 = tpu.memref_slice %arg2[%add3A_207] : memref<327680xi32, #tpu.memory_space<hbm>> -> memref<128xi32, #tpu.memory_space<hbm>>
      %dma_start3A_209 = tpu.memref_slice %arg2[%add3A_207] : memref<327680xi32, #tpu.memory_space<hbm>> -> memref<128xi32, #tpu.memory_space<hbm>>
      tpu.enqueue_dma source(%dma_start3A_209 : memref<128xi32, #tpu.memory_space<hbm>>) target(%arg12 : memref<128xi32, #tpu.memory_space<vmem>>) target_semaphore(%arg22 : memref<!tpu.dma_semaphore, #tpu.memory_space<semaphore_mem>>)
      %dma_wait3A_210 = arith.constant 0 : i32
      %dma_wait3A_211 = arith.constant 0 : i32
      %dma_wait3A_212 = tpu.memref_slice %arg15[%dma_wait3A_210, %dma_wait3A_211] : memref<10000x128xf32, #tpu.memory_space<vmem_shared>> -> memref<10000x128xf32, #tpu.memory_space<vmem_shared>>
      tpu.wait_indirect_dma semaphore(%arg31 : memref<!tpu.dma_semaphore, #tpu.memory_space<semaphore_mem>>) src(%arg14 : memref<128x128xf32, #tpu.memory_space<vmem>>) dst(%dma_wait3A_212 : memref<10000x128xf32, #tpu.memory_space<vmem_shared>>)
      %add3A_213 = arith.constant 7 : i32
      %add3A_214 = arith.addi %mul3A_139, %add3A_213 : i32
      %mul3A_215 = arith.constant 128 : i32
      %mul3A_216 = arith.muli %add3A_214, %mul3A_215 : i32
      %add3A_217 = arith.addi %mul3A_2, %mul3A_216 : i32
      %dma_start3A_218 = tpu.memref_slice %arg2[%add3A_217] : memref<327680xi32, #tpu.memory_space<hbm>> -> memref<128xi32, #tpu.memory_space<hbm>>
      %dma_start3A_219 = tpu.memref_slice %arg2[%add3A_217] : memref<327680xi32, #tpu.memory_space<hbm>> -> memref<128xi32, #tpu.memory_space<hbm>>
      tpu.enqueue_dma source(%dma_start3A_219 : memref<128xi32, #tpu.memory_space<hbm>>) target(%arg13 : memref<128xi32, #tpu.memory_space<vmem>>) target_semaphore(%arg23 : memref<!tpu.dma_semaphore, #tpu.memory_space<semaphore_mem>>)
      %add3A_220 = arith.constant 0 : i32
      %add3A_221 = arith.addi %mul3A_139, %add3A_220 : i32
      %mul3A_222 = arith.constant 128 : i32
      %mul3A_223 = arith.muli %add3A_221, %mul3A_222 : i32
      %add3A_224 = arith.addi %mul3A_2, %mul3A_223 : i32
      %dma_wait3A_225 = tpu.memref_slice %arg2[%add3A_224] : memref<327680xi32, #tpu.memory_space<hbm>> -> memref<128xi32, #tpu.memory_space<hbm>>
      %dma_wait3A_226 = tpu.memref_slice %arg2[%add3A_224] : memref<327680xi32, #tpu.memory_space<hbm>> -> memref<128xi32, #tpu.memory_space<hbm>>
      tpu.wait_dma2 semaphore(%arg16 : memref<!tpu.dma_semaphore, #tpu.memory_space<semaphore_mem>>) src(%dma_wait3A_226 : memref<128xi32, #tpu.memory_space<hbm>>) dst(%arg6 : memref<128xi32, #tpu.memory_space<vmem>>)
      %dma_start3A_227 = arith.constant 0 : i32
      %dma_start3A_228 = arith.constant 0 : i32
      %dma_start3A_229 = tpu.memref_slice %arg15[%dma_start3A_227, %dma_start3A_228] : memref<10000x128xf32, #tpu.memory_space<vmem_shared>> -> memref<10000x128xf32, #tpu.memory_space<vmem_shared>>
      tpu.enqueue_indirect_dma source(%arg14 : memref<128x128xf32, #tpu.memory_space<vmem>>) target(%dma_start3A_229 : memref<10000x128xf32, #tpu.memory_space<vmem_shared>>) offsets(%arg6 : memref<128xi32, #tpu.memory_space<vmem>>) semaphore(%arg24 : memref<!tpu.dma_semaphore, #tpu.memory_space<semaphore_mem>>) {add = true}
      %add3A_230 = arith.constant 1 : i32
      %add3A_231 = arith.addi %mul3A_139, %add3A_230 : i32
      %mul3A_232 = arith.constant 128 : i32
      %mul3A_233 = arith.muli %add3A_231, %mul3A_232 : i32
      %add3A_234 = arith.addi %mul3A_2, %mul3A_233 : i32
      %dma_wait3A_235 = tpu.memref_slice %arg2[%add3A_234] : memref<327680xi32, #tpu.memory_space<hbm>> -> memref<128xi32, #tpu.memory_space<hbm>>
      %dma_wait3A_236 = tpu.memref_slice %arg2[%add3A_234] : memref<327680xi32, #tpu.memory_space<hbm>> -> memref<128xi32, #tpu.memory_space<hbm>>
      tpu.wait_dma2 semaphore(%arg17 : memref<!tpu.dma_semaphore, #tpu.memory_space<semaphore_mem>>) src(%dma_wait3A_236 : memref<128xi32, #tpu.memory_space<hbm>>) dst(%arg7 : memref<128xi32, #tpu.memory_space<vmem>>)
      %dma_start3A_237 = arith.constant 0 : i32
      %dma_start3A_238 = arith.constant 0 : i32
      %dma_start3A_239 = tpu.memref_slice %arg15[%dma_start3A_237, %dma_start3A_238] : memref<10000x128xf32, #tpu.memory_space<vmem_shared>> -> memref<10000x128xf32, #tpu.memory_space<vmem_shared>>
      tpu.enqueue_indirect_dma source(%arg14 : memref<128x128xf32, #tpu.memory_space<vmem>>) target(%dma_start3A_239 : memref<10000x128xf32, #tpu.memory_space<vmem_shared>>) offsets(%arg7 : memref<128xi32, #tpu.memory_space<vmem>>) semaphore(%arg25 : memref<!tpu.dma_semaphore, #tpu.memory_space<semaphore_mem>>) {add = true}
      %add3A_240 = arith.constant 2 : i32
      %add3A_241 = arith.addi %mul3A_139, %add3A_240 : i32
      %mul3A_242 = arith.constant 128 : i32
      %mul3A_243 = arith.muli %add3A_241, %mul3A_242 : i32
      %add3A_244 = arith.addi %mul3A_2, %mul3A_243 : i32
      %dma_wait3A_245 = tpu.memref_slice %arg2[%add3A_244] : memref<327680xi32, #tpu.memory_space<hbm>> -> memref<128xi32, #tpu.memory_space<hbm>>
      %dma_wait3A_246 = tpu.memref_slice %arg2[%add3A_244] : memref<327680xi32, #tpu.memory_space<hbm>> -> memref<128xi32, #tpu.memory_space<hbm>>
      tpu.wait_dma2 semaphore(%arg18 : memref<!tpu.dma_semaphore, #tpu.memory_space<semaphore_mem>>) src(%dma_wait3A_246 : memref<128xi32, #tpu.memory_space<hbm>>) dst(%arg8 : memref<128xi32, #tpu.memory_space<vmem>>)
      %dma_start3A_247 = arith.constant 0 : i32
      %dma_start3A_248 = arith.constant 0 : i32
      %dma_start3A_249 = tpu.memref_slice %arg15[%dma_start3A_247, %dma_start3A_248] : memref<10000x128xf32, #tpu.memory_space<vmem_shared>> -> memref<10000x128xf32, #tpu.memory_space<vmem_shared>>
      tpu.enqueue_indirect_dma source(%arg14 : memref<128x128xf32, #tpu.memory_space<vmem>>) target(%dma_start3A_249 : memref<10000x128xf32, #tpu.memory_space<vmem_shared>>) offsets(%arg8 : memref<128xi32, #tpu.memory_space<vmem>>) semaphore(%arg26 : memref<!tpu.dma_semaphore, #tpu.memory_space<semaphore_mem>>) {add = true}
      %add3A_250 = arith.constant 3 : i32
      %add3A_251 = arith.addi %mul3A_139, %add3A_250 : i32
      %mul3A_252 = arith.constant 128 : i32
      %mul3A_253 = arith.muli %add3A_251, %mul3A_252 : i32
      %add3A_254 = arith.addi %mul3A_2, %mul3A_253 : i32
      %dma_wait3A_255 = tpu.memref_slice %arg2[%add3A_254] : memref<327680xi32, #tpu.memory_space<hbm>> -> memref<128xi32, #tpu.memory_space<hbm>>
      %dma_wait3A_256 = tpu.memref_slice %arg2[%add3A_254] : memref<327680xi32, #tpu.memory_space<hbm>> -> memref<128xi32, #tpu.memory_space<hbm>>
      tpu.wait_dma2 semaphore(%arg19 : memref<!tpu.dma_semaphore, #tpu.memory_space<semaphore_mem>>) src(%dma_wait3A_256 : memref<128xi32, #tpu.memory_space<hbm>>) dst(%arg9 : memref<128xi32, #tpu.memory_space<vmem>>)
      %dma_start3A_257 = arith.constant 0 : i32
      %dma_start3A_258 = arith.constant 0 : i32
      %dma_start3A_259 = tpu.memref_slice %arg15[%dma_start3A_257, %dma_start3A_258] : memref<10000x128xf32, #tpu.memory_space<vmem_shared>> -> memref<10000x128xf32, #tpu.memory_space<vmem_shared>>
      tpu.enqueue_indirect_dma source(%arg14 : memref<128x128xf32, #tpu.memory_space<vmem>>) target(%dma_start3A_259 : memref<10000x128xf32, #tpu.memory_space<vmem_shared>>) offsets(%arg9 : memref<128xi32, #tpu.memory_space<vmem>>) semaphore(%arg27 : memref<!tpu.dma_semaphore, #tpu.memory_space<semaphore_mem>>) {add = true}
      %add3A_260 = arith.constant 4 : i32
      %add3A_261 = arith.addi %mul3A_139, %add3A_260 : i32
      %mul3A_262 = arith.constant 128 : i32
      %mul3A_263 = arith.muli %add3A_261, %mul3A_262 : i32
      %add3A_264 = arith.addi %mul3A_2, %mul3A_263 : i32
      %dma_wait3A_265 = tpu.memref_slice %arg2[%add3A_264] : memref<327680xi32, #tpu.memory_space<hbm>> -> memref<128xi32, #tpu.memory_space<hbm>>
      %dma_wait3A_266 = tpu.memref_slice %arg2[%add3A_264] : memref<327680xi32, #tpu.memory_space<hbm>> -> memref<128xi32, #tpu.memory_space<hbm>>
      tpu.wait_dma2 semaphore(%arg20 : memref<!tpu.dma_semaphore, #tpu.memory_space<semaphore_mem>>) src(%dma_wait3A_266 : memref<128xi32, #tpu.memory_space<hbm>>) dst(%arg10 : memref<128xi32, #tpu.memory_space<vmem>>)
      %dma_start3A_267 = arith.constant 0 : i32
      %dma_start3A_268 = arith.constant 0 : i32
      %dma_start3A_269 = tpu.memref_slice %arg15[%dma_start3A_267, %dma_start3A_268] : memref<10000x128xf32, #tpu.memory_space<vmem_shared>> -> memref<10000x128xf32, #tpu.memory_space<vmem_shared>>
      tpu.enqueue_indirect_dma source(%arg14 : memref<128x128xf32, #tpu.memory_space<vmem>>) target(%dma_start3A_269 : memref<10000x128xf32, #tpu.memory_space<vmem_shared>>) offsets(%arg10 : memref<128xi32, #tpu.memory_space<vmem>>) semaphore(%arg28 : memref<!tpu.dma_semaphore, #tpu.memory_space<semaphore_mem>>) {add = true}
      %add3A_270 = arith.constant 5 : i32
      %add3A_271 = arith.addi %mul3A_139, %add3A_270 : i32
      %mul3A_272 = arith.constant 128 : i32
      %mul3A_273 = arith.muli %add3A_271, %mul3A_272 : i32
      %add3A_274 = arith.addi %mul3A_2, %mul3A_273 : i32
      %dma_wait3A_275 = tpu.memref_slice %arg2[%add3A_274] : memref<327680xi32, #tpu.memory_space<hbm>> -> memref<128xi32, #tpu.memory_space<hbm>>
      %dma_wait3A_276 = tpu.memref_slice %arg2[%add3A_274] : memref<327680xi32, #tpu.memory_space<hbm>> -> memref<128xi32, #tpu.memory_space<hbm>>
      tpu.wait_dma2 semaphore(%arg21 : memref<!tpu.dma_semaphore, #tpu.memory_space<semaphore_mem>>) src(%dma_wait3A_276 : memref<128xi32, #tpu.memory_space<hbm>>) dst(%arg11 : memref<128xi32, #tpu.memory_space<vmem>>)
      %dma_start3A_277 = arith.constant 0 : i32
      %dma_start3A_278 = arith.constant 0 : i32
      %dma_start3A_279 = tpu.memref_slice %arg15[%dma_start3A_277, %dma_start3A_278] : memref<10000x128xf32, #tpu.memory_space<vmem_shared>> -> memref<10000x128xf32, #tpu.memory_space<vmem_shared>>
      tpu.enqueue_indirect_dma source(%arg14 : memref<128x128xf32, #tpu.memory_space<vmem>>) target(%dma_start3A_279 : memref<10000x128xf32, #tpu.memory_space<vmem_shared>>) offsets(%arg11 : memref<128xi32, #tpu.memory_space<vmem>>) semaphore(%arg29 : memref<!tpu.dma_semaphore, #tpu.memory_space<semaphore_mem>>) {add = true}
      %add3A_280 = arith.constant 6 : i32
      %add3A_281 = arith.addi %mul3A_139, %add3A_280 : i32
      %mul3A_282 = arith.constant 128 : i32
      %mul3A_283 = arith.muli %add3A_281, %mul3A_282 : i32
      %add3A_284 = arith.addi %mul3A_2, %mul3A_283 : i32
      %dma_wait3A_285 = tpu.memref_slice %arg2[%add3A_284] : memref<327680xi32, #tpu.memory_space<hbm>> -> memref<128xi32, #tpu.memory_space<hbm>>
      %dma_wait3A_286 = tpu.memref_slice %arg2[%add3A_284] : memref<327680xi32, #tpu.memory_space<hbm>> -> memref<128xi32, #tpu.memory_space<hbm>>
      tpu.wait_dma2 semaphore(%arg22 : memref<!tpu.dma_semaphore, #tpu.memory_space<semaphore_mem>>) src(%dma_wait3A_286 : memref<128xi32, #tpu.memory_space<hbm>>) dst(%arg12 : memref<128xi32, #tpu.memory_space<vmem>>)
      %dma_start3A_287 = arith.constant 0 : i32
      %dma_start3A_288 = arith.constant 0 : i32
      %dma_start3A_289 = tpu.memref_slice %arg15[%dma_start3A_287, %dma_start3A_288] : memref<10000x128xf32, #tpu.memory_space<vmem_shared>> -> memref<10000x128xf32, #tpu.memory_space<vmem_shared>>
      tpu.enqueue_indirect_dma source(%arg14 : memref<128x128xf32, #tpu.memory_space<vmem>>) target(%dma_start3A_289 : memref<10000x128xf32, #tpu.memory_space<vmem_shared>>) offsets(%arg12 : memref<128xi32, #tpu.memory_space<vmem>>) semaphore(%arg30 : memref<!tpu.dma_semaphore, #tpu.memory_space<semaphore_mem>>) {add = true}
      %add3A_290 = arith.constant 7 : i32
      %add3A_291 = arith.addi %mul3A_139, %add3A_290 : i32
      %mul3A_292 = arith.constant 128 : i32
      %mul3A_293 = arith.muli %add3A_291, %mul3A_292 : i32
      %add3A_294 = arith.addi %mul3A_2, %mul3A_293 : i32
      %dma_wait3A_295 = tpu.memref_slice %arg2[%add3A_294] : memref<327680xi32, #tpu.memory_space<hbm>> -> memref<128xi32, #tpu.memory_space<hbm>>
      %dma_wait3A_296 = tpu.memref_slice %arg2[%add3A_294] : memref<327680xi32, #tpu.memory_space<hbm>> -> memref<128xi32, #tpu.memory_space<hbm>>
      tpu.wait_dma2 semaphore(%arg23 : memref<!tpu.dma_semaphore, #tpu.memory_space<semaphore_mem>>) src(%dma_wait3A_296 : memref<128xi32, #tpu.memory_space<hbm>>) dst(%arg13 : memref<128xi32, #tpu.memory_space<vmem>>)
      %dma_start3A_297 = arith.constant 0 : i32
      %dma_start3A_298 = arith.constant 0 : i32
      %dma_start3A_299 = tpu.memref_slice %arg15[%dma_start3A_297, %dma_start3A_298] : memref<10000x128xf32, #tpu.memory_space<vmem_shared>> -> memref<10000x128xf32, #tpu.memory_space<vmem_shared>>
      tpu.enqueue_indirect_dma source(%arg14 : memref<128x128xf32, #tpu.memory_space<vmem>>) target(%dma_start3A_299 : memref<10000x128xf32, #tpu.memory_space<vmem_shared>>) offsets(%arg13 : memref<128xi32, #tpu.memory_space<vmem>>) semaphore(%arg31 : memref<!tpu.dma_semaphore, #tpu.memory_space<semaphore_mem>>) {add = true}
      %scan3A_300 = arith.constant 0 : i32
      scf.yield %scan3A_300 : i32
    }
    %scan3A_100 = arith.constant 9 : i32
    %dma_wait3A_101 = arith.constant 0 : i32
    %dma_wait3A_102 = arith.constant 0 : i32
    %dma_wait3A_103 = tpu.memref_slice %arg15[%dma_wait3A_101, %dma_wait3A_102] : memref<10000x128xf32, #tpu.memory_space<vmem_shared>> -> memref<10000x128xf32, #tpu.memory_space<vmem_shared>>
    tpu.wait_indirect_dma semaphore(%arg24 : memref<!tpu.dma_semaphore, #tpu.memory_space<semaphore_mem>>) src(%arg14 : memref<128x128xf32, #tpu.memory_space<vmem>>) dst(%dma_wait3A_103 : memref<10000x128xf32, #tpu.memory_space<vmem_shared>>)
    %dma_wait3A_104 = arith.constant 0 : i32
    %dma_wait3A_105 = arith.constant 0 : i32
    %dma_wait3A_106 = tpu.memref_slice %arg15[%dma_wait3A_104, %dma_wait3A_105] : memref<10000x128xf32, #tpu.memory_space<vmem_shared>> -> memref<10000x128xf32, #tpu.memory_space<vmem_shared>>
    tpu.wait_indirect_dma semaphore(%arg25 : memref<!tpu.dma_semaphore, #tpu.memory_space<semaphore_mem>>) src(%arg14 : memref<128x128xf32, #tpu.memory_space<vmem>>) dst(%dma_wait3A_106 : memref<10000x128xf32, #tpu.memory_space<vmem_shared>>)
    %dma_wait3A_107 = arith.constant 0 : i32
    %dma_wait3A_108 = arith.constant 0 : i32
    %dma_wait3A_109 = tpu.memref_slice %arg15[%dma_wait3A_107, %dma_wait3A_108] : memref<10000x128xf32, #tpu.memory_space<vmem_shared>> -> memref<10000x128xf32, #tpu.memory_space<vmem_shared>>
    tpu.wait_indirect_dma semaphore(%arg26 : memref<!tpu.dma_semaphore, #tpu.memory_space<semaphore_mem>>) src(%arg14 : memref<128x128xf32, #tpu.memory_space<vmem>>) dst(%dma_wait3A_109 : memref<10000x128xf32, #tpu.memory_space<vmem_shared>>)
    %dma_wait3A_110 = arith.constant 0 : i32
    %dma_wait3A_111 = arith.constant 0 : i32
    %dma_wait3A_112 = tpu.memref_slice %arg15[%dma_wait3A_110, %dma_wait3A_111] : memref<10000x128xf32, #tpu.memory_space<vmem_shared>> -> memref<10000x128xf32, #tpu.memory_space<vmem_shared>>
    tpu.wait_indirect_dma semaphore(%arg27 : memref<!tpu.dma_semaphore, #tpu.memory_space<semaphore_mem>>) src(%arg14 : memref<128x128xf32, #tpu.memory_space<vmem>>) dst(%dma_wait3A_112 : memref<10000x128xf32, #tpu.memory_space<vmem_shared>>)
    %dma_wait3A_113 = arith.constant 0 : i32
    %dma_wait3A_114 = arith.constant 0 : i32
    %dma_wait3A_115 = tpu.memref_slice %arg15[%dma_wait3A_113, %dma_wait3A_114] : memref<10000x128xf32, #tpu.memory_space<vmem_shared>> -> memref<10000x128xf32, #tpu.memory_space<vmem_shared>>
    tpu.wait_indirect_dma semaphore(%arg28 : memref<!tpu.dma_semaphore, #tpu.memory_space<semaphore_mem>>) src(%arg14 : memref<128x128xf32, #tpu.memory_space<vmem>>) dst(%dma_wait3A_115 : memref<10000x128xf32, #tpu.memory_space<vmem_shared>>)
    %dma_wait3A_116 = arith.constant 0 : i32
    %dma_wait3A_117 = arith.constant 0 : i32
    %dma_wait3A_118 = tpu.memref_slice %arg15[%dma_wait3A_116, %dma_wait3A_117] : memref<10000x128xf32, #tpu.memory_space<vmem_shared>> -> memref<10000x128xf32, #tpu.memory_space<vmem_shared>>
    tpu.wait_indirect_dma semaphore(%arg29 : memref<!tpu.dma_semaphore, #tpu.memory_space<semaphore_mem>>) src(%arg14 : memref<128x128xf32, #tpu.memory_space<vmem>>) dst(%dma_wait3A_118 : memref<10000x128xf32, #tpu.memory_space<vmem_shared>>)
    %dma_wait3A_119 = arith.constant 0 : i32
    %dma_wait3A_120 = arith.constant 0 : i32
    %dma_wait3A_121 = tpu.memref_slice %arg15[%dma_wait3A_119, %dma_wait3A_120] : memref<10000x128xf32, #tpu.memory_space<vmem_shared>> -> memref<10000x128xf32, #tpu.memory_space<vmem_shared>>
    tpu.wait_indirect_dma semaphore(%arg30 : memref<!tpu.dma_semaphore, #tpu.memory_space<semaphore_mem>>) src(%arg14 : memref<128x128xf32, #tpu.memory_space<vmem>>) dst(%dma_wait3A_121 : memref<10000x128xf32, #tpu.memory_space<vmem_shared>>)
    %dma_wait3A_122 = arith.constant 0 : i32
    %dma_wait3A_123 = arith.constant 0 : i32
    %dma_wait3A_124 = tpu.memref_slice %arg15[%dma_wait3A_122, %dma_wait3A_123] : memref<10000x128xf32, #tpu.memory_space<vmem_shared>> -> memref<10000x128xf32, #tpu.memory_space<vmem_shared>>
    tpu.wait_indirect_dma semaphore(%arg31 : memref<!tpu.dma_semaphore, #tpu.memory_space<semaphore_mem>>) src(%arg14 : memref<128x128xf32, #tpu.memory_space<vmem>>) dst(%dma_wait3A_124 : memref<10000x128xf32, #tpu.memory_space<vmem_shared>>)
    %barrier3A_125 = arith.constant 0 : index
    tpu.barrier barrier_id(%barrier3A_125)
    %lt3A_126 = arith.constant 15 : i32
    %lt3A_127 = arith.cmpi slt, %arg1, %lt3A_126 : i32
    %convert_element_type3A_128 = arith.extui %lt3A_127 : i1 to i32
    %cond3A_129 = arith.constant 0 : i32
    %cond3A_130 = arith.cmpi ne, %convert_element_type3A_128, %cond3A_129 : i32
    scf.if %cond3A_130 {
      %mul3A_136 = arith.constant 632 : i32
      %mul3A_137 = arith.muli %arg1, %mul3A_136 : i32
      %mul3A_138 = arith.constant 632 : i32
      %mul3A_139 = arith.muli %arg1, %mul3A_138 : i32
      "tpu.region"() ({
        %run_scoped3A = tpu.sem_alloc : memref<!tpu.dma_semaphore, #tpu.memory_space<semaphore_mem>>
        %dma_start3A_140 = arith.constant 0 : i32
        %dma_start3A_141 = tpu.memref_slice %arg5[%arg0, %mul3A_139, %dma_start3A_140] : memref<2x10000x128xf32, #tpu.memory_space<hbm>> -> memref<1x632x128xf32, #tpu.memory_space<hbm>>
        %dma_start3A_142 = tpu.memref_squeeze %dma_start3A_141 : memref<1x632x128xf32, #tpu.memory_space<hbm>> -> memref<632x128xf32, #tpu.memory_space<hbm>>
        %dma_start3A_143 = arith.constant 0 : i32
        %dma_start3A_144 = tpu.memref_slice %arg15[%mul3A_137, %dma_start3A_143] : memref<10000x128xf32, #tpu.memory_space<vmem_shared>> -> memref<632x128xf32, #tpu.memory_space<vmem_shared>>
        tpu.enqueue_dma source(%dma_start3A_144 : memref<632x128xf32, #tpu.memory_space<vmem_shared>>) target(%dma_start3A_142 : memref<632x128xf32, #tpu.memory_space<hbm>>) target_semaphore(%run_scoped3A : memref<!tpu.dma_semaphore, #tpu.memory_space<semaphore_mem>>)
        %dma_wait3A_145 = arith.constant 0 : i32
        %dma_wait3A_146 = tpu.memref_slice %arg5[%arg0, %mul3A_139, %dma_wait3A_145] : memref<2x10000x128xf32, #tpu.memory_space<hbm>> -> memref<1x632x128xf32, #tpu.memory_space<hbm>>
        %dma_wait3A_147 = tpu.memref_squeeze %dma_wait3A_146 : memref<1x632x128xf32, #tpu.memory_space<hbm>> -> memref<632x128xf32, #tpu.memory_space<hbm>>
        %dma_wait3A_148 = arith.constant 0 : i32
        %dma_wait3A_149 = tpu.memref_slice %arg15[%mul3A_137, %dma_wait3A_148] : memref<10000x128xf32, #tpu.memory_space<vmem_shared>> -> memref<632x128xf32, #tpu.memory_space<vmem_shared>>
        tpu.wait_dma2 semaphore(%run_scoped3A : memref<!tpu.dma_semaphore, #tpu.memory_space<semaphore_mem>>) src(%dma_wait3A_149 : memref<632x128xf32, #tpu.memory_space<vmem_shared>>) dst(%dma_wait3A_147 : memref<632x128xf32, #tpu.memory_space<hbm>>)
        tpu.yield
      }) : () -> ()
    } else {
    }
    %eq3A_131 = arith.constant 15 : i32
    %eq3A_132 = arith.cmpi eq, %arg1, %eq3A_131 : i32
    %convert_element_type3A_133 = arith.extui %eq3A_132 : i1 to i32
    %cond3A_134 = arith.constant 0 : i32
    %cond3A_135 = arith.cmpi ne, %convert_element_type3A_133, %cond3A_134 : i32
    scf.if %cond3A_135 {
      %mul3A_136 = arith.constant 632 : i32
      %mul3A_137 = arith.muli %arg1, %mul3A_136 : i32
      %mul3A_138 = arith.constant 632 : i32
      %mul3A_139 = arith.muli %arg1, %mul3A_138 : i32
      "tpu.region"() ({
        %run_scoped3A = tpu.sem_alloc : memref<!tpu.dma_semaphore, #tpu.memory_space<semaphore_mem>>
        %dma_start3A_140 = arith.constant 0 : i32
        %dma_start3A_141 = tpu.memref_slice %arg5[%arg0, %mul3A_139, %dma_start3A_140] : memref<2x10000x128xf32, #tpu.memory_space<hbm>> -> memref<1x520x128xf32, #tpu.memory_space<hbm>>
        %dma_start3A_142 = tpu.memref_squeeze %dma_start3A_141 : memref<1x520x128xf32, #tpu.memory_space<hbm>> -> memref<520x128xf32, #tpu.memory_space<hbm>>
        %dma_start3A_143 = arith.constant 0 : i32
        %dma_start3A_144 = tpu.memref_slice %arg15[%mul3A_137, %dma_start3A_143] : memref<10000x128xf32, #tpu.memory_space<vmem_shared>> -> memref<520x128xf32, #tpu.memory_space<vmem_shared>>
        tpu.enqueue_dma source(%dma_start3A_144 : memref<520x128xf32, #tpu.memory_space<vmem_shared>>) target(%dma_start3A_142 : memref<520x128xf32, #tpu.memory_space<hbm>>) target_semaphore(%run_scoped3A : memref<!tpu.dma_semaphore, #tpu.memory_space<semaphore_mem>>)
        %dma_wait3A_145 = arith.constant 0 : i32
        %dma_wait3A_146 = tpu.memref_slice %arg5[%arg0, %mul3A_139, %dma_wait3A_145] : memref<2x10000x128xf32, #tpu.memory_space<hbm>> -> memref<1x520x128xf32, #tpu.memory_space<hbm>>
        %dma_wait3A_147 = tpu.memref_squeeze %dma_wait3A_146 : memref<1x520x128xf32, #tpu.memory_space<hbm>> -> memref<520x128xf32, #tpu.memory_space<hbm>>
        %dma_wait3A_148 = arith.constant 0 : i32
        %dma_wait3A_149 = tpu.memref_slice %arg15[%mul3A_137, %dma_wait3A_148] : memref<10000x128xf32, #tpu.memory_space<vmem_shared>> -> memref<520x128xf32, #tpu.memory_space<vmem_shared>>
        tpu.wait_dma2 semaphore(%run_scoped3A : memref<!tpu.dma_semaphore, #tpu.memory_space<semaphore_mem>>) src(%dma_wait3A_149 : memref<520x128xf32, #tpu.memory_space<vmem_shared>>) dst(%dma_wait3A_147 : memref<520x128xf32, #tpu.memory_space<hbm>>)
        tpu.yield
      }) : () -> ()
    } else {
    }
    return
  }
}

#map = affine_map<(d0, d1) -> (0, 0)>
#map1 = affine_map<(d0, d1) -> (0)>
#map2 = affine_map<(d0, d1) -> (0, 0, 0)>
module attributes {stable_mosaic.version = 14 : i64} {
  func.func @_scatter_kernel(%arg0: i32, %arg1: i32, %arg2: memref<10000x128xf32, #tpu.memory_space<hbm>>, %arg3: memref<327680xi32, #tpu.memory_space<hbm>>, %arg4: memref<327680xi32, #tpu.memory_space<hbm>>, %arg5: memref<632x128xf32, #tpu.memory_space<hbm>>, %arg6: memref<2x10000x128xf32, #tpu.memory_space<hbm>>, %arg7: memref<32xi32, #tpu.memory_space<vmem>>, %arg8: memref<32xi32, #tpu.memory_space<vmem>>, %arg9: memref<32xi32, #tpu.memory_space<vmem>>, %arg10: memref<32xi32, #tpu.memory_space<vmem>>, %arg11: memref<32xi32, #tpu.memory_space<vmem>>, %arg12: memref<32xi32, #tpu.memory_space<vmem>>, %arg13: memref<32xi32, #tpu.memory_space<vmem>>, %arg14: memref<32xi32, #tpu.memory_space<vmem>>, %arg15: memref<32xi32, #tpu.memory_space<vmem>>, %arg16: memref<32xi32, #tpu.memory_space<vmem>>, %arg17: memref<32xi32, #tpu.memory_space<vmem>>, %arg18: memref<32xi32, #tpu.memory_space<vmem>>, %arg19: memref<32xi32, #tpu.memory_space<vmem>>, %arg20: memref<32xi32, #tpu.memory_space<vmem>>, %arg21: memref<32xi32, #tpu.memory_space<vmem>>, %arg22: memref<32xi32, #tpu.memory_space<vmem>>, %arg23: memref<32xi32, #tpu.memory_space<vmem>>, %arg24: memref<32xi32, #tpu.memory_space<vmem>>, %arg25: memref<32xi32, #tpu.memory_space<vmem>>, %arg26: memref<32xi32, #tpu.memory_space<vmem>>, %arg27: memref<32x128xf32, #tpu.memory_space<vmem>>, %arg28: memref<32x128xf32, #tpu.memory_space<vmem>>, %arg29: memref<32x128xf32, #tpu.memory_space<vmem>>, %arg30: memref<32x128xf32, #tpu.memory_space<vmem>>, %arg31: memref<32x128xf32, #tpu.memory_space<vmem>>, %arg32: memref<32x128xf32, #tpu.memory_space<vmem>>, %arg33: memref<32x128xf32, #tpu.memory_space<vmem>>, %arg34: memref<32x128xf32, #tpu.memory_space<vmem>>, %arg35: memref<32x128xf32, #tpu.memory_space<vmem>>, %arg36: memref<32x128xf32, #tpu.memory_space<vmem>>, %arg37: memref<10000x128xf32, #tpu.memory_space<vmem_shared>>, %arg38: memref<!tpu.dma_semaphore, #tpu.memory_space<semaphore_mem>>, %arg39: memref<!tpu.dma_semaphore, #tpu.memory_space<semaphore_mem>>, %arg40: memref<!tpu.dma_semaphore, #tpu.memory_space<semaphore_mem>>, %arg41: memref<!tpu.dma_semaphore, #tpu.memory_space<semaphore_mem>>, %arg42: memref<!tpu.dma_semaphore, #tpu.memory_space<semaphore_mem>>, %arg43: memref<!tpu.dma_semaphore, #tpu.memory_space<semaphore_mem>>, %arg44: memref<!tpu.dma_semaphore, #tpu.memory_space<semaphore_mem>>, %arg45: memref<!tpu.dma_semaphore, #tpu.memory_space<semaphore_mem>>, %arg46: memref<!tpu.dma_semaphore, #tpu.memory_space<semaphore_mem>>, %arg47: memref<!tpu.dma_semaphore, #tpu.memory_space<semaphore_mem>>, %arg48: memref<!tpu.dma_semaphore, #tpu.memory_space<semaphore_mem>>, %arg49: memref<!tpu.dma_semaphore, #tpu.memory_space<semaphore_mem>>, %arg50: memref<!tpu.dma_semaphore, #tpu.memory_space<semaphore_mem>>, %arg51: memref<!tpu.dma_semaphore, #tpu.memory_space<semaphore_mem>>, %arg52: memref<!tpu.dma_semaphore, #tpu.memory_space<semaphore_mem>>, %arg53: memref<!tpu.dma_semaphore, #tpu.memory_space<semaphore_mem>>, %arg54: memref<!tpu.dma_semaphore, #tpu.memory_space<semaphore_mem>>, %arg55: memref<!tpu.dma_semaphore, #tpu.memory_space<semaphore_mem>>, %arg56: memref<!tpu.dma_semaphore, #tpu.memory_space<semaphore_mem>>, %arg57: memref<!tpu.dma_semaphore, #tpu.memory_space<semaphore_mem>>, %arg58: memref<!tpu.dma_semaphore, #tpu.memory_space<semaphore_mem>>, %arg59: memref<!tpu.dma_semaphore, #tpu.memory_space<semaphore_mem>>, %arg60: memref<!tpu.dma_semaphore, #tpu.memory_space<semaphore_mem>>, %arg61: memref<!tpu.dma_semaphore, #tpu.memory_space<semaphore_mem>>, %arg62: memref<!tpu.dma_semaphore, #tpu.memory_space<semaphore_mem>>, %arg63: memref<!tpu.dma_semaphore, #tpu.memory_space<semaphore_mem>>, %arg64: memref<!tpu.dma_semaphore, #tpu.memory_space<semaphore_mem>>, %arg65: memref<!tpu.dma_semaphore, #tpu.memory_space<semaphore_mem>>, %arg66: memref<!tpu.dma_semaphore, #tpu.memory_space<semaphore_mem>>, %arg67: memref<!tpu.dma_semaphore, #tpu.memory_space<semaphore_mem>>) attributes {dimension_semantics = [#tpu.dimension_semantics<core_parallel>, #tpu.dimension_semantics<subcore_parallel>], iteration_bounds = array<i64: 2, 16>, scalar_prefetch = 0 : i64, scratch_operands = 61 : i64, tpu.core_type = #tpu.core_type<sc_vector_subcore>, window_params = [{transform_indices = #map}, {transform_indices = #map1}, {transform_indices = #map1}, {transform_indices = #map}, {transform_indices = #map2}]} {
    %mul3A = arith.constant 2 : i32
    %mul3A_0 = arith.muli %arg1, %mul3A : i32
    %add3A = arith.addi %mul3A_0, %arg0 : i32
    %mul3A_1 = arith.constant 10240 : i32
    %mul3A_2 = arith.muli %add3A, %mul3A_1 : i32
    %lt3A = arith.constant 15 : i32
    %lt3A_3 = arith.cmpi slt, %arg1, %lt3A : i32
    %convert_element_type3A = arith.extui %lt3A_3 : i1 to i32
    %cond3A = arith.constant 0 : i32
    %cond3A_4 = arith.cmpi ne, %convert_element_type3A, %cond3A : i32
    scf.if %cond3A_4 {
      %mul3A_264 = arith.constant 632 : i32
      %mul3A_265 = arith.muli %arg1, %mul3A_264 : i32
      "tpu.region"() ({
        %run_scoped3A = tpu.sem_alloc : memref<!tpu.dma_semaphore, #tpu.memory_space<semaphore_mem>>
        %dma_start3A_266 = arith.constant 0 : i32
        %dma_start3A_267 = tpu.memref_slice %arg37[%mul3A_265, %dma_start3A_266] : memref<10000x128xf32, #tpu.memory_space<vmem_shared>> -> memref<632x128xf32, #tpu.memory_space<vmem_shared>>
        tpu.enqueue_dma source(%arg5 : memref<632x128xf32, #tpu.memory_space<hbm>>) target(%dma_start3A_267 : memref<632x128xf32, #tpu.memory_space<vmem_shared>>) target_semaphore(%run_scoped3A : memref<!tpu.dma_semaphore, #tpu.memory_space<semaphore_mem>>)
        %dma_wait3A_268 = arith.constant 0 : i32
        %dma_wait3A_269 = tpu.memref_slice %arg37[%mul3A_265, %dma_wait3A_268] : memref<10000x128xf32, #tpu.memory_space<vmem_shared>> -> memref<632x128xf32, #tpu.memory_space<vmem_shared>>
        tpu.wait_dma2 semaphore(%run_scoped3A : memref<!tpu.dma_semaphore, #tpu.memory_space<semaphore_mem>>) src(%arg5 : memref<632x128xf32, #tpu.memory_space<hbm>>) dst(%dma_wait3A_269 : memref<632x128xf32, #tpu.memory_space<vmem_shared>>)
        tpu.yield
      }) : () -> ()
    } else {
    }
    %eq3A = arith.constant 15 : i32
    %eq3A_5 = arith.cmpi eq, %arg1, %eq3A : i32
    %convert_element_type3A_6 = arith.extui %eq3A_5 : i1 to i32
    %cond3A_7 = arith.constant 0 : i32
    %cond3A_8 = arith.cmpi ne, %convert_element_type3A_6, %cond3A_7 : i32
    scf.if %cond3A_8 {
      %mul3A_264 = arith.constant 632 : i32
      %mul3A_265 = arith.muli %arg1, %mul3A_264 : i32
      "tpu.region"() ({
        %run_scoped3A = tpu.sem_alloc : memref<!tpu.dma_semaphore, #tpu.memory_space<semaphore_mem>>
        %dma_start3A_266 = arith.constant 0 : i32
        %dma_start3A_267 = tpu.memref_slice %arg37[%mul3A_265, %dma_start3A_266] : memref<10000x128xf32, #tpu.memory_space<vmem_shared>> -> memref<520x128xf32, #tpu.memory_space<vmem_shared>>
        %dma_start3A_268 = arith.constant 0 : i32
        %dma_start3A_269 = arith.constant 0 : i32
        %dma_start3A_270 = tpu.memref_slice %arg5[%dma_start3A_268, %dma_start3A_269] : memref<632x128xf32, #tpu.memory_space<hbm>> -> memref<520x128xf32, #tpu.memory_space<hbm>>
        tpu.enqueue_dma source(%dma_start3A_270 : memref<520x128xf32, #tpu.memory_space<hbm>>) target(%dma_start3A_267 : memref<520x128xf32, #tpu.memory_space<vmem_shared>>) target_semaphore(%run_scoped3A : memref<!tpu.dma_semaphore, #tpu.memory_space<semaphore_mem>>)
        %dma_wait3A_271 = arith.constant 0 : i32
        %dma_wait3A_272 = tpu.memref_slice %arg37[%mul3A_265, %dma_wait3A_271] : memref<10000x128xf32, #tpu.memory_space<vmem_shared>> -> memref<520x128xf32, #tpu.memory_space<vmem_shared>>
        %dma_wait3A_273 = arith.constant 0 : i32
        %dma_wait3A_274 = arith.constant 0 : i32
        %dma_wait3A_275 = tpu.memref_slice %arg5[%dma_wait3A_273, %dma_wait3A_274] : memref<632x128xf32, #tpu.memory_space<hbm>> -> memref<520x128xf32, #tpu.memory_space<hbm>>
        tpu.wait_dma2 semaphore(%run_scoped3A : memref<!tpu.dma_semaphore, #tpu.memory_space<semaphore_mem>>) src(%dma_wait3A_275 : memref<520x128xf32, #tpu.memory_space<hbm>>) dst(%dma_wait3A_272 : memref<520x128xf32, #tpu.memory_space<vmem_shared>>)
        tpu.yield
      }) : () -> ()
    } else {
    }
    %add3A_9 = arith.constant 0 : i32
    %add3A_10 = arith.addi %mul3A_2, %add3A_9 : i32
    %dma_start3A = tpu.memref_slice %arg3[%add3A_10] : memref<327680xi32, #tpu.memory_space<hbm>> -> memref<32xi32, #tpu.memory_space<hbm>>
    %dma_start3A_11 = tpu.memref_slice %arg3[%add3A_10] : memref<327680xi32, #tpu.memory_space<hbm>> -> memref<32xi32, #tpu.memory_space<hbm>>
    tpu.enqueue_dma source(%dma_start3A_11 : memref<32xi32, #tpu.memory_space<hbm>>) target(%arg7 : memref<32xi32, #tpu.memory_space<vmem>>) target_semaphore(%arg38 : memref<!tpu.dma_semaphore, #tpu.memory_space<semaphore_mem>>)
    %dma_start3A_12 = tpu.memref_slice %arg4[%add3A_10] : memref<327680xi32, #tpu.memory_space<hbm>> -> memref<32xi32, #tpu.memory_space<hbm>>
    %dma_start3A_13 = tpu.memref_slice %arg4[%add3A_10] : memref<327680xi32, #tpu.memory_space<hbm>> -> memref<32xi32, #tpu.memory_space<hbm>>
    tpu.enqueue_dma source(%dma_start3A_13 : memref<32xi32, #tpu.memory_space<hbm>>) target(%arg17 : memref<32xi32, #tpu.memory_space<vmem>>) target_semaphore(%arg38 : memref<!tpu.dma_semaphore, #tpu.memory_space<semaphore_mem>>)
    %add3A_14 = arith.constant 32 : i32
    %add3A_15 = arith.addi %mul3A_2, %add3A_14 : i32
    %dma_start3A_16 = tpu.memref_slice %arg3[%add3A_15] : memref<327680xi32, #tpu.memory_space<hbm>> -> memref<32xi32, #tpu.memory_space<hbm>>
    %dma_start3A_17 = tpu.memref_slice %arg3[%add3A_15] : memref<327680xi32, #tpu.memory_space<hbm>> -> memref<32xi32, #tpu.memory_space<hbm>>
    tpu.enqueue_dma source(%dma_start3A_17 : memref<32xi32, #tpu.memory_space<hbm>>) target(%arg8 : memref<32xi32, #tpu.memory_space<vmem>>) target_semaphore(%arg39 : memref<!tpu.dma_semaphore, #tpu.memory_space<semaphore_mem>>)
    %dma_start3A_18 = tpu.memref_slice %arg4[%add3A_15] : memref<327680xi32, #tpu.memory_space<hbm>> -> memref<32xi32, #tpu.memory_space<hbm>>
    %dma_start3A_19 = tpu.memref_slice %arg4[%add3A_15] : memref<327680xi32, #tpu.memory_space<hbm>> -> memref<32xi32, #tpu.memory_space<hbm>>
    tpu.enqueue_dma source(%dma_start3A_19 : memref<32xi32, #tpu.memory_space<hbm>>) target(%arg18 : memref<32xi32, #tpu.memory_space<vmem>>) target_semaphore(%arg39 : memref<!tpu.dma_semaphore, #tpu.memory_space<semaphore_mem>>)
    %add3A_20 = arith.constant 64 : i32
    %add3A_21 = arith.addi %mul3A_2, %add3A_20 : i32
    %dma_start3A_22 = tpu.memref_slice %arg3[%add3A_21] : memref<327680xi32, #tpu.memory_space<hbm>> -> memref<32xi32, #tpu.memory_space<hbm>>
    %dma_start3A_23 = tpu.memref_slice %arg3[%add3A_21] : memref<327680xi32, #tpu.memory_space<hbm>> -> memref<32xi32, #tpu.memory_space<hbm>>
    tpu.enqueue_dma source(%dma_start3A_23 : memref<32xi32, #tpu.memory_space<hbm>>) target(%arg9 : memref<32xi32, #tpu.memory_space<vmem>>) target_semaphore(%arg40 : memref<!tpu.dma_semaphore, #tpu.memory_space<semaphore_mem>>)
    %dma_start3A_24 = tpu.memref_slice %arg4[%add3A_21] : memref<327680xi32, #tpu.memory_space<hbm>> -> memref<32xi32, #tpu.memory_space<hbm>>
    %dma_start3A_25 = tpu.memref_slice %arg4[%add3A_21] : memref<327680xi32, #tpu.memory_space<hbm>> -> memref<32xi32, #tpu.memory_space<hbm>>
    tpu.enqueue_dma source(%dma_start3A_25 : memref<32xi32, #tpu.memory_space<hbm>>) target(%arg19 : memref<32xi32, #tpu.memory_space<vmem>>) target_semaphore(%arg40 : memref<!tpu.dma_semaphore, #tpu.memory_space<semaphore_mem>>)
    %add3A_26 = arith.constant 96 : i32
    %add3A_27 = arith.addi %mul3A_2, %add3A_26 : i32
    %dma_start3A_28 = tpu.memref_slice %arg3[%add3A_27] : memref<327680xi32, #tpu.memory_space<hbm>> -> memref<32xi32, #tpu.memory_space<hbm>>
    %dma_start3A_29 = tpu.memref_slice %arg3[%add3A_27] : memref<327680xi32, #tpu.memory_space<hbm>> -> memref<32xi32, #tpu.memory_space<hbm>>
    tpu.enqueue_dma source(%dma_start3A_29 : memref<32xi32, #tpu.memory_space<hbm>>) target(%arg10 : memref<32xi32, #tpu.memory_space<vmem>>) target_semaphore(%arg41 : memref<!tpu.dma_semaphore, #tpu.memory_space<semaphore_mem>>)
    %dma_start3A_30 = tpu.memref_slice %arg4[%add3A_27] : memref<327680xi32, #tpu.memory_space<hbm>> -> memref<32xi32, #tpu.memory_space<hbm>>
    %dma_start3A_31 = tpu.memref_slice %arg4[%add3A_27] : memref<327680xi32, #tpu.memory_space<hbm>> -> memref<32xi32, #tpu.memory_space<hbm>>
    tpu.enqueue_dma source(%dma_start3A_31 : memref<32xi32, #tpu.memory_space<hbm>>) target(%arg20 : memref<32xi32, #tpu.memory_space<vmem>>) target_semaphore(%arg41 : memref<!tpu.dma_semaphore, #tpu.memory_space<semaphore_mem>>)
    %add3A_32 = arith.constant 128 : i32
    %add3A_33 = arith.addi %mul3A_2, %add3A_32 : i32
    %dma_start3A_34 = tpu.memref_slice %arg3[%add3A_33] : memref<327680xi32, #tpu.memory_space<hbm>> -> memref<32xi32, #tpu.memory_space<hbm>>
    %dma_start3A_35 = tpu.memref_slice %arg3[%add3A_33] : memref<327680xi32, #tpu.memory_space<hbm>> -> memref<32xi32, #tpu.memory_space<hbm>>
    tpu.enqueue_dma source(%dma_start3A_35 : memref<32xi32, #tpu.memory_space<hbm>>) target(%arg11 : memref<32xi32, #tpu.memory_space<vmem>>) target_semaphore(%arg42 : memref<!tpu.dma_semaphore, #tpu.memory_space<semaphore_mem>>)
    %dma_start3A_36 = tpu.memref_slice %arg4[%add3A_33] : memref<327680xi32, #tpu.memory_space<hbm>> -> memref<32xi32, #tpu.memory_space<hbm>>
    %dma_start3A_37 = tpu.memref_slice %arg4[%add3A_33] : memref<327680xi32, #tpu.memory_space<hbm>> -> memref<32xi32, #tpu.memory_space<hbm>>
    tpu.enqueue_dma source(%dma_start3A_37 : memref<32xi32, #tpu.memory_space<hbm>>) target(%arg21 : memref<32xi32, #tpu.memory_space<vmem>>) target_semaphore(%arg42 : memref<!tpu.dma_semaphore, #tpu.memory_space<semaphore_mem>>)
    %add3A_38 = arith.constant 160 : i32
    %add3A_39 = arith.addi %mul3A_2, %add3A_38 : i32
    %dma_start3A_40 = tpu.memref_slice %arg3[%add3A_39] : memref<327680xi32, #tpu.memory_space<hbm>> -> memref<32xi32, #tpu.memory_space<hbm>>
    %dma_start3A_41 = tpu.memref_slice %arg3[%add3A_39] : memref<327680xi32, #tpu.memory_space<hbm>> -> memref<32xi32, #tpu.memory_space<hbm>>
    tpu.enqueue_dma source(%dma_start3A_41 : memref<32xi32, #tpu.memory_space<hbm>>) target(%arg12 : memref<32xi32, #tpu.memory_space<vmem>>) target_semaphore(%arg43 : memref<!tpu.dma_semaphore, #tpu.memory_space<semaphore_mem>>)
    %dma_start3A_42 = tpu.memref_slice %arg4[%add3A_39] : memref<327680xi32, #tpu.memory_space<hbm>> -> memref<32xi32, #tpu.memory_space<hbm>>
    %dma_start3A_43 = tpu.memref_slice %arg4[%add3A_39] : memref<327680xi32, #tpu.memory_space<hbm>> -> memref<32xi32, #tpu.memory_space<hbm>>
    tpu.enqueue_dma source(%dma_start3A_43 : memref<32xi32, #tpu.memory_space<hbm>>) target(%arg22 : memref<32xi32, #tpu.memory_space<vmem>>) target_semaphore(%arg43 : memref<!tpu.dma_semaphore, #tpu.memory_space<semaphore_mem>>)
    %add3A_44 = arith.constant 192 : i32
    %add3A_45 = arith.addi %mul3A_2, %add3A_44 : i32
    %dma_start3A_46 = tpu.memref_slice %arg3[%add3A_45] : memref<327680xi32, #tpu.memory_space<hbm>> -> memref<32xi32, #tpu.memory_space<hbm>>
    %dma_start3A_47 = tpu.memref_slice %arg3[%add3A_45] : memref<327680xi32, #tpu.memory_space<hbm>> -> memref<32xi32, #tpu.memory_space<hbm>>
    tpu.enqueue_dma source(%dma_start3A_47 : memref<32xi32, #tpu.memory_space<hbm>>) target(%arg13 : memref<32xi32, #tpu.memory_space<vmem>>) target_semaphore(%arg44 : memref<!tpu.dma_semaphore, #tpu.memory_space<semaphore_mem>>)
    %dma_start3A_48 = tpu.memref_slice %arg4[%add3A_45] : memref<327680xi32, #tpu.memory_space<hbm>> -> memref<32xi32, #tpu.memory_space<hbm>>
    %dma_start3A_49 = tpu.memref_slice %arg4[%add3A_45] : memref<327680xi32, #tpu.memory_space<hbm>> -> memref<32xi32, #tpu.memory_space<hbm>>
    tpu.enqueue_dma source(%dma_start3A_49 : memref<32xi32, #tpu.memory_space<hbm>>) target(%arg23 : memref<32xi32, #tpu.memory_space<vmem>>) target_semaphore(%arg44 : memref<!tpu.dma_semaphore, #tpu.memory_space<semaphore_mem>>)
    %add3A_50 = arith.constant 224 : i32
    %add3A_51 = arith.addi %mul3A_2, %add3A_50 : i32
    %dma_start3A_52 = tpu.memref_slice %arg3[%add3A_51] : memref<327680xi32, #tpu.memory_space<hbm>> -> memref<32xi32, #tpu.memory_space<hbm>>
    %dma_start3A_53 = tpu.memref_slice %arg3[%add3A_51] : memref<327680xi32, #tpu.memory_space<hbm>> -> memref<32xi32, #tpu.memory_space<hbm>>
    tpu.enqueue_dma source(%dma_start3A_53 : memref<32xi32, #tpu.memory_space<hbm>>) target(%arg14 : memref<32xi32, #tpu.memory_space<vmem>>) target_semaphore(%arg45 : memref<!tpu.dma_semaphore, #tpu.memory_space<semaphore_mem>>)
    %dma_start3A_54 = tpu.memref_slice %arg4[%add3A_51] : memref<327680xi32, #tpu.memory_space<hbm>> -> memref<32xi32, #tpu.memory_space<hbm>>
    %dma_start3A_55 = tpu.memref_slice %arg4[%add3A_51] : memref<327680xi32, #tpu.memory_space<hbm>> -> memref<32xi32, #tpu.memory_space<hbm>>
    tpu.enqueue_dma source(%dma_start3A_55 : memref<32xi32, #tpu.memory_space<hbm>>) target(%arg24 : memref<32xi32, #tpu.memory_space<vmem>>) target_semaphore(%arg45 : memref<!tpu.dma_semaphore, #tpu.memory_space<semaphore_mem>>)
    %add3A_56 = arith.constant 256 : i32
    %add3A_57 = arith.addi %mul3A_2, %add3A_56 : i32
    %dma_start3A_58 = tpu.memref_slice %arg3[%add3A_57] : memref<327680xi32, #tpu.memory_space<hbm>> -> memref<32xi32, #tpu.memory_space<hbm>>
    %dma_start3A_59 = tpu.memref_slice %arg3[%add3A_57] : memref<327680xi32, #tpu.memory_space<hbm>> -> memref<32xi32, #tpu.memory_space<hbm>>
    tpu.enqueue_dma source(%dma_start3A_59 : memref<32xi32, #tpu.memory_space<hbm>>) target(%arg15 : memref<32xi32, #tpu.memory_space<vmem>>) target_semaphore(%arg46 : memref<!tpu.dma_semaphore, #tpu.memory_space<semaphore_mem>>)
    %dma_start3A_60 = tpu.memref_slice %arg4[%add3A_57] : memref<327680xi32, #tpu.memory_space<hbm>> -> memref<32xi32, #tpu.memory_space<hbm>>
    %dma_start3A_61 = tpu.memref_slice %arg4[%add3A_57] : memref<327680xi32, #tpu.memory_space<hbm>> -> memref<32xi32, #tpu.memory_space<hbm>>
    tpu.enqueue_dma source(%dma_start3A_61 : memref<32xi32, #tpu.memory_space<hbm>>) target(%arg25 : memref<32xi32, #tpu.memory_space<vmem>>) target_semaphore(%arg46 : memref<!tpu.dma_semaphore, #tpu.memory_space<semaphore_mem>>)
    %add3A_62 = arith.constant 288 : i32
    %add3A_63 = arith.addi %mul3A_2, %add3A_62 : i32
    %dma_start3A_64 = tpu.memref_slice %arg3[%add3A_63] : memref<327680xi32, #tpu.memory_space<hbm>> -> memref<32xi32, #tpu.memory_space<hbm>>
    %dma_start3A_65 = tpu.memref_slice %arg3[%add3A_63] : memref<327680xi32, #tpu.memory_space<hbm>> -> memref<32xi32, #tpu.memory_space<hbm>>
    tpu.enqueue_dma source(%dma_start3A_65 : memref<32xi32, #tpu.memory_space<hbm>>) target(%arg16 : memref<32xi32, #tpu.memory_space<vmem>>) target_semaphore(%arg47 : memref<!tpu.dma_semaphore, #tpu.memory_space<semaphore_mem>>)
    %dma_start3A_66 = tpu.memref_slice %arg4[%add3A_63] : memref<327680xi32, #tpu.memory_space<hbm>> -> memref<32xi32, #tpu.memory_space<hbm>>
    %dma_start3A_67 = tpu.memref_slice %arg4[%add3A_63] : memref<327680xi32, #tpu.memory_space<hbm>> -> memref<32xi32, #tpu.memory_space<hbm>>
    tpu.enqueue_dma source(%dma_start3A_67 : memref<32xi32, #tpu.memory_space<hbm>>) target(%arg26 : memref<32xi32, #tpu.memory_space<vmem>>) target_semaphore(%arg47 : memref<!tpu.dma_semaphore, #tpu.memory_space<semaphore_mem>>)
    %add3A_68 = arith.constant 0 : i32
    %add3A_69 = arith.addi %mul3A_2, %add3A_68 : i32
    %dma_wait3A = tpu.memref_slice %arg3[%add3A_69] : memref<327680xi32, #tpu.memory_space<hbm>> -> memref<32xi32, #tpu.memory_space<hbm>>
    %dma_wait3A_70 = tpu.memref_slice %arg3[%add3A_69] : memref<327680xi32, #tpu.memory_space<hbm>> -> memref<32xi32, #tpu.memory_space<hbm>>
    tpu.wait_dma2 semaphore(%arg38 : memref<!tpu.dma_semaphore, #tpu.memory_space<semaphore_mem>>) src(%dma_wait3A_70 : memref<32xi32, #tpu.memory_space<hbm>>) dst(%arg7 : memref<32xi32, #tpu.memory_space<vmem>>)
    %dma_wait3A_71 = tpu.memref_slice %arg4[%add3A_69] : memref<327680xi32, #tpu.memory_space<hbm>> -> memref<32xi32, #tpu.memory_space<hbm>>
    %dma_wait3A_72 = tpu.memref_slice %arg4[%add3A_69] : memref<327680xi32, #tpu.memory_space<hbm>> -> memref<32xi32, #tpu.memory_space<hbm>>
    tpu.wait_dma2 semaphore(%arg38 : memref<!tpu.dma_semaphore, #tpu.memory_space<semaphore_mem>>) src(%dma_wait3A_72 : memref<32xi32, #tpu.memory_space<hbm>>) dst(%arg17 : memref<32xi32, #tpu.memory_space<vmem>>)
    %dma_start3A_73 = arith.constant 0 : i32
    %dma_start3A_74 = arith.constant 0 : i32
    %dma_start3A_75 = tpu.memref_slice %arg2[%dma_start3A_73, %dma_start3A_74] : memref<10000x128xf32, #tpu.memory_space<hbm>> -> memref<10000x128xf32, #tpu.memory_space<hbm>>
    tpu.enqueue_indirect_dma source(%dma_start3A_75 : memref<10000x128xf32, #tpu.memory_space<hbm>>) target(%arg27 : memref<32x128xf32, #tpu.memory_space<vmem>>) offsets(%arg7 : memref<32xi32, #tpu.memory_space<vmem>>) semaphore(%arg48 : memref<!tpu.dma_semaphore, #tpu.memory_space<semaphore_mem>>)
    %add3A_76 = arith.constant 32 : i32
    %add3A_77 = arith.addi %mul3A_2, %add3A_76 : i32
    %dma_wait3A_78 = tpu.memref_slice %arg3[%add3A_77] : memref<327680xi32, #tpu.memory_space<hbm>> -> memref<32xi32, #tpu.memory_space<hbm>>
    %dma_wait3A_79 = tpu.memref_slice %arg3[%add3A_77] : memref<327680xi32, #tpu.memory_space<hbm>> -> memref<32xi32, #tpu.memory_space<hbm>>
    tpu.wait_dma2 semaphore(%arg39 : memref<!tpu.dma_semaphore, #tpu.memory_space<semaphore_mem>>) src(%dma_wait3A_79 : memref<32xi32, #tpu.memory_space<hbm>>) dst(%arg8 : memref<32xi32, #tpu.memory_space<vmem>>)
    %dma_wait3A_80 = tpu.memref_slice %arg4[%add3A_77] : memref<327680xi32, #tpu.memory_space<hbm>> -> memref<32xi32, #tpu.memory_space<hbm>>
    %dma_wait3A_81 = tpu.memref_slice %arg4[%add3A_77] : memref<327680xi32, #tpu.memory_space<hbm>> -> memref<32xi32, #tpu.memory_space<hbm>>
    tpu.wait_dma2 semaphore(%arg39 : memref<!tpu.dma_semaphore, #tpu.memory_space<semaphore_mem>>) src(%dma_wait3A_81 : memref<32xi32, #tpu.memory_space<hbm>>) dst(%arg18 : memref<32xi32, #tpu.memory_space<vmem>>)
    %dma_start3A_82 = arith.constant 0 : i32
    %dma_start3A_83 = arith.constant 0 : i32
    %dma_start3A_84 = tpu.memref_slice %arg2[%dma_start3A_82, %dma_start3A_83] : memref<10000x128xf32, #tpu.memory_space<hbm>> -> memref<10000x128xf32, #tpu.memory_space<hbm>>
    tpu.enqueue_indirect_dma source(%dma_start3A_84 : memref<10000x128xf32, #tpu.memory_space<hbm>>) target(%arg28 : memref<32x128xf32, #tpu.memory_space<vmem>>) offsets(%arg8 : memref<32xi32, #tpu.memory_space<vmem>>) semaphore(%arg49 : memref<!tpu.dma_semaphore, #tpu.memory_space<semaphore_mem>>)
    %add3A_85 = arith.constant 64 : i32
    %add3A_86 = arith.addi %mul3A_2, %add3A_85 : i32
    %dma_wait3A_87 = tpu.memref_slice %arg3[%add3A_86] : memref<327680xi32, #tpu.memory_space<hbm>> -> memref<32xi32, #tpu.memory_space<hbm>>
    %dma_wait3A_88 = tpu.memref_slice %arg3[%add3A_86] : memref<327680xi32, #tpu.memory_space<hbm>> -> memref<32xi32, #tpu.memory_space<hbm>>
    tpu.wait_dma2 semaphore(%arg40 : memref<!tpu.dma_semaphore, #tpu.memory_space<semaphore_mem>>) src(%dma_wait3A_88 : memref<32xi32, #tpu.memory_space<hbm>>) dst(%arg9 : memref<32xi32, #tpu.memory_space<vmem>>)
    %dma_wait3A_89 = tpu.memref_slice %arg4[%add3A_86] : memref<327680xi32, #tpu.memory_space<hbm>> -> memref<32xi32, #tpu.memory_space<hbm>>
    %dma_wait3A_90 = tpu.memref_slice %arg4[%add3A_86] : memref<327680xi32, #tpu.memory_space<hbm>> -> memref<32xi32, #tpu.memory_space<hbm>>
    tpu.wait_dma2 semaphore(%arg40 : memref<!tpu.dma_semaphore, #tpu.memory_space<semaphore_mem>>) src(%dma_wait3A_90 : memref<32xi32, #tpu.memory_space<hbm>>) dst(%arg19 : memref<32xi32, #tpu.memory_space<vmem>>)
    %dma_start3A_91 = arith.constant 0 : i32
    %dma_start3A_92 = arith.constant 0 : i32
    %dma_start3A_93 = tpu.memref_slice %arg2[%dma_start3A_91, %dma_start3A_92] : memref<10000x128xf32, #tpu.memory_space<hbm>> -> memref<10000x128xf32, #tpu.memory_space<hbm>>
    tpu.enqueue_indirect_dma source(%dma_start3A_93 : memref<10000x128xf32, #tpu.memory_space<hbm>>) target(%arg29 : memref<32x128xf32, #tpu.memory_space<vmem>>) offsets(%arg9 : memref<32xi32, #tpu.memory_space<vmem>>) semaphore(%arg50 : memref<!tpu.dma_semaphore, #tpu.memory_space<semaphore_mem>>)
    %add3A_94 = arith.constant 96 : i32
    %add3A_95 = arith.addi %mul3A_2, %add3A_94 : i32
    %dma_wait3A_96 = tpu.memref_slice %arg3[%add3A_95] : memref<327680xi32, #tpu.memory_space<hbm>> -> memref<32xi32, #tpu.memory_space<hbm>>
    %dma_wait3A_97 = tpu.memref_slice %arg3[%add3A_95] : memref<327680xi32, #tpu.memory_space<hbm>> -> memref<32xi32, #tpu.memory_space<hbm>>
    tpu.wait_dma2 semaphore(%arg41 : memref<!tpu.dma_semaphore, #tpu.memory_space<semaphore_mem>>) src(%dma_wait3A_97 : memref<32xi32, #tpu.memory_space<hbm>>) dst(%arg10 : memref<32xi32, #tpu.memory_space<vmem>>)
    %dma_wait3A_98 = tpu.memref_slice %arg4[%add3A_95] : memref<327680xi32, #tpu.memory_space<hbm>> -> memref<32xi32, #tpu.memory_space<hbm>>
    %dma_wait3A_99 = tpu.memref_slice %arg4[%add3A_95] : memref<327680xi32, #tpu.memory_space<hbm>> -> memref<32xi32, #tpu.memory_space<hbm>>
    tpu.wait_dma2 semaphore(%arg41 : memref<!tpu.dma_semaphore, #tpu.memory_space<semaphore_mem>>) src(%dma_wait3A_99 : memref<32xi32, #tpu.memory_space<hbm>>) dst(%arg20 : memref<32xi32, #tpu.memory_space<vmem>>)
    %dma_start3A_100 = arith.constant 0 : i32
    %dma_start3A_101 = arith.constant 0 : i32
    %dma_start3A_102 = tpu.memref_slice %arg2[%dma_start3A_100, %dma_start3A_101] : memref<10000x128xf32, #tpu.memory_space<hbm>> -> memref<10000x128xf32, #tpu.memory_space<hbm>>
    tpu.enqueue_indirect_dma source(%dma_start3A_102 : memref<10000x128xf32, #tpu.memory_space<hbm>>) target(%arg30 : memref<32x128xf32, #tpu.memory_space<vmem>>) offsets(%arg10 : memref<32xi32, #tpu.memory_space<vmem>>) semaphore(%arg51 : memref<!tpu.dma_semaphore, #tpu.memory_space<semaphore_mem>>)
    %add3A_103 = arith.constant 128 : i32
    %add3A_104 = arith.addi %mul3A_2, %add3A_103 : i32
    %dma_wait3A_105 = tpu.memref_slice %arg3[%add3A_104] : memref<327680xi32, #tpu.memory_space<hbm>> -> memref<32xi32, #tpu.memory_space<hbm>>
    %dma_wait3A_106 = tpu.memref_slice %arg3[%add3A_104] : memref<327680xi32, #tpu.memory_space<hbm>> -> memref<32xi32, #tpu.memory_space<hbm>>
    tpu.wait_dma2 semaphore(%arg42 : memref<!tpu.dma_semaphore, #tpu.memory_space<semaphore_mem>>) src(%dma_wait3A_106 : memref<32xi32, #tpu.memory_space<hbm>>) dst(%arg11 : memref<32xi32, #tpu.memory_space<vmem>>)
    %dma_wait3A_107 = tpu.memref_slice %arg4[%add3A_104] : memref<327680xi32, #tpu.memory_space<hbm>> -> memref<32xi32, #tpu.memory_space<hbm>>
    %dma_wait3A_108 = tpu.memref_slice %arg4[%add3A_104] : memref<327680xi32, #tpu.memory_space<hbm>> -> memref<32xi32, #tpu.memory_space<hbm>>
    tpu.wait_dma2 semaphore(%arg42 : memref<!tpu.dma_semaphore, #tpu.memory_space<semaphore_mem>>) src(%dma_wait3A_108 : memref<32xi32, #tpu.memory_space<hbm>>) dst(%arg21 : memref<32xi32, #tpu.memory_space<vmem>>)
    %dma_start3A_109 = arith.constant 0 : i32
    %dma_start3A_110 = arith.constant 0 : i32
    %dma_start3A_111 = tpu.memref_slice %arg2[%dma_start3A_109, %dma_start3A_110] : memref<10000x128xf32, #tpu.memory_space<hbm>> -> memref<10000x128xf32, #tpu.memory_space<hbm>>
    tpu.enqueue_indirect_dma source(%dma_start3A_111 : memref<10000x128xf32, #tpu.memory_space<hbm>>) target(%arg31 : memref<32x128xf32, #tpu.memory_space<vmem>>) offsets(%arg11 : memref<32xi32, #tpu.memory_space<vmem>>) semaphore(%arg52 : memref<!tpu.dma_semaphore, #tpu.memory_space<semaphore_mem>>)
    %add3A_112 = arith.constant 160 : i32
    %add3A_113 = arith.addi %mul3A_2, %add3A_112 : i32
    %dma_wait3A_114 = tpu.memref_slice %arg3[%add3A_113] : memref<327680xi32, #tpu.memory_space<hbm>> -> memref<32xi32, #tpu.memory_space<hbm>>
    %dma_wait3A_115 = tpu.memref_slice %arg3[%add3A_113] : memref<327680xi32, #tpu.memory_space<hbm>> -> memref<32xi32, #tpu.memory_space<hbm>>
    tpu.wait_dma2 semaphore(%arg43 : memref<!tpu.dma_semaphore, #tpu.memory_space<semaphore_mem>>) src(%dma_wait3A_115 : memref<32xi32, #tpu.memory_space<hbm>>) dst(%arg12 : memref<32xi32, #tpu.memory_space<vmem>>)
    %dma_wait3A_116 = tpu.memref_slice %arg4[%add3A_113] : memref<327680xi32, #tpu.memory_space<hbm>> -> memref<32xi32, #tpu.memory_space<hbm>>
    %dma_wait3A_117 = tpu.memref_slice %arg4[%add3A_113] : memref<327680xi32, #tpu.memory_space<hbm>> -> memref<32xi32, #tpu.memory_space<hbm>>
    tpu.wait_dma2 semaphore(%arg43 : memref<!tpu.dma_semaphore, #tpu.memory_space<semaphore_mem>>) src(%dma_wait3A_117 : memref<32xi32, #tpu.memory_space<hbm>>) dst(%arg22 : memref<32xi32, #tpu.memory_space<vmem>>)
    %dma_start3A_118 = arith.constant 0 : i32
    %dma_start3A_119 = arith.constant 0 : i32
    %dma_start3A_120 = tpu.memref_slice %arg2[%dma_start3A_118, %dma_start3A_119] : memref<10000x128xf32, #tpu.memory_space<hbm>> -> memref<10000x128xf32, #tpu.memory_space<hbm>>
    tpu.enqueue_indirect_dma source(%dma_start3A_120 : memref<10000x128xf32, #tpu.memory_space<hbm>>) target(%arg32 : memref<32x128xf32, #tpu.memory_space<vmem>>) offsets(%arg12 : memref<32xi32, #tpu.memory_space<vmem>>) semaphore(%arg53 : memref<!tpu.dma_semaphore, #tpu.memory_space<semaphore_mem>>)
    %add3A_121 = arith.constant 192 : i32
    %add3A_122 = arith.addi %mul3A_2, %add3A_121 : i32
    %dma_wait3A_123 = tpu.memref_slice %arg3[%add3A_122] : memref<327680xi32, #tpu.memory_space<hbm>> -> memref<32xi32, #tpu.memory_space<hbm>>
    %dma_wait3A_124 = tpu.memref_slice %arg3[%add3A_122] : memref<327680xi32, #tpu.memory_space<hbm>> -> memref<32xi32, #tpu.memory_space<hbm>>
    tpu.wait_dma2 semaphore(%arg44 : memref<!tpu.dma_semaphore, #tpu.memory_space<semaphore_mem>>) src(%dma_wait3A_124 : memref<32xi32, #tpu.memory_space<hbm>>) dst(%arg13 : memref<32xi32, #tpu.memory_space<vmem>>)
    %dma_wait3A_125 = tpu.memref_slice %arg4[%add3A_122] : memref<327680xi32, #tpu.memory_space<hbm>> -> memref<32xi32, #tpu.memory_space<hbm>>
    %dma_wait3A_126 = tpu.memref_slice %arg4[%add3A_122] : memref<327680xi32, #tpu.memory_space<hbm>> -> memref<32xi32, #tpu.memory_space<hbm>>
    tpu.wait_dma2 semaphore(%arg44 : memref<!tpu.dma_semaphore, #tpu.memory_space<semaphore_mem>>) src(%dma_wait3A_126 : memref<32xi32, #tpu.memory_space<hbm>>) dst(%arg23 : memref<32xi32, #tpu.memory_space<vmem>>)
    %dma_start3A_127 = arith.constant 0 : i32
    %dma_start3A_128 = arith.constant 0 : i32
    %dma_start3A_129 = tpu.memref_slice %arg2[%dma_start3A_127, %dma_start3A_128] : memref<10000x128xf32, #tpu.memory_space<hbm>> -> memref<10000x128xf32, #tpu.memory_space<hbm>>
    tpu.enqueue_indirect_dma source(%dma_start3A_129 : memref<10000x128xf32, #tpu.memory_space<hbm>>) target(%arg33 : memref<32x128xf32, #tpu.memory_space<vmem>>) offsets(%arg13 : memref<32xi32, #tpu.memory_space<vmem>>) semaphore(%arg54 : memref<!tpu.dma_semaphore, #tpu.memory_space<semaphore_mem>>)
    %add3A_130 = arith.constant 224 : i32
    %add3A_131 = arith.addi %mul3A_2, %add3A_130 : i32
    %dma_wait3A_132 = tpu.memref_slice %arg3[%add3A_131] : memref<327680xi32, #tpu.memory_space<hbm>> -> memref<32xi32, #tpu.memory_space<hbm>>
    %dma_wait3A_133 = tpu.memref_slice %arg3[%add3A_131] : memref<327680xi32, #tpu.memory_space<hbm>> -> memref<32xi32, #tpu.memory_space<hbm>>
    tpu.wait_dma2 semaphore(%arg45 : memref<!tpu.dma_semaphore, #tpu.memory_space<semaphore_mem>>) src(%dma_wait3A_133 : memref<32xi32, #tpu.memory_space<hbm>>) dst(%arg14 : memref<32xi32, #tpu.memory_space<vmem>>)
    %dma_wait3A_134 = tpu.memref_slice %arg4[%add3A_131] : memref<327680xi32, #tpu.memory_space<hbm>> -> memref<32xi32, #tpu.memory_space<hbm>>
    %dma_wait3A_135 = tpu.memref_slice %arg4[%add3A_131] : memref<327680xi32, #tpu.memory_space<hbm>> -> memref<32xi32, #tpu.memory_space<hbm>>
    tpu.wait_dma2 semaphore(%arg45 : memref<!tpu.dma_semaphore, #tpu.memory_space<semaphore_mem>>) src(%dma_wait3A_135 : memref<32xi32, #tpu.memory_space<hbm>>) dst(%arg24 : memref<32xi32, #tpu.memory_space<vmem>>)
    %dma_start3A_136 = arith.constant 0 : i32
    %dma_start3A_137 = arith.constant 0 : i32
    %dma_start3A_138 = tpu.memref_slice %arg2[%dma_start3A_136, %dma_start3A_137] : memref<10000x128xf32, #tpu.memory_space<hbm>> -> memref<10000x128xf32, #tpu.memory_space<hbm>>
    tpu.enqueue_indirect_dma source(%dma_start3A_138 : memref<10000x128xf32, #tpu.memory_space<hbm>>) target(%arg34 : memref<32x128xf32, #tpu.memory_space<vmem>>) offsets(%arg14 : memref<32xi32, #tpu.memory_space<vmem>>) semaphore(%arg55 : memref<!tpu.dma_semaphore, #tpu.memory_space<semaphore_mem>>)
    %add3A_139 = arith.constant 256 : i32
    %add3A_140 = arith.addi %mul3A_2, %add3A_139 : i32
    %dma_wait3A_141 = tpu.memref_slice %arg3[%add3A_140] : memref<327680xi32, #tpu.memory_space<hbm>> -> memref<32xi32, #tpu.memory_space<hbm>>
    %dma_wait3A_142 = tpu.memref_slice %arg3[%add3A_140] : memref<327680xi32, #tpu.memory_space<hbm>> -> memref<32xi32, #tpu.memory_space<hbm>>
    tpu.wait_dma2 semaphore(%arg46 : memref<!tpu.dma_semaphore, #tpu.memory_space<semaphore_mem>>) src(%dma_wait3A_142 : memref<32xi32, #tpu.memory_space<hbm>>) dst(%arg15 : memref<32xi32, #tpu.memory_space<vmem>>)
    %dma_wait3A_143 = tpu.memref_slice %arg4[%add3A_140] : memref<327680xi32, #tpu.memory_space<hbm>> -> memref<32xi32, #tpu.memory_space<hbm>>
    %dma_wait3A_144 = tpu.memref_slice %arg4[%add3A_140] : memref<327680xi32, #tpu.memory_space<hbm>> -> memref<32xi32, #tpu.memory_space<hbm>>
    tpu.wait_dma2 semaphore(%arg46 : memref<!tpu.dma_semaphore, #tpu.memory_space<semaphore_mem>>) src(%dma_wait3A_144 : memref<32xi32, #tpu.memory_space<hbm>>) dst(%arg25 : memref<32xi32, #tpu.memory_space<vmem>>)
    %dma_start3A_145 = arith.constant 0 : i32
    %dma_start3A_146 = arith.constant 0 : i32
    %dma_start3A_147 = tpu.memref_slice %arg2[%dma_start3A_145, %dma_start3A_146] : memref<10000x128xf32, #tpu.memory_space<hbm>> -> memref<10000x128xf32, #tpu.memory_space<hbm>>
    tpu.enqueue_indirect_dma source(%dma_start3A_147 : memref<10000x128xf32, #tpu.memory_space<hbm>>) target(%arg35 : memref<32x128xf32, #tpu.memory_space<vmem>>) offsets(%arg15 : memref<32xi32, #tpu.memory_space<vmem>>) semaphore(%arg56 : memref<!tpu.dma_semaphore, #tpu.memory_space<semaphore_mem>>)
    %add3A_148 = arith.constant 288 : i32
    %add3A_149 = arith.addi %mul3A_2, %add3A_148 : i32
    %dma_wait3A_150 = tpu.memref_slice %arg3[%add3A_149] : memref<327680xi32, #tpu.memory_space<hbm>> -> memref<32xi32, #tpu.memory_space<hbm>>
    %dma_wait3A_151 = tpu.memref_slice %arg3[%add3A_149] : memref<327680xi32, #tpu.memory_space<hbm>> -> memref<32xi32, #tpu.memory_space<hbm>>
    tpu.wait_dma2 semaphore(%arg47 : memref<!tpu.dma_semaphore, #tpu.memory_space<semaphore_mem>>) src(%dma_wait3A_151 : memref<32xi32, #tpu.memory_space<hbm>>) dst(%arg16 : memref<32xi32, #tpu.memory_space<vmem>>)
    %dma_wait3A_152 = tpu.memref_slice %arg4[%add3A_149] : memref<327680xi32, #tpu.memory_space<hbm>> -> memref<32xi32, #tpu.memory_space<hbm>>
    %dma_wait3A_153 = tpu.memref_slice %arg4[%add3A_149] : memref<327680xi32, #tpu.memory_space<hbm>> -> memref<32xi32, #tpu.memory_space<hbm>>
    tpu.wait_dma2 semaphore(%arg47 : memref<!tpu.dma_semaphore, #tpu.memory_space<semaphore_mem>>) src(%dma_wait3A_153 : memref<32xi32, #tpu.memory_space<hbm>>) dst(%arg26 : memref<32xi32, #tpu.memory_space<vmem>>)
    %dma_start3A_154 = arith.constant 0 : i32
    %dma_start3A_155 = arith.constant 0 : i32
    %dma_start3A_156 = tpu.memref_slice %arg2[%dma_start3A_154, %dma_start3A_155] : memref<10000x128xf32, #tpu.memory_space<hbm>> -> memref<10000x128xf32, #tpu.memory_space<hbm>>
    tpu.enqueue_indirect_dma source(%dma_start3A_156 : memref<10000x128xf32, #tpu.memory_space<hbm>>) target(%arg36 : memref<32x128xf32, #tpu.memory_space<vmem>>) offsets(%arg16 : memref<32xi32, #tpu.memory_space<vmem>>) semaphore(%arg57 : memref<!tpu.dma_semaphore, #tpu.memory_space<semaphore_mem>>)
    %barrier3A = arith.constant 0 : index
    tpu.barrier barrier_id(%barrier3A)
    %scan3A = arith.constant 0 : i32
    %scan3A_157 = arith.constant 1 : i32
    %scan3A_158 = arith.constant 31 : i32
    %scan3A_159 = arith.addi %scan3A_157, %scan3A_158 : i32
    %scan3A_160 = arith.constant 1 : i32
    %scan3A_161 = scf.for %scan3A_264 = %scan3A_157 to %scan3A_159 step %scan3A_160 iter_args(%scan3A_265 = %scan3A) -> (i32)  : i32 {
      %mul3A_266 = arith.constant 10 : i32
      %mul3A_267 = arith.muli %mul3A_266, %scan3A_264 : i32
      %dma_wait3A_268 = arith.constant 0 : i32
      %dma_wait3A_269 = arith.constant 0 : i32
      %dma_wait3A_270 = tpu.memref_slice %arg2[%dma_wait3A_268, %dma_wait3A_269] : memref<10000x128xf32, #tpu.memory_space<hbm>> -> memref<10000x128xf32, #tpu.memory_space<hbm>>
      tpu.wait_indirect_dma semaphore(%arg48 : memref<!tpu.dma_semaphore, #tpu.memory_space<semaphore_mem>>) src(%dma_wait3A_270 : memref<10000x128xf32, #tpu.memory_space<hbm>>) dst(%arg27 : memref<32x128xf32, #tpu.memory_space<vmem>>)
      %dma_start3A_271 = arith.constant 0 : i32
      %dma_start3A_272 = arith.constant 0 : i32
      %dma_start3A_273 = tpu.memref_slice %arg37[%dma_start3A_271, %dma_start3A_272] : memref<10000x128xf32, #tpu.memory_space<vmem_shared>> -> memref<10000x128xf32, #tpu.memory_space<vmem_shared>>
      tpu.enqueue_indirect_dma source(%arg27 : memref<32x128xf32, #tpu.memory_space<vmem>>) target(%dma_start3A_273 : memref<10000x128xf32, #tpu.memory_space<vmem_shared>>) offsets(%arg17 : memref<32xi32, #tpu.memory_space<vmem>>) semaphore(%arg58 : memref<!tpu.dma_semaphore, #tpu.memory_space<semaphore_mem>>) {add = true}
      %dma_wait3A_274 = arith.constant 0 : i32
      %dma_wait3A_275 = arith.constant 0 : i32
      %dma_wait3A_276 = tpu.memref_slice %arg2[%dma_wait3A_274, %dma_wait3A_275] : memref<10000x128xf32, #tpu.memory_space<hbm>> -> memref<10000x128xf32, #tpu.memory_space<hbm>>
      tpu.wait_indirect_dma semaphore(%arg49 : memref<!tpu.dma_semaphore, #tpu.memory_space<semaphore_mem>>) src(%dma_wait3A_276 : memref<10000x128xf32, #tpu.memory_space<hbm>>) dst(%arg28 : memref<32x128xf32, #tpu.memory_space<vmem>>)
      %dma_start3A_277 = arith.constant 0 : i32
      %dma_start3A_278 = arith.constant 0 : i32
      %dma_start3A_279 = tpu.memref_slice %arg37[%dma_start3A_277, %dma_start3A_278] : memref<10000x128xf32, #tpu.memory_space<vmem_shared>> -> memref<10000x128xf32, #tpu.memory_space<vmem_shared>>
      tpu.enqueue_indirect_dma source(%arg28 : memref<32x128xf32, #tpu.memory_space<vmem>>) target(%dma_start3A_279 : memref<10000x128xf32, #tpu.memory_space<vmem_shared>>) offsets(%arg18 : memref<32xi32, #tpu.memory_space<vmem>>) semaphore(%arg59 : memref<!tpu.dma_semaphore, #tpu.memory_space<semaphore_mem>>) {add = true}
      %dma_wait3A_280 = arith.constant 0 : i32
      %dma_wait3A_281 = arith.constant 0 : i32
      %dma_wait3A_282 = tpu.memref_slice %arg2[%dma_wait3A_280, %dma_wait3A_281] : memref<10000x128xf32, #tpu.memory_space<hbm>> -> memref<10000x128xf32, #tpu.memory_space<hbm>>
      tpu.wait_indirect_dma semaphore(%arg50 : memref<!tpu.dma_semaphore, #tpu.memory_space<semaphore_mem>>) src(%dma_wait3A_282 : memref<10000x128xf32, #tpu.memory_space<hbm>>) dst(%arg29 : memref<32x128xf32, #tpu.memory_space<vmem>>)
      %dma_start3A_283 = arith.constant 0 : i32
      %dma_start3A_284 = arith.constant 0 : i32
      %dma_start3A_285 = tpu.memref_slice %arg37[%dma_start3A_283, %dma_start3A_284] : memref<10000x128xf32, #tpu.memory_space<vmem_shared>> -> memref<10000x128xf32, #tpu.memory_space<vmem_shared>>
      tpu.enqueue_indirect_dma source(%arg29 : memref<32x128xf32, #tpu.memory_space<vmem>>) target(%dma_start3A_285 : memref<10000x128xf32, #tpu.memory_space<vmem_shared>>) offsets(%arg19 : memref<32xi32, #tpu.memory_space<vmem>>) semaphore(%arg60 : memref<!tpu.dma_semaphore, #tpu.memory_space<semaphore_mem>>) {add = true}
      %dma_wait3A_286 = arith.constant 0 : i32
      %dma_wait3A_287 = arith.constant 0 : i32
      %dma_wait3A_288 = tpu.memref_slice %arg2[%dma_wait3A_286, %dma_wait3A_287] : memref<10000x128xf32, #tpu.memory_space<hbm>> -> memref<10000x128xf32, #tpu.memory_space<hbm>>
      tpu.wait_indirect_dma semaphore(%arg51 : memref<!tpu.dma_semaphore, #tpu.memory_space<semaphore_mem>>) src(%dma_wait3A_288 : memref<10000x128xf32, #tpu.memory_space<hbm>>) dst(%arg30 : memref<32x128xf32, #tpu.memory_space<vmem>>)
      %dma_start3A_289 = arith.constant 0 : i32
      %dma_start3A_290 = arith.constant 0 : i32
      %dma_start3A_291 = tpu.memref_slice %arg37[%dma_start3A_289, %dma_start3A_290] : memref<10000x128xf32, #tpu.memory_space<vmem_shared>> -> memref<10000x128xf32, #tpu.memory_space<vmem_shared>>
      tpu.enqueue_indirect_dma source(%arg30 : memref<32x128xf32, #tpu.memory_space<vmem>>) target(%dma_start3A_291 : memref<10000x128xf32, #tpu.memory_space<vmem_shared>>) offsets(%arg20 : memref<32xi32, #tpu.memory_space<vmem>>) semaphore(%arg61 : memref<!tpu.dma_semaphore, #tpu.memory_space<semaphore_mem>>) {add = true}
      %dma_wait3A_292 = arith.constant 0 : i32
      %dma_wait3A_293 = arith.constant 0 : i32
      %dma_wait3A_294 = tpu.memref_slice %arg2[%dma_wait3A_292, %dma_wait3A_293] : memref<10000x128xf32, #tpu.memory_space<hbm>> -> memref<10000x128xf32, #tpu.memory_space<hbm>>
      tpu.wait_indirect_dma semaphore(%arg52 : memref<!tpu.dma_semaphore, #tpu.memory_space<semaphore_mem>>) src(%dma_wait3A_294 : memref<10000x128xf32, #tpu.memory_space<hbm>>) dst(%arg31 : memref<32x128xf32, #tpu.memory_space<vmem>>)
      %dma_start3A_295 = arith.constant 0 : i32
      %dma_start3A_296 = arith.constant 0 : i32
      %dma_start3A_297 = tpu.memref_slice %arg37[%dma_start3A_295, %dma_start3A_296] : memref<10000x128xf32, #tpu.memory_space<vmem_shared>> -> memref<10000x128xf32, #tpu.memory_space<vmem_shared>>
      tpu.enqueue_indirect_dma source(%arg31 : memref<32x128xf32, #tpu.memory_space<vmem>>) target(%dma_start3A_297 : memref<10000x128xf32, #tpu.memory_space<vmem_shared>>) offsets(%arg21 : memref<32xi32, #tpu.memory_space<vmem>>) semaphore(%arg62 : memref<!tpu.dma_semaphore, #tpu.memory_space<semaphore_mem>>) {add = true}
      %dma_wait3A_298 = arith.constant 0 : i32
      %dma_wait3A_299 = arith.constant 0 : i32
      %dma_wait3A_300 = tpu.memref_slice %arg2[%dma_wait3A_298, %dma_wait3A_299] : memref<10000x128xf32, #tpu.memory_space<hbm>> -> memref<10000x128xf32, #tpu.memory_space<hbm>>
      tpu.wait_indirect_dma semaphore(%arg53 : memref<!tpu.dma_semaphore, #tpu.memory_space<semaphore_mem>>) src(%dma_wait3A_300 : memref<10000x128xf32, #tpu.memory_space<hbm>>) dst(%arg32 : memref<32x128xf32, #tpu.memory_space<vmem>>)
      %dma_start3A_301 = arith.constant 0 : i32
      %dma_start3A_302 = arith.constant 0 : i32
      %dma_start3A_303 = tpu.memref_slice %arg37[%dma_start3A_301, %dma_start3A_302] : memref<10000x128xf32, #tpu.memory_space<vmem_shared>> -> memref<10000x128xf32, #tpu.memory_space<vmem_shared>>
      tpu.enqueue_indirect_dma source(%arg32 : memref<32x128xf32, #tpu.memory_space<vmem>>) target(%dma_start3A_303 : memref<10000x128xf32, #tpu.memory_space<vmem_shared>>) offsets(%arg22 : memref<32xi32, #tpu.memory_space<vmem>>) semaphore(%arg63 : memref<!tpu.dma_semaphore, #tpu.memory_space<semaphore_mem>>) {add = true}
      %dma_wait3A_304 = arith.constant 0 : i32
      %dma_wait3A_305 = arith.constant 0 : i32
      %dma_wait3A_306 = tpu.memref_slice %arg2[%dma_wait3A_304, %dma_wait3A_305] : memref<10000x128xf32, #tpu.memory_space<hbm>> -> memref<10000x128xf32, #tpu.memory_space<hbm>>
      tpu.wait_indirect_dma semaphore(%arg54 : memref<!tpu.dma_semaphore, #tpu.memory_space<semaphore_mem>>) src(%dma_wait3A_306 : memref<10000x128xf32, #tpu.memory_space<hbm>>) dst(%arg33 : memref<32x128xf32, #tpu.memory_space<vmem>>)
      %dma_start3A_307 = arith.constant 0 : i32
      %dma_start3A_308 = arith.constant 0 : i32
      %dma_start3A_309 = tpu.memref_slice %arg37[%dma_start3A_307, %dma_start3A_308] : memref<10000x128xf32, #tpu.memory_space<vmem_shared>> -> memref<10000x128xf32, #tpu.memory_space<vmem_shared>>
      tpu.enqueue_indirect_dma source(%arg33 : memref<32x128xf32, #tpu.memory_space<vmem>>) target(%dma_start3A_309 : memref<10000x128xf32, #tpu.memory_space<vmem_shared>>) offsets(%arg23 : memref<32xi32, #tpu.memory_space<vmem>>) semaphore(%arg64 : memref<!tpu.dma_semaphore, #tpu.memory_space<semaphore_mem>>) {add = true}
      %dma_wait3A_310 = arith.constant 0 : i32
      %dma_wait3A_311 = arith.constant 0 : i32
      %dma_wait3A_312 = tpu.memref_slice %arg2[%dma_wait3A_310, %dma_wait3A_311] : memref<10000x128xf32, #tpu.memory_space<hbm>> -> memref<10000x128xf32, #tpu.memory_space<hbm>>
      tpu.wait_indirect_dma semaphore(%arg55 : memref<!tpu.dma_semaphore, #tpu.memory_space<semaphore_mem>>) src(%dma_wait3A_312 : memref<10000x128xf32, #tpu.memory_space<hbm>>) dst(%arg34 : memref<32x128xf32, #tpu.memory_space<vmem>>)
      %dma_start3A_313 = arith.constant 0 : i32
      %dma_start3A_314 = arith.constant 0 : i32
      %dma_start3A_315 = tpu.memref_slice %arg37[%dma_start3A_313, %dma_start3A_314] : memref<10000x128xf32, #tpu.memory_space<vmem_shared>> -> memref<10000x128xf32, #tpu.memory_space<vmem_shared>>
      tpu.enqueue_indirect_dma source(%arg34 : memref<32x128xf32, #tpu.memory_space<vmem>>) target(%dma_start3A_315 : memref<10000x128xf32, #tpu.memory_space<vmem_shared>>) offsets(%arg24 : memref<32xi32, #tpu.memory_space<vmem>>) semaphore(%arg65 : memref<!tpu.dma_semaphore, #tpu.memory_space<semaphore_mem>>) {add = true}
      %dma_wait3A_316 = arith.constant 0 : i32
      %dma_wait3A_317 = arith.constant 0 : i32
      %dma_wait3A_318 = tpu.memref_slice %arg2[%dma_wait3A_316, %dma_wait3A_317] : memref<10000x128xf32, #tpu.memory_space<hbm>> -> memref<10000x128xf32, #tpu.memory_space<hbm>>
      tpu.wait_indirect_dma semaphore(%arg56 : memref<!tpu.dma_semaphore, #tpu.memory_space<semaphore_mem>>) src(%dma_wait3A_318 : memref<10000x128xf32, #tpu.memory_space<hbm>>) dst(%arg35 : memref<32x128xf32, #tpu.memory_space<vmem>>)
      %dma_start3A_319 = arith.constant 0 : i32
      %dma_start3A_320 = arith.constant 0 : i32
      %dma_start3A_321 = tpu.memref_slice %arg37[%dma_start3A_319, %dma_start3A_320] : memref<10000x128xf32, #tpu.memory_space<vmem_shared>> -> memref<10000x128xf32, #tpu.memory_space<vmem_shared>>
      tpu.enqueue_indirect_dma source(%arg35 : memref<32x128xf32, #tpu.memory_space<vmem>>) target(%dma_start3A_321 : memref<10000x128xf32, #tpu.memory_space<vmem_shared>>) offsets(%arg25 : memref<32xi32, #tpu.memory_space<vmem>>) semaphore(%arg66 : memref<!tpu.dma_semaphore, #tpu.memory_space<semaphore_mem>>) {add = true}
      %dma_wait3A_322 = arith.constant 0 : i32
      %dma_wait3A_323 = arith.constant 0 : i32
      %dma_wait3A_324 = tpu.memref_slice %arg2[%dma_wait3A_322, %dma_wait3A_323] : memref<10000x128xf32, #tpu.memory_space<hbm>> -> memref<10000x128xf32, #tpu.memory_space<hbm>>
      tpu.wait_indirect_dma semaphore(%arg57 : memref<!tpu.dma_semaphore, #tpu.memory_space<semaphore_mem>>) src(%dma_wait3A_324 : memref<10000x128xf32, #tpu.memory_space<hbm>>) dst(%arg36 : memref<32x128xf32, #tpu.memory_space<vmem>>)
      %dma_start3A_325 = arith.constant 0 : i32
      %dma_start3A_326 = arith.constant 0 : i32
      %dma_start3A_327 = tpu.memref_slice %arg37[%dma_start3A_325, %dma_start3A_326] : memref<10000x128xf32, #tpu.memory_space<vmem_shared>> -> memref<10000x128xf32, #tpu.memory_space<vmem_shared>>
      tpu.enqueue_indirect_dma source(%arg36 : memref<32x128xf32, #tpu.memory_space<vmem>>) target(%dma_start3A_327 : memref<10000x128xf32, #tpu.memory_space<vmem_shared>>) offsets(%arg26 : memref<32xi32, #tpu.memory_space<vmem>>) semaphore(%arg67 : memref<!tpu.dma_semaphore, #tpu.memory_space<semaphore_mem>>) {add = true}
      %dma_wait3A_328 = arith.constant 0 : i32
      %dma_wait3A_329 = arith.constant 0 : i32
      %dma_wait3A_330 = tpu.memref_slice %arg37[%dma_wait3A_328, %dma_wait3A_329] : memref<10000x128xf32, #tpu.memory_space<vmem_shared>> -> memref<10000x128xf32, #tpu.memory_space<vmem_shared>>
      tpu.wait_indirect_dma semaphore(%arg58 : memref<!tpu.dma_semaphore, #tpu.memory_space<semaphore_mem>>) src(%arg27 : memref<32x128xf32, #tpu.memory_space<vmem>>) dst(%dma_wait3A_330 : memref<10000x128xf32, #tpu.memory_space<vmem_shared>>)
      %add3A_331 = arith.constant 0 : i32
      %add3A_332 = arith.addi %mul3A_267, %add3A_331 : i32
      %mul3A_333 = arith.constant 32 : i32
      %mul3A_334 = arith.muli %add3A_332, %mul3A_333 : i32
      %add3A_335 = arith.addi %mul3A_2, %mul3A_334 : i32
      %dma_start3A_336 = tpu.memref_slice %arg3[%add3A_335] : memref<327680xi32, #tpu.memory_space<hbm>> -> memref<32xi32, #tpu.memory_space<hbm>>
      %dma_start3A_337 = tpu.memref_slice %arg3[%add3A_335] : memref<327680xi32, #tpu.memory_space<hbm>> -> memref<32xi32, #tpu.memory_space<hbm>>
      tpu.enqueue_dma source(%dma_start3A_337 : memref<32xi32, #tpu.memory_space<hbm>>) target(%arg7 : memref<32xi32, #tpu.memory_space<vmem>>) target_semaphore(%arg38 : memref<!tpu.dma_semaphore, #tpu.memory_space<semaphore_mem>>)
      %dma_start3A_338 = tpu.memref_slice %arg4[%add3A_335] : memref<327680xi32, #tpu.memory_space<hbm>> -> memref<32xi32, #tpu.memory_space<hbm>>
      %dma_start3A_339 = tpu.memref_slice %arg4[%add3A_335] : memref<327680xi32, #tpu.memory_space<hbm>> -> memref<32xi32, #tpu.memory_space<hbm>>
      tpu.enqueue_dma source(%dma_start3A_339 : memref<32xi32, #tpu.memory_space<hbm>>) target(%arg17 : memref<32xi32, #tpu.memory_space<vmem>>) target_semaphore(%arg38 : memref<!tpu.dma_semaphore, #tpu.memory_space<semaphore_mem>>)
      %dma_wait3A_340 = arith.constant 0 : i32
      %dma_wait3A_341 = arith.constant 0 : i32
      %dma_wait3A_342 = tpu.memref_slice %arg37[%dma_wait3A_340, %dma_wait3A_341] : memref<10000x128xf32, #tpu.memory_space<vmem_shared>> -> memref<10000x128xf32, #tpu.memory_space<vmem_shared>>
      tpu.wait_indirect_dma semaphore(%arg59 : memref<!tpu.dma_semaphore, #tpu.memory_space<semaphore_mem>>) src(%arg28 : memref<32x128xf32, #tpu.memory_space<vmem>>) dst(%dma_wait3A_342 : memref<10000x128xf32, #tpu.memory_space<vmem_shared>>)
      %add3A_343 = arith.constant 1 : i32
      %add3A_344 = arith.addi %mul3A_267, %add3A_343 : i32
      %mul3A_345 = arith.constant 32 : i32
      %mul3A_346 = arith.muli %add3A_344, %mul3A_345 : i32
      %add3A_347 = arith.addi %mul3A_2, %mul3A_346 : i32
      %dma_start3A_348 = tpu.memref_slice %arg3[%add3A_347] : memref<327680xi32, #tpu.memory_space<hbm>> -> memref<32xi32, #tpu.memory_space<hbm>>
      %dma_start3A_349 = tpu.memref_slice %arg3[%add3A_347] : memref<327680xi32, #tpu.memory_space<hbm>> -> memref<32xi32, #tpu.memory_space<hbm>>
      tpu.enqueue_dma source(%dma_start3A_349 : memref<32xi32, #tpu.memory_space<hbm>>) target(%arg8 : memref<32xi32, #tpu.memory_space<vmem>>) target_semaphore(%arg39 : memref<!tpu.dma_semaphore, #tpu.memory_space<semaphore_mem>>)
      %dma_start3A_350 = tpu.memref_slice %arg4[%add3A_347] : memref<327680xi32, #tpu.memory_space<hbm>> -> memref<32xi32, #tpu.memory_space<hbm>>
      %dma_start3A_351 = tpu.memref_slice %arg4[%add3A_347] : memref<327680xi32, #tpu.memory_space<hbm>> -> memref<32xi32, #tpu.memory_space<hbm>>
      tpu.enqueue_dma source(%dma_start3A_351 : memref<32xi32, #tpu.memory_space<hbm>>) target(%arg18 : memref<32xi32, #tpu.memory_space<vmem>>) target_semaphore(%arg39 : memref<!tpu.dma_semaphore, #tpu.memory_space<semaphore_mem>>)
      %dma_wait3A_352 = arith.constant 0 : i32
      %dma_wait3A_353 = arith.constant 0 : i32
      %dma_wait3A_354 = tpu.memref_slice %arg37[%dma_wait3A_352, %dma_wait3A_353] : memref<10000x128xf32, #tpu.memory_space<vmem_shared>> -> memref<10000x128xf32, #tpu.memory_space<vmem_shared>>
      tpu.wait_indirect_dma semaphore(%arg60 : memref<!tpu.dma_semaphore, #tpu.memory_space<semaphore_mem>>) src(%arg29 : memref<32x128xf32, #tpu.memory_space<vmem>>) dst(%dma_wait3A_354 : memref<10000x128xf32, #tpu.memory_space<vmem_shared>>)
      %add3A_355 = arith.constant 2 : i32
      %add3A_356 = arith.addi %mul3A_267, %add3A_355 : i32
      %mul3A_357 = arith.constant 32 : i32
      %mul3A_358 = arith.muli %add3A_356, %mul3A_357 : i32
      %add3A_359 = arith.addi %mul3A_2, %mul3A_358 : i32
      %dma_start3A_360 = tpu.memref_slice %arg3[%add3A_359] : memref<327680xi32, #tpu.memory_space<hbm>> -> memref<32xi32, #tpu.memory_space<hbm>>
      %dma_start3A_361 = tpu.memref_slice %arg3[%add3A_359] : memref<327680xi32, #tpu.memory_space<hbm>> -> memref<32xi32, #tpu.memory_space<hbm>>
      tpu.enqueue_dma source(%dma_start3A_361 : memref<32xi32, #tpu.memory_space<hbm>>) target(%arg9 : memref<32xi32, #tpu.memory_space<vmem>>) target_semaphore(%arg40 : memref<!tpu.dma_semaphore, #tpu.memory_space<semaphore_mem>>)
      %dma_start3A_362 = tpu.memref_slice %arg4[%add3A_359] : memref<327680xi32, #tpu.memory_space<hbm>> -> memref<32xi32, #tpu.memory_space<hbm>>
      %dma_start3A_363 = tpu.memref_slice %arg4[%add3A_359] : memref<327680xi32, #tpu.memory_space<hbm>> -> memref<32xi32, #tpu.memory_space<hbm>>
      tpu.enqueue_dma source(%dma_start3A_363 : memref<32xi32, #tpu.memory_space<hbm>>) target(%arg19 : memref<32xi32, #tpu.memory_space<vmem>>) target_semaphore(%arg40 : memref<!tpu.dma_semaphore, #tpu.memory_space<semaphore_mem>>)
      %dma_wait3A_364 = arith.constant 0 : i32
      %dma_wait3A_365 = arith.constant 0 : i32
      %dma_wait3A_366 = tpu.memref_slice %arg37[%dma_wait3A_364, %dma_wait3A_365] : memref<10000x128xf32, #tpu.memory_space<vmem_shared>> -> memref<10000x128xf32, #tpu.memory_space<vmem_shared>>
      tpu.wait_indirect_dma semaphore(%arg61 : memref<!tpu.dma_semaphore, #tpu.memory_space<semaphore_mem>>) src(%arg30 : memref<32x128xf32, #tpu.memory_space<vmem>>) dst(%dma_wait3A_366 : memref<10000x128xf32, #tpu.memory_space<vmem_shared>>)
      %add3A_367 = arith.constant 3 : i32
      %add3A_368 = arith.addi %mul3A_267, %add3A_367 : i32
      %mul3A_369 = arith.constant 32 : i32
      %mul3A_370 = arith.muli %add3A_368, %mul3A_369 : i32
      %add3A_371 = arith.addi %mul3A_2, %mul3A_370 : i32
      %dma_start3A_372 = tpu.memref_slice %arg3[%add3A_371] : memref<327680xi32, #tpu.memory_space<hbm>> -> memref<32xi32, #tpu.memory_space<hbm>>
      %dma_start3A_373 = tpu.memref_slice %arg3[%add3A_371] : memref<327680xi32, #tpu.memory_space<hbm>> -> memref<32xi32, #tpu.memory_space<hbm>>
      tpu.enqueue_dma source(%dma_start3A_373 : memref<32xi32, #tpu.memory_space<hbm>>) target(%arg10 : memref<32xi32, #tpu.memory_space<vmem>>) target_semaphore(%arg41 : memref<!tpu.dma_semaphore, #tpu.memory_space<semaphore_mem>>)
      %dma_start3A_374 = tpu.memref_slice %arg4[%add3A_371] : memref<327680xi32, #tpu.memory_space<hbm>> -> memref<32xi32, #tpu.memory_space<hbm>>
      %dma_start3A_375 = tpu.memref_slice %arg4[%add3A_371] : memref<327680xi32, #tpu.memory_space<hbm>> -> memref<32xi32, #tpu.memory_space<hbm>>
      tpu.enqueue_dma source(%dma_start3A_375 : memref<32xi32, #tpu.memory_space<hbm>>) target(%arg20 : memref<32xi32, #tpu.memory_space<vmem>>) target_semaphore(%arg41 : memref<!tpu.dma_semaphore, #tpu.memory_space<semaphore_mem>>)
      %dma_wait3A_376 = arith.constant 0 : i32
      %dma_wait3A_377 = arith.constant 0 : i32
      %dma_wait3A_378 = tpu.memref_slice %arg37[%dma_wait3A_376, %dma_wait3A_377] : memref<10000x128xf32, #tpu.memory_space<vmem_shared>> -> memref<10000x128xf32, #tpu.memory_space<vmem_shared>>
      tpu.wait_indirect_dma semaphore(%arg62 : memref<!tpu.dma_semaphore, #tpu.memory_space<semaphore_mem>>) src(%arg31 : memref<32x128xf32, #tpu.memory_space<vmem>>) dst(%dma_wait3A_378 : memref<10000x128xf32, #tpu.memory_space<vmem_shared>>)
      %add3A_379 = arith.constant 4 : i32
      %add3A_380 = arith.addi %mul3A_267, %add3A_379 : i32
      %mul3A_381 = arith.constant 32 : i32
      %mul3A_382 = arith.muli %add3A_380, %mul3A_381 : i32
      %add3A_383 = arith.addi %mul3A_2, %mul3A_382 : i32
      %dma_start3A_384 = tpu.memref_slice %arg3[%add3A_383] : memref<327680xi32, #tpu.memory_space<hbm>> -> memref<32xi32, #tpu.memory_space<hbm>>
      %dma_start3A_385 = tpu.memref_slice %arg3[%add3A_383] : memref<327680xi32, #tpu.memory_space<hbm>> -> memref<32xi32, #tpu.memory_space<hbm>>
      tpu.enqueue_dma source(%dma_start3A_385 : memref<32xi32, #tpu.memory_space<hbm>>) target(%arg11 : memref<32xi32, #tpu.memory_space<vmem>>) target_semaphore(%arg42 : memref<!tpu.dma_semaphore, #tpu.memory_space<semaphore_mem>>)
      %dma_start3A_386 = tpu.memref_slice %arg4[%add3A_383] : memref<327680xi32, #tpu.memory_space<hbm>> -> memref<32xi32, #tpu.memory_space<hbm>>
      %dma_start3A_387 = tpu.memref_slice %arg4[%add3A_383] : memref<327680xi32, #tpu.memory_space<hbm>> -> memref<32xi32, #tpu.memory_space<hbm>>
      tpu.enqueue_dma source(%dma_start3A_387 : memref<32xi32, #tpu.memory_space<hbm>>) target(%arg21 : memref<32xi32, #tpu.memory_space<vmem>>) target_semaphore(%arg42 : memref<!tpu.dma_semaphore, #tpu.memory_space<semaphore_mem>>)
      %dma_wait3A_388 = arith.constant 0 : i32
      %dma_wait3A_389 = arith.constant 0 : i32
      %dma_wait3A_390 = tpu.memref_slice %arg37[%dma_wait3A_388, %dma_wait3A_389] : memref<10000x128xf32, #tpu.memory_space<vmem_shared>> -> memref<10000x128xf32, #tpu.memory_space<vmem_shared>>
      tpu.wait_indirect_dma semaphore(%arg63 : memref<!tpu.dma_semaphore, #tpu.memory_space<semaphore_mem>>) src(%arg32 : memref<32x128xf32, #tpu.memory_space<vmem>>) dst(%dma_wait3A_390 : memref<10000x128xf32, #tpu.memory_space<vmem_shared>>)
      %add3A_391 = arith.constant 5 : i32
      %add3A_392 = arith.addi %mul3A_267, %add3A_391 : i32
      %mul3A_393 = arith.constant 32 : i32
      %mul3A_394 = arith.muli %add3A_392, %mul3A_393 : i32
      %add3A_395 = arith.addi %mul3A_2, %mul3A_394 : i32
      %dma_start3A_396 = tpu.memref_slice %arg3[%add3A_395] : memref<327680xi32, #tpu.memory_space<hbm>> -> memref<32xi32, #tpu.memory_space<hbm>>
      %dma_start3A_397 = tpu.memref_slice %arg3[%add3A_395] : memref<327680xi32, #tpu.memory_space<hbm>> -> memref<32xi32, #tpu.memory_space<hbm>>
      tpu.enqueue_dma source(%dma_start3A_397 : memref<32xi32, #tpu.memory_space<hbm>>) target(%arg12 : memref<32xi32, #tpu.memory_space<vmem>>) target_semaphore(%arg43 : memref<!tpu.dma_semaphore, #tpu.memory_space<semaphore_mem>>)
      %dma_start3A_398 = tpu.memref_slice %arg4[%add3A_395] : memref<327680xi32, #tpu.memory_space<hbm>> -> memref<32xi32, #tpu.memory_space<hbm>>
      %dma_start3A_399 = tpu.memref_slice %arg4[%add3A_395] : memref<327680xi32, #tpu.memory_space<hbm>> -> memref<32xi32, #tpu.memory_space<hbm>>
      tpu.enqueue_dma source(%dma_start3A_399 : memref<32xi32, #tpu.memory_space<hbm>>) target(%arg22 : memref<32xi32, #tpu.memory_space<vmem>>) target_semaphore(%arg43 : memref<!tpu.dma_semaphore, #tpu.memory_space<semaphore_mem>>)
      %dma_wait3A_400 = arith.constant 0 : i32
      %dma_wait3A_401 = arith.constant 0 : i32
      %dma_wait3A_402 = tpu.memref_slice %arg37[%dma_wait3A_400, %dma_wait3A_401] : memref<10000x128xf32, #tpu.memory_space<vmem_shared>> -> memref<10000x128xf32, #tpu.memory_space<vmem_shared>>
      tpu.wait_indirect_dma semaphore(%arg64 : memref<!tpu.dma_semaphore, #tpu.memory_space<semaphore_mem>>) src(%arg33 : memref<32x128xf32, #tpu.memory_space<vmem>>) dst(%dma_wait3A_402 : memref<10000x128xf32, #tpu.memory_space<vmem_shared>>)
      %add3A_403 = arith.constant 6 : i32
      %add3A_404 = arith.addi %mul3A_267, %add3A_403 : i32
      %mul3A_405 = arith.constant 32 : i32
      %mul3A_406 = arith.muli %add3A_404, %mul3A_405 : i32
      %add3A_407 = arith.addi %mul3A_2, %mul3A_406 : i32
      %dma_start3A_408 = tpu.memref_slice %arg3[%add3A_407] : memref<327680xi32, #tpu.memory_space<hbm>> -> memref<32xi32, #tpu.memory_space<hbm>>
      %dma_start3A_409 = tpu.memref_slice %arg3[%add3A_407] : memref<327680xi32, #tpu.memory_space<hbm>> -> memref<32xi32, #tpu.memory_space<hbm>>
      tpu.enqueue_dma source(%dma_start3A_409 : memref<32xi32, #tpu.memory_space<hbm>>) target(%arg13 : memref<32xi32, #tpu.memory_space<vmem>>) target_semaphore(%arg44 : memref<!tpu.dma_semaphore, #tpu.memory_space<semaphore_mem>>)
      %dma_start3A_410 = tpu.memref_slice %arg4[%add3A_407] : memref<327680xi32, #tpu.memory_space<hbm>> -> memref<32xi32, #tpu.memory_space<hbm>>
      %dma_start3A_411 = tpu.memref_slice %arg4[%add3A_407] : memref<327680xi32, #tpu.memory_space<hbm>> -> memref<32xi32, #tpu.memory_space<hbm>>
      tpu.enqueue_dma source(%dma_start3A_411 : memref<32xi32, #tpu.memory_space<hbm>>) target(%arg23 : memref<32xi32, #tpu.memory_space<vmem>>) target_semaphore(%arg44 : memref<!tpu.dma_semaphore, #tpu.memory_space<semaphore_mem>>)
      %dma_wait3A_412 = arith.constant 0 : i32
      %dma_wait3A_413 = arith.constant 0 : i32
      %dma_wait3A_414 = tpu.memref_slice %arg37[%dma_wait3A_412, %dma_wait3A_413] : memref<10000x128xf32, #tpu.memory_space<vmem_shared>> -> memref<10000x128xf32, #tpu.memory_space<vmem_shared>>
      tpu.wait_indirect_dma semaphore(%arg65 : memref<!tpu.dma_semaphore, #tpu.memory_space<semaphore_mem>>) src(%arg34 : memref<32x128xf32, #tpu.memory_space<vmem>>) dst(%dma_wait3A_414 : memref<10000x128xf32, #tpu.memory_space<vmem_shared>>)
      %add3A_415 = arith.constant 7 : i32
      %add3A_416 = arith.addi %mul3A_267, %add3A_415 : i32
      %mul3A_417 = arith.constant 32 : i32
      %mul3A_418 = arith.muli %add3A_416, %mul3A_417 : i32
      %add3A_419 = arith.addi %mul3A_2, %mul3A_418 : i32
      %dma_start3A_420 = tpu.memref_slice %arg3[%add3A_419] : memref<327680xi32, #tpu.memory_space<hbm>> -> memref<32xi32, #tpu.memory_space<hbm>>
      %dma_start3A_421 = tpu.memref_slice %arg3[%add3A_419] : memref<327680xi32, #tpu.memory_space<hbm>> -> memref<32xi32, #tpu.memory_space<hbm>>
      tpu.enqueue_dma source(%dma_start3A_421 : memref<32xi32, #tpu.memory_space<hbm>>) target(%arg14 : memref<32xi32, #tpu.memory_space<vmem>>) target_semaphore(%arg45 : memref<!tpu.dma_semaphore, #tpu.memory_space<semaphore_mem>>)
      %dma_start3A_422 = tpu.memref_slice %arg4[%add3A_419] : memref<327680xi32, #tpu.memory_space<hbm>> -> memref<32xi32, #tpu.memory_space<hbm>>
      %dma_start3A_423 = tpu.memref_slice %arg4[%add3A_419] : memref<327680xi32, #tpu.memory_space<hbm>> -> memref<32xi32, #tpu.memory_space<hbm>>
      tpu.enqueue_dma source(%dma_start3A_423 : memref<32xi32, #tpu.memory_space<hbm>>) target(%arg24 : memref<32xi32, #tpu.memory_space<vmem>>) target_semaphore(%arg45 : memref<!tpu.dma_semaphore, #tpu.memory_space<semaphore_mem>>)
      %dma_wait3A_424 = arith.constant 0 : i32
      %dma_wait3A_425 = arith.constant 0 : i32
      %dma_wait3A_426 = tpu.memref_slice %arg37[%dma_wait3A_424, %dma_wait3A_425] : memref<10000x128xf32, #tpu.memory_space<vmem_shared>> -> memref<10000x128xf32, #tpu.memory_space<vmem_shared>>
      tpu.wait_indirect_dma semaphore(%arg66 : memref<!tpu.dma_semaphore, #tpu.memory_space<semaphore_mem>>) src(%arg35 : memref<32x128xf32, #tpu.memory_space<vmem>>) dst(%dma_wait3A_426 : memref<10000x128xf32, #tpu.memory_space<vmem_shared>>)
      %add3A_427 = arith.constant 8 : i32
      %add3A_428 = arith.addi %mul3A_267, %add3A_427 : i32
      %mul3A_429 = arith.constant 32 : i32
      %mul3A_430 = arith.muli %add3A_428, %mul3A_429 : i32
      %add3A_431 = arith.addi %mul3A_2, %mul3A_430 : i32
      %dma_start3A_432 = tpu.memref_slice %arg3[%add3A_431] : memref<327680xi32, #tpu.memory_space<hbm>> -> memref<32xi32, #tpu.memory_space<hbm>>
      %dma_start3A_433 = tpu.memref_slice %arg3[%add3A_431] : memref<327680xi32, #tpu.memory_space<hbm>> -> memref<32xi32, #tpu.memory_space<hbm>>
      tpu.enqueue_dma source(%dma_start3A_433 : memref<32xi32, #tpu.memory_space<hbm>>) target(%arg15 : memref<32xi32, #tpu.memory_space<vmem>>) target_semaphore(%arg46 : memref<!tpu.dma_semaphore, #tpu.memory_space<semaphore_mem>>)
      %dma_start3A_434 = tpu.memref_slice %arg4[%add3A_431] : memref<327680xi32, #tpu.memory_space<hbm>> -> memref<32xi32, #tpu.memory_space<hbm>>
      %dma_start3A_435 = tpu.memref_slice %arg4[%add3A_431] : memref<327680xi32, #tpu.memory_space<hbm>> -> memref<32xi32, #tpu.memory_space<hbm>>
      tpu.enqueue_dma source(%dma_start3A_435 : memref<32xi32, #tpu.memory_space<hbm>>) target(%arg25 : memref<32xi32, #tpu.memory_space<vmem>>) target_semaphore(%arg46 : memref<!tpu.dma_semaphore, #tpu.memory_space<semaphore_mem>>)
      %dma_wait3A_436 = arith.constant 0 : i32
      %dma_wait3A_437 = arith.constant 0 : i32
      %dma_wait3A_438 = tpu.memref_slice %arg37[%dma_wait3A_436, %dma_wait3A_437] : memref<10000x128xf32, #tpu.memory_space<vmem_shared>> -> memref<10000x128xf32, #tpu.memory_space<vmem_shared>>
      tpu.wait_indirect_dma semaphore(%arg67 : memref<!tpu.dma_semaphore, #tpu.memory_space<semaphore_mem>>) src(%arg36 : memref<32x128xf32, #tpu.memory_space<vmem>>) dst(%dma_wait3A_438 : memref<10000x128xf32, #tpu.memory_space<vmem_shared>>)
      %add3A_439 = arith.constant 9 : i32
      %add3A_440 = arith.addi %mul3A_267, %add3A_439 : i32
      %mul3A_441 = arith.constant 32 : i32
      %mul3A_442 = arith.muli %add3A_440, %mul3A_441 : i32
      %add3A_443 = arith.addi %mul3A_2, %mul3A_442 : i32
      %dma_start3A_444 = tpu.memref_slice %arg3[%add3A_443] : memref<327680xi32, #tpu.memory_space<hbm>> -> memref<32xi32, #tpu.memory_space<hbm>>
      %dma_start3A_445 = tpu.memref_slice %arg3[%add3A_443] : memref<327680xi32, #tpu.memory_space<hbm>> -> memref<32xi32, #tpu.memory_space<hbm>>
      tpu.enqueue_dma source(%dma_start3A_445 : memref<32xi32, #tpu.memory_space<hbm>>) target(%arg16 : memref<32xi32, #tpu.memory_space<vmem>>) target_semaphore(%arg47 : memref<!tpu.dma_semaphore, #tpu.memory_space<semaphore_mem>>)
      %dma_start3A_446 = tpu.memref_slice %arg4[%add3A_443] : memref<327680xi32, #tpu.memory_space<hbm>> -> memref<32xi32, #tpu.memory_space<hbm>>
      %dma_start3A_447 = tpu.memref_slice %arg4[%add3A_443] : memref<327680xi32, #tpu.memory_space<hbm>> -> memref<32xi32, #tpu.memory_space<hbm>>
      tpu.enqueue_dma source(%dma_start3A_447 : memref<32xi32, #tpu.memory_space<hbm>>) target(%arg26 : memref<32xi32, #tpu.memory_space<vmem>>) target_semaphore(%arg47 : memref<!tpu.dma_semaphore, #tpu.memory_space<semaphore_mem>>)
      %add3A_448 = arith.constant 0 : i32
      %add3A_449 = arith.addi %mul3A_267, %add3A_448 : i32
      %mul3A_450 = arith.constant 32 : i32
      %mul3A_451 = arith.muli %add3A_449, %mul3A_450 : i32
      %add3A_452 = arith.addi %mul3A_2, %mul3A_451 : i32
      %dma_wait3A_453 = tpu.memref_slice %arg3[%add3A_452] : memref<327680xi32, #tpu.memory_space<hbm>> -> memref<32xi32, #tpu.memory_space<hbm>>
      %dma_wait3A_454 = tpu.memref_slice %arg3[%add3A_452] : memref<327680xi32, #tpu.memory_space<hbm>> -> memref<32xi32, #tpu.memory_space<hbm>>
      tpu.wait_dma2 semaphore(%arg38 : memref<!tpu.dma_semaphore, #tpu.memory_space<semaphore_mem>>) src(%dma_wait3A_454 : memref<32xi32, #tpu.memory_space<hbm>>) dst(%arg7 : memref<32xi32, #tpu.memory_space<vmem>>)
      %dma_wait3A_455 = tpu.memref_slice %arg4[%add3A_452] : memref<327680xi32, #tpu.memory_space<hbm>> -> memref<32xi32, #tpu.memory_space<hbm>>
      %dma_wait3A_456 = tpu.memref_slice %arg4[%add3A_452] : memref<327680xi32, #tpu.memory_space<hbm>> -> memref<32xi32, #tpu.memory_space<hbm>>
      tpu.wait_dma2 semaphore(%arg38 : memref<!tpu.dma_semaphore, #tpu.memory_space<semaphore_mem>>) src(%dma_wait3A_456 : memref<32xi32, #tpu.memory_space<hbm>>) dst(%arg17 : memref<32xi32, #tpu.memory_space<vmem>>)
      %dma_start3A_457 = arith.constant 0 : i32
      %dma_start3A_458 = arith.constant 0 : i32
      %dma_start3A_459 = tpu.memref_slice %arg2[%dma_start3A_457, %dma_start3A_458] : memref<10000x128xf32, #tpu.memory_space<hbm>> -> memref<10000x128xf32, #tpu.memory_space<hbm>>
      tpu.enqueue_indirect_dma source(%dma_start3A_459 : memref<10000x128xf32, #tpu.memory_space<hbm>>) target(%arg27 : memref<32x128xf32, #tpu.memory_space<vmem>>) offsets(%arg7 : memref<32xi32, #tpu.memory_space<vmem>>) semaphore(%arg48 : memref<!tpu.dma_semaphore, #tpu.memory_space<semaphore_mem>>)
      %add3A_460 = arith.constant 1 : i32
      %add3A_461 = arith.addi %mul3A_267, %add3A_460 : i32
      %mul3A_462 = arith.constant 32 : i32
      %mul3A_463 = arith.muli %add3A_461, %mul3A_462 : i32
      %add3A_464 = arith.addi %mul3A_2, %mul3A_463 : i32
      %dma_wait3A_465 = tpu.memref_slice %arg3[%add3A_464] : memref<327680xi32, #tpu.memory_space<hbm>> -> memref<32xi32, #tpu.memory_space<hbm>>
      %dma_wait3A_466 = tpu.memref_slice %arg3[%add3A_464] : memref<327680xi32, #tpu.memory_space<hbm>> -> memref<32xi32, #tpu.memory_space<hbm>>
      tpu.wait_dma2 semaphore(%arg39 : memref<!tpu.dma_semaphore, #tpu.memory_space<semaphore_mem>>) src(%dma_wait3A_466 : memref<32xi32, #tpu.memory_space<hbm>>) dst(%arg8 : memref<32xi32, #tpu.memory_space<vmem>>)
      %dma_wait3A_467 = tpu.memref_slice %arg4[%add3A_464] : memref<327680xi32, #tpu.memory_space<hbm>> -> memref<32xi32, #tpu.memory_space<hbm>>
      %dma_wait3A_468 = tpu.memref_slice %arg4[%add3A_464] : memref<327680xi32, #tpu.memory_space<hbm>> -> memref<32xi32, #tpu.memory_space<hbm>>
      tpu.wait_dma2 semaphore(%arg39 : memref<!tpu.dma_semaphore, #tpu.memory_space<semaphore_mem>>) src(%dma_wait3A_468 : memref<32xi32, #tpu.memory_space<hbm>>) dst(%arg18 : memref<32xi32, #tpu.memory_space<vmem>>)
      %dma_start3A_469 = arith.constant 0 : i32
      %dma_start3A_470 = arith.constant 0 : i32
      %dma_start3A_471 = tpu.memref_slice %arg2[%dma_start3A_469, %dma_start3A_470] : memref<10000x128xf32, #tpu.memory_space<hbm>> -> memref<10000x128xf32, #tpu.memory_space<hbm>>
      tpu.enqueue_indirect_dma source(%dma_start3A_471 : memref<10000x128xf32, #tpu.memory_space<hbm>>) target(%arg28 : memref<32x128xf32, #tpu.memory_space<vmem>>) offsets(%arg8 : memref<32xi32, #tpu.memory_space<vmem>>) semaphore(%arg49 : memref<!tpu.dma_semaphore, #tpu.memory_space<semaphore_mem>>)
      %add3A_472 = arith.constant 2 : i32
      %add3A_473 = arith.addi %mul3A_267, %add3A_472 : i32
      %mul3A_474 = arith.constant 32 : i32
      %mul3A_475 = arith.muli %add3A_473, %mul3A_474 : i32
      %add3A_476 = arith.addi %mul3A_2, %mul3A_475 : i32
      %dma_wait3A_477 = tpu.memref_slice %arg3[%add3A_476] : memref<327680xi32, #tpu.memory_space<hbm>> -> memref<32xi32, #tpu.memory_space<hbm>>
      %dma_wait3A_478 = tpu.memref_slice %arg3[%add3A_476] : memref<327680xi32, #tpu.memory_space<hbm>> -> memref<32xi32, #tpu.memory_space<hbm>>
      tpu.wait_dma2 semaphore(%arg40 : memref<!tpu.dma_semaphore, #tpu.memory_space<semaphore_mem>>) src(%dma_wait3A_478 : memref<32xi32, #tpu.memory_space<hbm>>) dst(%arg9 : memref<32xi32, #tpu.memory_space<vmem>>)
      %dma_wait3A_479 = tpu.memref_slice %arg4[%add3A_476] : memref<327680xi32, #tpu.memory_space<hbm>> -> memref<32xi32, #tpu.memory_space<hbm>>
      %dma_wait3A_480 = tpu.memref_slice %arg4[%add3A_476] : memref<327680xi32, #tpu.memory_space<hbm>> -> memref<32xi32, #tpu.memory_space<hbm>>
      tpu.wait_dma2 semaphore(%arg40 : memref<!tpu.dma_semaphore, #tpu.memory_space<semaphore_mem>>) src(%dma_wait3A_480 : memref<32xi32, #tpu.memory_space<hbm>>) dst(%arg19 : memref<32xi32, #tpu.memory_space<vmem>>)
      %dma_start3A_481 = arith.constant 0 : i32
      %dma_start3A_482 = arith.constant 0 : i32
      %dma_start3A_483 = tpu.memref_slice %arg2[%dma_start3A_481, %dma_start3A_482] : memref<10000x128xf32, #tpu.memory_space<hbm>> -> memref<10000x128xf32, #tpu.memory_space<hbm>>
      tpu.enqueue_indirect_dma source(%dma_start3A_483 : memref<10000x128xf32, #tpu.memory_space<hbm>>) target(%arg29 : memref<32x128xf32, #tpu.memory_space<vmem>>) offsets(%arg9 : memref<32xi32, #tpu.memory_space<vmem>>) semaphore(%arg50 : memref<!tpu.dma_semaphore, #tpu.memory_space<semaphore_mem>>)
      %add3A_484 = arith.constant 3 : i32
      %add3A_485 = arith.addi %mul3A_267, %add3A_484 : i32
      %mul3A_486 = arith.constant 32 : i32
      %mul3A_487 = arith.muli %add3A_485, %mul3A_486 : i32
      %add3A_488 = arith.addi %mul3A_2, %mul3A_487 : i32
      %dma_wait3A_489 = tpu.memref_slice %arg3[%add3A_488] : memref<327680xi32, #tpu.memory_space<hbm>> -> memref<32xi32, #tpu.memory_space<hbm>>
      %dma_wait3A_490 = tpu.memref_slice %arg3[%add3A_488] : memref<327680xi32, #tpu.memory_space<hbm>> -> memref<32xi32, #tpu.memory_space<hbm>>
      tpu.wait_dma2 semaphore(%arg41 : memref<!tpu.dma_semaphore, #tpu.memory_space<semaphore_mem>>) src(%dma_wait3A_490 : memref<32xi32, #tpu.memory_space<hbm>>) dst(%arg10 : memref<32xi32, #tpu.memory_space<vmem>>)
      %dma_wait3A_491 = tpu.memref_slice %arg4[%add3A_488] : memref<327680xi32, #tpu.memory_space<hbm>> -> memref<32xi32, #tpu.memory_space<hbm>>
      %dma_wait3A_492 = tpu.memref_slice %arg4[%add3A_488] : memref<327680xi32, #tpu.memory_space<hbm>> -> memref<32xi32, #tpu.memory_space<hbm>>
      tpu.wait_dma2 semaphore(%arg41 : memref<!tpu.dma_semaphore, #tpu.memory_space<semaphore_mem>>) src(%dma_wait3A_492 : memref<32xi32, #tpu.memory_space<hbm>>) dst(%arg20 : memref<32xi32, #tpu.memory_space<vmem>>)
      %dma_start3A_493 = arith.constant 0 : i32
      %dma_start3A_494 = arith.constant 0 : i32
      %dma_start3A_495 = tpu.memref_slice %arg2[%dma_start3A_493, %dma_start3A_494] : memref<10000x128xf32, #tpu.memory_space<hbm>> -> memref<10000x128xf32, #tpu.memory_space<hbm>>
      tpu.enqueue_indirect_dma source(%dma_start3A_495 : memref<10000x128xf32, #tpu.memory_space<hbm>>) target(%arg30 : memref<32x128xf32, #tpu.memory_space<vmem>>) offsets(%arg10 : memref<32xi32, #tpu.memory_space<vmem>>) semaphore(%arg51 : memref<!tpu.dma_semaphore, #tpu.memory_space<semaphore_mem>>)
      %add3A_496 = arith.constant 4 : i32
      %add3A_497 = arith.addi %mul3A_267, %add3A_496 : i32
      %mul3A_498 = arith.constant 32 : i32
      %mul3A_499 = arith.muli %add3A_497, %mul3A_498 : i32
      %add3A_500 = arith.addi %mul3A_2, %mul3A_499 : i32
      %dma_wait3A_501 = tpu.memref_slice %arg3[%add3A_500] : memref<327680xi32, #tpu.memory_space<hbm>> -> memref<32xi32, #tpu.memory_space<hbm>>
      %dma_wait3A_502 = tpu.memref_slice %arg3[%add3A_500] : memref<327680xi32, #tpu.memory_space<hbm>> -> memref<32xi32, #tpu.memory_space<hbm>>
      tpu.wait_dma2 semaphore(%arg42 : memref<!tpu.dma_semaphore, #tpu.memory_space<semaphore_mem>>) src(%dma_wait3A_502 : memref<32xi32, #tpu.memory_space<hbm>>) dst(%arg11 : memref<32xi32, #tpu.memory_space<vmem>>)
      %dma_wait3A_503 = tpu.memref_slice %arg4[%add3A_500] : memref<327680xi32, #tpu.memory_space<hbm>> -> memref<32xi32, #tpu.memory_space<hbm>>
      %dma_wait3A_504 = tpu.memref_slice %arg4[%add3A_500] : memref<327680xi32, #tpu.memory_space<hbm>> -> memref<32xi32, #tpu.memory_space<hbm>>
      tpu.wait_dma2 semaphore(%arg42 : memref<!tpu.dma_semaphore, #tpu.memory_space<semaphore_mem>>) src(%dma_wait3A_504 : memref<32xi32, #tpu.memory_space<hbm>>) dst(%arg21 : memref<32xi32, #tpu.memory_space<vmem>>)
      %dma_start3A_505 = arith.constant 0 : i32
      %dma_start3A_506 = arith.constant 0 : i32
      %dma_start3A_507 = tpu.memref_slice %arg2[%dma_start3A_505, %dma_start3A_506] : memref<10000x128xf32, #tpu.memory_space<hbm>> -> memref<10000x128xf32, #tpu.memory_space<hbm>>
      tpu.enqueue_indirect_dma source(%dma_start3A_507 : memref<10000x128xf32, #tpu.memory_space<hbm>>) target(%arg31 : memref<32x128xf32, #tpu.memory_space<vmem>>) offsets(%arg11 : memref<32xi32, #tpu.memory_space<vmem>>) semaphore(%arg52 : memref<!tpu.dma_semaphore, #tpu.memory_space<semaphore_mem>>)
      %add3A_508 = arith.constant 5 : i32
      %add3A_509 = arith.addi %mul3A_267, %add3A_508 : i32
      %mul3A_510 = arith.constant 32 : i32
      %mul3A_511 = arith.muli %add3A_509, %mul3A_510 : i32
      %add3A_512 = arith.addi %mul3A_2, %mul3A_511 : i32
      %dma_wait3A_513 = tpu.memref_slice %arg3[%add3A_512] : memref<327680xi32, #tpu.memory_space<hbm>> -> memref<32xi32, #tpu.memory_space<hbm>>
      %dma_wait3A_514 = tpu.memref_slice %arg3[%add3A_512] : memref<327680xi32, #tpu.memory_space<hbm>> -> memref<32xi32, #tpu.memory_space<hbm>>
      tpu.wait_dma2 semaphore(%arg43 : memref<!tpu.dma_semaphore, #tpu.memory_space<semaphore_mem>>) src(%dma_wait3A_514 : memref<32xi32, #tpu.memory_space<hbm>>) dst(%arg12 : memref<32xi32, #tpu.memory_space<vmem>>)
      %dma_wait3A_515 = tpu.memref_slice %arg4[%add3A_512] : memref<327680xi32, #tpu.memory_space<hbm>> -> memref<32xi32, #tpu.memory_space<hbm>>
      %dma_wait3A_516 = tpu.memref_slice %arg4[%add3A_512] : memref<327680xi32, #tpu.memory_space<hbm>> -> memref<32xi32, #tpu.memory_space<hbm>>
      tpu.wait_dma2 semaphore(%arg43 : memref<!tpu.dma_semaphore, #tpu.memory_space<semaphore_mem>>) src(%dma_wait3A_516 : memref<32xi32, #tpu.memory_space<hbm>>) dst(%arg22 : memref<32xi32, #tpu.memory_space<vmem>>)
      %dma_start3A_517 = arith.constant 0 : i32
      %dma_start3A_518 = arith.constant 0 : i32
      %dma_start3A_519 = tpu.memref_slice %arg2[%dma_start3A_517, %dma_start3A_518] : memref<10000x128xf32, #tpu.memory_space<hbm>> -> memref<10000x128xf32, #tpu.memory_space<hbm>>
      tpu.enqueue_indirect_dma source(%dma_start3A_519 : memref<10000x128xf32, #tpu.memory_space<hbm>>) target(%arg32 : memref<32x128xf32, #tpu.memory_space<vmem>>) offsets(%arg12 : memref<32xi32, #tpu.memory_space<vmem>>) semaphore(%arg53 : memref<!tpu.dma_semaphore, #tpu.memory_space<semaphore_mem>>)
      %add3A_520 = arith.constant 6 : i32
      %add3A_521 = arith.addi %mul3A_267, %add3A_520 : i32
      %mul3A_522 = arith.constant 32 : i32
      %mul3A_523 = arith.muli %add3A_521, %mul3A_522 : i32
      %add3A_524 = arith.addi %mul3A_2, %mul3A_523 : i32
      %dma_wait3A_525 = tpu.memref_slice %arg3[%add3A_524] : memref<327680xi32, #tpu.memory_space<hbm>> -> memref<32xi32, #tpu.memory_space<hbm>>
      %dma_wait3A_526 = tpu.memref_slice %arg3[%add3A_524] : memref<327680xi32, #tpu.memory_space<hbm>> -> memref<32xi32, #tpu.memory_space<hbm>>
      tpu.wait_dma2 semaphore(%arg44 : memref<!tpu.dma_semaphore, #tpu.memory_space<semaphore_mem>>) src(%dma_wait3A_526 : memref<32xi32, #tpu.memory_space<hbm>>) dst(%arg13 : memref<32xi32, #tpu.memory_space<vmem>>)
      %dma_wait3A_527 = tpu.memref_slice %arg4[%add3A_524] : memref<327680xi32, #tpu.memory_space<hbm>> -> memref<32xi32, #tpu.memory_space<hbm>>
      %dma_wait3A_528 = tpu.memref_slice %arg4[%add3A_524] : memref<327680xi32, #tpu.memory_space<hbm>> -> memref<32xi32, #tpu.memory_space<hbm>>
      tpu.wait_dma2 semaphore(%arg44 : memref<!tpu.dma_semaphore, #tpu.memory_space<semaphore_mem>>) src(%dma_wait3A_528 : memref<32xi32, #tpu.memory_space<hbm>>) dst(%arg23 : memref<32xi32, #tpu.memory_space<vmem>>)
      %dma_start3A_529 = arith.constant 0 : i32
      %dma_start3A_530 = arith.constant 0 : i32
      %dma_start3A_531 = tpu.memref_slice %arg2[%dma_start3A_529, %dma_start3A_530] : memref<10000x128xf32, #tpu.memory_space<hbm>> -> memref<10000x128xf32, #tpu.memory_space<hbm>>
      tpu.enqueue_indirect_dma source(%dma_start3A_531 : memref<10000x128xf32, #tpu.memory_space<hbm>>) target(%arg33 : memref<32x128xf32, #tpu.memory_space<vmem>>) offsets(%arg13 : memref<32xi32, #tpu.memory_space<vmem>>) semaphore(%arg54 : memref<!tpu.dma_semaphore, #tpu.memory_space<semaphore_mem>>)
      %add3A_532 = arith.constant 7 : i32
      %add3A_533 = arith.addi %mul3A_267, %add3A_532 : i32
      %mul3A_534 = arith.constant 32 : i32
      %mul3A_535 = arith.muli %add3A_533, %mul3A_534 : i32
      %add3A_536 = arith.addi %mul3A_2, %mul3A_535 : i32
      %dma_wait3A_537 = tpu.memref_slice %arg3[%add3A_536] : memref<327680xi32, #tpu.memory_space<hbm>> -> memref<32xi32, #tpu.memory_space<hbm>>
      %dma_wait3A_538 = tpu.memref_slice %arg3[%add3A_536] : memref<327680xi32, #tpu.memory_space<hbm>> -> memref<32xi32, #tpu.memory_space<hbm>>
      tpu.wait_dma2 semaphore(%arg45 : memref<!tpu.dma_semaphore, #tpu.memory_space<semaphore_mem>>) src(%dma_wait3A_538 : memref<32xi32, #tpu.memory_space<hbm>>) dst(%arg14 : memref<32xi32, #tpu.memory_space<vmem>>)
      %dma_wait3A_539 = tpu.memref_slice %arg4[%add3A_536] : memref<327680xi32, #tpu.memory_space<hbm>> -> memref<32xi32, #tpu.memory_space<hbm>>
      %dma_wait3A_540 = tpu.memref_slice %arg4[%add3A_536] : memref<327680xi32, #tpu.memory_space<hbm>> -> memref<32xi32, #tpu.memory_space<hbm>>
      tpu.wait_dma2 semaphore(%arg45 : memref<!tpu.dma_semaphore, #tpu.memory_space<semaphore_mem>>) src(%dma_wait3A_540 : memref<32xi32, #tpu.memory_space<hbm>>) dst(%arg24 : memref<32xi32, #tpu.memory_space<vmem>>)
      %dma_start3A_541 = arith.constant 0 : i32
      %dma_start3A_542 = arith.constant 0 : i32
      %dma_start3A_543 = tpu.memref_slice %arg2[%dma_start3A_541, %dma_start3A_542] : memref<10000x128xf32, #tpu.memory_space<hbm>> -> memref<10000x128xf32, #tpu.memory_space<hbm>>
      tpu.enqueue_indirect_dma source(%dma_start3A_543 : memref<10000x128xf32, #tpu.memory_space<hbm>>) target(%arg34 : memref<32x128xf32, #tpu.memory_space<vmem>>) offsets(%arg14 : memref<32xi32, #tpu.memory_space<vmem>>) semaphore(%arg55 : memref<!tpu.dma_semaphore, #tpu.memory_space<semaphore_mem>>)
      %add3A_544 = arith.constant 8 : i32
      %add3A_545 = arith.addi %mul3A_267, %add3A_544 : i32
      %mul3A_546 = arith.constant 32 : i32
      %mul3A_547 = arith.muli %add3A_545, %mul3A_546 : i32
      %add3A_548 = arith.addi %mul3A_2, %mul3A_547 : i32
      %dma_wait3A_549 = tpu.memref_slice %arg3[%add3A_548] : memref<327680xi32, #tpu.memory_space<hbm>> -> memref<32xi32, #tpu.memory_space<hbm>>
      %dma_wait3A_550 = tpu.memref_slice %arg3[%add3A_548] : memref<327680xi32, #tpu.memory_space<hbm>> -> memref<32xi32, #tpu.memory_space<hbm>>
      tpu.wait_dma2 semaphore(%arg46 : memref<!tpu.dma_semaphore, #tpu.memory_space<semaphore_mem>>) src(%dma_wait3A_550 : memref<32xi32, #tpu.memory_space<hbm>>) dst(%arg15 : memref<32xi32, #tpu.memory_space<vmem>>)
      %dma_wait3A_551 = tpu.memref_slice %arg4[%add3A_548] : memref<327680xi32, #tpu.memory_space<hbm>> -> memref<32xi32, #tpu.memory_space<hbm>>
      %dma_wait3A_552 = tpu.memref_slice %arg4[%add3A_548] : memref<327680xi32, #tpu.memory_space<hbm>> -> memref<32xi32, #tpu.memory_space<hbm>>
      tpu.wait_dma2 semaphore(%arg46 : memref<!tpu.dma_semaphore, #tpu.memory_space<semaphore_mem>>) src(%dma_wait3A_552 : memref<32xi32, #tpu.memory_space<hbm>>) dst(%arg25 : memref<32xi32, #tpu.memory_space<vmem>>)
      %dma_start3A_553 = arith.constant 0 : i32
      %dma_start3A_554 = arith.constant 0 : i32
      %dma_start3A_555 = tpu.memref_slice %arg2[%dma_start3A_553, %dma_start3A_554] : memref<10000x128xf32, #tpu.memory_space<hbm>> -> memref<10000x128xf32, #tpu.memory_space<hbm>>
      tpu.enqueue_indirect_dma source(%dma_start3A_555 : memref<10000x128xf32, #tpu.memory_space<hbm>>) target(%arg35 : memref<32x128xf32, #tpu.memory_space<vmem>>) offsets(%arg15 : memref<32xi32, #tpu.memory_space<vmem>>) semaphore(%arg56 : memref<!tpu.dma_semaphore, #tpu.memory_space<semaphore_mem>>)
      %add3A_556 = arith.constant 9 : i32
      %add3A_557 = arith.addi %mul3A_267, %add3A_556 : i32
      %mul3A_558 = arith.constant 32 : i32
      %mul3A_559 = arith.muli %add3A_557, %mul3A_558 : i32
      %add3A_560 = arith.addi %mul3A_2, %mul3A_559 : i32
      %dma_wait3A_561 = tpu.memref_slice %arg3[%add3A_560] : memref<327680xi32, #tpu.memory_space<hbm>> -> memref<32xi32, #tpu.memory_space<hbm>>
      %dma_wait3A_562 = tpu.memref_slice %arg3[%add3A_560] : memref<327680xi32, #tpu.memory_space<hbm>> -> memref<32xi32, #tpu.memory_space<hbm>>
      tpu.wait_dma2 semaphore(%arg47 : memref<!tpu.dma_semaphore, #tpu.memory_space<semaphore_mem>>) src(%dma_wait3A_562 : memref<32xi32, #tpu.memory_space<hbm>>) dst(%arg16 : memref<32xi32, #tpu.memory_space<vmem>>)
      %dma_wait3A_563 = tpu.memref_slice %arg4[%add3A_560] : memref<327680xi32, #tpu.memory_space<hbm>> -> memref<32xi32, #tpu.memory_space<hbm>>
      %dma_wait3A_564 = tpu.memref_slice %arg4[%add3A_560] : memref<327680xi32, #tpu.memory_space<hbm>> -> memref<32xi32, #tpu.memory_space<hbm>>
      tpu.wait_dma2 semaphore(%arg47 : memref<!tpu.dma_semaphore, #tpu.memory_space<semaphore_mem>>) src(%dma_wait3A_564 : memref<32xi32, #tpu.memory_space<hbm>>) dst(%arg26 : memref<32xi32, #tpu.memory_space<vmem>>)
      %dma_start3A_565 = arith.constant 0 : i32
      %dma_start3A_566 = arith.constant 0 : i32
      %dma_start3A_567 = tpu.memref_slice %arg2[%dma_start3A_565, %dma_start3A_566] : memref<10000x128xf32, #tpu.memory_space<hbm>> -> memref<10000x128xf32, #tpu.memory_space<hbm>>
      tpu.enqueue_indirect_dma source(%dma_start3A_567 : memref<10000x128xf32, #tpu.memory_space<hbm>>) target(%arg36 : memref<32x128xf32, #tpu.memory_space<vmem>>) offsets(%arg16 : memref<32xi32, #tpu.memory_space<vmem>>) semaphore(%arg57 : memref<!tpu.dma_semaphore, #tpu.memory_space<semaphore_mem>>)
      %scan3A_568 = arith.constant 0 : i32
      scf.yield %scan3A_568 : i32
    }
    %scan3A_162 = arith.constant 31 : i32
    %dma_wait3A_163 = arith.constant 0 : i32
    %dma_wait3A_164 = arith.constant 0 : i32
    %dma_wait3A_165 = tpu.memref_slice %arg2[%dma_wait3A_163, %dma_wait3A_164] : memref<10000x128xf32, #tpu.memory_space<hbm>> -> memref<10000x128xf32, #tpu.memory_space<hbm>>
    tpu.wait_indirect_dma semaphore(%arg48 : memref<!tpu.dma_semaphore, #tpu.memory_space<semaphore_mem>>) src(%dma_wait3A_165 : memref<10000x128xf32, #tpu.memory_space<hbm>>) dst(%arg27 : memref<32x128xf32, #tpu.memory_space<vmem>>)
    %dma_start3A_166 = arith.constant 0 : i32
    %dma_start3A_167 = arith.constant 0 : i32
    %dma_start3A_168 = tpu.memref_slice %arg37[%dma_start3A_166, %dma_start3A_167] : memref<10000x128xf32, #tpu.memory_space<vmem_shared>> -> memref<10000x128xf32, #tpu.memory_space<vmem_shared>>
    tpu.enqueue_indirect_dma source(%arg27 : memref<32x128xf32, #tpu.memory_space<vmem>>) target(%dma_start3A_168 : memref<10000x128xf32, #tpu.memory_space<vmem_shared>>) offsets(%arg17 : memref<32xi32, #tpu.memory_space<vmem>>) semaphore(%arg58 : memref<!tpu.dma_semaphore, #tpu.memory_space<semaphore_mem>>) {add = true}
    %dma_wait3A_169 = arith.constant 0 : i32
    %dma_wait3A_170 = arith.constant 0 : i32
    %dma_wait3A_171 = tpu.memref_slice %arg2[%dma_wait3A_169, %dma_wait3A_170] : memref<10000x128xf32, #tpu.memory_space<hbm>> -> memref<10000x128xf32, #tpu.memory_space<hbm>>
    tpu.wait_indirect_dma semaphore(%arg49 : memref<!tpu.dma_semaphore, #tpu.memory_space<semaphore_mem>>) src(%dma_wait3A_171 : memref<10000x128xf32, #tpu.memory_space<hbm>>) dst(%arg28 : memref<32x128xf32, #tpu.memory_space<vmem>>)
    %dma_start3A_172 = arith.constant 0 : i32
    %dma_start3A_173 = arith.constant 0 : i32
    %dma_start3A_174 = tpu.memref_slice %arg37[%dma_start3A_172, %dma_start3A_173] : memref<10000x128xf32, #tpu.memory_space<vmem_shared>> -> memref<10000x128xf32, #tpu.memory_space<vmem_shared>>
    tpu.enqueue_indirect_dma source(%arg28 : memref<32x128xf32, #tpu.memory_space<vmem>>) target(%dma_start3A_174 : memref<10000x128xf32, #tpu.memory_space<vmem_shared>>) offsets(%arg18 : memref<32xi32, #tpu.memory_space<vmem>>) semaphore(%arg59 : memref<!tpu.dma_semaphore, #tpu.memory_space<semaphore_mem>>) {add = true}
    %dma_wait3A_175 = arith.constant 0 : i32
    %dma_wait3A_176 = arith.constant 0 : i32
    %dma_wait3A_177 = tpu.memref_slice %arg2[%dma_wait3A_175, %dma_wait3A_176] : memref<10000x128xf32, #tpu.memory_space<hbm>> -> memref<10000x128xf32, #tpu.memory_space<hbm>>
    tpu.wait_indirect_dma semaphore(%arg50 : memref<!tpu.dma_semaphore, #tpu.memory_space<semaphore_mem>>) src(%dma_wait3A_177 : memref<10000x128xf32, #tpu.memory_space<hbm>>) dst(%arg29 : memref<32x128xf32, #tpu.memory_space<vmem>>)
    %dma_start3A_178 = arith.constant 0 : i32
    %dma_start3A_179 = arith.constant 0 : i32
    %dma_start3A_180 = tpu.memref_slice %arg37[%dma_start3A_178, %dma_start3A_179] : memref<10000x128xf32, #tpu.memory_space<vmem_shared>> -> memref<10000x128xf32, #tpu.memory_space<vmem_shared>>
    tpu.enqueue_indirect_dma source(%arg29 : memref<32x128xf32, #tpu.memory_space<vmem>>) target(%dma_start3A_180 : memref<10000x128xf32, #tpu.memory_space<vmem_shared>>) offsets(%arg19 : memref<32xi32, #tpu.memory_space<vmem>>) semaphore(%arg60 : memref<!tpu.dma_semaphore, #tpu.memory_space<semaphore_mem>>) {add = true}
    %dma_wait3A_181 = arith.constant 0 : i32
    %dma_wait3A_182 = arith.constant 0 : i32
    %dma_wait3A_183 = tpu.memref_slice %arg2[%dma_wait3A_181, %dma_wait3A_182] : memref<10000x128xf32, #tpu.memory_space<hbm>> -> memref<10000x128xf32, #tpu.memory_space<hbm>>
    tpu.wait_indirect_dma semaphore(%arg51 : memref<!tpu.dma_semaphore, #tpu.memory_space<semaphore_mem>>) src(%dma_wait3A_183 : memref<10000x128xf32, #tpu.memory_space<hbm>>) dst(%arg30 : memref<32x128xf32, #tpu.memory_space<vmem>>)
    %dma_start3A_184 = arith.constant 0 : i32
    %dma_start3A_185 = arith.constant 0 : i32
    %dma_start3A_186 = tpu.memref_slice %arg37[%dma_start3A_184, %dma_start3A_185] : memref<10000x128xf32, #tpu.memory_space<vmem_shared>> -> memref<10000x128xf32, #tpu.memory_space<vmem_shared>>
    tpu.enqueue_indirect_dma source(%arg30 : memref<32x128xf32, #tpu.memory_space<vmem>>) target(%dma_start3A_186 : memref<10000x128xf32, #tpu.memory_space<vmem_shared>>) offsets(%arg20 : memref<32xi32, #tpu.memory_space<vmem>>) semaphore(%arg61 : memref<!tpu.dma_semaphore, #tpu.memory_space<semaphore_mem>>) {add = true}
    %dma_wait3A_187 = arith.constant 0 : i32
    %dma_wait3A_188 = arith.constant 0 : i32
    %dma_wait3A_189 = tpu.memref_slice %arg2[%dma_wait3A_187, %dma_wait3A_188] : memref<10000x128xf32, #tpu.memory_space<hbm>> -> memref<10000x128xf32, #tpu.memory_space<hbm>>
    tpu.wait_indirect_dma semaphore(%arg52 : memref<!tpu.dma_semaphore, #tpu.memory_space<semaphore_mem>>) src(%dma_wait3A_189 : memref<10000x128xf32, #tpu.memory_space<hbm>>) dst(%arg31 : memref<32x128xf32, #tpu.memory_space<vmem>>)
    %dma_start3A_190 = arith.constant 0 : i32
    %dma_start3A_191 = arith.constant 0 : i32
    %dma_start3A_192 = tpu.memref_slice %arg37[%dma_start3A_190, %dma_start3A_191] : memref<10000x128xf32, #tpu.memory_space<vmem_shared>> -> memref<10000x128xf32, #tpu.memory_space<vmem_shared>>
    tpu.enqueue_indirect_dma source(%arg31 : memref<32x128xf32, #tpu.memory_space<vmem>>) target(%dma_start3A_192 : memref<10000x128xf32, #tpu.memory_space<vmem_shared>>) offsets(%arg21 : memref<32xi32, #tpu.memory_space<vmem>>) semaphore(%arg62 : memref<!tpu.dma_semaphore, #tpu.memory_space<semaphore_mem>>) {add = true}
    %dma_wait3A_193 = arith.constant 0 : i32
    %dma_wait3A_194 = arith.constant 0 : i32
    %dma_wait3A_195 = tpu.memref_slice %arg2[%dma_wait3A_193, %dma_wait3A_194] : memref<10000x128xf32, #tpu.memory_space<hbm>> -> memref<10000x128xf32, #tpu.memory_space<hbm>>
    tpu.wait_indirect_dma semaphore(%arg53 : memref<!tpu.dma_semaphore, #tpu.memory_space<semaphore_mem>>) src(%dma_wait3A_195 : memref<10000x128xf32, #tpu.memory_space<hbm>>) dst(%arg32 : memref<32x128xf32, #tpu.memory_space<vmem>>)
    %dma_start3A_196 = arith.constant 0 : i32
    %dma_start3A_197 = arith.constant 0 : i32
    %dma_start3A_198 = tpu.memref_slice %arg37[%dma_start3A_196, %dma_start3A_197] : memref<10000x128xf32, #tpu.memory_space<vmem_shared>> -> memref<10000x128xf32, #tpu.memory_space<vmem_shared>>
    tpu.enqueue_indirect_dma source(%arg32 : memref<32x128xf32, #tpu.memory_space<vmem>>) target(%dma_start3A_198 : memref<10000x128xf32, #tpu.memory_space<vmem_shared>>) offsets(%arg22 : memref<32xi32, #tpu.memory_space<vmem>>) semaphore(%arg63 : memref<!tpu.dma_semaphore, #tpu.memory_space<semaphore_mem>>) {add = true}
    %dma_wait3A_199 = arith.constant 0 : i32
    %dma_wait3A_200 = arith.constant 0 : i32
    %dma_wait3A_201 = tpu.memref_slice %arg2[%dma_wait3A_199, %dma_wait3A_200] : memref<10000x128xf32, #tpu.memory_space<hbm>> -> memref<10000x128xf32, #tpu.memory_space<hbm>>
    tpu.wait_indirect_dma semaphore(%arg54 : memref<!tpu.dma_semaphore, #tpu.memory_space<semaphore_mem>>) src(%dma_wait3A_201 : memref<10000x128xf32, #tpu.memory_space<hbm>>) dst(%arg33 : memref<32x128xf32, #tpu.memory_space<vmem>>)
    %dma_start3A_202 = arith.constant 0 : i32
    %dma_start3A_203 = arith.constant 0 : i32
    %dma_start3A_204 = tpu.memref_slice %arg37[%dma_start3A_202, %dma_start3A_203] : memref<10000x128xf32, #tpu.memory_space<vmem_shared>> -> memref<10000x128xf32, #tpu.memory_space<vmem_shared>>
    tpu.enqueue_indirect_dma source(%arg33 : memref<32x128xf32, #tpu.memory_space<vmem>>) target(%dma_start3A_204 : memref<10000x128xf32, #tpu.memory_space<vmem_shared>>) offsets(%arg23 : memref<32xi32, #tpu.memory_space<vmem>>) semaphore(%arg64 : memref<!tpu.dma_semaphore, #tpu.memory_space<semaphore_mem>>) {add = true}
    %dma_wait3A_205 = arith.constant 0 : i32
    %dma_wait3A_206 = arith.constant 0 : i32
    %dma_wait3A_207 = tpu.memref_slice %arg2[%dma_wait3A_205, %dma_wait3A_206] : memref<10000x128xf32, #tpu.memory_space<hbm>> -> memref<10000x128xf32, #tpu.memory_space<hbm>>
    tpu.wait_indirect_dma semaphore(%arg55 : memref<!tpu.dma_semaphore, #tpu.memory_space<semaphore_mem>>) src(%dma_wait3A_207 : memref<10000x128xf32, #tpu.memory_space<hbm>>) dst(%arg34 : memref<32x128xf32, #tpu.memory_space<vmem>>)
    %dma_start3A_208 = arith.constant 0 : i32
    %dma_start3A_209 = arith.constant 0 : i32
    %dma_start3A_210 = tpu.memref_slice %arg37[%dma_start3A_208, %dma_start3A_209] : memref<10000x128xf32, #tpu.memory_space<vmem_shared>> -> memref<10000x128xf32, #tpu.memory_space<vmem_shared>>
    tpu.enqueue_indirect_dma source(%arg34 : memref<32x128xf32, #tpu.memory_space<vmem>>) target(%dma_start3A_210 : memref<10000x128xf32, #tpu.memory_space<vmem_shared>>) offsets(%arg24 : memref<32xi32, #tpu.memory_space<vmem>>) semaphore(%arg65 : memref<!tpu.dma_semaphore, #tpu.memory_space<semaphore_mem>>) {add = true}
    %dma_wait3A_211 = arith.constant 0 : i32
    %dma_wait3A_212 = arith.constant 0 : i32
    %dma_wait3A_213 = tpu.memref_slice %arg2[%dma_wait3A_211, %dma_wait3A_212] : memref<10000x128xf32, #tpu.memory_space<hbm>> -> memref<10000x128xf32, #tpu.memory_space<hbm>>
    tpu.wait_indirect_dma semaphore(%arg56 : memref<!tpu.dma_semaphore, #tpu.memory_space<semaphore_mem>>) src(%dma_wait3A_213 : memref<10000x128xf32, #tpu.memory_space<hbm>>) dst(%arg35 : memref<32x128xf32, #tpu.memory_space<vmem>>)
    %dma_start3A_214 = arith.constant 0 : i32
    %dma_start3A_215 = arith.constant 0 : i32
    %dma_start3A_216 = tpu.memref_slice %arg37[%dma_start3A_214, %dma_start3A_215] : memref<10000x128xf32, #tpu.memory_space<vmem_shared>> -> memref<10000x128xf32, #tpu.memory_space<vmem_shared>>
    tpu.enqueue_indirect_dma source(%arg35 : memref<32x128xf32, #tpu.memory_space<vmem>>) target(%dma_start3A_216 : memref<10000x128xf32, #tpu.memory_space<vmem_shared>>) offsets(%arg25 : memref<32xi32, #tpu.memory_space<vmem>>) semaphore(%arg66 : memref<!tpu.dma_semaphore, #tpu.memory_space<semaphore_mem>>) {add = true}
    %dma_wait3A_217 = arith.constant 0 : i32
    %dma_wait3A_218 = arith.constant 0 : i32
    %dma_wait3A_219 = tpu.memref_slice %arg2[%dma_wait3A_217, %dma_wait3A_218] : memref<10000x128xf32, #tpu.memory_space<hbm>> -> memref<10000x128xf32, #tpu.memory_space<hbm>>
    tpu.wait_indirect_dma semaphore(%arg57 : memref<!tpu.dma_semaphore, #tpu.memory_space<semaphore_mem>>) src(%dma_wait3A_219 : memref<10000x128xf32, #tpu.memory_space<hbm>>) dst(%arg36 : memref<32x128xf32, #tpu.memory_space<vmem>>)
    %dma_start3A_220 = arith.constant 0 : i32
    %dma_start3A_221 = arith.constant 0 : i32
    %dma_start3A_222 = tpu.memref_slice %arg37[%dma_start3A_220, %dma_start3A_221] : memref<10000x128xf32, #tpu.memory_space<vmem_shared>> -> memref<10000x128xf32, #tpu.memory_space<vmem_shared>>
    tpu.enqueue_indirect_dma source(%arg36 : memref<32x128xf32, #tpu.memory_space<vmem>>) target(%dma_start3A_222 : memref<10000x128xf32, #tpu.memory_space<vmem_shared>>) offsets(%arg26 : memref<32xi32, #tpu.memory_space<vmem>>) semaphore(%arg67 : memref<!tpu.dma_semaphore, #tpu.memory_space<semaphore_mem>>) {add = true}
    %dma_wait3A_223 = arith.constant 0 : i32
    %dma_wait3A_224 = arith.constant 0 : i32
    %dma_wait3A_225 = tpu.memref_slice %arg37[%dma_wait3A_223, %dma_wait3A_224] : memref<10000x128xf32, #tpu.memory_space<vmem_shared>> -> memref<10000x128xf32, #tpu.memory_space<vmem_shared>>
    tpu.wait_indirect_dma semaphore(%arg58 : memref<!tpu.dma_semaphore, #tpu.memory_space<semaphore_mem>>) src(%arg27 : memref<32x128xf32, #tpu.memory_space<vmem>>) dst(%dma_wait3A_225 : memref<10000x128xf32, #tpu.memory_space<vmem_shared>>)
    %dma_wait3A_226 = arith.constant 0 : i32
    %dma_wait3A_227 = arith.constant 0 : i32
    %dma_wait3A_228 = tpu.memref_slice %arg37[%dma_wait3A_226, %dma_wait3A_227] : memref<10000x128xf32, #tpu.memory_space<vmem_shared>> -> memref<10000x128xf32, #tpu.memory_space<vmem_shared>>
    tpu.wait_indirect_dma semaphore(%arg59 : memref<!tpu.dma_semaphore, #tpu.memory_space<semaphore_mem>>) src(%arg28 : memref<32x128xf32, #tpu.memory_space<vmem>>) dst(%dma_wait3A_228 : memref<10000x128xf32, #tpu.memory_space<vmem_shared>>)
    %dma_wait3A_229 = arith.constant 0 : i32
    %dma_wait3A_230 = arith.constant 0 : i32
    %dma_wait3A_231 = tpu.memref_slice %arg37[%dma_wait3A_229, %dma_wait3A_230] : memref<10000x128xf32, #tpu.memory_space<vmem_shared>> -> memref<10000x128xf32, #tpu.memory_space<vmem_shared>>
    tpu.wait_indirect_dma semaphore(%arg60 : memref<!tpu.dma_semaphore, #tpu.memory_space<semaphore_mem>>) src(%arg29 : memref<32x128xf32, #tpu.memory_space<vmem>>) dst(%dma_wait3A_231 : memref<10000x128xf32, #tpu.memory_space<vmem_shared>>)
    %dma_wait3A_232 = arith.constant 0 : i32
    %dma_wait3A_233 = arith.constant 0 : i32
    %dma_wait3A_234 = tpu.memref_slice %arg37[%dma_wait3A_232, %dma_wait3A_233] : memref<10000x128xf32, #tpu.memory_space<vmem_shared>> -> memref<10000x128xf32, #tpu.memory_space<vmem_shared>>
    tpu.wait_indirect_dma semaphore(%arg61 : memref<!tpu.dma_semaphore, #tpu.memory_space<semaphore_mem>>) src(%arg30 : memref<32x128xf32, #tpu.memory_space<vmem>>) dst(%dma_wait3A_234 : memref<10000x128xf32, #tpu.memory_space<vmem_shared>>)
    %dma_wait3A_235 = arith.constant 0 : i32
    %dma_wait3A_236 = arith.constant 0 : i32
    %dma_wait3A_237 = tpu.memref_slice %arg37[%dma_wait3A_235, %dma_wait3A_236] : memref<10000x128xf32, #tpu.memory_space<vmem_shared>> -> memref<10000x128xf32, #tpu.memory_space<vmem_shared>>
    tpu.wait_indirect_dma semaphore(%arg62 : memref<!tpu.dma_semaphore, #tpu.memory_space<semaphore_mem>>) src(%arg31 : memref<32x128xf32, #tpu.memory_space<vmem>>) dst(%dma_wait3A_237 : memref<10000x128xf32, #tpu.memory_space<vmem_shared>>)
    %dma_wait3A_238 = arith.constant 0 : i32
    %dma_wait3A_239 = arith.constant 0 : i32
    %dma_wait3A_240 = tpu.memref_slice %arg37[%dma_wait3A_238, %dma_wait3A_239] : memref<10000x128xf32, #tpu.memory_space<vmem_shared>> -> memref<10000x128xf32, #tpu.memory_space<vmem_shared>>
    tpu.wait_indirect_dma semaphore(%arg63 : memref<!tpu.dma_semaphore, #tpu.memory_space<semaphore_mem>>) src(%arg32 : memref<32x128xf32, #tpu.memory_space<vmem>>) dst(%dma_wait3A_240 : memref<10000x128xf32, #tpu.memory_space<vmem_shared>>)
    %dma_wait3A_241 = arith.constant 0 : i32
    %dma_wait3A_242 = arith.constant 0 : i32
    %dma_wait3A_243 = tpu.memref_slice %arg37[%dma_wait3A_241, %dma_wait3A_242] : memref<10000x128xf32, #tpu.memory_space<vmem_shared>> -> memref<10000x128xf32, #tpu.memory_space<vmem_shared>>
    tpu.wait_indirect_dma semaphore(%arg64 : memref<!tpu.dma_semaphore, #tpu.memory_space<semaphore_mem>>) src(%arg33 : memref<32x128xf32, #tpu.memory_space<vmem>>) dst(%dma_wait3A_243 : memref<10000x128xf32, #tpu.memory_space<vmem_shared>>)
    %dma_wait3A_244 = arith.constant 0 : i32
    %dma_wait3A_245 = arith.constant 0 : i32
    %dma_wait3A_246 = tpu.memref_slice %arg37[%dma_wait3A_244, %dma_wait3A_245] : memref<10000x128xf32, #tpu.memory_space<vmem_shared>> -> memref<10000x128xf32, #tpu.memory_space<vmem_shared>>
    tpu.wait_indirect_dma semaphore(%arg65 : memref<!tpu.dma_semaphore, #tpu.memory_space<semaphore_mem>>) src(%arg34 : memref<32x128xf32, #tpu.memory_space<vmem>>) dst(%dma_wait3A_246 : memref<10000x128xf32, #tpu.memory_space<vmem_shared>>)
    %dma_wait3A_247 = arith.constant 0 : i32
    %dma_wait3A_248 = arith.constant 0 : i32
    %dma_wait3A_249 = tpu.memref_slice %arg37[%dma_wait3A_247, %dma_wait3A_248] : memref<10000x128xf32, #tpu.memory_space<vmem_shared>> -> memref<10000x128xf32, #tpu.memory_space<vmem_shared>>
    tpu.wait_indirect_dma semaphore(%arg66 : memref<!tpu.dma_semaphore, #tpu.memory_space<semaphore_mem>>) src(%arg35 : memref<32x128xf32, #tpu.memory_space<vmem>>) dst(%dma_wait3A_249 : memref<10000x128xf32, #tpu.memory_space<vmem_shared>>)
    %dma_wait3A_250 = arith.constant 0 : i32
    %dma_wait3A_251 = arith.constant 0 : i32
    %dma_wait3A_252 = tpu.memref_slice %arg37[%dma_wait3A_250, %dma_wait3A_251] : memref<10000x128xf32, #tpu.memory_space<vmem_shared>> -> memref<10000x128xf32, #tpu.memory_space<vmem_shared>>
    tpu.wait_indirect_dma semaphore(%arg67 : memref<!tpu.dma_semaphore, #tpu.memory_space<semaphore_mem>>) src(%arg36 : memref<32x128xf32, #tpu.memory_space<vmem>>) dst(%dma_wait3A_252 : memref<10000x128xf32, #tpu.memory_space<vmem_shared>>)
    %barrier3A_253 = arith.constant 0 : index
    tpu.barrier barrier_id(%barrier3A_253)
    %lt3A_254 = arith.constant 15 : i32
    %lt3A_255 = arith.cmpi slt, %arg1, %lt3A_254 : i32
    %convert_element_type3A_256 = arith.extui %lt3A_255 : i1 to i32
    %cond3A_257 = arith.constant 0 : i32
    %cond3A_258 = arith.cmpi ne, %convert_element_type3A_256, %cond3A_257 : i32
    scf.if %cond3A_258 {
      %mul3A_264 = arith.constant 632 : i32
      %mul3A_265 = arith.muli %arg1, %mul3A_264 : i32
      %mul3A_266 = arith.constant 632 : i32
      %mul3A_267 = arith.muli %arg1, %mul3A_266 : i32
      "tpu.region"() ({
        %run_scoped3A = tpu.sem_alloc : memref<!tpu.dma_semaphore, #tpu.memory_space<semaphore_mem>>
        %dma_start3A_268 = arith.constant 0 : i32
        %dma_start3A_269 = tpu.memref_slice %arg6[%arg0, %mul3A_267, %dma_start3A_268] : memref<2x10000x128xf32, #tpu.memory_space<hbm>> -> memref<1x632x128xf32, #tpu.memory_space<hbm>>
        %dma_start3A_270 = tpu.memref_squeeze %dma_start3A_269 : memref<1x632x128xf32, #tpu.memory_space<hbm>> -> memref<632x128xf32, #tpu.memory_space<hbm>>
        %dma_start3A_271 = arith.constant 0 : i32
        %dma_start3A_272 = tpu.memref_slice %arg37[%mul3A_265, %dma_start3A_271] : memref<10000x128xf32, #tpu.memory_space<vmem_shared>> -> memref<632x128xf32, #tpu.memory_space<vmem_shared>>
        tpu.enqueue_dma source(%dma_start3A_272 : memref<632x128xf32, #tpu.memory_space<vmem_shared>>) target(%dma_start3A_270 : memref<632x128xf32, #tpu.memory_space<hbm>>) target_semaphore(%run_scoped3A : memref<!tpu.dma_semaphore, #tpu.memory_space<semaphore_mem>>)
        %dma_wait3A_273 = arith.constant 0 : i32
        %dma_wait3A_274 = tpu.memref_slice %arg6[%arg0, %mul3A_267, %dma_wait3A_273] : memref<2x10000x128xf32, #tpu.memory_space<hbm>> -> memref<1x632x128xf32, #tpu.memory_space<hbm>>
        %dma_wait3A_275 = tpu.memref_squeeze %dma_wait3A_274 : memref<1x632x128xf32, #tpu.memory_space<hbm>> -> memref<632x128xf32, #tpu.memory_space<hbm>>
        %dma_wait3A_276 = arith.constant 0 : i32
        %dma_wait3A_277 = tpu.memref_slice %arg37[%mul3A_265, %dma_wait3A_276] : memref<10000x128xf32, #tpu.memory_space<vmem_shared>> -> memref<632x128xf32, #tpu.memory_space<vmem_shared>>
        tpu.wait_dma2 semaphore(%run_scoped3A : memref<!tpu.dma_semaphore, #tpu.memory_space<semaphore_mem>>) src(%dma_wait3A_277 : memref<632x128xf32, #tpu.memory_space<vmem_shared>>) dst(%dma_wait3A_275 : memref<632x128xf32, #tpu.memory_space<hbm>>)
        tpu.yield
      }) : () -> ()
    } else {
    }
    %eq3A_259 = arith.constant 15 : i32
    %eq3A_260 = arith.cmpi eq, %arg1, %eq3A_259 : i32
    %convert_element_type3A_261 = arith.extui %eq3A_260 : i1 to i32
    %cond3A_262 = arith.constant 0 : i32
    %cond3A_263 = arith.cmpi ne, %convert_element_type3A_261, %cond3A_262 : i32
    scf.if %cond3A_263 {
      %mul3A_264 = arith.constant 632 : i32
      %mul3A_265 = arith.muli %arg1, %mul3A_264 : i32
      %mul3A_266 = arith.constant 632 : i32
      %mul3A_267 = arith.muli %arg1, %mul3A_266 : i32
      "tpu.region"() ({
        %run_scoped3A = tpu.sem_alloc : memref<!tpu.dma_semaphore, #tpu.memory_space<semaphore_mem>>
        %dma_start3A_268 = arith.constant 0 : i32
        %dma_start3A_269 = tpu.memref_slice %arg6[%arg0, %mul3A_267, %dma_start3A_268] : memref<2x10000x128xf32, #tpu.memory_space<hbm>> -> memref<1x520x128xf32, #tpu.memory_space<hbm>>
        %dma_start3A_270 = tpu.memref_squeeze %dma_start3A_269 : memref<1x520x128xf32, #tpu.memory_space<hbm>> -> memref<520x128xf32, #tpu.memory_space<hbm>>
        %dma_start3A_271 = arith.constant 0 : i32
        %dma_start3A_272 = tpu.memref_slice %arg37[%mul3A_265, %dma_start3A_271] : memref<10000x128xf32, #tpu.memory_space<vmem_shared>> -> memref<520x128xf32, #tpu.memory_space<vmem_shared>>
        tpu.enqueue_dma source(%dma_start3A_272 : memref<520x128xf32, #tpu.memory_space<vmem_shared>>) target(%dma_start3A_270 : memref<520x128xf32, #tpu.memory_space<hbm>>) target_semaphore(%run_scoped3A : memref<!tpu.dma_semaphore, #tpu.memory_space<semaphore_mem>>)
        %dma_wait3A_273 = arith.constant 0 : i32
        %dma_wait3A_274 = tpu.memref_slice %arg6[%arg0, %mul3A_267, %dma_wait3A_273] : memref<2x10000x128xf32, #tpu.memory_space<hbm>> -> memref<1x520x128xf32, #tpu.memory_space<hbm>>
        %dma_wait3A_275 = tpu.memref_squeeze %dma_wait3A_274 : memref<1x520x128xf32, #tpu.memory_space<hbm>> -> memref<520x128xf32, #tpu.memory_space<hbm>>
        %dma_wait3A_276 = arith.constant 0 : i32
        %dma_wait3A_277 = tpu.memref_slice %arg37[%mul3A_265, %dma_wait3A_276] : memref<10000x128xf32, #tpu.memory_space<vmem_shared>> -> memref<520x128xf32, #tpu.memory_space<vmem_shared>>
        tpu.wait_dma2 semaphore(%run_scoped3A : memref<!tpu.dma_semaphore, #tpu.memory_space<semaphore_mem>>) src(%dma_wait3A_277 : memref<520x128xf32, #tpu.memory_space<vmem_shared>>) dst(%dma_wait3A_275 : memref<520x128xf32, #tpu.memory_space<hbm>>)
        tpu.yield
      }) : () -> ()
    } else {
    }
    return
  }
}

module attributes {stable_mosaic.version = 14 : i64} {
  func.func @_t1_body(%arg0: i32, %arg1: memref<1000x128xf32, #tpu.memory_space<vmem>>, %arg2: memref<128x128xf32, #tpu.memory_space<vmem>>, %arg3: memref<2x1000x128xf32, #tpu.memory_space<vmem>>, %arg4: memref<1000x128xf32, #tpu.memory_space<vmem>>, %arg5: memref<1000x1xf32, #tpu.memory_space<vmem>>) attributes {dimension_semantics = [#tpu.dimension_semantics<arbitrary>], iteration_bounds = array<i64: 10>, scalar_prefetch = 0 : i64, scratch_operands = 0 : i64, tpu.core_type = #tpu.core_type<tc>, window_params = [{transform_indices = @transform_0, window_bounds = array<i64: 1000, 128>}, {pipeline_mode = #tpu.pipeline_mode<synchronous>, transform_indices = @transform_1, window_bounds = array<i64: 128, 128>}, {transform_indices = @transform_2, window_bounds = array<i64: 2, 1000, 128>}, {transform_indices = @transform_3, window_bounds = array<i64: 1000, 128>}, {transform_indices = @transform_4, window_bounds = array<i64: 1000, 1>}]} {
    %get3A = arith.constant 0 : index
    %get3A_0 = arith.constant 0 : index
    %get3A_1 = arith.constant 0 : index
    %get3A_2 = vector.load %arg3[%get3A, %get3A_0, %get3A_1] : memref<2x1000x128xf32, #tpu.memory_space<vmem>>, vector<1x1000x1xf32>
    %get3A_3 = vector.shape_cast %get3A_2 : vector<1x1000x1xf32> to vector<1000x1xf32>
    %get3A_4 = arith.constant 1 : index
    %get3A_5 = arith.constant 0 : index
    %get3A_6 = arith.constant 0 : index
    %get3A_7 = vector.load %arg3[%get3A_4, %get3A_5, %get3A_6] : memref<2x1000x128xf32, #tpu.memory_space<vmem>>, vector<1x1000x1xf32>
    %get3A_8 = vector.shape_cast %get3A_7 : vector<1x1000x1xf32> to vector<1000x1xf32>
    %add3A = arith.addf %get3A_3, %get3A_8 : vector<1000x1xf32>
    %mul3A = arith.constant 1000 : i32
    %mul3A_9 = arith.muli %arg0, %mul3A : i32
    %iota3A = tpu.iota {dimensions = array<i32: 0>} : vector<1000x1xi32>
    %add3A_10 = vector.broadcast %mul3A_9 : i32 to vector<1000x1xi32>
    %add3A_11 = arith.addi %add3A_10, %iota3A : vector<1000x1xi32>
    %ge3A = arith.constant 7680 : i32
    %ge3A_12 = vector.broadcast %ge3A : i32 to vector<1000x1xi32>
    %ge3A_13 = arith.cmpi sge, %add3A_11, %ge3A_12 : vector<1000x1xi32>
    %convert_element_type3A = arith.extui %ge3A_13 : vector<1000x1xi1> to vector<1000x1xi32>
    %convert_element_type3A_14 = arith.sitofp %convert_element_type3A : vector<1000x1xi32> to vector<1000x1xf32>
    %add3A_15 = arith.addf %add3A, %convert_element_type3A_14 : vector<1000x1xf32>
    %rsqrt3A = math.rsqrt %add3A_15 : vector<1000x1xf32>
    %swap3A = arith.constant 0 : index
    %swap3A_16 = arith.constant 0 : index
    %swap3A_17 = vector.load %arg5[%swap3A, %swap3A_16] : memref<1000x1xf32, #tpu.memory_space<vmem>>, vector<1000x1xf32>
    tpu.vector_store %arg5[%swap3A, %swap3A_16], %rsqrt3A {strides = array<i32>} : memref<1000x1xf32, #tpu.memory_space<vmem>>, vector<1000x1xf32>,
    %get3A_18 = arith.constant 0 : index
    %get3A_19 = arith.constant 0 : index
    %get3A_20 = vector.load %arg1[%get3A_18, %get3A_19] : memref<1000x128xf32, #tpu.memory_space<vmem>>, vector<1000x128xf32>
    %get3A_21 = arith.constant 0 : index
    %get3A_22 = arith.constant 0 : index
    %get3A_23 = vector.load %arg2[%get3A_21, %get3A_22] : memref<128x128xf32, #tpu.memory_space<vmem>>, vector<128x128xf32>
    %dot_general3A = arith.constant dense<0.000000e+00> : vector<1000x128xf32>
    %dot_general3A_24 = tpu.matmul %get3A_20, %get3A_23, %dot_general3A {dimension_numbers = #tpu.dot_dimension_numbers<[1], [0], [0], [1], [0, 0, 1, 1], [], []>, transpose_lhs_hint = false} : vector<1000x128xf32>, vector<128x128xf32>, vector<1000x128xf32> -> vector<1000x128xf32>
    %mul3A_25 = vector.broadcast %rsqrt3A : vector<1000x1xf32> to vector<1000x128xf32>
    %mul3A_26 = arith.mulf %dot_general3A_24, %mul3A_25 : vector<1000x128xf32>
    %swap3A_27 = arith.constant 0 : index
    %swap3A_28 = arith.constant 0 : index
    %swap3A_29 = vector.load %arg4[%swap3A_27, %swap3A_28] : memref<1000x128xf32, #tpu.memory_space<vmem>>, vector<1000x128xf32>
    tpu.vector_store %arg4[%swap3A_27, %swap3A_28], %mul3A_26 {strides = array<i32>} : memref<1000x128xf32, #tpu.memory_space<vmem>>, vector<1000x128xf32>,
    return
  }
  func.func @transform_0(%arg0: i32) -> (i32, i32) {
    %c0_i32 = arith.constant 0 : i32
    %c0_i32_0 = arith.constant 0 : i32
    return %arg0, %c0_i32 : i32, i32
  }
  func.func @transform_1(%arg0: i32) -> (i32, i32) {
    %c0_i32 = arith.constant 0 : i32
    %c0_i32_0 = arith.constant 0 : i32
    %c0_i32_1 = arith.constant 0 : i32
    return %c0_i32, %c0_i32_0 : i32, i32
  }
  func.func @transform_2(%arg0: i32) -> (i32, i32, i32) {
    %c0_i32 = arith.constant 0 : i32
    %c0_i32_0 = arith.constant 0 : i32
    %c0_i32_1 = arith.constant 0 : i32
    return %c0_i32, %arg0, %c0_i32_0 : i32, i32, i32
  }
  func.func @transform_3(%arg0: i32) -> (i32, i32) {
    %c0_i32 = arith.constant 0 : i32
    %c0_i32_0 = arith.constant 0 : i32
    return %arg0, %c0_i32 : i32, i32
  }
  func.func @transform_4(%arg0: i32) -> (i32, i32) {
    %c0_i32 = arith.constant 0 : i32
    %c0_i32_0 = arith.constant 0 : i32
    return %arg0, %c0_i32 : i32, i32
  }
}

module attributes {stable_mosaic.version = 14 : i64} {
  func.func @_t2_body(%arg0: i32, %arg1: memref<1000x128xf32, #tpu.memory_space<vmem>>, %arg2: memref<1000x128xf32, #tpu.memory_space<vmem>>, %arg3: memref<1000x128xf32, #tpu.memory_space<vmem>>, %arg4: memref<1000x1xf32, #tpu.memory_space<vmem>>, %arg5: memref<1x128xf32, #tpu.memory_space<vmem>>, %arg6: memref<128x128xf32, #tpu.memory_space<vmem>>, %arg7: memref<1000x128xf32, #tpu.memory_space<vmem>>) attributes {dimension_semantics = [#tpu.dimension_semantics<arbitrary>], iteration_bounds = array<i64: 10>, scalar_prefetch = 0 : i64, scratch_operands = 0 : i64, tpu.core_type = #tpu.core_type<tc>, window_params = [{transform_indices = @transform_0, window_bounds = array<i64: 1000, 128>}, {transform_indices = @transform_1, window_bounds = array<i64: 1000, 128>}, {transform_indices = @transform_2, window_bounds = array<i64: 1000, 128>}, {transform_indices = @transform_3, window_bounds = array<i64: 1000, 1>}, {pipeline_mode = #tpu.pipeline_mode<synchronous>, transform_indices = @transform_4, window_bounds = array<i64: 1, 128>}, {pipeline_mode = #tpu.pipeline_mode<synchronous>, transform_indices = @transform_5, window_bounds = array<i64: 128, 128>}, {transform_indices = @transform_6, window_bounds = array<i64: 1000, 128>}]} {
    %get3A = arith.constant 0 : index
    %get3A_0 = arith.constant 0 : index
    %get3A_1 = vector.load %arg1[%get3A, %get3A_0] : memref<1000x128xf32, #tpu.memory_space<vmem>>, vector<1000x128xf32>
    %get3A_2 = arith.constant 0 : index
    %get3A_3 = arith.constant 0 : index
    %get3A_4 = vector.load %arg2[%get3A_2, %get3A_3] : memref<1000x128xf32, #tpu.memory_space<vmem>>, vector<1000x128xf32>
    %add3A = arith.addf %get3A_1, %get3A_4 : vector<1000x128xf32>
    %get3A_5 = arith.constant 0 : index
    %get3A_6 = arith.constant 0 : index
    %get3A_7 = vector.load %arg3[%get3A_5, %get3A_6] : memref<1000x128xf32, #tpu.memory_space<vmem>>, vector<1000x128xf32>
    %mul3A = arith.constant 1000 : i32
    %mul3A_8 = arith.muli %arg0, %mul3A : i32
    %iota3A = tpu.iota {dimensions = array<i32: 0>} : vector<1000x1xi32>
    %add3A_9 = vector.broadcast %mul3A_8 : i32 to vector<1000x1xi32>
    %add3A_10 = arith.addi %add3A_9, %iota3A : vector<1000x1xi32>
    %ge3A = arith.constant 7680 : i32
    %ge3A_11 = vector.broadcast %ge3A : i32 to vector<1000x1xi32>
    %ge3A_12 = arith.cmpi sge, %add3A_10, %ge3A_11 : vector<1000x1xi32>
    %convert_element_type3A = arith.extui %ge3A_12 : vector<1000x1xi1> to vector<1000x1xi32>
    %convert_element_type3A_13 = arith.sitofp %convert_element_type3A : vector<1000x1xi32> to vector<1000x1xf32>
    %mul3A_14 = vector.broadcast %convert_element_type3A_13 : vector<1000x1xf32> to vector<1000x128xf32>
    %mul3A_15 = arith.mulf %get3A_7, %mul3A_14 : vector<1000x128xf32>
    %add3A_16 = arith.addf %add3A, %mul3A_15 : vector<1000x128xf32>
    %get3A_17 = arith.constant 0 : index
    %get3A_18 = arith.constant 0 : index
    %get3A_19 = vector.load %arg4[%get3A_17, %get3A_18] : memref<1000x1xf32, #tpu.memory_space<vmem>>, vector<1000x1xf32>
    %mul3A_20 = vector.broadcast %get3A_19 : vector<1000x1xf32> to vector<1000x128xf32>
    %mul3A_21 = arith.mulf %add3A_16, %mul3A_20 : vector<1000x128xf32>
    %get3A_22 = arith.constant 0 : index
    %get3A_23 = arith.constant 0 : index
    %get3A_24 = vector.load %arg5[%get3A_22, %get3A_23] : memref<1x128xf32, #tpu.memory_space<vmem>>, vector<1x128xf32>
    %add3A_25 = vector.broadcast %get3A_24 : vector<1x128xf32> to vector<1000x128xf32>
    %add3A_26 = arith.addf %mul3A_21, %add3A_25 : vector<1000x128xf32>
    %gt3A = arith.constant 0.000000e+00 : f32
    %gt3A_27 = vector.broadcast %gt3A : f32 to vector<1000x128xf32>
    %gt3A_28 = arith.cmpf ogt, %add3A_26, %gt3A_27 : vector<1000x128xf32>
    %min3A = arith.constant 0.000000e+00 : f32
    %min3A_29 = vector.broadcast %min3A : f32 to vector<1000x128xf32>
    %min3A_30 = arith.minimumf %add3A_26, %min3A_29 : vector<1000x128xf32>
    %exp3A = math.exp %min3A_30 : vector<1000x128xf32>
    %sub3A = arith.constant 1.000000e+00 : f32
    %sub3A_31 = vector.broadcast %sub3A : f32 to vector<1000x128xf32>
    %sub3A_32 = arith.subf %exp3A, %sub3A_31 : vector<1000x128xf32>
    %select_n3A = arith.select %gt3A_28, %add3A_26, %sub3A_32 : vector<1000x128xi1>, vector<1000x128xf32>
    %get3A_33 = arith.constant 0 : index
    %get3A_34 = arith.constant 0 : index
    %get3A_35 = vector.load %arg6[%get3A_33, %get3A_34] : memref<128x128xf32, #tpu.memory_space<vmem>>, vector<128x128xf32>
    %dot_general3A = arith.constant dense<0.000000e+00> : vector<1000x128xf32>
    %dot_general3A_36 = tpu.matmul %select_n3A, %get3A_35, %dot_general3A {dimension_numbers = #tpu.dot_dimension_numbers<[1], [0], [0], [1], [0, 0, 1, 1], [], []>, transpose_lhs_hint = false} : vector<1000x128xf32>, vector<128x128xf32>, vector<1000x128xf32> -> vector<1000x128xf32>
    %get3A_37 = arith.constant 0 : index
    %get3A_38 = arith.constant 0 : index
    %get3A_39 = vector.load %arg4[%get3A_37, %get3A_38] : memref<1000x1xf32, #tpu.memory_space<vmem>>, vector<1000x1xf32>
    %mul3A_40 = vector.broadcast %get3A_39 : vector<1000x1xf32> to vector<1000x128xf32>
    %mul3A_41 = arith.mulf %dot_general3A_36, %mul3A_40 : vector<1000x128xf32>
    %swap3A = arith.constant 0 : index
    %swap3A_42 = arith.constant 0 : index
    %swap3A_43 = vector.load %arg7[%swap3A, %swap3A_42] : memref<1000x128xf32, #tpu.memory_space<vmem>>, vector<1000x128xf32>
    tpu.vector_store %arg7[%swap3A, %swap3A_42], %mul3A_41 {strides = array<i32>} : memref<1000x128xf32, #tpu.memory_space<vmem>>, vector<1000x128xf32>,
    return
  }
  func.func @transform_0(%arg0: i32) -> (i32, i32) {
    %c0_i32 = arith.constant 0 : i32
    %c0_i32_0 = arith.constant 0 : i32
    return %arg0, %c0_i32 : i32, i32
  }
  func.func @transform_1(%arg0: i32) -> (i32, i32) {
    %c0_i32 = arith.constant 0 : i32
    %c0_i32_0 = arith.constant 0 : i32
    return %arg0, %c0_i32 : i32, i32
  }
  func.func @transform_2(%arg0: i32) -> (i32, i32) {
    %c0_i32 = arith.constant 0 : i32
    %c0_i32_0 = arith.constant 0 : i32
    return %arg0, %c0_i32 : i32, i32
  }
  func.func @transform_3(%arg0: i32) -> (i32, i32) {
    %c0_i32 = arith.constant 0 : i32
    %c0_i32_0 = arith.constant 0 : i32
    return %arg0, %c0_i32 : i32, i32
  }
  func.func @transform_4(%arg0: i32) -> (i32, i32) {
    %c0_i32 = arith.constant 0 : i32
    %c0_i32_0 = arith.constant 0 : i32
    %c0_i32_1 = arith.constant 0 : i32
    return %c0_i32, %c0_i32_0 : i32, i32
  }
  func.func @transform_5(%arg0: i32) -> (i32, i32) {
    %c0_i32 = arith.constant 0 : i32
    %c0_i32_0 = arith.constant 0 : i32
    %c0_i32_1 = arith.constant 0 : i32
    return %c0_i32, %c0_i32_0 : i32, i32
  }
  func.func @transform_6(%arg0: i32) -> (i32, i32) {
    %c0_i32 = arith.constant 0 : i32
    %c0_i32_0 = arith.constant 0 : i32
    return %arg0, %c0_i32 : i32, i32
  }
}

module attributes {stable_mosaic.version = 14 : i64} {
  func.func @_t3_body(%arg0: i32, %arg1: memref<1000x128xf32, #tpu.memory_space<vmem>>, %arg2: memref<1000x128xf32, #tpu.memory_space<vmem>>, %arg3: memref<1000x128xf32, #tpu.memory_space<vmem>>, %arg4: memref<1000x1xf32, #tpu.memory_space<vmem>>, %arg5: memref<1x128xf32, #tpu.memory_space<vmem>>, %arg6: memref<128x64xf32, #tpu.memory_space<vmem>>, %arg7: memref<1x64xf32, #tpu.memory_space<vmem>>, %arg8: memref<1000x64xf32, #tpu.memory_space<vmem>>) attributes {dimension_semantics = [#tpu.dimension_semantics<arbitrary>], iteration_bounds = array<i64: 10>, scalar_prefetch = 0 : i64, scratch_operands = 0 : i64, tpu.core_type = #tpu.core_type<tc>, window_params = [{transform_indices = @transform_0, window_bounds = array<i64: 1000, 128>}, {transform_indices = @transform_1, window_bounds = array<i64: 1000, 128>}, {transform_indices = @transform_2, window_bounds = array<i64: 1000, 128>}, {transform_indices = @transform_3, window_bounds = array<i64: 1000, 1>}, {pipeline_mode = #tpu.pipeline_mode<synchronous>, transform_indices = @transform_4, window_bounds = array<i64: 1, 128>}, {pipeline_mode = #tpu.pipeline_mode<synchronous>, transform_indices = @transform_5, window_bounds = array<i64: 128, 64>}, {pipeline_mode = #tpu.pipeline_mode<synchronous>, transform_indices = @transform_6, window_bounds = array<i64: 1, 64>}, {transform_indices = @transform_7, window_bounds = array<i64: 1000, 64>}]} {
    %get3A = arith.constant 0 : index
    %get3A_0 = arith.constant 0 : index
    %get3A_1 = vector.load %arg1[%get3A, %get3A_0] : memref<1000x128xf32, #tpu.memory_space<vmem>>, vector<1000x128xf32>
    %get3A_2 = arith.constant 0 : index
    %get3A_3 = arith.constant 0 : index
    %get3A_4 = vector.load %arg2[%get3A_2, %get3A_3] : memref<1000x128xf32, #tpu.memory_space<vmem>>, vector<1000x128xf32>
    %add3A = arith.addf %get3A_1, %get3A_4 : vector<1000x128xf32>
    %get3A_5 = arith.constant 0 : index
    %get3A_6 = arith.constant 0 : index
    %get3A_7 = vector.load %arg3[%get3A_5, %get3A_6] : memref<1000x128xf32, #tpu.memory_space<vmem>>, vector<1000x128xf32>
    %mul3A = arith.constant 1000 : i32
    %mul3A_8 = arith.muli %arg0, %mul3A : i32
    %iota3A = tpu.iota {dimensions = array<i32: 0>} : vector<1000x1xi32>
    %add3A_9 = vector.broadcast %mul3A_8 : i32 to vector<1000x1xi32>
    %add3A_10 = arith.addi %add3A_9, %iota3A : vector<1000x1xi32>
    %ge3A = arith.constant 7680 : i32
    %ge3A_11 = vector.broadcast %ge3A : i32 to vector<1000x1xi32>
    %ge3A_12 = arith.cmpi sge, %add3A_10, %ge3A_11 : vector<1000x1xi32>
    %convert_element_type3A = arith.extui %ge3A_12 : vector<1000x1xi1> to vector<1000x1xi32>
    %convert_element_type3A_13 = arith.sitofp %convert_element_type3A : vector<1000x1xi32> to vector<1000x1xf32>
    %mul3A_14 = vector.broadcast %convert_element_type3A_13 : vector<1000x1xf32> to vector<1000x128xf32>
    %mul3A_15 = arith.mulf %get3A_7, %mul3A_14 : vector<1000x128xf32>
    %add3A_16 = arith.addf %add3A, %mul3A_15 : vector<1000x128xf32>
    %get3A_17 = arith.constant 0 : index
    %get3A_18 = arith.constant 0 : index
    %get3A_19 = vector.load %arg4[%get3A_17, %get3A_18] : memref<1000x1xf32, #tpu.memory_space<vmem>>, vector<1000x1xf32>
    %mul3A_20 = vector.broadcast %get3A_19 : vector<1000x1xf32> to vector<1000x128xf32>
    %mul3A_21 = arith.mulf %add3A_16, %mul3A_20 : vector<1000x128xf32>
    %get3A_22 = arith.constant 0 : index
    %get3A_23 = arith.constant 0 : index
    %get3A_24 = vector.load %arg5[%get3A_22, %get3A_23] : memref<1x128xf32, #tpu.memory_space<vmem>>, vector<1x128xf32>
    %add3A_25 = vector.broadcast %get3A_24 : vector<1x128xf32> to vector<1000x128xf32>
    %add3A_26 = arith.addf %mul3A_21, %add3A_25 : vector<1000x128xf32>
    %gt3A = arith.constant 0.000000e+00 : f32
    %gt3A_27 = vector.broadcast %gt3A : f32 to vector<1000x128xf32>
    %gt3A_28 = arith.cmpf ogt, %add3A_26, %gt3A_27 : vector<1000x128xf32>
    %min3A = arith.constant 0.000000e+00 : f32
    %min3A_29 = vector.broadcast %min3A : f32 to vector<1000x128xf32>
    %min3A_30 = arith.minimumf %add3A_26, %min3A_29 : vector<1000x128xf32>
    %exp3A = math.exp %min3A_30 : vector<1000x128xf32>
    %sub3A = arith.constant 1.000000e+00 : f32
    %sub3A_31 = vector.broadcast %sub3A : f32 to vector<1000x128xf32>
    %sub3A_32 = arith.subf %exp3A, %sub3A_31 : vector<1000x128xf32>
    %select_n3A = arith.select %gt3A_28, %add3A_26, %sub3A_32 : vector<1000x128xi1>, vector<1000x128xf32>
    %get3A_33 = arith.constant 0 : index
    %get3A_34 = arith.constant 0 : index
    %get3A_35 = vector.load %arg6[%get3A_33, %get3A_34] : memref<128x64xf32, #tpu.memory_space<vmem>>, vector<128x64xf32>
    %dot_general3A = arith.constant dense<0.000000e+00> : vector<1000x64xf32>
    %dot_general3A_36 = tpu.matmul %select_n3A, %get3A_35, %dot_general3A {dimension_numbers = #tpu.dot_dimension_numbers<[1], [0], [0], [1], [0, 0, 1, 1], [], []>, transpose_lhs_hint = false} : vector<1000x128xf32>, vector<128x64xf32>, vector<1000x64xf32> -> vector<1000x64xf32>
    %get3A_37 = arith.constant 0 : index
    %get3A_38 = arith.constant 0 : index
    %get3A_39 = vector.load %arg7[%get3A_37, %get3A_38] : memref<1x64xf32, #tpu.memory_space<vmem>>, vector<1x64xf32>
    %add3A_40 = vector.broadcast %get3A_39 : vector<1x64xf32> to vector<1000x64xf32>
    %add3A_41 = arith.addf %dot_general3A_36, %add3A_40 : vector<1000x64xf32>
    %swap3A = arith.constant 0 : index
    %swap3A_42 = arith.constant 0 : index
    %swap3A_43 = vector.load %arg8[%swap3A, %swap3A_42] : memref<1000x64xf32, #tpu.memory_space<vmem>>, vector<1000x64xf32>
    tpu.vector_store %arg8[%swap3A, %swap3A_42], %add3A_41 {strides = array<i32>} : memref<1000x64xf32, #tpu.memory_space<vmem>>, vector<1000x64xf32>,
    return
  }
  func.func @transform_0(%arg0: i32) -> (i32, i32) {
    %c0_i32 = arith.constant 0 : i32
    %c0_i32_0 = arith.constant 0 : i32
    return %arg0, %c0_i32 : i32, i32
  }
  func.func @transform_1(%arg0: i32) -> (i32, i32) {
    %c0_i32 = arith.constant 0 : i32
    %c0_i32_0 = arith.constant 0 : i32
    return %arg0, %c0_i32 : i32, i32
  }
  func.func @transform_2(%arg0: i32) -> (i32, i32) {
    %c0_i32 = arith.constant 0 : i32
    %c0_i32_0 = arith.constant 0 : i32
    return %arg0, %c0_i32 : i32, i32
  }
  func.func @transform_3(%arg0: i32) -> (i32, i32) {
    %c0_i32 = arith.constant 0 : i32
    %c0_i32_0 = arith.constant 0 : i32
    return %arg0, %c0_i32 : i32, i32
  }
  func.func @transform_4(%arg0: i32) -> (i32, i32) {
    %c0_i32 = arith.constant 0 : i32
    %c0_i32_0 = arith.constant 0 : i32
    %c0_i32_1 = arith.constant 0 : i32
    return %c0_i32, %c0_i32_0 : i32, i32
  }
  func.func @transform_5(%arg0: i32) -> (i32, i32) {
    %c0_i32 = arith.constant 0 : i32
    %c0_i32_0 = arith.constant 0 : i32
    %c0_i32_1 = arith.constant 0 : i32
    return %c0_i32, %c0_i32_0 : i32, i32
  }
  func.func @transform_6(%arg0: i32) -> (i32, i32) {
    %c0_i32 = arith.constant 0 : i32
    %c0_i32_0 = arith.constant 0 : i32
    %c0_i32_1 = arith.constant 0 : i32
    return %c0_i32, %c0_i32_0 : i32, i32
  }
  func.func @transform_7(%arg0: i32) -> (i32, i32) {
    %c0_i32 = arith.constant 0 : i32
    %c0_i32_0 = arith.constant 0 : i32
    return %arg0, %c0_i32 : i32, i32
  }
}

</mosaic_0001>

<sc_bundles>
// kernel: kernel.11.cloned.1.call-start
scs
__scs_entry_jumppad:
0x0: {  	(pc) =	sbr.rel $0x88, $3  }
0x1: {  	(tag) =	ssettag $0x0;
	lr =	simm.s32 $0x1  }
0x2: {  	[smem:$0x3F99] =	sst lr;
	_ =	strace $0xD0000000  }
0x3: {  	_ = 	snop  }
0x4: {  	_ = 	snop  }
0x5: {  	_ = 	snop  }
0x6: {  	_ = 	snop  }
0x7: {  	_ = 	snop  }
__scs_overlays_trampoline_lowered:
0x8: {  	[smem:$0x3FA8] =	sst s0  }
0x9: {  	[smem:$0x3FA9] =	sst s1  }
0xa: {  	[smem:$0x3FAA] =	sst s2  }
0xb: {  	[smem:$0x3FAB] =	sst s3  }
0xc: {  	[smem:$0x3FAC] =	sst s4  }
0xd: {  	[smem:$0x3FAD] =	sst s5  }
0xe: {  	[smem:$0x3FAE] =	sst s6  }
0xf: {  	[smem:$0x3FAF] =	sst s7  }
0x10: {  	[smem:$0x3FB0] =	sst s8  }
0x11: {  	[smem:$0x3FB1] =	sst s9;
	s0 =	simm.s32 @!p0 $0x0  }
0x12: {  	s1 =	sld [smem:$0x3F97];
	s0 =	simm.s32 @p0 $0x1  }
0x13: {  	[smem:$0x3FB2] =	sst s0;
	s0 =	simm.s32 @!p1 $0x0  }
0x14: {  	s2 =	sld [smem:$0x3F96];
	s0 =	simm.s32 @p1 $0x1  }
0x15: {  	[smem:$0x3FB3] =	sst s0;
	s0 =	simm.s32 @!p2 $0x0  }
0x16: {  	s3 =	sld [smem:$0x3FDB];
	s0 =	simm.s32 @p2 $0x1  }
0x17: {  	s4 =	simm.s32 $0x1BF5;
	[smem:$0x3FB5] =	sst s0  }
0x18: {  	s0 =	sld [smem:$0x3F98];
	_ =	swait.ge [sflag:s4], $0x0  }
0x19: {  	s7 =	sld [smem:$0x3F99]  }
0x1a: {  	s8 =	sadd.s32 $0xFFFFE003, lr  }
0x1b: {  	s9 =	sadd.s32 $0xFFFFFEF7, lr;
	s5 =	simm.s32 $0xFFFFFFFF;
	p2 =	slt.u32 s8, $0xFFFFF086  }
0x1c: {  	p1 =	slt.u32 s9, $0xF7A;
	s5 =	simm.s32 @!p2 $0x0  }
0x1d: {  	s5 =	simm.s32 @p1 $0x1;
	p0 =	seq.s32 s7, s2  }
0x1e: {  	s7 =	smul.u32 @!p0 $0xF7A, s2;
	p2 =	seq.s32 @!p0 s5, $0x0  }
0x1f: {  	s9 =	smul.u32 $0xF7A, s1;
	s8 =	simm.s32 @!p0 $0x1BF5;
	p2 =	por !p2, p0  }
0x20: {  	[sflag:s8] =	ssyncset.s32 @!p0 $0xFFFFF086;
	s6 =	sadd.s32 @!p0 s3, s7;
	s7 =	simm.s32 @!p0 $0x108  }
0x21: {  	s3 =	sadd.s32 s3, s9;
	s6 =	sadd.s32 @!p0 $0x88, s6;
	s7 =	simm.s32 @p2 $0x1082  }
0x22: {  	[simem:s7], [sflag:s8] =	dma.local @!p0 [hbm:s6], $0xF7A  }
0x23: {  	s9 =	sor.u32 $0xD0000000, s2;
	s6 =	simm.s32 $0x108;
	_ =	swait.ge @!p0 [sflag:s8], $0x0  }
0x24: {  	s3 =	sadd.s32 $0x88, s3;
	s6 =	simm.s32 @!p1 $0x1082;
	[sflag:s4] =	ssyncset.s32 $0xFFFFF086  }
0x25: {  	[simem:s6], [sflag:s4] =	dma.local [hbm:s3], $0xF7A  }
0x26: {  	[smem:$0x3F99] =	sst s1;
	(tag) =	ssettag s2;
	_ =	strace s9  }
0x27: {  	s1 =	sld [smem:$0x3FA9]  }
0x28: {  	s2 =	sld [smem:$0x3FAA]  }
0x29: {  	s4 =	sld [smem:$0x3FAC]  }
0x2a: {  	p0 =	seq.s32 s5, $0x0;
	s5 =	sld [smem:$0x3FAD]  }
0x2b: {  	s6 =	sld [smem:$0x3FAE]  }
0x2c: {  	s7 =	sld [smem:$0x3FAF]  }
0x2d: {  	s3 =	simm.s32 $0x108;
	s8 =	sld [smem:$0x3FB0]  }
0x2e: {  	s3 =	simm.s32 @!p0 $0x1082;
	s9 =	sld [smem:$0x3FB1]  }
0x2f: {  	lr =	sadd.s32 s0, s3;
	s0 =	sld [smem:$0x3FA8]  }
0x30: {  	s3 =	sld [smem:$0x3FAB]  }
0x31: {  	[smem:$0x3FB4] =	sst s10  }
0x32: {  	s10 =	sld [smem:$0x3FB2];
	_ =	sdelay $0x3  }
0x33: {  	p0 =	seq.s32 s10, $0x1;
	s10 =	sld [smem:$0x3FB4];
	_ =	sdelay $0x3  }
0x34: {  	[smem:$0x3FB4] =	sst s10  }
0x35: {  	s10 =	sld [smem:$0x3FB3];
	_ =	sdelay $0x3  }
0x36: {  	p1 =	seq.s32 s10, $0x1;
	s10 =	sld [smem:$0x3FB4];
	_ =	sdelay $0x3  }
0x37: {  	[smem:$0x3FB4] =	sst s10  }
0x38: {  	s10 =	sld [smem:$0x3FB5]  }
0x39: {  	_ = 	snop;
	(pc) =	sbr.ind lr, $3  }
0x3a: {  	_ = 	snop  }
0x3b: {  	_ = 	snop  }
0x3c: {  	p2 =	seq.s32 s10, $0x1;
	s10 =	sld [smem:$0x3FB4]  }
0x3d: {  	_ =	shalt  }
0x3e: {  	_ =	shalt  }
0x3f: {  	_ =	shalt  }
0x40: {  	_ =	shalt  }
0x41: {  	_ =	shalt  }
0x42: {  	_ =	shalt  }
0x43: {  	_ =	shalt  }
0x44: {  	_ =	shalt  }
0x45: {  	_ =	shalt  }
0x46: {  	_ =	shalt  }
0x47: {  	_ =	shalt  }
0x48: {  	_ =	shalt  }
0x49: {  	_ =	shalt  }
0x4a: {  	_ =	shalt  }
0x4b: {  	_ =	shalt  }
0x4c: {  	_ =	shalt  }
0x4d: {  	_ =	shalt  }
0x4e: {  	_ =	shalt  }
0x4f: {  	_ =	shalt  }
0x50: {  	_ =	shalt  }
0x51: {  	_ =	shalt  }
0x52: {  	_ =	shalt  }
0x53: {  	_ =	shalt  }
0x54: {  	_ =	shalt  }
0x55: {  	_ =	shalt  }
0x56: {  	_ =	shalt  }
0x57: {  	_ =	shalt  }
0x58: {  	_ =	shalt  }
0x59: {  	_ =	shalt  }
0x5a: {  	_ =	shalt  }
0x5b: {  	_ =	shalt  }
0x5c: {  	_ =	shalt  }
0x5d: {  	_ =	shalt  }
0x5e: {  	_ =	shalt  }
0x5f: {  	_ =	shalt  }
0x60: {  	_ =	shalt  }
0x61: {  	_ =	shalt  }
0x62: {  	_ =	shalt  }
0x63: {  	_ =	shalt  }
0x64: {  	_ =	shalt  }
0x65: {  	_ =	shalt  }
0x66: {  	_ =	shalt  }
0x67: {  	_ =	shalt  }
0x68: {  	_ =	shalt  }
0x69: {  	_ =	shalt  }
0x6a: {  	_ =	shalt  }
0x6b: {  	_ =	shalt  }
0x6c: {  	_ =	shalt  }
0x6d: {  	_ =	shalt  }
0x6e: {  	_ =	shalt  }
0x6f: {  	_ =	shalt  }
0x70: {  	_ =	shalt  }
0x71: {  	_ =	shalt  }
0x72: {  	_ =	shalt  }
0x73: {  	_ =	shalt  }
0x74: {  	_ =	shalt  }
0x75: {  	_ =	shalt  }
0x76: {  	_ =	shalt  }
0x77: {  	_ =	shalt  }
0x78: {  	_ =	shalt  }
0x79: {  	_ =	shalt  }
0x7a: {  	_ =	shalt  }
0x7b: {  	_ =	shalt  }
0x7c: {  	_ =	shalt  }
0x7d: {  	_ =	shalt  }
0x7e: {  	_ =	shalt  }
0x7f: {  	_ =	shalt  }
0x80: {  	_ =	shalt  }
0x81: {  	_ =	shalt  }
0x82: {  	_ =	shalt  }
0x83: {  	_ =	shalt  }
0x84: {  	_ =	shalt  }
0x85: {  	_ =	shalt  }
0x86: {  	_ =	shalt  }
0x87: {  	_ =	shalt  }
.Lfunc_end0:
.L_simem_size_0:
called_computation.1_lowered:
.L_overlay_start_0:
0x88: {  	s2 =	sld [smem:$0x3FD9]  }
0x89: {  	s3 =	sld [smem:$0x3FFE];
	_ =	sdelay $0x1  }
0x8a: {  	s1 =	srdreg.scid  }
0x8b: {  	s0 =	sand.u32 $0x1, s1  }
0x8c: {  	s17 =	sshll.u32 s0, $0xA;
	s2 =	sadd.s32 s3, s2  }
0x8d: {  	s2 =	sadd.s32 s2, s17  }
0x8e: {  	[smem:$0x3FC0] =	sst s2  }
0x8f: {  	_ = 	snop  }
0x90: {  	s2 =	sld [smem:$0x3FD0];
	(tm) =	ssettm $0x1  }
0x91: {  	s18 =	sld [smem:$0x3FFB];
	_ =	sdelay $0x3  }
0x92: {  	_ =	strace s18  }
0x93: {  	s3 =	sld [smem:$0x3FFC];
	_ =	sdelay $0x3  }
0x94: {  	_ =	strace s3  }
0x95: {  	s3 =	sld [smem:$0x3FFD];
	_ =	sdelay $0x3  }
0x96: {  	_ =	strace s3  }
0x97: {  	_ =	strace $0x8FFFFFFF  }
0x98: {  	s19 =	sld [smem:$0x3FDB];
	_ =	sdelay $0x1  }
0x99: {  	s4 =	simm.s32 $_scs_section_size  }
0x9a: {  	s5 =	simm.s32 $_size__tile_overlayer_lowered;
	s6 =	simm.s32 $_tile_overlayer_lowered  }
0x9b: {  	s22 =	simm.s32 $0x1BFF;
	s21 =	sshll.u32 s6, $0x1;
	s3 =	sadd.s32 s4, s19  }
0x9c: {  	s7 =	simm.s32 $0x0;
	s20 =	sshll.u32 s5, $0x1;
	s5 =	sadd.s32 s21, s3  }
0x9d: {  	[timem:s7], [sflag:s22] =	dma.local [hbm:s5], s20  }
0x9e: {  	_ =	swait.ge [sflag:s22], s20  }
0x9f: {  	s4 =	ssub.s32 $0x0, s20;
	[sflag:s22] =	ssyncset.done $0x0  }
0xa0: {  	[sflag:s22] =	ssyncadd.s32 s4;
	_ =	sdelay $0x1  }
0xa1: {  	s23 =	simm.s32 $0x1B8B  }
0xa2: {  	_ =	swait.ge [sflag:s23], $0x1  }
0xa3: {  	[sflag:s23] =	ssyncset.done $0x0  }
0xa4: {  	s25 =	simm.s32 $0x1B8E;
	s24 =	sld [smem:$0x3FFE];
	[sflag:s23] =	ssyncadd.s32 $0xFFFFFFFF  }
0xa5: {  	s26 =	simm.s32 $execute0_lowered;
	[smem:$0x3FD2] =	sst s25  }
0xa6: {  	s5 =	sshll.u32 s26, $0x1;
	_ =	strace $0x80000049;
	[dreg:$0x1] =	wrdreg $0xFFFFFFFF  }
0xa7: {  	s28 =	simm.s32 $_size_execute0_lowered;
	s3 =	sadd.s32 s3, s5;
	[dreg:$0x0] =	wrdreg $0x0  }
0xa8: {  	s5 =	sshll.u32 s28, $0x1;
	[dreg:$0x2] =	wrdreg s3  }
0xa9: {  	[dreg:$0x3] =	wrdreg s5  }
0xaa: {  	[dreg:$0x4] =	wrdreg $0xC0  }
0xab: {  	_ =	task [dreg:s7], $0x5FFFF  }
0xac: {  	[dreg:$0x1] =	wrdreg $0xFFFFFFFF  }
0xad: {  	[dreg:$0x0] =	wrdreg $0x60  }
0xae: {  	[dreg:$0x2] =	wrdreg s24  }
0xaf: {  	[dreg:$0x3] =	wrdreg s2  }
0xb0: {  	[dreg:$0x4] =	wrdreg $0xAA000  }
0xb1: {  	[dreg:$0x5] =	wrdreg $0x9  }
0xb2: {  	_ =	task.clear_ibuf [dreg:s7], $0x6FFFF;
	_ =	strace $0x90000049  }
0xb3: {  	s29 =	simm.s32 $0x9;
	_ =	strace $0x8000004B  }
0xb4: {  	_ =	swait.ge [sflag:s29], $0x1  }
0xb5: {  	[sflag:s29] =	ssyncadd.s32 $0xFFFFFFFF  }
0xb6: {  	_ =	strace $0x9000004B  }
0xb7: {  	_ =	sfence  }
0xb8: {  	s30 =	sld [smem:$0x0];
	_ =	sdelay $0x2  }
0xb9: {  	s31 =	sshll.u32 s1, $0xD;
	s1 =	sshrl.u32 s1, $0x2  }
0xba: {  	s3 =	sand.u32 $0x4000, s31;
	s1 =	sadd.s32 s1, s30  }
0xbb: {  	s0 =	sor.u32 s3, s0;
	s1 =	sshll.u32 s1, $0x11  }
0xbc: {  	s0 =	sor.u32 s1, s0  }
0xbd: {  	s0 =	sadd.s32 $0x8F2B, s0  }
0xbe: {  	[sflag:s0] =	ssyncadd.remote.s32 $0x1  }
0xbf: {  	_ =	sfence.sel $0xFFFF  }
0xc0: {  	[dreg:$0x0] =	wrdreg $0xFFFFFFFF;
	(pc) =	sbr.abs _section_cstart, $3  }
0xc1: {  	[dreg:$0x1] =	wrdreg $0xFFFFFFFF  }
0xc2: {  	_ =	task.clear_ibuf [dreg:s7], $0x2FFFF;
	_ =	strace $0x9FFFFFFF  }
0xc3: {  	(tm) =	ssettm $0x7FFFFFFF  }
tec
execute0_lowered:
.L_overlay_start_1:
0x0: {  	(tag) =	ssettag $0x1  }
0x1: {  	s0 =	rddreg [dreg:$0x0]  }
0x2: {  	s3 =	srdreg.scid;
	s12 =	stileid.u32  }
0x3: {  	s1 =	rddreg [dreg:$0x1];
	s6 =	sand.u32 $0x1, s3;
	s4 =	sshll.u32 s12, $0x1  }
0x4: {  	s2 =	rddreg [dreg:$0x2];
	s28 =	simm.s32 $0x80;
	s4 =	sor.u32 s6, s4  }
0x5: {  	s29 =	simm.s32 $0x400;
	s3 =	simm.s32 $0x0;
	s4 =	smul.u32 $0x2800, s4  }
0x6: {  	s30 =	simm.s32 $0x3;
	s5 =	sadd.s32 $0x54800, s0;
	[smem:$0x7FF] =	sst s3  }
0x7: {  	s8 =	ssub.s32 $0x2, s6;
	_ =	strace $0x8000004A;
	s7 =	sshrl.u32 s4, $0x3  }
0x8: {  	s9 =	sshrl.u32 s8, $0x1;
	s14 =	sadd.s32 s5, s7;
	s15 =	sor.u32 $0x4, s7  }
0x9: {  	s4 =	ssub.s32 s8, s9;
	[dreg:$0x18] =	wrdreg s14;
	s16 =	sadd.s32 s5, s15  }
0xa: {  	s18 =	sor.u32 $0x8, s7;
	s8 =	sadd.s32 s1, s15;
	[dreg:$0x19] =	wrdreg s16  }
0xb: {  	s17 =	smul.u32 $0x5000, s12;
	s13 =	sadd.s32 s5, s18;
	[dreg:$0x1a] =	wrdreg s8  }
0xc: {  	s10 =	sor.u32 $0xC, s7;
	s9 =	sadd.s32 s1, s18;
	[dreg:$0x1b] =	wrdreg s13  }
0xd: {  	s11 =	smul.u32 $0x2800, s6;
	s19 =	sadd.s32 s5, s10;
	[dreg:$0x1c] =	wrdreg s9  }
0xe: {  	s21 =	sor.u32 $0x10, s7;
	s20 =	sadd.s32 s1, s10;
	[dreg:$0x1d] =	wrdreg s19  }
0xf: {  	s23 =	sor.u32 $0x14, s7;
	s22 =	sadd.s32 s5, s21;
	[dreg:$0x1e] =	wrdreg s20  }
0x10: {  	p0 =	seq.s32 s12, $0xF;
	s24 =	sadd.s32 s5, s23;
	[dreg:$0x1f] =	wrdreg s22  }
0x11: {  	s10 =	sadd.s32 s1, s23;
	s8 =	sadd.s32 s11, s17;
	[smem:$0x7ED] =	sst s24  }
0x12: {  	s9 =	sadd.s32 s1, s21;
	[smem:$0x7EE] =	sst s10;
	s11 =	sor.u32 $0x260, s8  }
0x13: {  	s6 =	smul.u32 $0x138800, s6;
	[smem:$0x7EC] =	sst s9;
	s25 =	sshrl.u32 s11, $0x3  }
0x14: {  	s31 =	sor.u32 $0x240, s8;
	s15 =	sor.u32 $0x220, s8;
	s26 =	sadd.s32 s25, s1  }
0x15: {  	s13 =	sshrl.u32 s31, $0x3;
	s9 =	sadd.s32 s25, s5;
	[dreg:$0x4] =	wrdreg s26  }
0x16: {  	s19 =	sor.u32 $0x200, s8;
	s14 =	sadd.s32 s13, s1;
	[dreg:$0x5] =	wrdreg s9  }
0x17: {  	s17 =	sshrl.u32 s15, $0x3;
	s16 =	sadd.s32 s13, s5;
	[dreg:$0x6] =	wrdreg s14  }
0x18: {  	s23 =	sor.u32 $0x1E0, s8;
	s18 =	sadd.s32 s17, s1;
	[dreg:$0x7] =	wrdreg s16  }
0x19: {  	s21 =	sshrl.u32 s19, $0x3;
	s20 =	sadd.s32 s17, s5;
	[dreg:$0x8] =	wrdreg s18  }
0x1a: {  	s31 =	sor.u32 $0x1C0, s8;
	s22 =	sadd.s32 s21, s1;
	[dreg:$0x9] =	wrdreg s20  }
0x1b: {  	s24 =	sadd.s32 s21, s5;
	s25 =	sshrl.u32 s23, $0x3;
	[dreg:$0xa] =	wrdreg s22  }
0x1c: {  	s15 =	sor.u32 $0x1A0, s8;
	[dreg:$0xb] =	wrdreg s24;
	s26 =	sadd.s32 s25, s1  }
0x1d: {  	s13 =	sshrl.u32 s31, $0x3;
	s10 =	sadd.s32 s25, s5;
	[dreg:$0xc] =	wrdreg s26  }
0x1e: {  	s19 =	sor.u32 $0x180, s8;
	s14 =	sadd.s32 s13, s1;
	[dreg:$0xd] =	wrdreg s10  }
0x1f: {  	s17 =	sshrl.u32 s15, $0x3;
	s16 =	sadd.s32 s13, s5;
	[dreg:$0xe] =	wrdreg s14  }
0x20: {  	s21 =	sshrl.u32 s19, $0x3;
	s18 =	sadd.s32 s17, s1;
	[dreg:$0xf] =	wrdreg s16  }
0x21: {  	s31 =	sor.u32 $0x1C, s7;
	s20 =	sadd.s32 s17, s5;
	[dreg:$0x10] =	wrdreg s18  }
0x22: {  	s15 =	sor.u32 $0x20, s7;
	s23 =	sadd.s32 s21, s1;
	[dreg:$0x11] =	wrdreg s20  }
0x23: {  	s22 =	sor.u32 $0x18, s7;
	s13 =	sadd.s32 s5, s31;
	[dreg:$0x12] =	wrdreg s23  }
0x24: {  	s25 =	sor.u32 $0x160, s8;
	s17 =	sadd.s32 s1, s7;
	[smem:$0x7F1] =	sst s13  }
0x25: {  	s8 =	sor.u32 $0x140, s8;
	s24 =	sadd.s32 s5, s22;
	[smem:$0x7F3] =	sst s17  }
0x26: {  	s7 =	sor.u32 $0x24, s7;
	s11 =	sadd.s32 s1, s22;
	[smem:$0x7EF] =	sst s24  }
0x27: {  	s10 =	sadd.s32 s21, s5;
	s9 =	sshrl.u32 s25, $0x3;
	[smem:$0x7F0] =	sst s11  }
0x28: {  	s8 =	sshrl.u32 s8, $0x3;
	s14 =	sadd.s32 s1, s31;
	[dreg:$0x13] =	wrdreg s10  }
0x29: {  	s18 =	sadd.s32 s5, s15;
	s20 =	sadd.s32 $0x5E800, s0;
	[smem:$0x7F2] =	sst s14  }
0x2a: {  	s25 =	sadd.s32 $0x5E00, s0;
	s0 =	sadd.s32 $0x3600, s0;
	[smem:$0x7F4] =	sst s18  }
0x2b: {  	s16 =	smul.u32 $0x13C00, s12;
	s31 =	sadd.s32 $0x128400, s2;
	[smem:$0x7F9] =	sst s0  }
0x2c: {  	s21 =	smul.u32 $0x4F000, s12;
	s26 =	sadd.s32 s9, s1;
	[smem:$0x7FD] =	sst s31  }
0x2d: {  	s13 =	simm.s32 $0x280;
	s9 =	sadd.s32 s9, s5;
	[dreg:$0x14] =	wrdreg s26  }
0x2e: {  	s11 =	sadd.s32 s8, s1;
	s10 =	simm.s32 $0x2;
	[dreg:$0x15] =	wrdreg s9  }
0x2f: {  	[dreg:$0x16] =	wrdreg s11;
	s9 =	sadd.s32 s1, s15;
	s1 =	sadd.s32 s1, s7  }
0x30: {  	s19 =	sadd.s32 s16, s6;
	s7 =	sadd.s32 s5, s7;
	s5 =	sadd.s32 s8, s5  }
0x31: {  	s6 =	sshrl.u32 s6, $0x3;
	s23 =	sshrl.u32 s21, $0x2;
	[smem:$0x7F5] =	sst s9  }
0x32: {  	s26 =	smax.u32 s4, $0x1;
	s15 =	simm.s32 $0x300;
	[smem:$0x7F6] =	sst s1  }
0x33: {  	s21 =	simm.s32 $0x380;
	[smem:$0x7F7] =	sst s7;
	s1 =	sshrl.u32 s19, $0x3  }
0x34: {  	s22 =	sadd.s32 s20, s6;
	[dreg:$0x17] =	wrdreg s5;
	s0 =	sadd.s32 s23, s2  }
0x35: {  	[smem:$0x7FC] =	sst s26;
	s26 =	simm.s32 $0x100;
	s5 =	simm.s32 $0x180  }
0x36: {  	s9 =	simm.s32 $0x200;
	s1 =	sadd.s32 s20, s1;
	[smem:$0x7FA] =	sst s0  }
0x37: {  	s6 =	simm.s32 $0x1;
	s24 =	sadd.s32 $0x25080, s22;
	[smem:$0x7F8] =	sst s1  }
0x38: {  	s22 =	simm.s32 $0x20;
	s0 =	simm.s32 $0x0;
	[smem:$0x7FB] =	sst s24  }
.LBB2_1:
0x39: {  	s17 =	sld [smem:$0x7FD];
	_ =	sdelay $0x1  }
0x3a: {  	s19 =	sld [smem:$0x7F9]  }
0x3b: {  	[smem:$0x7E8] =	sst s0;
	s0 =	sshrl.u32 @p0 s17, $0x3  }
0x3c: {  	s17 =	simm.s32 @p0 $0x1FDF;
	[smem:$0x7E9] =	sst s0  }
0x3d: {  	[spmem:s0], [sflag:s17] =	dma.local @p0 [hbm:s19], $0x2080  }
0x3e: {  	s17 =	simm.s32 @p0 $0x1F  }
0x3f: {  	_ =	swait.ge @p0 [sflag:s17], $0x2080  }
0x40: {  	[sflag:s17] =	ssyncset.done @p0 $0x0  }
0x41: {  	s18 =	stileid.u32;
	[sflag:s17] =	ssyncadd.s32 @p0 $0xFFFFDF80;
	s17 =	sld [smem:$0x7FA]  }
0x42: {  	s18 =	sshll.u32 @!p0 s18, $0x6  }
0x43: {  	s0 =	sor.u32 @!p0 $0x1C1F, s18  }
0x44: {  	[smem:$0x7EA] =	sst s0;
	s1 =	sshrl.u32 @!p0 s17, $0x3  }
0x45: {  	s17 =	simm.s32 @!p0 $0x1F;
	[smem:$0x7EB] =	sst s1  }
0x46: {  	[spmem:s1], [sflag:s0] =	dma.local @!p0 [hbm:s19], $0x2780  }
0x47: {  	_ =	swait.ge @!p0 [sflag:s17], $0x2780  }
0x48: {  	[sflag:s17] =	ssyncset.done @!p0 $0x0;
	s4 =	rddreg [dreg:$0x18]  }
0x49: {  	s7 =	sld [smem:$0x7F3];
	[sflag:s17] =	ssyncadd.s32 @!p0 $0xFFFFD880  }
0x4a: {  	[tilespmem:s3], [sflag:$0x1] =	stream.linear.gather [hbm4b:s4+s3], $0x20, $0x38;
	[tilespmem:$0x1E280] =	vst v63  }
0x4b: {  	s8 =	simm.s32 $0x500;
	s11 =	rddreg [dreg:$0x19]  }
0x4c: {  	[tilespmem:s8], [sflag:$0x1] =	stream.linear.gather [hbm4b:s7+s3], $0x20, $0x38;
	[tilespmem:$0x1E280] =	vst v63  }
0x4d: {  	s12 =	rddreg [dreg:$0x1a]  }
0x4e: {  	[tilespmem:s28], [sflag:$0x2] =	stream.linear.gather [hbm4b:s11+s3], $0x20, $0x38;
	[tilespmem:$0x1E280] =	vst v63  }
0x4f: {  	s14 =	simm.s32 $0x580;
	s16 =	rddreg [dreg:$0x1b]  }
0x50: {  	[tilespmem:s14], [sflag:$0x2] =	stream.linear.gather [hbm4b:s12+s3], $0x20, $0x38;
	[tilespmem:$0x1E280] =	vst v63  }
0x51: {  	s18 =	rddreg [dreg:$0x1c]  }
0x52: {  	[tilespmem:s26], [sflag:$0x3] =	stream.linear.gather [hbm4b:s16+s3], $0x20, $0x38;
	[tilespmem:$0x1E280] =	vst v63  }
0x53: {  	s19 =	simm.s32 $0x600;
	s20 =	rddreg [dreg:$0x1d]  }
0x54: {  	[tilespmem:s19], [sflag:$0x3] =	stream.linear.gather [hbm4b:s18+s3], $0x20, $0x38;
	[tilespmem:$0x1E280] =	vst v63  }
0x55: {  	s23 =	rddreg [dreg:$0x1e]  }
0x56: {  	[tilespmem:s5], [sflag:$0x4] =	stream.linear.gather [hbm4b:s20+s3], $0x20, $0x38;
	[tilespmem:$0x1E280] =	vst v63  }
0x57: {  	s31 =	simm.s32 $0x680;
	s0 =	rddreg [dreg:$0x1f]  }
0x58: {  	[tilespmem:s31], [sflag:$0x4] =	stream.linear.gather [hbm4b:s23+s3], $0x20, $0x38;
	[tilespmem:$0x1E280] =	vst v63  }
0x59: {  	s1 =	sld [smem:$0x7EC]  }
0x5a: {  	[tilespmem:s9], [sflag:$0x5] =	stream.linear.gather [hbm4b:s0+s3], $0x20, $0x38;
	[tilespmem:$0x1E280] =	vst v63  }
0x5b: {  	s2 =	simm.s32 $0x700;
	s4 =	sld [smem:$0x7ED]  }
0x5c: {  	[tilespmem:s2], [sflag:$0x5] =	stream.linear.gather [hbm4b:s1+s3], $0x20, $0x38;
	[tilespmem:$0x1E280] =	vst v63  }
0x5d: {  	s7 =	sld [smem:$0x7EE]  }
0x5e: {  	[tilespmem:s13], [sflag:$0x6] =	stream.linear.gather [hbm4b:s4+s3], $0x20, $0x38;
	[tilespmem:$0x1E280] =	vst v63  }
0x5f: {  	s8 =	simm.s32 $0x780;
	s11 =	sld [smem:$0x7EF]  }
0x60: {  	[tilespmem:s8], [sflag:$0x6] =	stream.linear.gather [hbm4b:s7+s3], $0x20, $0x38;
	[tilespmem:$0x1E280] =	vst v63  }
0x61: {  	s12 =	sld [smem:$0x7F0]  }
0x62: {  	[tilespmem:s15], [sflag:$0x7] =	stream.linear.gather [hbm4b:s11+s3], $0x20, $0x38;
	[tilespmem:$0x1E280] =	vst v63  }
0x63: {  	s14 =	simm.s32 $0x800;
	s16 =	sld [smem:$0x7F1]  }
0x64: {  	[tilespmem:s14], [sflag:$0x7] =	stream.linear.gather [hbm4b:s12+s3], $0x20, $0x38;
	[tilespmem:$0x1E280] =	vst v63  }
0x65: {  	s18 =	sld [smem:$0x7F2]  }
0x66: {  	[tilespmem:s21], [sflag:$0x8] =	stream.linear.gather [hbm4b:s16+s3], $0x20, $0x38;
	[tilespmem:$0x1E280] =	vst v63  }
0x67: {  	s19 =	simm.s32 $0x880;
	s20 =	sld [smem:$0x7F4]  }
0x68: {  	[tilespmem:s19], [sflag:$0x8] =	stream.linear.gather [hbm4b:s18+s3], $0x20, $0x38;
	[tilespmem:$0x1E280] =	vst v63  }
0x69: {  	s23 =	sld [smem:$0x7F5]  }
0x6a: {  	[tilespmem:s29], [sflag:$0x9] =	stream.linear.gather [hbm4b:s20+s3], $0x20, $0x38;
	[tilespmem:$0x1E280] =	vst v63  }
0x6b: {  	s31 =	simm.s32 $0x900;
	s0 =	sld [smem:$0x7F7]  }
0x6c: {  	[tilespmem:s31], [sflag:$0x9] =	stream.linear.gather [hbm4b:s23+s3], $0x20, $0x38;
	[tilespmem:$0x1E280] =	vst v63  }
0x6d: {  	s1 =	simm.s32 $0x480;
	s2 =	sld [smem:$0x7F6]  }
0x6e: {  	[tilespmem:s1], [sflag:$0xA] =	stream.linear.gather [hbm4b:s0+s3], $0x20, $0x38;
	[tilespmem:$0x1E280] =	vst v63  }
0x6f: {  	s4 =	simm.s32 $0x980  }
0x70: {  	[tilespmem:s4], [sflag:$0xA] =	stream.linear.gather [hbm4b:s2+s3], $0x20, $0x38;
	[tilespmem:$0x1E280] =	vst v63  }
0x71: {  	_ =	swait.ge [sflag:s6], $0x20  }
0x72: {  	[sflag:s6] =	ssyncset.done $0x0  }
0x73: {  	[sflag:s6] =	ssyncadd.s32 $0xFFFFFFE0  }
0x74: {  	_ =	swait.ge [sflag:s6], $0x20  }
0x75: {  	[sflag:s6] =	ssyncset.done $0x0  }
0x76: {  	s7 =	simm.s32 $0xA00;
	[sflag:s6] =	ssyncadd.s32 $0xFFFFFFE0  }
0x77: {  	[tilespmem:s7], [sflag:$0xB] =	stream.indirect.gather [hbm4b:s25+s22], $0x80, s3, s22, $0xb8;
	[tilespmem:$0x1E280] =	vst v63  }
0x78: {  	_ =	swait.ge [sflag:s10], $0x20  }
0x79: {  	[sflag:s10] =	ssyncset.done $0x0  }
0x7a: {  	[sflag:s10] =	ssyncadd.s32 $0xFFFFFFE0  }
0x7b: {  	_ =	swait.ge [sflag:s10], $0x20  }
0x7c: {  	[sflag:s10] =	ssyncset.done $0x0  }
0x7d: {  	s8 =	simm.s32 $0x1A00;
	[sflag:s10] =	ssyncadd.s32 $0xFFFFFFE0  }
0x7e: {  	[tilespmem:s8], [sflag:$0xC] =	stream.indirect.gather [hbm4b:s25+s22], $0x80, s28, s22, $0xb8;
	[tilespmem:$0x1E280] =	vst v63  }
0x7f: {  	_ =	swait.ge [sflag:s30], $0x20  }
0x80: {  	[sflag:s30] =	ssyncset.done $0x0  }
0x81: {  	[sflag:s30] =	ssyncadd.s32 $0xFFFFFFE0  }
0x82: {  	_ =	swait.ge [sflag:s30], $0x20  }
0x83: {  	[sflag:s30] =	ssyncset.done $0x0  }
0x84: {  	s11 =	simm.s32 $0x2A00;
	s1 =	simm.s32 $0x4;
	[sflag:s30] =	ssyncadd.s32 $0xFFFFFFE0  }
0x85: {  	[tilespmem:s11], [sflag:$0xD] =	stream.indirect.gather [hbm4b:s25+s22], $0x80, s26, s22, $0xb8;
	[tilespmem:$0x1E280] =	vst v63  }
0x86: {  	_ =	swait.ge [sflag:s1], $0x20  }
0x87: {  	[sflag:s1] =	ssyncset.done $0x0  }
0x88: {  	[sflag:s1] =	ssyncadd.s32 $0xFFFFFFE0  }
0x89: {  	_ =	swait.ge [sflag:s1], $0x20  }
0x8a: {  	[sflag:s1] =	ssyncset.done $0x0  }
0x8b: {  	s12 =	simm.s32 $0x3A00;
	s2 =	simm.s32 $0x5;
	[sflag:s1] =	ssyncadd.s32 $0xFFFFFFE0  }
0x8c: {  	[tilespmem:s12], [sflag:$0xE] =	stream.indirect.gather [hbm4b:s25+s22], $0x80, s5, s22, $0xb8;
	[tilespmem:$0x1E280] =	vst v63  }
0x8d: {  	_ =	swait.ge [sflag:s2], $0x20  }
0x8e: {  	[sflag:s2] =	ssyncset.done $0x0  }
0x8f: {  	[sflag:s2] =	ssyncadd.s32 $0xFFFFFFE0  }
0x90: {  	_ =	swait.ge [sflag:s2], $0x20  }
0x91: {  	[sflag:s2] =	ssyncset.done $0x0  }
0x92: {  	s14 =	simm.s32 $0x4A00;
	s4 =	simm.s32 $0x6;
	[sflag:s2] =	ssyncadd.s32 $0xFFFFFFE0  }
0x93: {  	[tilespmem:s14], [sflag:$0xF] =	stream.indirect.gather [hbm4b:s25+s22], $0x80, s9, s22, $0xb8;
	[tilespmem:$0x1E280] =	vst v63  }
0x94: {  	_ =	swait.ge [sflag:s4], $0x20  }
0x95: {  	[sflag:s4] =	ssyncset.done $0x0  }
0x96: {  	[sflag:s4] =	ssyncadd.s32 $0xFFFFFFE0  }
0x97: {  	_ =	swait.ge [sflag:s4], $0x20  }
0x98: {  	[sflag:s4] =	ssyncset.done $0x0  }
0x99: {  	s16 =	simm.s32 $0x5A00;
	s7 =	simm.s32 $0x7;
	[sflag:s4] =	ssyncadd.s32 $0xFFFFFFE0  }
0x9a: {  	[tilespmem:s16], [sflag:$0x10] =	stream.indirect.gather [hbm4b:s25+s22], $0x80, s13, s22, $0xb8;
	[tilespmem:$0x1E280] =	vst v63  }
0x9b: {  	_ =	swait.ge [sflag:s7], $0x20  }
0x9c: {  	[sflag:s7] =	ssyncset.done $0x0  }
0x9d: {  	[sflag:s7] =	ssyncadd.s32 $0xFFFFFFE0  }
0x9e: {  	_ =	swait.ge [sflag:s7], $0x20  }
0x9f: {  	[sflag:s7] =	ssyncset.done $0x0  }
0xa0: {  	s17 =	simm.s32 $0x6A00;
	s8 =	simm.s32 $0x8;
	[sflag:s7] =	ssyncadd.s32 $0xFFFFFFE0  }
0xa1: {  	[tilespmem:s17], [sflag:$0x11] =	stream.indirect.gather [hbm4b:s25+s22], $0x80, s15, s22, $0xb8;
	[tilespmem:$0x1E280] =	vst v63  }
0xa2: {  	_ =	swait.ge [sflag:s8], $0x20  }
0xa3: {  	[sflag:s8] =	ssyncset.done $0x0  }
0xa4: {  	[sflag:s8] =	ssyncadd.s32 $0xFFFFFFE0  }
0xa5: {  	_ =	swait.ge [sflag:s8], $0x20  }
0xa6: {  	[sflag:s8] =	ssyncset.done $0x0  }
0xa7: {  	s18 =	simm.s32 $0x7A00;
	s11 =	simm.s32 $0x9;
	[sflag:s8] =	ssyncadd.s32 $0xFFFFFFE0  }
0xa8: {  	[tilespmem:s18], [sflag:$0x12] =	stream.indirect.gather [hbm4b:s25+s22], $0x80, s21, s22, $0xb8;
	[tilespmem:$0x1E280] =	vst v63  }
0xa9: {  	_ =	swait.ge [sflag:s11], $0x20  }
0xaa: {  	[sflag:s11] =	ssyncset.done $0x0  }
0xab: {  	[sflag:s11] =	ssyncadd.s32 $0xFFFFFFE0  }
0xac: {  	_ =	swait.ge [sflag:s11], $0x20  }
0xad: {  	[sflag:s11] =	ssyncset.done $0x0  }
0xae: {  	s19 =	simm.s32 $0x8A00;
	s12 =	simm.s32 $0xA;
	[sflag:s11] =	ssyncadd.s32 $0xFFFFFFE0  }
0xaf: {  	[tilespmem:s19], [sflag:$0x13] =	stream.indirect.gather [hbm4b:s25+s22], $0x80, s29, s22, $0xb8;
	[tilespmem:$0x1E280] =	vst v63  }
0xb0: {  	_ =	swait.ge [sflag:s12], $0x20  }
0xb1: {  	[sflag:s12] =	ssyncset.done $0x0  }
0xb2: {  	[sflag:s12] =	ssyncadd.s32 $0xFFFFFFE0  }
0xb3: {  	_ =	swait.ge [sflag:s12], $0x20  }
0xb4: {  	[sflag:s12] =	ssyncset.done $0x0  }
0xb5: {  	s31 =	simm.s32 $0x480;
	s18 =	simm.s32 $0x9A00;
	[sflag:s12] =	ssyncadd.s32 $0xFFFFFFE0  }
0xb6: {  	[tilespmem:s18], [sflag:$0x14] =	stream.indirect.gather [hbm4b:s25+s22], $0x80, s31, s22, $0xb8;
	[tilespmem:$0x1E280] =	vst v63  }
0xb7: {  	s0 =	simm.s32 $0xB;
	[bflag:$0x0] =	sbarrier.arrive $0xFFFF  }
0xb8: {  	_ =	swait.ge [sflag:s0], $0x1000  }
0xb9: {  	[sflag:s0] =	ssyncset.done $0x0  }
0xba: {  	s24 =	simm.s32 $0x500;
	[sflag:s0] =	ssyncadd.s32 $0xFFFFF000  }
0xbb: {  	s19 =	simm.s32 $0xA00;
	s31 =	simm.s32 $0xC;
	s17 =	rddreg [dreg:$0x2]  }
0xbc: {  	[spmem:s17] =	stream.indirect.scatter.add.f32 [tilespmem:s19], [sflag:$0x15], $0x80, s24, s22, $0xb8;
	[tilespmem:$0x1E280] =	vst v63  }
0xbd: {  	_ =	swait.ge [sflag:s31], $0x1000  }
0xbe: {  	[sflag:s31] =	ssyncset.done $0x0  }
0xbf: {  	s24 =	simm.s32 $0x1A00;
	[sflag:s31] =	ssyncadd.s32 $0xFFFFF000;
	s31 =	simm.s32 $0x580  }
0xc0: {  	[spmem:s17] =	stream.indirect.scatter.add.f32 [tilespmem:s24], [sflag:$0x16], $0x80, s31, s22, $0xb8;
	[tilespmem:$0x1E280] =	vst v63  }
0xc1: {  	s24 =	simm.s32 $0xD  }
0xc2: {  	_ =	swait.ge [sflag:s24], $0x1000  }
0xc3: {  	[sflag:s24] =	ssyncset.done $0x0  }
0xc4: {  	s0 =	simm.s32 $0x2A00;
	[sflag:s24] =	ssyncadd.s32 $0xFFFFF000;
	s24 =	simm.s32 $0x600  }
0xc5: {  	[spmem:s17] =	stream.indirect.scatter.add.f32 [tilespmem:s0], [sflag:$0x17], $0x80, s24, s22, $0xb8;
	[tilespmem:$0x1E280] =	vst v63  }
0xc6: {  	s24 =	simm.s32 $0xE  }
0xc7: {  	_ =	swait.ge [sflag:s24], $0x1000  }
0xc8: {  	[sflag:s24] =	ssyncset.done $0x0  }
0xc9: {  	s0 =	simm.s32 $0x680;
	[sflag:s24] =	ssyncadd.s32 $0xFFFFF000;
	s24 =	simm.s32 $0x3A00  }
0xca: {  	[spmem:s17] =	stream.indirect.scatter.add.f32 [tilespmem:s24], [sflag:$0x18], $0x80, s0, s22, $0xb8;
	[tilespmem:$0x1E280] =	vst v63  }
0xcb: {  	s24 =	simm.s32 $0xF  }
0xcc: {  	_ =	swait.ge [sflag:s24], $0x1000  }
0xcd: {  	[sflag:s24] =	ssyncset.done $0x0  }
0xce: {  	s0 =	simm.s32 $0x700;
	[sflag:s24] =	ssyncadd.s32 $0xFFFFF000;
	s24 =	simm.s32 $0x4A00  }
0xcf: {  	[spmem:s17] =	stream.indirect.scatter.add.f32 [tilespmem:s24], [sflag:$0x19], $0x80, s0, s22, $0xb8;
	[tilespmem:$0x1E280] =	vst v63  }
0xd0: {  	s24 =	simm.s32 $0x10  }
0xd1: {  	_ =	swait.ge [sflag:s24], $0x1000  }
0xd2: {  	[sflag:s24] =	ssyncset.done $0x0  }
0xd3: {  	s23 =	simm.s32 $0x5A00;
	[sflag:s24] =	ssyncadd.s32 $0xFFFFF000;
	s24 =	simm.s32 $0x780  }
0xd4: {  	[spmem:s17] =	stream.indirect.scatter.add.f32 [tilespmem:s23], [sflag:$0x1A], $0x80, s24, s22, $0xb8;
	[tilespmem:$0x1E280] =	vst v63  }
0xd5: {  	s24 =	simm.s32 $0x11  }
0xd6: {  	_ =	swait.ge [sflag:s24], $0x1000  }
0xd7: {  	s20 =	simm.s32 $0x6A00;
	[sflag:s24] =	ssyncset.done $0x0  }
0xd8: {  	s23 =	simm.s32 $0x800;
	[sflag:s24] =	ssyncadd.s32 $0xFFFFF000;
	s24 =	simm.s32 $0x12  }
0xd9: {  	[spmem:s17] =	stream.indirect.scatter.add.f32 [tilespmem:s20], [sflag:$0x1B], $0x80, s23, s22, $0xb8;
	[tilespmem:$0x1E280] =	vst v63  }
0xda: {  	_ =	swait.ge [sflag:s24], $0x1000  }
0xdb: {  	[sflag:s24] =	ssyncset.done $0x0  }
0xdc: {  	s16 =	simm.s32 $0x7A00;
	[sflag:s24] =	ssyncadd.s32 $0xFFFFF000;
	s24 =	simm.s32 $0x880  }
0xdd: {  	[spmem:s17] =	stream.indirect.scatter.add.f32 [tilespmem:s16], [sflag:$0x1C], $0x80, s24, s22, $0xb8;
	[tilespmem:$0x1E280] =	vst v63  }
0xde: {  	s24 =	simm.s32 $0x13  }
0xdf: {  	_ =	swait.ge [sflag:s24], $0x1000  }
0xe0: {  	[sflag:s24] =	ssyncset.done $0x0  }
0xe1: {  	s14 =	simm.s32 $0x8A00;
	[sflag:s24] =	ssyncadd.s32 $0xFFFFF000;
	s24 =	simm.s32 $0x900  }
0xe2: {  	[spmem:s17] =	stream.indirect.scatter.add.f32 [tilespmem:s14], [sflag:$0x1D], $0x80, s24, s22, $0xb8;
	[tilespmem:$0x1E280] =	vst v63  }
0xe3: {  	s24 =	simm.s32 $0x14  }
0xe4: {  	_ =	swait.ge [sflag:s24], $0x1000  }
0xe5: {  	[sflag:s24] =	ssyncset.done $0x0  }
0xe6: {  	s0 =	simm.s32 $0x15;
	[sflag:s24] =	ssyncadd.s32 $0xFFFFF000;
	s24 =	simm.s32 $0x980  }
0xe7: {  	[spmem:s17] =	stream.indirect.scatter.add.f32 [tilespmem:s18], [sflag:$0x1E], $0x80, s24, s22, $0xb8;
	[tilespmem:$0x1E280] =	vst v63  }
0xe8: {  	_ =	swait.ge [sflag:s0], $0x1000  }
0xe9: {  	s17 =	rddreg [dreg:$0x17];
	[sflag:s0] =	ssyncset.done $0x0  }
0xea: {  	s18 =	rddreg [dreg:$0x16];
	[sflag:s0] =	ssyncadd.s32 $0xFFFFF000;
	s17 =	sadd.s32 $0x0, s17  }
0xeb: {  	[tilespmem:s3], [sflag:$0x1] =	stream.linear.gather [hbm4b:s17+s3], $0x20, $0x38;
	[tilespmem:$0x1E280] =	vst v63  }
0xec: {  	s19 =	simm.s32 $0x500;
	s0 =	sadd.s32 $0x0, s18;
	s17 =	simm.s32 $0x16  }
0xed: {  	[tilespmem:s19], [sflag:$0x1] =	stream.linear.gather [hbm4b:s0+s3], $0x20, $0x38;
	[tilespmem:$0x1E280] =	vst v63  }
0xee: {  	_ =	swait.ge [sflag:s17], $0x1000  }
0xef: {  	s18 =	rddreg [dreg:$0x15];
	[sflag:s17] =	ssyncset.done $0x0  }
0xf0: {  	s19 =	rddreg [dreg:$0x14];
	[sflag:s17] =	ssyncadd.s32 $0xFFFFF000;
	s17 =	sadd.s32 $0x0, s18  }
0xf1: {  	[tilespmem:s28], [sflag:$0x2] =	stream.linear.gather [hbm4b:s17+s3], $0x20, $0x38;
	[tilespmem:$0x1E280] =	vst v63  }
0xf2: {  	s31 =	simm.s32 $0x580;
	s0 =	sadd.s32 $0x0, s19;
	s18 =	simm.s32 $0x17  }
0xf3: {  	[tilespmem:s31], [sflag:$0x2] =	stream.linear.gather [hbm4b:s0+s3], $0x20, $0x38;
	[tilespmem:$0x1E280] =	vst v63  }
0xf4: {  	_ =	swait.ge [sflag:s18], $0x1000  }
0xf5: {  	s19 =	rddreg [dreg:$0x13];
	[sflag:s18] =	ssyncset.done $0x0  }
0xf6: {  	s31 =	rddreg [dreg:$0x12];
	[sflag:s18] =	ssyncadd.s32 $0xFFFFF000;
	s17 =	sadd.s32 $0x0, s19  }
0xf7: {  	[tilespmem:s26], [sflag:$0x3] =	stream.linear.gather [hbm4b:s17+s3], $0x20, $0x38;
	[tilespmem:$0x1E280] =	vst v63  }
0xf8: {  	s19 =	sadd.s32 $0x0, s31;
	s31 =	simm.s32 $0x600;
	s18 =	simm.s32 $0x18  }
0xf9: {  	[tilespmem:s31], [sflag:$0x3] =	stream.linear.gather [hbm4b:s19+s3], $0x20, $0x38;
	[tilespmem:$0x1E280] =	vst v63  }
0xfa: {  	_ =	swait.ge [sflag:s18], $0x1000  }
0xfb: {  	s19 =	rddreg [dreg:$0x11];
	[sflag:s18] =	ssyncset.done $0x0  }
0xfc: {  	s31 =	rddreg [dreg:$0x10];
	[sflag:s18] =	ssyncadd.s32 $0xFFFFF000;
	s17 =	sadd.s32 $0x0, s19  }
0xfd: {  	[tilespmem:s5], [sflag:$0x4] =	stream.linear.gather [hbm4b:s17+s3], $0x20, $0x38;
	[tilespmem:$0x1E280] =	vst v63  }
0xfe: {  	s19 =	sadd.s32 $0x0, s31;
	s31 =	simm.s32 $0x680;
	s18 =	simm.s32 $0x19  }
0xff: {  	[tilespmem:s31], [sflag:$0x4] =	stream.linear.gather [hbm4b:s19+s3], $0x20, $0x38;
	[tilespmem:$0x1E280] =	vst v63  }
0x100: {  	_ =	swait.ge [sflag:s18], $0x1000  }
0x101: {  	s19 =	rddreg [dreg:$0xf];
	[sflag:s18] =	ssyncset.done $0x0  }
0x102: {  	s31 =	rddreg [dreg:$0xe];
	[sflag:s18] =	ssyncadd.s32 $0xFFFFF000;
	s17 =	sadd.s32 $0x0, s19  }
0x103: {  	[tilespmem:s9], [sflag:$0x5] =	stream.linear.gather [hbm4b:s17+s3], $0x20, $0x38;
	[tilespmem:$0x1E280] =	vst v63  }
0x104: {  	s19 =	sadd.s32 $0x0, s31;
	s31 =	simm.s32 $0x700;
	s18 =	simm.s32 $0x1A  }
0x105: {  	[tilespmem:s31], [sflag:$0x5] =	stream.linear.gather [hbm4b:s19+s3], $0x20, $0x38;
	[tilespmem:$0x1E280] =	vst v63  }
0x106: {  	_ =	swait.ge [sflag:s18], $0x1000  }
0x107: {  	s19 =	rddreg [dreg:$0xd];
	[sflag:s18] =	ssyncset.done $0x0  }
0x108: {  	s31 =	rddreg [dreg:$0xc];
	[sflag:s18] =	ssyncadd.s32 $0xFFFFF000;
	s17 =	sadd.s32 $0x0, s19  }
0x109: {  	[tilespmem:s13], [sflag:$0x6] =	stream.linear.gather [hbm4b:s17+s3], $0x20, $0x38;
	[tilespmem:$0x1E280] =	vst v63  }
0x10a: {  	s19 =	sadd.s32 $0x0, s31;
	s31 =	simm.s32 $0x780;
	s18 =	simm.s32 $0x1B  }
0x10b: {  	[tilespmem:s31], [sflag:$0x6] =	stream.linear.gather [hbm4b:s19+s3], $0x20, $0x38;
	[tilespmem:$0x1E280] =	vst v63  }
0x10c: {  	_ =	swait.ge [sflag:s18], $0x1000  }
0x10d: {  	s19 =	rddreg [dreg:$0xb];
	[sflag:s18] =	ssyncset.done $0x0  }
0x10e: {  	s31 =	rddreg [dreg:$0xa];
	[sflag:s18] =	ssyncadd.s32 $0xFFFFF000;
	s17 =	sadd.s32 $0x0, s19  }
0x10f: {  	[tilespmem:s15], [sflag:$0x7] =	stream.linear.gather [hbm4b:s17+s3], $0x20, $0x38;
	[tilespmem:$0x1E280] =	vst v63  }
0x110: {  	s23 =	simm.s32 $0x800;
	s18 =	sadd.s32 $0x0, s31;
	s19 =	simm.s32 $0x1C  }
0x111: {  	[tilespmem:s23], [sflag:$0x7] =	stream.linear.gather [hbm4b:s18+s3], $0x20, $0x38;
	[tilespmem:$0x1E280] =	vst v63  }
0x112: {  	_ =	swait.ge [sflag:s19], $0x1000  }
0x113: {  	s23 =	rddreg [dreg:$0x9];
	[sflag:s19] =	ssyncset.done $0x0  }
0x114: {  	s31 =	rddreg [dreg:$0x8];
	[sflag:s19] =	ssyncadd.s32 $0xFFFFF000;
	s17 =	sadd.s32 $0x0, s23  }
0x115: {  	[tilespmem:s21], [sflag:$0x8] =	stream.linear.gather [hbm4b:s17+s3], $0x20, $0x38;
	[tilespmem:$0x1E280] =	vst v63  }
0x116: {  	s16 =	simm.s32 $0x880;
	s19 =	sadd.s32 $0x0, s31;
	s23 =	simm.s32 $0x1D  }
0x117: {  	[tilespmem:s16], [sflag:$0x8] =	stream.linear.gather [hbm4b:s19+s3], $0x20, $0x38;
	[tilespmem:$0x1E280] =	vst v63  }
0x118: {  	_ =	swait.ge [sflag:s23], $0x1000  }
0x119: {  	s31 =	rddreg [dreg:$0x7];
	[sflag:s23] =	ssyncset.done $0x0  }
0x11a: {  	s16 =	rddreg [dreg:$0x6];
	[sflag:s23] =	ssyncadd.s32 $0xFFFFF000;
	s17 =	sadd.s32 $0x0, s31  }
0x11b: {  	[tilespmem:s29], [sflag:$0x9] =	stream.linear.gather [hbm4b:s17+s3], $0x20, $0x38;
	[tilespmem:$0x1E280] =	vst v63  }
0x11c: {  	s14 =	simm.s32 $0x900;
	s19 =	simm.s32 $0x1E;
	s18 =	sadd.s32 $0x0, s16  }
0x11d: {  	[tilespmem:s14], [sflag:$0x9] =	stream.linear.gather [hbm4b:s18+s3], $0x20, $0x38;
	[tilespmem:$0x1E280] =	vst v63  }
0x11e: {  	_ =	swait.ge [sflag:s19], $0x1000  }
0x11f: {  	s14 =	simm.s32 $0x480;
	s23 =	rddreg [dreg:$0x5];
	[sflag:s19] =	ssyncset.done $0x0  }
0x120: {  	s31 =	rddreg [dreg:$0x4];
	[sflag:s19] =	ssyncadd.s32 $0xFFFFF000;
	s17 =	sadd.s32 $0x0, s23  }
0x121: {  	[tilespmem:s14], [sflag:$0xA] =	stream.linear.gather [hbm4b:s17+s3], $0x20, $0x38;
	[tilespmem:$0x1E280] =	vst v63  }
0x122: {  	s24 =	simm.s32 $0x980;
	s16 =	sadd.s32 $0x0, s31  }
0x123: {  	[tilespmem:s24], [sflag:$0xA] =	stream.linear.gather [hbm4b:s16+s3], $0x20, $0x38;
	[tilespmem:$0x1E280] =	vst v63  }
0x124: {  	_ =	swait.ge [sflag:s6], $0x20  }
0x125: {  	[sflag:s6] =	ssyncset.done $0x0  }
0x126: {  	[sflag:s6] =	ssyncadd.s32 $0xFFFFFFE0  }
0x127: {  	_ =	swait.ge [sflag:s6], $0x20  }
0x128: {  	[sflag:s6] =	ssyncset.done $0x0  }
0x129: {  	s18 =	simm.s32 $0xA00;
	[sflag:s6] =	ssyncadd.s32 $0xFFFFFFE0  }
0x12a: {  	[tilespmem:s18], [sflag:$0xB] =	stream.indirect.gather [hbm4b:s25+s22], $0x80, s3, s22, $0xb8;
	[tilespmem:$0x1E280] =	vst v63  }
0x12b: {  	_ =	swait.ge [sflag:s10], $0x20  }
0x12c: {  	[sflag:s10] =	ssyncset.done $0x0  }
0x12d: {  	[sflag:s10] =	ssyncadd.s32 $0xFFFFFFE0  }
0x12e: {  	_ =	swait.ge [sflag:s10], $0x20  }
0x12f: {  	[sflag:s10] =	ssyncset.done $0x0  }
0x130: {  	s19 =	simm.s32 $0x1A00;
	[sflag:s10] =	ssyncadd.s32 $0xFFFFFFE0  }
0x131: {  	[tilespmem:s19], [sflag:$0xC] =	stream.indirect.gather [hbm4b:s25+s22], $0x80, s28, s22, $0xb8;
	[tilespmem:$0x1E280] =	vst v63  }
0x132: {  	_ =	swait.ge [sflag:s30], $0x20  }
0x133: {  	[sflag:s30] =	ssyncset.done $0x0  }
0x134: {  	[sflag:s30] =	ssyncadd.s32 $0xFFFFFFE0  }
0x135: {  	_ =	swait.ge [sflag:s30], $0x20  }
0x136: {  	[sflag:s30] =	ssyncset.done $0x0  }
0x137: {  	s23 =	simm.s32 $0x2A00;
	[sflag:s30] =	ssyncadd.s32 $0xFFFFFFE0  }
0x138: {  	[tilespmem:s23], [sflag:$0xD] =	stream.indirect.gather [hbm4b:s25+s22], $0x80, s26, s22, $0xb8;
	[tilespmem:$0x1E280] =	vst v63  }
0x139: {  	_ =	swait.ge [sflag:s1], $0x20  }
0x13a: {  	[sflag:s1] =	ssyncset.done $0x0  }
0x13b: {  	[sflag:s1] =	ssyncadd.s32 $0xFFFFFFE0  }
0x13c: {  	_ =	swait.ge [sflag:s1], $0x20  }
0x13d: {  	[sflag:s1] =	ssyncset.done $0x0  }
0x13e: {  	s24 =	simm.s32 $0x3A00;
	[sflag:s1] =	ssyncadd.s32 $0xFFFFFFE0  }
0x13f: {  	[tilespmem:s24], [sflag:$0xE] =	stream.indirect.gather [hbm4b:s25+s22], $0x80, s5, s22, $0xb8;
	[tilespmem:$0x1E280] =	vst v63  }
0x140: {  	_ =	swait.ge [sflag:s2], $0x20  }
0x141: {  	[sflag:s2] =	ssyncset.done $0x0  }
0x142: {  	[sflag:s2] =	ssyncadd.s32 $0xFFFFFFE0  }
0x143: {  	_ =	swait.ge [sflag:s2], $0x20  }
0x144: {  	[sflag:s2] =	ssyncset.done $0x0  }
0x145: {  	s26 =	simm.s32 $0x4A00;
	[sflag:s2] =	ssyncadd.s32 $0xFFFFFFE0  }
0x146: {  	[tilespmem:s26], [sflag:$0xF] =	stream.indirect.gather [hbm4b:s25+s22], $0x80, s9, s22, $0xb8;
	[tilespmem:$0x1E280] =	vst v63  }
0x147: {  	_ =	swait.ge [sflag:s4], $0x20  }
0x148: {  	[sflag:s4] =	ssyncset.done $0x0  }
0x149: {  	[sflag:s4] =	ssyncadd.s32 $0xFFFFFFE0  }
0x14a: {  	_ =	swait.ge [sflag:s4], $0x20  }
0x14b: {  	[sflag:s4] =	ssyncset.done $0x0  }
0x14c: {  	s28 =	simm.s32 $0x5A00;
	[sflag:s4] =	ssyncadd.s32 $0xFFFFFFE0  }
0x14d: {  	[tilespmem:s28], [sflag:$0x10] =	stream.indirect.gather [hbm4b:s25+s22], $0x80, s13, s22, $0xb8;
	[tilespmem:$0x1E280] =	vst v63  }
0x14e: {  	_ =	swait.ge [sflag:s7], $0x20  }
0x14f: {  	[sflag:s7] =	ssyncset.done $0x0  }
0x150: {  	[sflag:s7] =	ssyncadd.s32 $0xFFFFFFE0  }
0x151: {  	_ =	swait.ge [sflag:s7], $0x20  }
0x152: {  	[sflag:s7] =	ssyncset.done $0x0  }
0x153: {  	s20 =	simm.s32 $0x6A00;
	[sflag:s7] =	ssyncadd.s32 $0xFFFFFFE0  }
0x154: {  	[tilespmem:s20], [sflag:$0x11] =	stream.indirect.gather [hbm4b:s25+s22], $0x80, s15, s22, $0xb8;
	[tilespmem:$0x1E280] =	vst v63  }
0x155: {  	_ =	swait.ge [sflag:s8], $0x20  }
0x156: {  	[sflag:s8] =	ssyncset.done $0x0  }
0x157: {  	[sflag:s8] =	ssyncadd.s32 $0xFFFFFFE0  }
0x158: {  	_ =	swait.ge [sflag:s8], $0x20  }
0x159: {  	[sflag:s8] =	ssyncset.done $0x0  }
0x15a: {  	s30 =	simm.s32 $0x7A00;
	[sflag:s8] =	ssyncadd.s32 $0xFFFFFFE0  }
0x15b: {  	[tilespmem:s30], [sflag:$0x12] =	stream.indirect.gather [hbm4b:s25+s22], $0x80, s21, s22, $0xb8;
	[tilespmem:$0x1E280] =	vst v63  }
0x15c: {  	_ =	swait.ge [sflag:s11], $0x20  }
0x15d: {  	[sflag:s11] =	ssyncset.done $0x0  }
0x15e: {  	[sflag:s11] =	ssyncadd.s32 $0xFFFFFFE0  }
0x15f: {  	_ =	swait.ge [sflag:s11], $0x20  }
0x160: {  	[sflag:s11] =	ssyncset.done $0x0  }
0x161: {  	s31 =	simm.s32 $0x8A00;
	[sflag:s11] =	ssyncadd.s32 $0xFFFFFFE0  }
0x162: {  	[tilespmem:s31], [sflag:$0x13] =	stream.indirect.gather [hbm4b:s25+s22], $0x80, s29, s22, $0xb8;
	[tilespmem:$0x1E280] =	vst v63  }
0x163: {  	_ =	swait.ge [sflag:s12], $0x20  }
0x164: {  	[sflag:s12] =	ssyncset.done $0x0  }
0x165: {  	[sflag:s12] =	ssyncadd.s32 $0xFFFFFFE0  }
0x166: {  	_ =	swait.ge [sflag:s12], $0x20  }
0x167: {  	s17 =	simm.s32 $0x28;
	[sflag:s12] =	ssyncset.done $0x0  }
0x168: {  	s10 =	simm.s32 $0x2;
	s23 =	simm.s32 $0x3;
	[sflag:s12] =	ssyncadd.s32 $0xFFFFFFE0  }
.LBB2_2:
0x169: {  	s4 =	simm.s32 $0x480;
	s7 =	simm.s32 $0x9A00;
	s0 =	simm.s32 $0xB  }
0x16a: {  	[tilespmem:s7], [sflag:$0x14] =	stream.indirect.gather [hbm4b:s25+s22], $0x80, s4, s22, $0xb8;
	[tilespmem:$0x1E280] =	vst v63  }
0x16b: {  	_ =	swait.ge [sflag:s0], $0x1000  }
0x16c: {  	[sflag:s0] =	ssyncset.done $0x0  }
0x16d: {  	s28 =	simm.s32 $0x500;
	[sflag:s0] =	ssyncadd.s32 $0xFFFFF000  }
0x16e: {  	s8 =	simm.s32 $0xA00;
	s1 =	simm.s32 $0xC;
	s0 =	rddreg [dreg:$0x2]  }
0x16f: {  	[spmem:s0] =	stream.indirect.scatter.add.f32 [tilespmem:s8], [sflag:$0x15], $0x80, s28, s22, $0xb8;
	[tilespmem:$0x1E280] =	vst v63  }
0x170: {  	_ =	swait.ge [sflag:s1], $0x1000  }
0x171: {  	s26 =	simm.s32 $0x580;
	[sflag:s1] =	ssyncset.done $0x0  }
0x172: {  	s12 =	simm.s32 $0x1A00;
	s16 =	simm.s32 $0xD;
	[sflag:s1] =	ssyncadd.s32 $0xFFFFF000  }
0x173: {  	[spmem:s0] =	stream.indirect.scatter.add.f32 [tilespmem:s12], [sflag:$0x16], $0x80, s26, s22, $0xb8;
	[tilespmem:$0x1E280] =	vst v63  }
0x174: {  	_ =	swait.ge [sflag:s16], $0x1000  }
0x175: {  	s5 =	simm.s32 $0x600;
	[sflag:s16] =	ssyncset.done $0x0  }
0x176: {  	s30 =	simm.s32 $0x2A00;
	s19 =	simm.s32 $0xE;
	[sflag:s16] =	ssyncadd.s32 $0xFFFFF000  }
0x177: {  	[spmem:s0] =	stream.indirect.scatter.add.f32 [tilespmem:s30], [sflag:$0x17], $0x80, s5, s22, $0xb8;
	[tilespmem:$0x1E280] =	vst v63  }
0x178: {  	_ =	swait.ge [sflag:s19], $0x1000  }
0x179: {  	s9 =	simm.s32 $0x680;
	[sflag:s19] =	ssyncset.done $0x0  }
0x17a: {  	s2 =	simm.s32 $0x3A00;
	s20 =	simm.s32 $0xF;
	[sflag:s19] =	ssyncadd.s32 $0xFFFFF000  }
0x17b: {  	[spmem:s0] =	stream.indirect.scatter.add.f32 [tilespmem:s2], [sflag:$0x18], $0x80, s9, s22, $0xb8;
	[tilespmem:$0x1E280] =	vst v63  }
0x17c: {  	_ =	swait.ge [sflag:s20], $0x1000  }
0x17d: {  	s13 =	simm.s32 $0x700;
	[sflag:s20] =	ssyncset.done $0x0  }
0x17e: {  	s21 =	simm.s32 $0x4A00;
	s24 =	simm.s32 $0x10;
	[sflag:s20] =	ssyncadd.s32 $0xFFFFF000  }
0x17f: {  	[spmem:s0] =	stream.indirect.scatter.add.f32 [tilespmem:s21], [sflag:$0x19], $0x80, s13, s22, $0xb8;
	[tilespmem:$0x1E280] =	vst v63  }
0x180: {  	_ =	swait.ge [sflag:s24], $0x1000  }
0x181: {  	s15 =	simm.s32 $0x780;
	[sflag:s24] =	ssyncset.done $0x0  }
0x182: {  	s6 =	simm.s32 $0x5A00;
	s11 =	simm.s32 $0x11;
	[sflag:s24] =	ssyncadd.s32 $0xFFFFF000  }
0x183: {  	[spmem:s0] =	stream.indirect.scatter.add.f32 [tilespmem:s6], [sflag:$0x1A], $0x80, s15, s22, $0xb8;
	[tilespmem:$0x1E280] =	vst v63  }
0x184: {  	_ =	swait.ge [sflag:s11], $0x1000  }
0x185: {  	s14 =	simm.s32 $0x6A00;
	[sflag:s11] =	ssyncset.done $0x0  }
0x186: {  	s16 =	simm.s32 $0x12;
	s21 =	simm.s32 $0x800;
	[sflag:s11] =	ssyncadd.s32 $0xFFFFF000  }
0x187: {  	[spmem:s0] =	stream.indirect.scatter.add.f32 [tilespmem:s14], [sflag:$0x1B], $0x80, s21, s22, $0xb8;
	[tilespmem:$0x1E280] =	vst v63  }
0x188: {  	_ =	swait.ge [sflag:s16], $0x1000  }
0x189: {  	s29 =	simm.s32 $0x880;
	[sflag:s16] =	ssyncset.done $0x0  }
0x18a: {  	s19 =	simm.s32 $0x13;
	s11 =	simm.s32 $0x7A00;
	[sflag:s16] =	ssyncadd.s32 $0xFFFFF000  }
0x18b: {  	[spmem:s0] =	stream.indirect.scatter.add.f32 [tilespmem:s11], [sflag:$0x1C], $0x80, s29, s22, $0xb8;
	[tilespmem:$0x1E280] =	vst v63  }
0x18c: {  	_ =	swait.ge [sflag:s19], $0x1000  }
0x18d: {  	s1 =	simm.s32 $0x900;
	[sflag:s19] =	ssyncset.done $0x0  }
0x18e: {  	s20 =	simm.s32 $0x14;
	s6 =	simm.s32 $0x8A00;
	[sflag:s19] =	ssyncadd.s32 $0xFFFFF000  }
0x18f: {  	[spmem:s0] =	stream.indirect.scatter.add.f32 [tilespmem:s6], [sflag:$0x1D], $0x80, s1, s22, $0xb8;
	[tilespmem:$0x1E280] =	vst v63  }
0x190: {  	_ =	swait.ge [sflag:s20], $0x1000  }
0x191: {  	[sflag:s20] =	ssyncset.done $0x0  }
0x192: {  	s24 =	simm.s32 $0x15;
	s6 =	simm.s32 $0x980;
	[sflag:s20] =	ssyncadd.s32 $0xFFFFF000  }
0x193: {  	[spmem:s0] =	stream.indirect.scatter.add.f32 [tilespmem:s7], [sflag:$0x1E], $0x80, s6, s22, $0xb8;
	[tilespmem:$0x1E280] =	vst v63  }
0x194: {  	_ =	swait.ge [sflag:s24], $0x1000  }
0x195: {  	s18 =	smov.u32 s17;
	s19 =	rddreg [dreg:$0x17];
	[sflag:s24] =	ssyncset.done $0x0  }
0x196: {  	s20 =	rddreg [dreg:$0x16];
	[sflag:s24] =	ssyncadd.s32 $0xFFFFF000;
	s19 =	sadd.s32 s18, s19  }
0x197: {  	[tilespmem:s3], [sflag:$0x1] =	stream.linear.gather [hbm4b:s19+s3], $0x20, $0x38;
	[tilespmem:$0x1E280] =	vst v63  }
0x198: {  	s7 =	simm.s32 $0x16;
	s0 =	sadd.s32 s18, s20  }
0x199: {  	[tilespmem:s28], [sflag:$0x1] =	stream.linear.gather [hbm4b:s0+s3], $0x20, $0x38;
	[tilespmem:$0x1E280] =	vst v63  }
0x19a: {  	_ =	swait.ge [sflag:s7], $0x1000  }
0x19b: {  	s28 =	simm.s32 $0x80;
	s14 =	rddreg [dreg:$0x15];
	[sflag:s7] =	ssyncset.done $0x0  }
0x19c: {  	s16 =	rddreg [dreg:$0x14];
	[sflag:s7] =	ssyncadd.s32 $0xFFFFF000;
	s19 =	sadd.s32 s18, s14  }
0x19d: {  	[tilespmem:s28], [sflag:$0x2] =	stream.linear.gather [hbm4b:s19+s3], $0x20, $0x38;
	[tilespmem:$0x1E280] =	vst v63  }
0x19e: {  	s24 =	simm.s32 $0x17;
	s20 =	sadd.s32 s18, s16  }
0x19f: {  	[tilespmem:s26], [sflag:$0x2] =	stream.linear.gather [hbm4b:s20+s3], $0x20, $0x38;
	[tilespmem:$0x1E280] =	vst v63  }
0x1a0: {  	_ =	swait.ge [sflag:s24], $0x1000  }
0x1a1: {  	s26 =	simm.s32 $0x100;
	s7 =	rddreg [dreg:$0x13];
	[sflag:s24] =	ssyncset.done $0x0  }
0x1a2: {  	s14 =	rddreg [dreg:$0x12];
	[sflag:s24] =	ssyncadd.s32 $0xFFFFF000;
	s19 =	sadd.s32 s18, s7  }
0x1a3: {  	[tilespmem:s26], [sflag:$0x3] =	stream.linear.gather [hbm4b:s19+s3], $0x20, $0x38;
	[tilespmem:$0x1E280] =	vst v63  }
0x1a4: {  	s16 =	sadd.s32 s18, s14;
	s19 =	simm.s32 $0x18  }
0x1a5: {  	[tilespmem:s5], [sflag:$0x3] =	stream.linear.gather [hbm4b:s16+s3], $0x20, $0x38;
	[tilespmem:$0x1E280] =	vst v63  }
0x1a6: {  	_ =	swait.ge [sflag:s19], $0x1000  }
0x1a7: {  	s5 =	simm.s32 $0x180;
	s20 =	rddreg [dreg:$0x11];
	[sflag:s19] =	ssyncset.done $0x0  }
0x1a8: {  	s24 =	rddreg [dreg:$0x10];
	[sflag:s19] =	ssyncadd.s32 $0xFFFFF000;
	s19 =	sadd.s32 s18, s20  }
0x1a9: {  	[tilespmem:s5], [sflag:$0x4] =	stream.linear.gather [hbm4b:s19+s3], $0x20, $0x38;
	[tilespmem:$0x1E280] =	vst v63  }
0x1aa: {  	s7 =	simm.s32 $0x19;
	s0 =	sadd.s32 s18, s24  }
0x1ab: {  	[tilespmem:s9], [sflag:$0x4] =	stream.linear.gather [hbm4b:s0+s3], $0x20, $0x38;
	[tilespmem:$0x1E280] =	vst v63  }
0x1ac: {  	_ =	swait.ge [sflag:s7], $0x1000  }
0x1ad: {  	s9 =	simm.s32 $0x200;
	s14 =	rddreg [dreg:$0xf];
	[sflag:s7] =	ssyncset.done $0x0  }
0x1ae: {  	s16 =	rddreg [dreg:$0xe];
	[sflag:s7] =	ssyncadd.s32 $0xFFFFF000;
	s19 =	sadd.s32 s18, s14  }
0x1af: {  	[tilespmem:s9], [sflag:$0x5] =	stream.linear.gather [hbm4b:s19+s3], $0x20, $0x38;
	[tilespmem:$0x1E280] =	vst v63  }
0x1b0: {  	s24 =	simm.s32 $0x1A;
	s20 =	sadd.s32 s18, s16  }
0x1b1: {  	[tilespmem:s13], [sflag:$0x5] =	stream.linear.gather [hbm4b:s20+s3], $0x20, $0x38;
	[tilespmem:$0x1E280] =	vst v63  }
0x1b2: {  	_ =	swait.ge [sflag:s24], $0x1000  }
0x1b3: {  	s13 =	simm.s32 $0x280;
	s7 =	rddreg [dreg:$0xd];
	[sflag:s24] =	ssyncset.done $0x0  }
0x1b4: {  	s14 =	rddreg [dreg:$0xc];
	[sflag:s24] =	ssyncadd.s32 $0xFFFFF000;
	s19 =	sadd.s32 s18, s7  }
0x1b5: {  	[tilespmem:s13], [sflag:$0x6] =	stream.linear.gather [hbm4b:s19+s3], $0x20, $0x38;
	[tilespmem:$0x1E280] =	vst v63  }
0x1b6: {  	s16 =	sadd.s32 s18, s14;
	s19 =	simm.s32 $0x1B  }
0x1b7: {  	[tilespmem:s15], [sflag:$0x6] =	stream.linear.gather [hbm4b:s16+s3], $0x20, $0x38;
	[tilespmem:$0x1E280] =	vst v63  }
0x1b8: {  	_ =	swait.ge [sflag:s19], $0x1000  }
0x1b9: {  	s15 =	simm.s32 $0x300;
	s20 =	rddreg [dreg:$0xb];
	[sflag:s19] =	ssyncset.done $0x0  }
0x1ba: {  	s24 =	rddreg [dreg:$0xa];
	[sflag:s19] =	ssyncadd.s32 $0xFFFFF000;
	s19 =	sadd.s32 s18, s20  }
0x1bb: {  	[tilespmem:s15], [sflag:$0x7] =	stream.linear.gather [hbm4b:s19+s3], $0x20, $0x38;
	[tilespmem:$0x1E280] =	vst v63  }
0x1bc: {  	s7 =	sadd.s32 s18, s24;
	s19 =	simm.s32 $0x1C  }
0x1bd: {  	[tilespmem:s21], [sflag:$0x7] =	stream.linear.gather [hbm4b:s7+s3], $0x20, $0x38;
	[tilespmem:$0x1E280] =	vst v63  }
0x1be: {  	_ =	swait.ge [sflag:s19], $0x1000  }
0x1bf: {  	s21 =	simm.s32 $0x380;
	s20 =	rddreg [dreg:$0x9];
	[sflag:s19] =	ssyncset.done $0x0  }
0x1c0: {  	s24 =	rddreg [dreg:$0x8];
	[sflag:s19] =	ssyncadd.s32 $0xFFFFF000;
	s19 =	sadd.s32 s18, s20  }
0x1c1: {  	[tilespmem:s21], [sflag:$0x8] =	stream.linear.gather [hbm4b:s19+s3], $0x20, $0x38;
	[tilespmem:$0x1E280] =	vst v63  }
0x1c2: {  	s7 =	sadd.s32 s18, s24;
	s19 =	simm.s32 $0x1D  }
0x1c3: {  	[tilespmem:s29], [sflag:$0x8] =	stream.linear.gather [hbm4b:s7+s3], $0x20, $0x38;
	[tilespmem:$0x1E280] =	vst v63  }
0x1c4: {  	_ =	swait.ge [sflag:s19], $0x1000  }
0x1c5: {  	s29 =	simm.s32 $0x400;
	s20 =	rddreg [dreg:$0x7];
	[sflag:s19] =	ssyncset.done $0x0  }
0x1c6: {  	s7 =	rddreg [dreg:$0x6];
	[sflag:s19] =	ssyncadd.s32 $0xFFFFF000;
	s19 =	sadd.s32 s18, s20  }
0x1c7: {  	[tilespmem:s29], [sflag:$0x9] =	stream.linear.gather [hbm4b:s19+s3], $0x20, $0x38;
	[tilespmem:$0x1E280] =	vst v63  }
0x1c8: {  	s7 =	sadd.s32 s18, s7;
	s20 =	simm.s32 $0x1E  }
0x1c9: {  	[tilespmem:s1], [sflag:$0x9] =	stream.linear.gather [hbm4b:s7+s3], $0x20, $0x38;
	[tilespmem:$0x1E280] =	vst v63  }
0x1ca: {  	_ =	swait.ge [sflag:s20], $0x1000  }
0x1cb: {  	s1 =	rddreg [dreg:$0x5];
	[sflag:s20] =	ssyncset.done $0x0  }
0x1cc: {  	s7 =	rddreg [dreg:$0x4];
	[sflag:s20] =	ssyncadd.s32 $0xFFFFF000;
	s19 =	sadd.s32 s18, s1  }
0x1cd: {  	[tilespmem:s4], [sflag:$0xA] =	stream.linear.gather [hbm4b:s19+s3], $0x20, $0x38;
	[tilespmem:$0x1E280] =	vst v63  }
0x1ce: {  	s18 =	sadd.s32 s18, s7  }
0x1cf: {  	[tilespmem:s6], [sflag:$0xA] =	stream.linear.gather [hbm4b:s18+s3], $0x20, $0x38;
	[tilespmem:$0x1E280] =	vst v63  }
0x1d0: {  	s6 =	simm.s32 $0x1  }
0x1d1: {  	_ =	swait.ge [sflag:s6], $0x20  }
0x1d2: {  	[sflag:s6] =	ssyncset.done $0x0  }
0x1d3: {  	[sflag:s6] =	ssyncadd.s32 $0xFFFFFFE0  }
0x1d4: {  	_ =	swait.ge [sflag:s6], $0x20  }
0x1d5: {  	[sflag:s6] =	ssyncset.done $0x0  }
0x1d6: {  	[sflag:s6] =	ssyncadd.s32 $0xFFFFFFE0  }
0x1d7: {  	[tilespmem:s8], [sflag:$0xB] =	stream.indirect.gather [hbm4b:s25+s22], $0x80, s3, s22, $0xb8;
	[tilespmem:$0x1E280] =	vst v63  }
0x1d8: {  	_ =	swait.ge [sflag:s10], $0x20  }
0x1d9: {  	[sflag:s10] =	ssyncset.done $0x0  }
0x1da: {  	[sflag:s10] =	ssyncadd.s32 $0xFFFFFFE0  }
0x1db: {  	_ =	swait.ge [sflag:s10], $0x20  }
0x1dc: {  	[sflag:s10] =	ssyncset.done $0x0  }
0x1dd: {  	[sflag:s10] =	ssyncadd.s32 $0xFFFFFFE0  }
0x1de: {  	[tilespmem:s12], [sflag:$0xC] =	stream.indirect.gather [hbm4b:s25+s22], $0x80, s28, s22, $0xb8;
	[tilespmem:$0x1E280] =	vst v63  }
0x1df: {  	_ =	swait.ge [sflag:s23], $0x20  }
0x1e0: {  	[sflag:s23] =	ssyncset.done $0x0  }
0x1e1: {  	[sflag:s23] =	ssyncadd.s32 $0xFFFFFFE0  }
0x1e2: {  	_ =	swait.ge [sflag:s23], $0x20  }
0x1e3: {  	[sflag:s23] =	ssyncset.done $0x0  }
0x1e4: {  	s20 =	simm.s32 $0x4;
	[sflag:s23] =	ssyncadd.s32 $0xFFFFFFE0  }
0x1e5: {  	[tilespmem:s30], [sflag:$0xD] =	stream.indirect.gather [hbm4b:s25+s22], $0x80, s26, s22, $0xb8;
	[tilespmem:$0x1E280] =	vst v63  }
0x1e6: {  	_ =	swait.ge [sflag:s20], $0x20  }
0x1e7: {  	[sflag:s20] =	ssyncset.done $0x0  }
0x1e8: {  	[sflag:s20] =	ssyncadd.s32 $0xFFFFFFE0  }
0x1e9: {  	_ =	swait.ge [sflag:s20], $0x20  }
0x1ea: {  	[sflag:s20] =	ssyncset.done $0x0  }
0x1eb: {  	[sflag:s20] =	ssyncadd.s32 $0xFFFFFFE0  }
0x1ec: {  	[tilespmem:s2], [sflag:$0xE] =	stream.indirect.gather [hbm4b:s25+s22], $0x80, s5, s22, $0xb8;
	[tilespmem:$0x1E280] =	vst v63  }
0x1ed: {  	s2 =	simm.s32 $0x5  }
0x1ee: {  	_ =	swait.ge [sflag:s2], $0x20  }
0x1ef: {  	[sflag:s2] =	ssyncset.done $0x0  }
0x1f0: {  	[sflag:s2] =	ssyncadd.s32 $0xFFFFFFE0  }
0x1f1: {  	_ =	swait.ge [sflag:s2], $0x20  }
0x1f2: {  	[sflag:s2] =	ssyncset.done $0x0  }
0x1f3: {  	s7 =	simm.s32 $0x4A00;
	[sflag:s2] =	ssyncadd.s32 $0xFFFFFFE0;
	s2 =	simm.s32 $0x6  }
0x1f4: {  	[tilespmem:s7], [sflag:$0xF] =	stream.indirect.gather [hbm4b:s25+s22], $0x80, s9, s22, $0xb8;
	[tilespmem:$0x1E280] =	vst v63  }
0x1f5: {  	_ =	swait.ge [sflag:s2], $0x20  }
0x1f6: {  	[sflag:s2] =	ssyncset.done $0x0  }
0x1f7: {  	[sflag:s2] =	ssyncadd.s32 $0xFFFFFFE0  }
0x1f8: {  	_ =	swait.ge [sflag:s2], $0x20  }
0x1f9: {  	[sflag:s2] =	ssyncset.done $0x0  }
0x1fa: {  	s7 =	simm.s32 $0x5A00;
	[sflag:s2] =	ssyncadd.s32 $0xFFFFFFE0;
	s2 =	simm.s32 $0x7  }
0x1fb: {  	[tilespmem:s7], [sflag:$0x10] =	stream.indirect.gather [hbm4b:s25+s22], $0x80, s13, s22, $0xb8;
	[tilespmem:$0x1E280] =	vst v63  }
0x1fc: {  	_ =	swait.ge [sflag:s2], $0x20  }
0x1fd: {  	[sflag:s2] =	ssyncset.done $0x0  }
0x1fe: {  	[sflag:s2] =	ssyncadd.s32 $0xFFFFFFE0  }
0x1ff: {  	_ =	swait.ge [sflag:s2], $0x20  }
0x200: {  	[sflag:s2] =	ssyncset.done $0x0  }
0x201: {  	s7 =	simm.s32 $0x6A00;
	[sflag:s2] =	ssyncadd.s32 $0xFFFFFFE0  }
0x202: {  	[tilespmem:s7], [sflag:$0x11] =	stream.indirect.gather [hbm4b:s25+s22], $0x80, s15, s22, $0xb8;
	[tilespmem:$0x1E280] =	vst v63  }
0x203: {  	s7 =	simm.s32 $0x8  }
0x204: {  	_ =	swait.ge [sflag:s7], $0x20  }
0x205: {  	[sflag:s7] =	ssyncset.done $0x0  }
0x206: {  	[sflag:s7] =	ssyncadd.s32 $0xFFFFFFE0  }
0x207: {  	_ =	swait.ge [sflag:s7], $0x20  }
0x208: {  	[sflag:s7] =	ssyncset.done $0x0  }
0x209: {  	[sflag:s7] =	ssyncadd.s32 $0xFFFFFFE0  }
0x20a: {  	[tilespmem:s11], [sflag:$0x12] =	stream.indirect.gather [hbm4b:s25+s22], $0x80, s21, s22, $0xb8;
	[tilespmem:$0x1E280] =	vst v63  }
0x20b: {  	s11 =	simm.s32 $0x9  }
0x20c: {  	_ =	swait.ge [sflag:s11], $0x20  }
0x20d: {  	[sflag:s11] =	ssyncset.done $0x0  }
0x20e: {  	[sflag:s11] =	ssyncadd.s32 $0xFFFFFFE0  }
0x20f: {  	p1 =	sne.s32 s17, $0x4B0;
	_ =	swait.ge [sflag:s11], $0x20  }
0x210: {  	s17 =	sadd.s32 $0x28, s17;
	s31 =	simm.s32 $0x900;
	[sflag:s11] =	ssyncset.done $0x0  }
0x211: {  	s0 =	simm.s32 $0x6A00;
	s2 =	simm.s32 $0x8A00;
	[sflag:s11] =	ssyncadd.s32 $0xFFFFFFE0  }
0x212: {  	[tilespmem:s2], [sflag:$0x13] =	stream.indirect.gather [hbm4b:s25+s22], $0x80, s29, s22, $0xb8;
	[tilespmem:$0x1E280] =	vst v63  }
0x213: {  	s14 =	simm.s32 $0x780;
	s16 =	simm.s32 $0x800;
	s2 =	simm.s32 $0xA  }
0x214: {  	s24 =	simm.s32 $0x880;
	s1 =	simm.s32 $0x480;
	_ =	swait.ge [sflag:s2], $0x20  }
.Ltmp0:
0x215: {  	s4 =	simm.s32 $0x980;
	[sflag:s2] =	ssyncset.done $0x0;
	(pc) =	sbr.rel @p1 .LBB2_2-.Ltmp0, $4  }
0x216: {  	s19 =	simm.s32 $0x3A00;
	s18 =	simm.s32 $0xA00;
	[sflag:s2] =	ssyncadd.s32 $0xFFFFFFE0  }
0x217: {  	s8 =	simm.s32 $0x1A00;
	s12 =	simm.s32 $0x2A00;
	_ =	swait.ge [sflag:s2], $0x20  }
0x218: {  	s30 =	simm.s32 $0x5A00;
	s20 =	simm.s32 $0x4A00;
	[sflag:s2] =	ssyncset.done $0x0  }
0x219: {  	s7 =	simm.s32 $0x7A00;
	s11 =	simm.s32 $0x8A00;
	[sflag:s2] =	ssyncadd.s32 $0xFFFFFFE0  }
0x21a: {  	s10 =	simm.s32 $0x9A00;
	s17 =	simm.s32 $0xB  }
0x21b: {  	[tilespmem:s10], [sflag:$0x14] =	stream.indirect.gather [hbm4b:s25+s22], $0x80, s1, s22, $0xb8;
	[tilespmem:$0x1E280] =	vst v63  }
0x21c: {  	_ =	swait.ge [sflag:s17], $0x1000  }
0x21d: {  	[sflag:s17] =	ssyncset.done $0x0  }
0x21e: {  	[sflag:s17] =	ssyncadd.s32 $0xFFFFF000  }
0x21f: {  	s23 =	simm.s32 $0x500;
	s17 =	simm.s32 $0xC;
	s2 =	rddreg [dreg:$0x2]  }
0x220: {  	[spmem:s2] =	stream.indirect.scatter.add.f32 [tilespmem:s18], [sflag:$0x15], $0x80, s23, s22, $0xb8;
	[tilespmem:$0x1E280] =	vst v63  }
0x221: {  	_ =	swait.ge [sflag:s17], $0x1000  }
0x222: {  	[sflag:s17] =	ssyncset.done $0x0  }
0x223: {  	s18 =	simm.s32 $0x580;
	s23 =	simm.s32 $0xD;
	[sflag:s17] =	ssyncadd.s32 $0xFFFFF000  }
0x224: {  	[spmem:s2] =	stream.indirect.scatter.add.f32 [tilespmem:s8], [sflag:$0x16], $0x80, s18, s22, $0xb8;
	[tilespmem:$0x1E280] =	vst v63  }
0x225: {  	_ =	swait.ge [sflag:s23], $0x1000  }
0x226: {  	[sflag:s23] =	ssyncset.done $0x0  }
0x227: {  	s8 =	simm.s32 $0x600;
	[sflag:s23] =	ssyncadd.s32 $0xFFFFF000  }
0x228: {  	[spmem:s2] =	stream.indirect.scatter.add.f32 [tilespmem:s12], [sflag:$0x17], $0x80, s8, s22, $0xb8;
	[tilespmem:$0x1E280] =	vst v63  }
0x229: {  	s12 =	simm.s32 $0xE  }
0x22a: {  	_ =	swait.ge [sflag:s12], $0x1000  }
0x22b: {  	[sflag:s12] =	ssyncset.done $0x0  }
0x22c: {  	s17 =	simm.s32 $0x680;
	s18 =	simm.s32 $0xF;
	[sflag:s12] =	ssyncadd.s32 $0xFFFFF000  }
0x22d: {  	[spmem:s2] =	stream.indirect.scatter.add.f32 [tilespmem:s19], [sflag:$0x18], $0x80, s17, s22, $0xb8;
	[tilespmem:$0x1E280] =	vst v63  }
0x22e: {  	_ =	swait.ge [sflag:s18], $0x1000  }
0x22f: {  	[sflag:s18] =	ssyncset.done $0x0  }
0x230: {  	s19 =	simm.s32 $0x700;
	[sflag:s18] =	ssyncadd.s32 $0xFFFFF000  }
0x231: {  	[spmem:s2] =	stream.indirect.scatter.add.f32 [tilespmem:s20], [sflag:$0x19], $0x80, s19, s22, $0xb8;
	[tilespmem:$0x1E280] =	vst v63  }
0x232: {  	s20 =	simm.s32 $0x10  }
0x233: {  	_ =	swait.ge [sflag:s20], $0x1000  }
0x234: {  	[sflag:s20] =	ssyncset.done $0x0  }
0x235: {  	s23 =	simm.s32 $0x11;
	[sflag:s20] =	ssyncadd.s32 $0xFFFFF000  }
0x236: {  	[spmem:s2] =	stream.indirect.scatter.add.f32 [tilespmem:s30], [sflag:$0x1A], $0x80, s14, s22, $0xb8;
	[tilespmem:$0x1E280] =	vst v63  }
0x237: {  	_ =	swait.ge [sflag:s23], $0x1000  }
0x238: {  	[sflag:s23] =	ssyncset.done $0x0  }
0x239: {  	s1 =	simm.s32 $0x12;
	[sflag:s23] =	ssyncadd.s32 $0xFFFFF000  }
0x23a: {  	[spmem:s2] =	stream.indirect.scatter.add.f32 [tilespmem:s0], [sflag:$0x1B], $0x80, s16, s22, $0xb8;
	[tilespmem:$0x1E280] =	vst v63  }
0x23b: {  	_ =	swait.ge [sflag:s1], $0x1000  }
0x23c: {  	[sflag:s1] =	ssyncset.done $0x0  }
0x23d: {  	[sflag:s1] =	ssyncadd.s32 $0xFFFFF000  }
0x23e: {  	[spmem:s2] =	stream.indirect.scatter.add.f32 [tilespmem:s7], [sflag:$0x1C], $0x80, s24, s22, $0xb8;
	[tilespmem:$0x1E280] =	vst v63  }
0x23f: {  	s7 =	simm.s32 $0x13  }
0x240: {  	_ =	swait.ge [sflag:s7], $0x1000  }
0x241: {  	[sflag:s7] =	ssyncset.done $0x0  }
0x242: {  	s8 =	simm.s32 $0x14;
	[sflag:s7] =	ssyncadd.s32 $0xFFFFF000  }
0x243: {  	[spmem:s2] =	stream.indirect.scatter.add.f32 [tilespmem:s11], [sflag:$0x1D], $0x80, s31, s22, $0xb8;
	[tilespmem:$0x1E280] =	vst v63  }
0x244: {  	_ =	swait.ge [sflag:s8], $0x1000  }
0x245: {  	[sflag:s8] =	ssyncset.done $0x0  }
0x246: {  	[sflag:s8] =	ssyncadd.s32 $0xFFFFF000  }
0x247: {  	[spmem:s2] =	stream.indirect.scatter.add.f32 [tilespmem:s10], [sflag:$0x1E], $0x80, s4, s22, $0xb8;
	[tilespmem:$0x1E280] =	vst v63  }
0x248: {  	s10 =	simm.s32 $0x15  }
0x249: {  	_ =	swait.ge [sflag:s10], $0x1000  }
0x24a: {  	[sflag:s10] =	ssyncset.done $0x0  }
0x24b: {  	s11 =	simm.s32 $0x16;
	[sflag:s10] =	ssyncadd.s32 $0xFFFFF000  }
0x24c: {  	_ =	swait.ge [sflag:s11], $0x1000  }
0x24d: {  	[sflag:s11] =	ssyncset.done $0x0  }
0x24e: {  	s12 =	simm.s32 $0x17;
	[sflag:s11] =	ssyncadd.s32 $0xFFFFF000  }
0x24f: {  	_ =	swait.ge [sflag:s12], $0x1000  }
0x250: {  	[sflag:s12] =	ssyncset.done $0x0  }
0x251: {  	s14 =	simm.s32 $0x18;
	[sflag:s12] =	ssyncadd.s32 $0xFFFFF000  }
0x252: {  	_ =	swait.ge [sflag:s14], $0x1000  }
0x253: {  	[sflag:s14] =	ssyncset.done $0x0  }
0x254: {  	s16 =	simm.s32 $0x19;
	[sflag:s14] =	ssyncadd.s32 $0xFFFFF000  }
0x255: {  	_ =	swait.ge [sflag:s16], $0x1000  }
0x256: {  	[sflag:s16] =	ssyncset.done $0x0  }
0x257: {  	s17 =	simm.s32 $0x1A;
	[sflag:s16] =	ssyncadd.s32 $0xFFFFF000  }
0x258: {  	_ =	swait.ge [sflag:s17], $0x1000  }
0x259: {  	[sflag:s17] =	ssyncset.done $0x0  }
0x25a: {  	s18 =	simm.s32 $0x1B;
	[sflag:s17] =	ssyncadd.s32 $0xFFFFF000  }
0x25b: {  	_ =	swait.ge [sflag:s18], $0x1000  }
0x25c: {  	[sflag:s18] =	ssyncset.done $0x0  }
0x25d: {  	s19 =	simm.s32 $0x1C;
	[sflag:s18] =	ssyncadd.s32 $0xFFFFF000  }
0x25e: {  	_ =	swait.ge [sflag:s19], $0x1000  }
0x25f: {  	[sflag:s19] =	ssyncset.done $0x0  }
0x260: {  	s20 =	simm.s32 $0x1D;
	[sflag:s19] =	ssyncadd.s32 $0xFFFFF000  }
0x261: {  	_ =	swait.ge [sflag:s20], $0x1000  }
0x262: {  	[sflag:s20] =	ssyncset.done $0x0  }
0x263: {  	s23 =	simm.s32 $0x1E;
	[sflag:s20] =	ssyncadd.s32 $0xFFFFF000  }
0x264: {  	_ =	swait.ge [sflag:s23], $0x1000  }
0x265: {  	[sflag:s23] =	ssyncset.done $0x0  }
0x266: {  	[sflag:s23] =	ssyncadd.s32 $0xFFFFF000  }
0x267: {  	[bflag:$0x0] =	sbarrier.arrive $0xFFFF  }
0x268: {  	s18 =	sld [smem:$0x7FB]  }
0x269: {  	s0 =	sld [smem:$0x7E9];
	_ =	sdelay $0x1  }
0x26a: {  	s17 =	simm.s32 @p0 $0x1FDF  }
0x26b: {  	[hbm:s18], [sflag:s17] =	dma.local @p0 [spmem:s0], $0x2080  }
0x26c: {  	s17 =	simm.s32 @p0 $0x1F  }
0x26d: {  	_ =	swait.ge @p0 [sflag:s17], $0x2080  }
0x26e: {  	s0 =	sld [smem:$0x7EA]  }
0x26f: {  	[sflag:s17] =	ssyncset.done @p0 $0x0;
	s1 =	sld [smem:$0x7EB]  }
0x270: {  	[sflag:s17] =	ssyncadd.s32 @p0 $0xFFFFDF80;
	s17 =	sld [smem:$0x7F8];
	_ =	sdelay $0x2  }
0x271: {  	[hbm:s17], [sflag:s0] =	dma.local @!p0 [spmem:s1], $0x2780  }
0x272: {  	s17 =	simm.s32 @!p0 $0x1F  }
0x273: {  	_ =	swait.ge @!p0 [sflag:s17], $0x2780  }
0x274: {  	s24 =	sld [smem:$0x7E8]  }
0x275: {  	s31 =	sld [smem:$0x7FC];
	_ =	sdelay $0x1  }
0x276: {  	s0 =	sadd.s32 $0x1, s24  }
0x277: {  	p1 =	sne.s32 s0, s31  }
.Ltmp1:
0x278: {  	_ = 	snop;
	(pc) =	sbr.rel @p1 .LBB2_1-.Ltmp1, $3  }
0x279: {  	_ =	sdelay $0x1  }
0x27a: {  	[sflag:s17] =	ssyncset.done @!p0 $0x0  }
0x27b: {  	s30 =	simm.s32 $0x3;
	s10 =	simm.s32 $0x2;
	[sflag:s17] =	ssyncadd.s32 @!p0 $0xFFFFD880  }
0x27c: {  	_ =	sfence.sel $0x180000  }
0x27d: {  	[bflag:$0x0] =	sbarrier.arrive $0xFFFF  }
0x27e: {  	_ =	strace $0x9000004A  }
0x27f: {  	s0 =	stileid.u32;
	[bflag:$0x2] =	sbarrier.arrive $0xFFFF  }
0x280: {  	p0 =	sne.s32 s0, $0x0;
	s0 =	rddreg [dreg:$0x3]  }
0x281: {  	s0 =	sadd.s32 @!p0 $0x100000, s0  }
0x282: {  	[sflag:s0] =	ssyncadd.tile.s32 @!p0 $0x1;
	_ =	shalt  }
.Lfunc_end2:
_tile_overlayer_lowered:
.L_overlay_start_2:
0x283: {  	(tag) =	ssettag $0x2  }
0x284: {  	s0 =	rddreg [dreg:$0x0];
	s2 =	stileid.u32  }
0x285: {  	s1 =	rddreg [dreg:$0x1];
	p0 =	sne.s32 s2, $0x0  }
0x286: {  	s3 =	rddreg [dreg:$0x2];
	[bflag:$0x3] =	sbarrier.arrive $0xFFFF;
	s2 =	simm.s32 @!p0 $0x1C1F  }
0x287: {  	[timem:s3], [sflag:s2] =	dma.local @!p0 [hbm:s0], s1  }
0x288: {  	s0 =	simm.s32 @!p0 $0x1F  }
0x289: {  	_ =	swait.ge @!p0 [sflag:s0], s1  }
0x28a: {  	s1 =	ssub.s32 @!p0 $0x0, s1;
	[sflag:s0] =	ssyncset.done @!p0 $0x0  }
0x28b: {  	[sflag:s0] =	ssyncadd.s32 @!p0 s1  }
0x28c: {  	[bflag:$0x3] =	sbarrier.arrive $0xFFFF  }
0x28d: {  	_ =	shalt  }

// kernel: kernel.14.cloned.1.call-start
scs
__scs_entry_jumppad:
0x0: {  	(pc) =	sbr.rel $0x88, $3  }
0x1: {  	(tag) =	ssettag $0x0;
	lr =	simm.s32 $0x1  }
0x2: {  	[smem:$0x3F99] =	sst lr;
	_ =	strace $0xD0000000  }
0x3: {  	_ = 	snop  }
0x4: {  	_ = 	snop  }
0x5: {  	_ = 	snop  }
0x6: {  	_ = 	snop  }
0x7: {  	_ = 	snop  }
__scs_overlays_trampoline_lowered:
0x8: {  	[smem:$0x3FA8] =	sst s0  }
0x9: {  	[smem:$0x3FA9] =	sst s1  }
0xa: {  	[smem:$0x3FAA] =	sst s2  }
0xb: {  	[smem:$0x3FAB] =	sst s3  }
0xc: {  	[smem:$0x3FAC] =	sst s4  }
0xd: {  	[smem:$0x3FAD] =	sst s5  }
0xe: {  	[smem:$0x3FAE] =	sst s6  }
0xf: {  	[smem:$0x3FAF] =	sst s7  }
0x10: {  	[smem:$0x3FB0] =	sst s8  }
0x11: {  	[smem:$0x3FB1] =	sst s9;
	s0 =	simm.s32 @!p0 $0x0  }
0x12: {  	s1 =	sld [smem:$0x3F97];
	s0 =	simm.s32 @p0 $0x1  }
0x13: {  	[smem:$0x3FB2] =	sst s0;
	s0 =	simm.s32 @!p1 $0x0  }
0x14: {  	s2 =	sld [smem:$0x3F96];
	s0 =	simm.s32 @p1 $0x1  }
0x15: {  	[smem:$0x3FB3] =	sst s0;
	s0 =	simm.s32 @!p2 $0x0  }
0x16: {  	s3 =	sld [smem:$0x3FDB];
	s0 =	simm.s32 @p2 $0x1  }
0x17: {  	s4 =	simm.s32 $0x1BF5;
	[smem:$0x3FB5] =	sst s0  }
0x18: {  	s0 =	sld [smem:$0x3F98];
	_ =	swait.ge [sflag:s4], $0x0  }
0x19: {  	s7 =	sld [smem:$0x3F99]  }
0x1a: {  	s8 =	sadd.s32 $0xFFFFE003, lr  }
0x1b: {  	s9 =	sadd.s32 $0xFFFFFEF7, lr;
	s5 =	simm.s32 $0xFFFFFFFF;
	p2 =	slt.u32 s8, $0xFFFFF086  }
0x1c: {  	p1 =	slt.u32 s9, $0xF7A;
	s5 =	simm.s32 @!p2 $0x0  }
0x1d: {  	s5 =	simm.s32 @p1 $0x1;
	p0 =	seq.s32 s7, s2  }
0x1e: {  	s7 =	smul.u32 @!p0 $0xF7A, s2;
	p2 =	seq.s32 @!p0 s5, $0x0  }
0x1f: {  	s9 =	smul.u32 $0xF7A, s1;
	s8 =	simm.s32 @!p0 $0x1BF5;
	p2 =	por !p2, p0  }
0x20: {  	[sflag:s8] =	ssyncset.s32 @!p0 $0xFFFFF086;
	s6 =	sadd.s32 @!p0 s3, s7;
	s7 =	simm.s32 @!p0 $0x108  }
0x21: {  	s3 =	sadd.s32 s3, s9;
	s6 =	sadd.s32 @!p0 $0x88, s6;
	s7 =	simm.s32 @p2 $0x1082  }
0x22: {  	[simem:s7], [sflag:s8] =	dma.local @!p0 [hbm:s6], $0xF7A  }
0x23: {  	s9 =	sor.u32 $0xD0000000, s2;
	s6 =	simm.s32 $0x108;
	_ =	swait.ge @!p0 [sflag:s8], $0x0  }
0x24: {  	s3 =	sadd.s32 $0x88, s3;
	s6 =	simm.s32 @!p1 $0x1082;
	[sflag:s4] =	ssyncset.s32 $0xFFFFF086  }
0x25: {  	[simem:s6], [sflag:s4] =	dma.local [hbm:s3], $0xF7A  }
0x26: {  	[smem:$0x3F99] =	sst s1;
	(tag) =	ssettag s2;
	_ =	strace s9  }
0x27: {  	s1 =	sld [smem:$0x3FA9]  }
0x28: {  	s2 =	sld [smem:$0x3FAA]  }
0x29: {  	s4 =	sld [smem:$0x3FAC]  }
0x2a: {  	p0 =	seq.s32 s5, $0x0;
	s5 =	sld [smem:$0x3FAD]  }
0x2b: {  	s6 =	sld [smem:$0x3FAE]  }
0x2c: {  	s7 =	sld [smem:$0x3FAF]  }
0x2d: {  	s3 =	simm.s32 $0x108;
	s8 =	sld [smem:$0x3FB0]  }
0x2e: {  	s3 =	simm.s32 @!p0 $0x1082;
	s9 =	sld [smem:$0x3FB1]  }
0x2f: {  	lr =	sadd.s32 s0, s3;
	s0 =	sld [smem:$0x3FA8]  }
0x30: {  	s3 =	sld [smem:$0x3FAB]  }
0x31: {  	[smem:$0x3FB4] =	sst s10  }
0x32: {  	s10 =	sld [smem:$0x3FB2];
	_ =	sdelay $0x3  }
0x33: {  	p0 =	seq.s32 s10, $0x1;
	s10 =	sld [smem:$0x3FB4];
	_ =	sdelay $0x3  }
0x34: {  	[smem:$0x3FB4] =	sst s10  }
0x35: {  	s10 =	sld [smem:$0x3FB3];
	_ =	sdelay $0x3  }
0x36: {  	p1 =	seq.s32 s10, $0x1;
	s10 =	sld [smem:$0x3FB4];
	_ =	sdelay $0x3  }
0x37: {  	[smem:$0x3FB4] =	sst s10  }
0x38: {  	s10 =	sld [smem:$0x3FB5]  }
0x39: {  	_ = 	snop;
	(pc) =	sbr.ind lr, $3  }
0x3a: {  	_ = 	snop  }
0x3b: {  	_ = 	snop  }
0x3c: {  	p2 =	seq.s32 s10, $0x1;
	s10 =	sld [smem:$0x3FB4]  }
0x3d: {  	_ =	shalt  }
0x3e: {  	_ =	shalt  }
0x3f: {  	_ =	shalt  }
0x40: {  	_ =	shalt  }
0x41: {  	_ =	shalt  }
0x42: {  	_ =	shalt  }
0x43: {  	_ =	shalt  }
0x44: {  	_ =	shalt  }
0x45: {  	_ =	shalt  }
0x46: {  	_ =	shalt  }
0x47: {  	_ =	shalt  }
0x48: {  	_ =	shalt  }
0x49: {  	_ =	shalt  }
0x4a: {  	_ =	shalt  }
0x4b: {  	_ =	shalt  }
0x4c: {  	_ =	shalt  }
0x4d: {  	_ =	shalt  }
0x4e: {  	_ =	shalt  }
0x4f: {  	_ =	shalt  }
0x50: {  	_ =	shalt  }
0x51: {  	_ =	shalt  }
0x52: {  	_ =	shalt  }
0x53: {  	_ =	shalt  }
0x54: {  	_ =	shalt  }
0x55: {  	_ =	shalt  }
0x56: {  	_ =	shalt  }
0x57: {  	_ =	shalt  }
0x58: {  	_ =	shalt  }
0x59: {  	_ =	shalt  }
0x5a: {  	_ =	shalt  }
0x5b: {  	_ =	shalt  }
0x5c: {  	_ =	shalt  }
0x5d: {  	_ =	shalt  }
0x5e: {  	_ =	shalt  }
0x5f: {  	_ =	shalt  }
0x60: {  	_ =	shalt  }
0x61: {  	_ =	shalt  }
0x62: {  	_ =	shalt  }
0x63: {  	_ =	shalt  }
0x64: {  	_ =	shalt  }
0x65: {  	_ =	shalt  }
0x66: {  	_ =	shalt  }
0x67: {  	_ =	shalt  }
0x68: {  	_ =	shalt  }
0x69: {  	_ =	shalt  }
0x6a: {  	_ =	shalt  }
0x6b: {  	_ =	shalt  }
0x6c: {  	_ =	shalt  }
0x6d: {  	_ =	shalt  }
0x6e: {  	_ =	shalt  }
0x6f: {  	_ =	shalt  }
0x70: {  	_ =	shalt  }
0x71: {  	_ =	shalt  }
0x72: {  	_ =	shalt  }
0x73: {  	_ =	shalt  }
0x74: {  	_ =	shalt  }
0x75: {  	_ =	shalt  }
0x76: {  	_ =	shalt  }
0x77: {  	_ =	shalt  }
0x78: {  	_ =	shalt  }
0x79: {  	_ =	shalt  }
0x7a: {  	_ =	shalt  }
0x7b: {  	_ =	shalt  }
0x7c: {  	_ =	shalt  }
0x7d: {  	_ =	shalt  }
0x7e: {  	_ =	shalt  }
0x7f: {  	_ =	shalt  }
0x80: {  	_ =	shalt  }
0x81: {  	_ =	shalt  }
0x82: {  	_ =	shalt  }
0x83: {  	_ =	shalt  }
0x84: {  	_ =	shalt  }
0x85: {  	_ =	shalt  }
0x86: {  	_ =	shalt  }
0x87: {  	_ =	shalt  }
.Lfunc_end0:
.L_simem_size_0:
called_computation.2_lowered:
.L_overlay_start_0:
0x88: {  	s2 =	sld [smem:$0x3FD9]  }
0x89: {  	s3 =	sld [smem:$0x3FFE];
	_ =	sdelay $0x1  }
0x8a: {  	s1 =	srdreg.scid  }
0x8b: {  	s0 =	sand.u32 $0x1, s1  }
0x8c: {  	s17 =	sshll.u32 s0, $0xA;
	s2 =	sadd.s32 s3, s2  }
0x8d: {  	s2 =	sadd.s32 s2, s17  }
0x8e: {  	[smem:$0x3FC0] =	sst s2  }
0x8f: {  	_ = 	snop  }
0x90: {  	s2 =	sld [smem:$0x3FD0];
	(tm) =	ssettm $0x1  }
0x91: {  	s18 =	sld [smem:$0x3FFB];
	_ =	sdelay $0x3  }
0x92: {  	_ =	strace s18  }
0x93: {  	s3 =	sld [smem:$0x3FFC];
	_ =	sdelay $0x3  }
0x94: {  	_ =	strace s3  }
0x95: {  	s3 =	sld [smem:$0x3FFD];
	_ =	sdelay $0x3  }
0x96: {  	_ =	strace s3  }
0x97: {  	_ =	strace $0x8FFFFFFF  }
0x98: {  	s19 =	sld [smem:$0x3FDB];
	_ =	sdelay $0x1  }
0x99: {  	s4 =	simm.s32 $_scs_section_size  }
0x9a: {  	s5 =	simm.s32 $_size__tile_overlayer_lowered;
	s6 =	simm.s32 $_tile_overlayer_lowered  }
0x9b: {  	s22 =	simm.s32 $0x1BFF;
	s21 =	sshll.u32 s6, $0x1;
	s3 =	sadd.s32 s4, s19  }
0x9c: {  	s7 =	simm.s32 $0x0;
	s20 =	sshll.u32 s5, $0x1;
	s5 =	sadd.s32 s21, s3  }
0x9d: {  	[timem:s7], [sflag:s22] =	dma.local [hbm:s5], s20  }
0x9e: {  	_ =	swait.ge [sflag:s22], s20  }
0x9f: {  	s4 =	ssub.s32 $0x0, s20;
	[sflag:s22] =	ssyncset.done $0x0  }
0xa0: {  	[sflag:s22] =	ssyncadd.s32 s4;
	_ =	sdelay $0x1  }
0xa1: {  	s23 =	simm.s32 $0x1B8B  }
0xa2: {  	_ =	swait.ge [sflag:s23], $0x1  }
0xa3: {  	[sflag:s23] =	ssyncset.done $0x0  }
0xa4: {  	s25 =	simm.s32 $0x1B8E;
	s24 =	sld [smem:$0x3FFE];
	[sflag:s23] =	ssyncadd.s32 $0xFFFFFFFF  }
0xa5: {  	s26 =	simm.s32 $execute0_lowered;
	[smem:$0x3FD2] =	sst s25  }
0xa6: {  	s5 =	sshll.u32 s26, $0x1;
	_ =	strace $0x8000004C;
	[dreg:$0x1] =	wrdreg $0xFFFFFFFF  }
0xa7: {  	s28 =	simm.s32 $_size_execute0_lowered;
	s3 =	sadd.s32 s3, s5;
	[dreg:$0x0] =	wrdreg $0x0  }
0xa8: {  	s5 =	sshll.u32 s28, $0x1;
	[dreg:$0x2] =	wrdreg s3  }
0xa9: {  	[dreg:$0x3] =	wrdreg s5  }
0xaa: {  	[dreg:$0x4] =	wrdreg $0xC0  }
0xab: {  	_ =	task [dreg:s7], $0x5FFFF  }
0xac: {  	[dreg:$0x1] =	wrdreg $0xFFFFFFFF  }
0xad: {  	[dreg:$0x0] =	wrdreg $0x60  }
0xae: {  	[dreg:$0x2] =	wrdreg s24  }
0xaf: {  	[dreg:$0x3] =	wrdreg s2  }
0xb0: {  	[dreg:$0x4] =	wrdreg $0xAA000  }
0xb1: {  	[dreg:$0x5] =	wrdreg $0x9  }
0xb2: {  	_ =	task.clear_ibuf [dreg:s7], $0x6FFFF;
	_ =	strace $0x9000004C  }
0xb3: {  	s29 =	simm.s32 $0x9;
	_ =	strace $0x8000004E  }
0xb4: {  	_ =	swait.ge [sflag:s29], $0x1  }
0xb5: {  	[sflag:s29] =	ssyncadd.s32 $0xFFFFFFFF  }
0xb6: {  	_ =	strace $0x9000004E  }
0xb7: {  	_ =	sfence  }
0xb8: {  	s30 =	sld [smem:$0x0];
	_ =	sdelay $0x2  }
0xb9: {  	s31 =	sshll.u32 s1, $0xD;
	s1 =	sshrl.u32 s1, $0x2  }
0xba: {  	s3 =	sand.u32 $0x4000, s31;
	s1 =	sadd.s32 s1, s30  }
0xbb: {  	s0 =	sor.u32 s3, s0;
	s1 =	sshll.u32 s1, $0x11  }
0xbc: {  	s0 =	sor.u32 s1, s0  }
0xbd: {  	s0 =	sadd.s32 $0x8F2B, s0  }
0xbe: {  	[sflag:s0] =	ssyncadd.remote.s32 $0x1  }
0xbf: {  	_ =	sfence.sel $0xFFFF  }
0xc0: {  	[dreg:$0x0] =	wrdreg $0xFFFFFFFF;
	(pc) =	sbr.abs _section_cstart, $3  }
0xc1: {  	[dreg:$0x1] =	wrdreg $0xFFFFFFFF  }
0xc2: {  	_ =	task.clear_ibuf [dreg:s7], $0x2FFFF;
	_ =	strace $0x9FFFFFFF  }
0xc3: {  	(tm) =	ssettm $0x7FFFFFFF  }
tec
execute0_lowered:
.L_overlay_start_1:
0x0: {  	(tag) =	ssettag $0x1  }
0x1: {  	s0 =	rddreg [dreg:$0x0]  }
0x2: {  	s3 =	srdreg.scid;
	s12 =	stileid.u32  }
0x3: {  	s1 =	rddreg [dreg:$0x1];
	s6 =	sand.u32 $0x1, s3;
	s4 =	sshll.u32 s12, $0x1  }
0x4: {  	s2 =	rddreg [dreg:$0x2];
	s28 =	simm.s32 $0x80;
	s4 =	sor.u32 s6, s4  }
0x5: {  	s29 =	simm.s32 $0x400;
	s3 =	simm.s32 $0x0;
	s4 =	smul.u32 $0x2800, s4  }
0x6: {  	s30 =	simm.s32 $0x3;
	s5 =	sadd.s32 $0x54800, s0;
	[smem:$0x7FF] =	sst s3  }
0x7: {  	s8 =	ssub.s32 $0x2, s6;
	_ =	strace $0x8000004D;
	s7 =	sshrl.u32 s4, $0x3  }
0x8: {  	s9 =	sshrl.u32 s8, $0x1;
	s14 =	sadd.s32 s5, s7;
	s15 =	sor.u32 $0x4, s7  }
0x9: {  	s4 =	ssub.s32 s8, s9;
	[dreg:$0x18] =	wrdreg s14;
	s16 =	sadd.s32 s5, s15  }
0xa: {  	s18 =	sor.u32 $0x8, s7;
	s8 =	sadd.s32 s1, s15;
	[dreg:$0x19] =	wrdreg s16  }
0xb: {  	s17 =	smul.u32 $0x5000, s12;
	s13 =	sadd.s32 s5, s18;
	[dreg:$0x1a] =	wrdreg s8  }
0xc: {  	s10 =	sor.u32 $0xC, s7;
	s9 =	sadd.s32 s1, s18;
	[dreg:$0x1b] =	wrdreg s13  }
0xd: {  	s11 =	smul.u32 $0x2800, s6;
	s19 =	sadd.s32 s5, s10;
	[dreg:$0x1c] =	wrdreg s9  }
0xe: {  	s21 =	sor.u32 $0x10, s7;
	s20 =	sadd.s32 s1, s10;
	[dreg:$0x1d] =	wrdreg s19  }
0xf: {  	s23 =	sor.u32 $0x14, s7;
	s22 =	sadd.s32 s5, s21;
	[dreg:$0x1e] =	wrdreg s20  }
0x10: {  	p0 =	seq.s32 s12, $0xF;
	s24 =	sadd.s32 s5, s23;
	[dreg:$0x1f] =	wrdreg s22  }
0x11: {  	s10 =	sadd.s32 s1, s23;
	s8 =	sadd.s32 s11, s17;
	[smem:$0x7ED] =	sst s24  }
0x12: {  	s9 =	sadd.s32 s1, s21;
	[smem:$0x7EE] =	sst s10;
	s11 =	sor.u32 $0x260, s8  }
0x13: {  	s6 =	smul.u32 $0x138800, s6;
	[smem:$0x7EC] =	sst s9;
	s25 =	sshrl.u32 s11, $0x3  }
0x14: {  	s31 =	sor.u32 $0x240, s8;
	s15 =	sor.u32 $0x220, s8;
	s26 =	sadd.s32 s25, s1  }
0x15: {  	s13 =	sshrl.u32 s31, $0x3;
	s9 =	sadd.s32 s25, s5;
	[dreg:$0x4] =	wrdreg s26  }
0x16: {  	s19 =	sor.u32 $0x200, s8;
	s14 =	sadd.s32 s13, s1;
	[dreg:$0x5] =	wrdreg s9  }
0x17: {  	s17 =	sshrl.u32 s15, $0x3;
	s16 =	sadd.s32 s13, s5;
	[dreg:$0x6] =	wrdreg s14  }
0x18: {  	s23 =	sor.u32 $0x1E0, s8;
	s18 =	sadd.s32 s17, s1;
	[dreg:$0x7] =	wrdreg s16  }
0x19: {  	s21 =	sshrl.u32 s19, $0x3;
	s20 =	sadd.s32 s17, s5;
	[dreg:$0x8] =	wrdreg s18  }
0x1a: {  	s31 =	sor.u32 $0x1C0, s8;
	s22 =	sadd.s32 s21, s1;
	[dreg:$0x9] =	wrdreg s20  }
0x1b: {  	s24 =	sadd.s32 s21, s5;
	s25 =	sshrl.u32 s23, $0x3;
	[dreg:$0xa] =	wrdreg s22  }
0x1c: {  	s15 =	sor.u32 $0x1A0, s8;
	[dreg:$0xb] =	wrdreg s24;
	s26 =	sadd.s32 s25, s1  }
0x1d: {  	s13 =	sshrl.u32 s31, $0x3;
	s10 =	sadd.s32 s25, s5;
	[dreg:$0xc] =	wrdreg s26  }
0x1e: {  	s19 =	sor.u32 $0x180, s8;
	s14 =	sadd.s32 s13, s1;
	[dreg:$0xd] =	wrdreg s10  }
0x1f: {  	s17 =	sshrl.u32 s15, $0x3;
	s16 =	sadd.s32 s13, s5;
	[dreg:$0xe] =	wrdreg s14  }
0x20: {  	s21 =	sshrl.u32 s19, $0x3;
	s18 =	sadd.s32 s17, s1;
	[dreg:$0xf] =	wrdreg s16  }
0x21: {  	s31 =	sor.u32 $0x1C, s7;
	s20 =	sadd.s32 s17, s5;
	[dreg:$0x10] =	wrdreg s18  }
0x22: {  	s15 =	sor.u32 $0x20, s7;
	s23 =	sadd.s32 s21, s1;
	[dreg:$0x11] =	wrdreg s20  }
0x23: {  	s22 =	sor.u32 $0x18, s7;
	s13 =	sadd.s32 s5, s31;
	[dreg:$0x12] =	wrdreg s23  }
0x24: {  	s25 =	sor.u32 $0x160, s8;
	s17 =	sadd.s32 s1, s7;
	[smem:$0x7F1] =	sst s13  }
0x25: {  	s8 =	sor.u32 $0x140, s8;
	s24 =	sadd.s32 s5, s22;
	[smem:$0x7F3] =	sst s17  }
0x26: {  	s7 =	sor.u32 $0x24, s7;
	s11 =	sadd.s32 s1, s22;
	[smem:$0x7EF] =	sst s24  }
0x27: {  	s10 =	sadd.s32 s21, s5;
	s9 =	sshrl.u32 s25, $0x3;
	[smem:$0x7F0] =	sst s11  }
0x28: {  	s8 =	sshrl.u32 s8, $0x3;
	s14 =	sadd.s32 s1, s31;
	[dreg:$0x13] =	wrdreg s10  }
0x29: {  	s18 =	sadd.s32 s5, s15;
	s20 =	sadd.s32 $0x5E800, s0;
	[smem:$0x7F2] =	sst s14  }
0x2a: {  	s25 =	sadd.s32 $0x5E00, s0;
	s0 =	sadd.s32 $0x3600, s0;
	[smem:$0x7F4] =	sst s18  }
0x2b: {  	s16 =	smul.u32 $0x13C00, s12;
	s31 =	sadd.s32 $0x128400, s2;
	[smem:$0x7F9] =	sst s0  }
0x2c: {  	s21 =	smul.u32 $0x4F000, s12;
	s26 =	sadd.s32 s9, s1;
	[smem:$0x7FD] =	sst s31  }
0x2d: {  	s13 =	simm.s32 $0x280;
	s9 =	sadd.s32 s9, s5;
	[dreg:$0x14] =	wrdreg s26  }
0x2e: {  	s11 =	sadd.s32 s8, s1;
	s10 =	simm.s32 $0x2;
	[dreg:$0x15] =	wrdreg s9  }
0x2f: {  	[dreg:$0x16] =	wrdreg s11;
	s9 =	sadd.s32 s1, s15;
	s1 =	sadd.s32 s1, s7  }
0x30: {  	s19 =	sadd.s32 s16, s6;
	s7 =	sadd.s32 s5, s7;
	s5 =	sadd.s32 s8, s5  }
0x31: {  	s6 =	sshrl.u32 s6, $0x3;
	s23 =	sshrl.u32 s21, $0x2;
	[smem:$0x7F5] =	sst s9  }
0x32: {  	s26 =	smax.u32 s4, $0x1;
	s15 =	simm.s32 $0x300;
	[smem:$0x7F6] =	sst s1  }
0x33: {  	s21 =	simm.s32 $0x380;
	[smem:$0x7F7] =	sst s7;
	s1 =	sshrl.u32 s19, $0x3  }
0x34: {  	s22 =	sadd.s32 s20, s6;
	[dreg:$0x17] =	wrdreg s5;
	s0 =	sadd.s32 s23, s2  }
0x35: {  	[smem:$0x7FC] =	sst s26;
	s26 =	simm.s32 $0x100;
	s5 =	simm.s32 $0x180  }
0x36: {  	s9 =	simm.s32 $0x200;
	s1 =	sadd.s32 s20, s1;
	[smem:$0x7FA] =	sst s0  }
0x37: {  	s6 =	simm.s32 $0x1;
	s24 =	sadd.s32 $0x25080, s22;
	[smem:$0x7F8] =	sst s1  }
0x38: {  	s22 =	simm.s32 $0x20;
	s0 =	simm.s32 $0x0;
	[smem:$0x7FB] =	sst s24  }
.LBB2_1:
0x39: {  	s17 =	sld [smem:$0x7FD];
	_ =	sdelay $0x1  }
0x3a: {  	s19 =	sld [smem:$0x7F9]  }
0x3b: {  	[smem:$0x7E8] =	sst s0;
	s0 =	sshrl.u32 @p0 s17, $0x3  }
0x3c: {  	s17 =	simm.s32 @p0 $0x1FDF;
	[smem:$0x7E9] =	sst s0  }
0x3d: {  	[spmem:s0], [sflag:s17] =	dma.local @p0 [hbm:s19], $0x2080  }
0x3e: {  	s17 =	simm.s32 @p0 $0x1F  }
0x3f: {  	_ =	swait.ge @p0 [sflag:s17], $0x2080  }
0x40: {  	[sflag:s17] =	ssyncset.done @p0 $0x0  }
0x41: {  	s18 =	stileid.u32;
	[sflag:s17] =	ssyncadd.s32 @p0 $0xFFFFDF80;
	s17 =	sld [smem:$0x7FA]  }
0x42: {  	s18 =	sshll.u32 @!p0 s18, $0x6  }
0x43: {  	s0 =	sor.u32 @!p0 $0x1C1F, s18  }
0x44: {  	[smem:$0x7EA] =	sst s0;
	s1 =	sshrl.u32 @!p0 s17, $0x3  }
0x45: {  	s17 =	simm.s32 @!p0 $0x1F;
	[smem:$0x7EB] =	sst s1  }
0x46: {  	[spmem:s1], [sflag:s0] =	dma.local @!p0 [hbm:s19], $0x2780  }
0x47: {  	_ =	swait.ge @!p0 [sflag:s17], $0x2780  }
0x48: {  	[sflag:s17] =	ssyncset.done @!p0 $0x0;
	s4 =	rddreg [dreg:$0x18]  }
0x49: {  	s7 =	sld [smem:$0x7F3];
	[sflag:s17] =	ssyncadd.s32 @!p0 $0xFFFFD880  }
0x4a: {  	[tilespmem:s3], [sflag:$0x1] =	stream.linear.gather [hbm4b:s4+s3], $0x20, $0x38;
	[tilespmem:$0x1E280] =	vst v63  }
0x4b: {  	s8 =	simm.s32 $0x500;
	s11 =	rddreg [dreg:$0x19]  }
0x4c: {  	[tilespmem:s8], [sflag:$0x1] =	stream.linear.gather [hbm4b:s7+s3], $0x20, $0x38;
	[tilespmem:$0x1E280] =	vst v63  }
0x4d: {  	s12 =	rddreg [dreg:$0x1a]  }
0x4e: {  	[tilespmem:s28], [sflag:$0x2] =	stream.linear.gather [hbm4b:s11+s3], $0x20, $0x38;
	[tilespmem:$0x1E280] =	vst v63  }
0x4f: {  	s14 =	simm.s32 $0x580;
	s16 =	rddreg [dreg:$0x1b]  }
0x50: {  	[tilespmem:s14], [sflag:$0x2] =	stream.linear.gather [hbm4b:s12+s3], $0x20, $0x38;
	[tilespmem:$0x1E280] =	vst v63  }
0x51: {  	s18 =	rddreg [dreg:$0x1c]  }
0x52: {  	[tilespmem:s26], [sflag:$0x3] =	stream.linear.gather [hbm4b:s16+s3], $0x20, $0x38;
	[tilespmem:$0x1E280] =	vst v63  }
0x53: {  	s19 =	simm.s32 $0x600;
	s20 =	rddreg [dreg:$0x1d]  }
0x54: {  	[tilespmem:s19], [sflag:$0x3] =	stream.linear.gather [hbm4b:s18+s3], $0x20, $0x38;
	[tilespmem:$0x1E280] =	vst v63  }
0x55: {  	s23 =	rddreg [dreg:$0x1e]  }
0x56: {  	[tilespmem:s5], [sflag:$0x4] =	stream.linear.gather [hbm4b:s20+s3], $0x20, $0x38;
	[tilespmem:$0x1E280] =	vst v63  }
0x57: {  	s31 =	simm.s32 $0x680;
	s0 =	rddreg [dreg:$0x1f]  }
0x58: {  	[tilespmem:s31], [sflag:$0x4] =	stream.linear.gather [hbm4b:s23+s3], $0x20, $0x38;
	[tilespmem:$0x1E280] =	vst v63  }
0x59: {  	s1 =	sld [smem:$0x7EC]  }
0x5a: {  	[tilespmem:s9], [sflag:$0x5] =	stream.linear.gather [hbm4b:s0+s3], $0x20, $0x38;
	[tilespmem:$0x1E280] =	vst v63  }
0x5b: {  	s2 =	simm.s32 $0x700;
	s4 =	sld [smem:$0x7ED]  }
0x5c: {  	[tilespmem:s2], [sflag:$0x5] =	stream.linear.gather [hbm4b:s1+s3], $0x20, $0x38;
	[tilespmem:$0x1E280] =	vst v63  }
0x5d: {  	s7 =	sld [smem:$0x7EE]  }
0x5e: {  	[tilespmem:s13], [sflag:$0x6] =	stream.linear.gather [hbm4b:s4+s3], $0x20, $0x38;
	[tilespmem:$0x1E280] =	vst v63  }
0x5f: {  	s8 =	simm.s32 $0x780;
	s11 =	sld [smem:$0x7EF]  }
0x60: {  	[tilespmem:s8], [sflag:$0x6] =	stream.linear.gather [hbm4b:s7+s3], $0x20, $0x38;
	[tilespmem:$0x1E280] =	vst v63  }
0x61: {  	s12 =	sld [smem:$0x7F0]  }
0x62: {  	[tilespmem:s15], [sflag:$0x7] =	stream.linear.gather [hbm4b:s11+s3], $0x20, $0x38;
	[tilespmem:$0x1E280] =	vst v63  }
0x63: {  	s14 =	simm.s32 $0x800;
	s16 =	sld [smem:$0x7F1]  }
0x64: {  	[tilespmem:s14], [sflag:$0x7] =	stream.linear.gather [hbm4b:s12+s3], $0x20, $0x38;
	[tilespmem:$0x1E280] =	vst v63  }
0x65: {  	s18 =	sld [smem:$0x7F2]  }
0x66: {  	[tilespmem:s21], [sflag:$0x8] =	stream.linear.gather [hbm4b:s16+s3], $0x20, $0x38;
	[tilespmem:$0x1E280] =	vst v63  }
0x67: {  	s19 =	simm.s32 $0x880;
	s20 =	sld [smem:$0x7F4]  }
0x68: {  	[tilespmem:s19], [sflag:$0x8] =	stream.linear.gather [hbm4b:s18+s3], $0x20, $0x38;
	[tilespmem:$0x1E280] =	vst v63  }
0x69: {  	s23 =	sld [smem:$0x7F5]  }
0x6a: {  	[tilespmem:s29], [sflag:$0x9] =	stream.linear.gather [hbm4b:s20+s3], $0x20, $0x38;
	[tilespmem:$0x1E280] =	vst v63  }
0x6b: {  	s31 =	simm.s32 $0x900;
	s0 =	sld [smem:$0x7F7]  }
0x6c: {  	[tilespmem:s31], [sflag:$0x9] =	stream.linear.gather [hbm4b:s23+s3], $0x20, $0x38;
	[tilespmem:$0x1E280] =	vst v63  }
0x6d: {  	s1 =	simm.s32 $0x480;
	s2 =	sld [smem:$0x7F6]  }
0x6e: {  	[tilespmem:s1], [sflag:$0xA] =	stream.linear.gather [hbm4b:s0+s3], $0x20, $0x38;
	[tilespmem:$0x1E280] =	vst v63  }
0x6f: {  	s4 =	simm.s32 $0x980  }
0x70: {  	[tilespmem:s4], [sflag:$0xA] =	stream.linear.gather [hbm4b:s2+s3], $0x20, $0x38;
	[tilespmem:$0x1E280] =	vst v63  }
0x71: {  	_ =	swait.ge [sflag:s6], $0x20  }
0x72: {  	[sflag:s6] =	ssyncset.done $0x0  }
0x73: {  	[sflag:s6] =	ssyncadd.s32 $0xFFFFFFE0  }
0x74: {  	_ =	swait.ge [sflag:s6], $0x20  }
0x75: {  	[sflag:s6] =	ssyncset.done $0x0  }
0x76: {  	s7 =	simm.s32 $0xA00;
	[sflag:s6] =	ssyncadd.s32 $0xFFFFFFE0  }
0x77: {  	[tilespmem:s7], [sflag:$0xB] =	stream.indirect.gather [hbm4b:s25+s22], $0x80, s3, s22, $0xb8;
	[tilespmem:$0x1E280] =	vst v63  }
0x78: {  	_ =	swait.ge [sflag:s10], $0x20  }
0x79: {  	[sflag:s10] =	ssyncset.done $0x0  }
0x7a: {  	[sflag:s10] =	ssyncadd.s32 $0xFFFFFFE0  }
0x7b: {  	_ =	swait.ge [sflag:s10], $0x20  }
0x7c: {  	[sflag:s10] =	ssyncset.done $0x0  }
0x7d: {  	s8 =	simm.s32 $0x1A00;
	[sflag:s10] =	ssyncadd.s32 $0xFFFFFFE0  }
0x7e: {  	[tilespmem:s8], [sflag:$0xC] =	stream.indirect.gather [hbm4b:s25+s22], $0x80, s28, s22, $0xb8;
	[tilespmem:$0x1E280] =	vst v63  }
0x7f: {  	_ =	swait.ge [sflag:s30], $0x20  }
0x80: {  	[sflag:s30] =	ssyncset.done $0x0  }
0x81: {  	[sflag:s30] =	ssyncadd.s32 $0xFFFFFFE0  }
0x82: {  	_ =	swait.ge [sflag:s30], $0x20  }
0x83: {  	[sflag:s30] =	ssyncset.done $0x0  }
0x84: {  	s11 =	simm.s32 $0x2A00;
	s1 =	simm.s32 $0x4;
	[sflag:s30] =	ssyncadd.s32 $0xFFFFFFE0  }
0x85: {  	[tilespmem:s11], [sflag:$0xD] =	stream.indirect.gather [hbm4b:s25+s22], $0x80, s26, s22, $0xb8;
	[tilespmem:$0x1E280] =	vst v63  }
0x86: {  	_ =	swait.ge [sflag:s1], $0x20  }
0x87: {  	[sflag:s1] =	ssyncset.done $0x0  }
0x88: {  	[sflag:s1] =	ssyncadd.s32 $0xFFFFFFE0  }
0x89: {  	_ =	swait.ge [sflag:s1], $0x20  }
0x8a: {  	[sflag:s1] =	ssyncset.done $0x0  }
0x8b: {  	s12 =	simm.s32 $0x3A00;
	s2 =	simm.s32 $0x5;
	[sflag:s1] =	ssyncadd.s32 $0xFFFFFFE0  }
0x8c: {  	[tilespmem:s12], [sflag:$0xE] =	stream.indirect.gather [hbm4b:s25+s22], $0x80, s5, s22, $0xb8;
	[tilespmem:$0x1E280] =	vst v63  }
0x8d: {  	_ =	swait.ge [sflag:s2], $0x20  }
0x8e: {  	[sflag:s2] =	ssyncset.done $0x0  }
0x8f: {  	[sflag:s2] =	ssyncadd.s32 $0xFFFFFFE0  }
0x90: {  	_ =	swait.ge [sflag:s2], $0x20  }
0x91: {  	[sflag:s2] =	ssyncset.done $0x0  }
0x92: {  	s14 =	simm.s32 $0x4A00;
	s4 =	simm.s32 $0x6;
	[sflag:s2] =	ssyncadd.s32 $0xFFFFFFE0  }
0x93: {  	[tilespmem:s14], [sflag:$0xF] =	stream.indirect.gather [hbm4b:s25+s22], $0x80, s9, s22, $0xb8;
	[tilespmem:$0x1E280] =	vst v63  }
0x94: {  	_ =	swait.ge [sflag:s4], $0x20  }
0x95: {  	[sflag:s4] =	ssyncset.done $0x0  }
0x96: {  	[sflag:s4] =	ssyncadd.s32 $0xFFFFFFE0  }
0x97: {  	_ =	swait.ge [sflag:s4], $0x20  }
0x98: {  	[sflag:s4] =	ssyncset.done $0x0  }
0x99: {  	s16 =	simm.s32 $0x5A00;
	s7 =	simm.s32 $0x7;
	[sflag:s4] =	ssyncadd.s32 $0xFFFFFFE0  }
0x9a: {  	[tilespmem:s16], [sflag:$0x10] =	stream.indirect.gather [hbm4b:s25+s22], $0x80, s13, s22, $0xb8;
	[tilespmem:$0x1E280] =	vst v63  }
0x9b: {  	_ =	swait.ge [sflag:s7], $0x20  }
0x9c: {  	[sflag:s7] =	ssyncset.done $0x0  }
0x9d: {  	[sflag:s7] =	ssyncadd.s32 $0xFFFFFFE0  }
0x9e: {  	_ =	swait.ge [sflag:s7], $0x20  }
0x9f: {  	[sflag:s7] =	ssyncset.done $0x0  }
0xa0: {  	s17 =	simm.s32 $0x6A00;
	s8 =	simm.s32 $0x8;
	[sflag:s7] =	ssyncadd.s32 $0xFFFFFFE0  }
0xa1: {  	[tilespmem:s17], [sflag:$0x11] =	stream.indirect.gather [hbm4b:s25+s22], $0x80, s15, s22, $0xb8;
	[tilespmem:$0x1E280] =	vst v63  }
0xa2: {  	_ =	swait.ge [sflag:s8], $0x20  }
0xa3: {  	[sflag:s8] =	ssyncset.done $0x0  }
0xa4: {  	[sflag:s8] =	ssyncadd.s32 $0xFFFFFFE0  }
0xa5: {  	_ =	swait.ge [sflag:s8], $0x20  }
0xa6: {  	[sflag:s8] =	ssyncset.done $0x0  }
0xa7: {  	s18 =	simm.s32 $0x7A00;
	s11 =	simm.s32 $0x9;
	[sflag:s8] =	ssyncadd.s32 $0xFFFFFFE0  }
0xa8: {  	[tilespmem:s18], [sflag:$0x12] =	stream.indirect.gather [hbm4b:s25+s22], $0x80, s21, s22, $0xb8;
	[tilespmem:$0x1E280] =	vst v63  }
0xa9: {  	_ =	swait.ge [sflag:s11], $0x20  }
0xaa: {  	[sflag:s11] =	ssyncset.done $0x0  }
0xab: {  	[sflag:s11] =	ssyncadd.s32 $0xFFFFFFE0  }
0xac: {  	_ =	swait.ge [sflag:s11], $0x20  }
0xad: {  	[sflag:s11] =	ssyncset.done $0x0  }
0xae: {  	s19 =	simm.s32 $0x8A00;
	s12 =	simm.s32 $0xA;
	[sflag:s11] =	ssyncadd.s32 $0xFFFFFFE0  }
0xaf: {  	[tilespmem:s19], [sflag:$0x13] =	stream.indirect.gather [hbm4b:s25+s22], $0x80, s29, s22, $0xb8;
	[tilespmem:$0x1E280] =	vst v63  }
0xb0: {  	_ =	swait.ge [sflag:s12], $0x20  }
0xb1: {  	[sflag:s12] =	ssyncset.done $0x0  }
0xb2: {  	[sflag:s12] =	ssyncadd.s32 $0xFFFFFFE0  }
0xb3: {  	_ =	swait.ge [sflag:s12], $0x20  }
0xb4: {  	[sflag:s12] =	ssyncset.done $0x0  }
0xb5: {  	s31 =	simm.s32 $0x480;
	s18 =	simm.s32 $0x9A00;
	[sflag:s12] =	ssyncadd.s32 $0xFFFFFFE0  }
0xb6: {  	[tilespmem:s18], [sflag:$0x14] =	stream.indirect.gather [hbm4b:s25+s22], $0x80, s31, s22, $0xb8;
	[tilespmem:$0x1E280] =	vst v63  }
0xb7: {  	s0 =	simm.s32 $0xB;
	[bflag:$0x0] =	sbarrier.arrive $0xFFFF  }
0xb8: {  	_ =	swait.ge [sflag:s0], $0x1000  }
0xb9: {  	[sflag:s0] =	ssyncset.done $0x0  }
0xba: {  	s24 =	simm.s32 $0x500;
	[sflag:s0] =	ssyncadd.s32 $0xFFFFF000  }
0xbb: {  	s19 =	simm.s32 $0xA00;
	s31 =	simm.s32 $0xC;
	s17 =	rddreg [dreg:$0x2]  }
0xbc: {  	[spmem:s17] =	stream.indirect.scatter.add.f32 [tilespmem:s19], [sflag:$0x15], $0x80, s24, s22, $0xb8;
	[tilespmem:$0x1E280] =	vst v63  }
0xbd: {  	_ =	swait.ge [sflag:s31], $0x1000  }
0xbe: {  	[sflag:s31] =	ssyncset.done $0x0  }
0xbf: {  	s24 =	simm.s32 $0x1A00;
	[sflag:s31] =	ssyncadd.s32 $0xFFFFF000;
	s31 =	simm.s32 $0x580  }
0xc0: {  	[spmem:s17] =	stream.indirect.scatter.add.f32 [tilespmem:s24], [sflag:$0x16], $0x80, s31, s22, $0xb8;
	[tilespmem:$0x1E280] =	vst v63  }
0xc1: {  	s24 =	simm.s32 $0xD  }
0xc2: {  	_ =	swait.ge [sflag:s24], $0x1000  }
0xc3: {  	[sflag:s24] =	ssyncset.done $0x0  }
0xc4: {  	s0 =	simm.s32 $0x2A00;
	[sflag:s24] =	ssyncadd.s32 $0xFFFFF000;
	s24 =	simm.s32 $0x600  }
0xc5: {  	[spmem:s17] =	stream.indirect.scatter.add.f32 [tilespmem:s0], [sflag:$0x17], $0x80, s24, s22, $0xb8;
	[tilespmem:$0x1E280] =	vst v63  }
0xc6: {  	s24 =	simm.s32 $0xE  }
0xc7: {  	_ =	swait.ge [sflag:s24], $0x1000  }
0xc8: {  	[sflag:s24] =	ssyncset.done $0x0  }
0xc9: {  	s0 =	simm.s32 $0x680;
	[sflag:s24] =	ssyncadd.s32 $0xFFFFF000;
	s24 =	simm.s32 $0x3A00  }
0xca: {  	[spmem:s17] =	stream.indirect.scatter.add.f32 [tilespmem:s24], [sflag:$0x18], $0x80, s0, s22, $0xb8;
	[tilespmem:$0x1E280] =	vst v63  }
0xcb: {  	s24 =	simm.s32 $0xF  }
0xcc: {  	_ =	swait.ge [sflag:s24], $0x1000  }
0xcd: {  	[sflag:s24] =	ssyncset.done $0x0  }
0xce: {  	s0 =	simm.s32 $0x700;
	[sflag:s24] =	ssyncadd.s32 $0xFFFFF000;
	s24 =	simm.s32 $0x4A00  }
0xcf: {  	[spmem:s17] =	stream.indirect.scatter.add.f32 [tilespmem:s24], [sflag:$0x19], $0x80, s0, s22, $0xb8;
	[tilespmem:$0x1E280] =	vst v63  }
0xd0: {  	s24 =	simm.s32 $0x10  }
0xd1: {  	_ =	swait.ge [sflag:s24], $0x1000  }
0xd2: {  	[sflag:s24] =	ssyncset.done $0x0  }
0xd3: {  	s23 =	simm.s32 $0x5A00;
	[sflag:s24] =	ssyncadd.s32 $0xFFFFF000;
	s24 =	simm.s32 $0x780  }
0xd4: {  	[spmem:s17] =	stream.indirect.scatter.add.f32 [tilespmem:s23], [sflag:$0x1A], $0x80, s24, s22, $0xb8;
	[tilespmem:$0x1E280] =	vst v63  }
0xd5: {  	s24 =	simm.s32 $0x11  }
0xd6: {  	_ =	swait.ge [sflag:s24], $0x1000  }
0xd7: {  	s20 =	simm.s32 $0x6A00;
	[sflag:s24] =	ssyncset.done $0x0  }
0xd8: {  	s23 =	simm.s32 $0x800;
	[sflag:s24] =	ssyncadd.s32 $0xFFFFF000;
	s24 =	simm.s32 $0x12  }
0xd9: {  	[spmem:s17] =	stream.indirect.scatter.add.f32 [tilespmem:s20], [sflag:$0x1B], $0x80, s23, s22, $0xb8;
	[tilespmem:$0x1E280] =	vst v63  }
0xda: {  	_ =	swait.ge [sflag:s24], $0x1000  }
0xdb: {  	[sflag:s24] =	ssyncset.done $0x0  }
0xdc: {  	s16 =	simm.s32 $0x7A00;
	[sflag:s24] =	ssyncadd.s32 $0xFFFFF000;
	s24 =	simm.s32 $0x880  }
0xdd: {  	[spmem:s17] =	stream.indirect.scatter.add.f32 [tilespmem:s16], [sflag:$0x1C], $0x80, s24, s22, $0xb8;
	[tilespmem:$0x1E280] =	vst v63  }
0xde: {  	s24 =	simm.s32 $0x13  }
0xdf: {  	_ =	swait.ge [sflag:s24], $0x1000  }
0xe0: {  	[sflag:s24] =	ssyncset.done $0x0  }
0xe1: {  	s14 =	simm.s32 $0x8A00;
	[sflag:s24] =	ssyncadd.s32 $0xFFFFF000;
	s24 =	simm.s32 $0x900  }
0xe2: {  	[spmem:s17] =	stream.indirect.scatter.add.f32 [tilespmem:s14], [sflag:$0x1D], $0x80, s24, s22, $0xb8;
	[tilespmem:$0x1E280] =	vst v63  }
0xe3: {  	s24 =	simm.s32 $0x14  }
0xe4: {  	_ =	swait.ge [sflag:s24], $0x1000  }
0xe5: {  	[sflag:s24] =	ssyncset.done $0x0  }
0xe6: {  	s0 =	simm.s32 $0x15;
	[sflag:s24] =	ssyncadd.s32 $0xFFFFF000;
	s24 =	simm.s32 $0x980  }
0xe7: {  	[spmem:s17] =	stream.indirect.scatter.add.f32 [tilespmem:s18], [sflag:$0x1E], $0x80, s24, s22, $0xb8;
	[tilespmem:$0x1E280] =	vst v63  }
0xe8: {  	_ =	swait.ge [sflag:s0], $0x1000  }
0xe9: {  	s17 =	rddreg [dreg:$0x17];
	[sflag:s0] =	ssyncset.done $0x0  }
0xea: {  	s18 =	rddreg [dreg:$0x16];
	[sflag:s0] =	ssyncadd.s32 $0xFFFFF000;
	s17 =	sadd.s32 $0x0, s17  }
0xeb: {  	[tilespmem:s3], [sflag:$0x1] =	stream.linear.gather [hbm4b:s17+s3], $0x20, $0x38;
	[tilespmem:$0x1E280] =	vst v63  }
0xec: {  	s19 =	simm.s32 $0x500;
	s0 =	sadd.s32 $0x0, s18;
	s17 =	simm.s32 $0x16  }
0xed: {  	[tilespmem:s19], [sflag:$0x1] =	stream.linear.gather [hbm4b:s0+s3], $0x20, $0x38;
	[tilespmem:$0x1E280] =	vst v63  }
0xee: {  	_ =	swait.ge [sflag:s17], $0x1000  }
0xef: {  	s18 =	rddreg [dreg:$0x15];
	[sflag:s17] =	ssyncset.done $0x0  }
0xf0: {  	s19 =	rddreg [dreg:$0x14];
	[sflag:s17] =	ssyncadd.s32 $0xFFFFF000;
	s17 =	sadd.s32 $0x0, s18  }
0xf1: {  	[tilespmem:s28], [sflag:$0x2] =	stream.linear.gather [hbm4b:s17+s3], $0x20, $0x38;
	[tilespmem:$0x1E280] =	vst v63  }
0xf2: {  	s31 =	simm.s32 $0x580;
	s0 =	sadd.s32 $0x0, s19;
	s18 =	simm.s32 $0x17  }
0xf3: {  	[tilespmem:s31], [sflag:$0x2] =	stream.linear.gather [hbm4b:s0+s3], $0x20, $0x38;
	[tilespmem:$0x1E280] =	vst v63  }
0xf4: {  	_ =	swait.ge [sflag:s18], $0x1000  }
0xf5: {  	s19 =	rddreg [dreg:$0x13];
	[sflag:s18] =	ssyncset.done $0x0  }
0xf6: {  	s31 =	rddreg [dreg:$0x12];
	[sflag:s18] =	ssyncadd.s32 $0xFFFFF000;
	s17 =	sadd.s32 $0x0, s19  }
0xf7: {  	[tilespmem:s26], [sflag:$0x3] =	stream.linear.gather [hbm4b:s17+s3], $0x20, $0x38;
	[tilespmem:$0x1E280] =	vst v63  }
0xf8: {  	s19 =	sadd.s32 $0x0, s31;
	s31 =	simm.s32 $0x600;
	s18 =	simm.s32 $0x18  }
0xf9: {  	[tilespmem:s31], [sflag:$0x3] =	stream.linear.gather [hbm4b:s19+s3], $0x20, $0x38;
	[tilespmem:$0x1E280] =	vst v63  }
0xfa: {  	_ =	swait.ge [sflag:s18], $0x1000  }
0xfb: {  	s19 =	rddreg [dreg:$0x11];
	[sflag:s18] =	ssyncset.done $0x0  }
0xfc: {  	s31 =	rddreg [dreg:$0x10];
	[sflag:s18] =	ssyncadd.s32 $0xFFFFF000;
	s17 =	sadd.s32 $0x0, s19  }
0xfd: {  	[tilespmem:s5], [sflag:$0x4] =	stream.linear.gather [hbm4b:s17+s3], $0x20, $0x38;
	[tilespmem:$0x1E280] =	vst v63  }
0xfe: {  	s19 =	sadd.s32 $0x0, s31;
	s31 =	simm.s32 $0x680;
	s18 =	simm.s32 $0x19  }
0xff: {  	[tilespmem:s31], [sflag:$0x4] =	stream.linear.gather [hbm4b:s19+s3], $0x20, $0x38;
	[tilespmem:$0x1E280] =	vst v63  }
0x100: {  	_ =	swait.ge [sflag:s18], $0x1000  }
0x101: {  	s19 =	rddreg [dreg:$0xf];
	[sflag:s18] =	ssyncset.done $0x0  }
0x102: {  	s31 =	rddreg [dreg:$0xe];
	[sflag:s18] =	ssyncadd.s32 $0xFFFFF000;
	s17 =	sadd.s32 $0x0, s19  }
0x103: {  	[tilespmem:s9], [sflag:$0x5] =	stream.linear.gather [hbm4b:s17+s3], $0x20, $0x38;
	[tilespmem:$0x1E280] =	vst v63  }
0x104: {  	s19 =	sadd.s32 $0x0, s31;
	s31 =	simm.s32 $0x700;
	s18 =	simm.s32 $0x1A  }
0x105: {  	[tilespmem:s31], [sflag:$0x5] =	stream.linear.gather [hbm4b:s19+s3], $0x20, $0x38;
	[tilespmem:$0x1E280] =	vst v63  }
0x106: {  	_ =	swait.ge [sflag:s18], $0x1000  }
0x107: {  	s19 =	rddreg [dreg:$0xd];
	[sflag:s18] =	ssyncset.done $0x0  }
0x108: {  	s31 =	rddreg [dreg:$0xc];
	[sflag:s18] =	ssyncadd.s32 $0xFFFFF000;
	s17 =	sadd.s32 $0x0, s19  }
0x109: {  	[tilespmem:s13], [sflag:$0x6] =	stream.linear.gather [hbm4b:s17+s3], $0x20, $0x38;
	[tilespmem:$0x1E280] =	vst v63  }
0x10a: {  	s19 =	sadd.s32 $0x0, s31;
	s31 =	simm.s32 $0x780;
	s18 =	simm.s32 $0x1B  }
0x10b: {  	[tilespmem:s31], [sflag:$0x6] =	stream.linear.gather [hbm4b:s19+s3], $0x20, $0x38;
	[tilespmem:$0x1E280] =	vst v63  }
0x10c: {  	_ =	swait.ge [sflag:s18], $0x1000  }
0x10d: {  	s19 =	rddreg [dreg:$0xb];
	[sflag:s18] =	ssyncset.done $0x0  }
0x10e: {  	s31 =	rddreg [dreg:$0xa];
	[sflag:s18] =	ssyncadd.s32 $0xFFFFF000;
	s17 =	sadd.s32 $0x0, s19  }
0x10f: {  	[tilespmem:s15], [sflag:$0x7] =	stream.linear.gather [hbm4b:s17+s3], $0x20, $0x38;
	[tilespmem:$0x1E280] =	vst v63  }
0x110: {  	s23 =	simm.s32 $0x800;
	s18 =	sadd.s32 $0x0, s31;
	s19 =	simm.s32 $0x1C  }
0x111: {  	[tilespmem:s23], [sflag:$0x7] =	stream.linear.gather [hbm4b:s18+s3], $0x20, $0x38;
	[tilespmem:$0x1E280] =	vst v63  }
0x112: {  	_ =	swait.ge [sflag:s19], $0x1000  }
0x113: {  	s23 =	rddreg [dreg:$0x9];
	[sflag:s19] =	ssyncset.done $0x0  }
0x114: {  	s31 =	rddreg [dreg:$0x8];
	[sflag:s19] =	ssyncadd.s32 $0xFFFFF000;
	s17 =	sadd.s32 $0x0, s23  }
0x115: {  	[tilespmem:s21], [sflag:$0x8] =	stream.linear.gather [hbm4b:s17+s3], $0x20, $0x38;
	[tilespmem:$0x1E280] =	vst v63  }
0x116: {  	s16 =	simm.s32 $0x880;
	s19 =	sadd.s32 $0x0, s31;
	s23 =	simm.s32 $0x1D  }
0x117: {  	[tilespmem:s16], [sflag:$0x8] =	stream.linear.gather [hbm4b:s19+s3], $0x20, $0x38;
	[tilespmem:$0x1E280] =	vst v63  }
0x118: {  	_ =	swait.ge [sflag:s23], $0x1000  }
0x119: {  	s31 =	rddreg [dreg:$0x7];
	[sflag:s23] =	ssyncset.done $0x0  }
0x11a: {  	s16 =	rddreg [dreg:$0x6];
	[sflag:s23] =	ssyncadd.s32 $0xFFFFF000;
	s17 =	sadd.s32 $0x0, s31  }
0x11b: {  	[tilespmem:s29], [sflag:$0x9] =	stream.linear.gather [hbm4b:s17+s3], $0x20, $0x38;
	[tilespmem:$0x1E280] =	vst v63  }
0x11c: {  	s14 =	simm.s32 $0x900;
	s19 =	simm.s32 $0x1E;
	s18 =	sadd.s32 $0x0, s16  }
0x11d: {  	[tilespmem:s14], [sflag:$0x9] =	stream.linear.gather [hbm4b:s18+s3], $0x20, $0x38;
	[tilespmem:$0x1E280] =	vst v63  }
0x11e: {  	_ =	swait.ge [sflag:s19], $0x1000  }
0x11f: {  	s14 =	simm.s32 $0x480;
	s23 =	rddreg [dreg:$0x5];
	[sflag:s19] =	ssyncset.done $0x0  }
0x120: {  	s31 =	rddreg [dreg:$0x4];
	[sflag:s19] =	ssyncadd.s32 $0xFFFFF000;
	s17 =	sadd.s32 $0x0, s23  }
0x121: {  	[tilespmem:s14], [sflag:$0xA] =	stream.linear.gather [hbm4b:s17+s3], $0x20, $0x38;
	[tilespmem:$0x1E280] =	vst v63  }
0x122: {  	s24 =	simm.s32 $0x980;
	s16 =	sadd.s32 $0x0, s31  }
0x123: {  	[tilespmem:s24], [sflag:$0xA] =	stream.linear.gather [hbm4b:s16+s3], $0x20, $0x38;
	[tilespmem:$0x1E280] =	vst v63  }
0x124: {  	_ =	swait.ge [sflag:s6], $0x20  }
0x125: {  	[sflag:s6] =	ssyncset.done $0x0  }
0x126: {  	[sflag:s6] =	ssyncadd.s32 $0xFFFFFFE0  }
0x127: {  	_ =	swait.ge [sflag:s6], $0x20  }
0x128: {  	[sflag:s6] =	ssyncset.done $0x0  }
0x129: {  	s18 =	simm.s32 $0xA00;
	[sflag:s6] =	ssyncadd.s32 $0xFFFFFFE0  }
0x12a: {  	[tilespmem:s18], [sflag:$0xB] =	stream.indirect.gather [hbm4b:s25+s22], $0x80, s3, s22, $0xb8;
	[tilespmem:$0x1E280] =	vst v63  }
0x12b: {  	_ =	swait.ge [sflag:s10], $0x20  }
0x12c: {  	[sflag:s10] =	ssyncset.done $0x0  }
0x12d: {  	[sflag:s10] =	ssyncadd.s32 $0xFFFFFFE0  }
0x12e: {  	_ =	swait.ge [sflag:s10], $0x20  }
0x12f: {  	[sflag:s10] =	ssyncset.done $0x0  }
0x130: {  	s19 =	simm.s32 $0x1A00;
	[sflag:s10] =	ssyncadd.s32 $0xFFFFFFE0  }
0x131: {  	[tilespmem:s19], [sflag:$0xC] =	stream.indirect.gather [hbm4b:s25+s22], $0x80, s28, s22, $0xb8;
	[tilespmem:$0x1E280] =	vst v63  }
0x132: {  	_ =	swait.ge [sflag:s30], $0x20  }
0x133: {  	[sflag:s30] =	ssyncset.done $0x0  }
0x134: {  	[sflag:s30] =	ssyncadd.s32 $0xFFFFFFE0  }
0x135: {  	_ =	swait.ge [sflag:s30], $0x20  }
0x136: {  	[sflag:s30] =	ssyncset.done $0x0  }
0x137: {  	s23 =	simm.s32 $0x2A00;
	[sflag:s30] =	ssyncadd.s32 $0xFFFFFFE0  }
0x138: {  	[tilespmem:s23], [sflag:$0xD] =	stream.indirect.gather [hbm4b:s25+s22], $0x80, s26, s22, $0xb8;
	[tilespmem:$0x1E280] =	vst v63  }
0x139: {  	_ =	swait.ge [sflag:s1], $0x20  }
0x13a: {  	[sflag:s1] =	ssyncset.done $0x0  }
0x13b: {  	[sflag:s1] =	ssyncadd.s32 $0xFFFFFFE0  }
0x13c: {  	_ =	swait.ge [sflag:s1], $0x20  }
0x13d: {  	[sflag:s1] =	ssyncset.done $0x0  }
0x13e: {  	s24 =	simm.s32 $0x3A00;
	[sflag:s1] =	ssyncadd.s32 $0xFFFFFFE0  }
0x13f: {  	[tilespmem:s24], [sflag:$0xE] =	stream.indirect.gather [hbm4b:s25+s22], $0x80, s5, s22, $0xb8;
	[tilespmem:$0x1E280] =	vst v63  }
0x140: {  	_ =	swait.ge [sflag:s2], $0x20  }
0x141: {  	[sflag:s2] =	ssyncset.done $0x0  }
0x142: {  	[sflag:s2] =	ssyncadd.s32 $0xFFFFFFE0  }
0x143: {  	_ =	swait.ge [sflag:s2], $0x20  }
0x144: {  	[sflag:s2] =	ssyncset.done $0x0  }
0x145: {  	s26 =	simm.s32 $0x4A00;
	[sflag:s2] =	ssyncadd.s32 $0xFFFFFFE0  }
0x146: {  	[tilespmem:s26], [sflag:$0xF] =	stream.indirect.gather [hbm4b:s25+s22], $0x80, s9, s22, $0xb8;
	[tilespmem:$0x1E280] =	vst v63  }
0x147: {  	_ =	swait.ge [sflag:s4], $0x20  }
0x148: {  	[sflag:s4] =	ssyncset.done $0x0  }
0x149: {  	[sflag:s4] =	ssyncadd.s32 $0xFFFFFFE0  }
0x14a: {  	_ =	swait.ge [sflag:s4], $0x20  }
0x14b: {  	[sflag:s4] =	ssyncset.done $0x0  }
0x14c: {  	s28 =	simm.s32 $0x5A00;
	[sflag:s4] =	ssyncadd.s32 $0xFFFFFFE0  }
0x14d: {  	[tilespmem:s28], [sflag:$0x10] =	stream.indirect.gather [hbm4b:s25+s22], $0x80, s13, s22, $0xb8;
	[tilespmem:$0x1E280] =	vst v63  }
0x14e: {  	_ =	swait.ge [sflag:s7], $0x20  }
0x14f: {  	[sflag:s7] =	ssyncset.done $0x0  }
0x150: {  	[sflag:s7] =	ssyncadd.s32 $0xFFFFFFE0  }
0x151: {  	_ =	swait.ge [sflag:s7], $0x20  }
0x152: {  	[sflag:s7] =	ssyncset.done $0x0  }
0x153: {  	s20 =	simm.s32 $0x6A00;
	[sflag:s7] =	ssyncadd.s32 $0xFFFFFFE0  }
0x154: {  	[tilespmem:s20], [sflag:$0x11] =	stream.indirect.gather [hbm4b:s25+s22], $0x80, s15, s22, $0xb8;
	[tilespmem:$0x1E280] =	vst v63  }
0x155: {  	_ =	swait.ge [sflag:s8], $0x20  }
0x156: {  	[sflag:s8] =	ssyncset.done $0x0  }
0x157: {  	[sflag:s8] =	ssyncadd.s32 $0xFFFFFFE0  }
0x158: {  	_ =	swait.ge [sflag:s8], $0x20  }
0x159: {  	[sflag:s8] =	ssyncset.done $0x0  }
0x15a: {  	s30 =	simm.s32 $0x7A00;
	[sflag:s8] =	ssyncadd.s32 $0xFFFFFFE0  }
0x15b: {  	[tilespmem:s30], [sflag:$0x12] =	stream.indirect.gather [hbm4b:s25+s22], $0x80, s21, s22, $0xb8;
	[tilespmem:$0x1E280] =	vst v63  }
0x15c: {  	_ =	swait.ge [sflag:s11], $0x20  }
0x15d: {  	[sflag:s11] =	ssyncset.done $0x0  }
0x15e: {  	[sflag:s11] =	ssyncadd.s32 $0xFFFFFFE0  }
0x15f: {  	_ =	swait.ge [sflag:s11], $0x20  }
0x160: {  	[sflag:s11] =	ssyncset.done $0x0  }
0x161: {  	s31 =	simm.s32 $0x8A00;
	[sflag:s11] =	ssyncadd.s32 $0xFFFFFFE0  }
0x162: {  	[tilespmem:s31], [sflag:$0x13] =	stream.indirect.gather [hbm4b:s25+s22], $0x80, s29, s22, $0xb8;
	[tilespmem:$0x1E280] =	vst v63  }
0x163: {  	_ =	swait.ge [sflag:s12], $0x20  }
0x164: {  	[sflag:s12] =	ssyncset.done $0x0  }
0x165: {  	[sflag:s12] =	ssyncadd.s32 $0xFFFFFFE0  }
0x166: {  	_ =	swait.ge [sflag:s12], $0x20  }
0x167: {  	s17 =	simm.s32 $0x28;
	[sflag:s12] =	ssyncset.done $0x0  }
0x168: {  	s10 =	simm.s32 $0x2;
	s23 =	simm.s32 $0x3;
	[sflag:s12] =	ssyncadd.s32 $0xFFFFFFE0  }
.LBB2_2:
0x169: {  	s4 =	simm.s32 $0x480;
	s7 =	simm.s32 $0x9A00;
	s0 =	simm.s32 $0xB  }
0x16a: {  	[tilespmem:s7], [sflag:$0x14] =	stream.indirect.gather [hbm4b:s25+s22], $0x80, s4, s22, $0xb8;
	[tilespmem:$0x1E280] =	vst v63  }
0x16b: {  	_ =	swait.ge [sflag:s0], $0x1000  }
0x16c: {  	[sflag:s0] =	ssyncset.done $0x0  }
0x16d: {  	s28 =	simm.s32 $0x500;
	[sflag:s0] =	ssyncadd.s32 $0xFFFFF000  }
0x16e: {  	s8 =	simm.s32 $0xA00;
	s1 =	simm.s32 $0xC;
	s0 =	rddreg [dreg:$0x2]  }
0x16f: {  	[spmem:s0] =	stream.indirect.scatter.add.f32 [tilespmem:s8], [sflag:$0x15], $0x80, s28, s22, $0xb8;
	[tilespmem:$0x1E280] =	vst v63  }
0x170: {  	_ =	swait.ge [sflag:s1], $0x1000  }
0x171: {  	s26 =	simm.s32 $0x580;
	[sflag:s1] =	ssyncset.done $0x0  }
0x172: {  	s12 =	simm.s32 $0x1A00;
	s16 =	simm.s32 $0xD;
	[sflag:s1] =	ssyncadd.s32 $0xFFFFF000  }
0x173: {  	[spmem:s0] =	stream.indirect.scatter.add.f32 [tilespmem:s12], [sflag:$0x16], $0x80, s26, s22, $0xb8;
	[tilespmem:$0x1E280] =	vst v63  }
0x174: {  	_ =	swait.ge [sflag:s16], $0x1000  }
0x175: {  	s5 =	simm.s32 $0x600;
	[sflag:s16] =	ssyncset.done $0x0  }
0x176: {  	s30 =	simm.s32 $0x2A00;
	s19 =	simm.s32 $0xE;
	[sflag:s16] =	ssyncadd.s32 $0xFFFFF000  }
0x177: {  	[spmem:s0] =	stream.indirect.scatter.add.f32 [tilespmem:s30], [sflag:$0x17], $0x80, s5, s22, $0xb8;
	[tilespmem:$0x1E280] =	vst v63  }
0x178: {  	_ =	swait.ge [sflag:s19], $0x1000  }
0x179: {  	s9 =	simm.s32 $0x680;
	[sflag:s19] =	ssyncset.done $0x0  }
0x17a: {  	s2 =	simm.s32 $0x3A00;
	s20 =	simm.s32 $0xF;
	[sflag:s19] =	ssyncadd.s32 $0xFFFFF000  }
0x17b: {  	[spmem:s0] =	stream.indirect.scatter.add.f32 [tilespmem:s2], [sflag:$0x18], $0x80, s9, s22, $0xb8;
	[tilespmem:$0x1E280] =	vst v63  }
0x17c: {  	_ =	swait.ge [sflag:s20], $0x1000  }
0x17d: {  	s13 =	simm.s32 $0x700;
	[sflag:s20] =	ssyncset.done $0x0  }
0x17e: {  	s21 =	simm.s32 $0x4A00;
	s24 =	simm.s32 $0x10;
	[sflag:s20] =	ssyncadd.s32 $0xFFFFF000  }
0x17f: {  	[spmem:s0] =	stream.indirect.scatter.add.f32 [tilespmem:s21], [sflag:$0x19], $0x80, s13, s22, $0xb8;
	[tilespmem:$0x1E280] =	vst v63  }
0x180: {  	_ =	swait.ge [sflag:s24], $0x1000  }
0x181: {  	s15 =	simm.s32 $0x780;
	[sflag:s24] =	ssyncset.done $0x0  }
0x182: {  	s6 =	simm.s32 $0x5A00;
	s11 =	simm.s32 $0x11;
	[sflag:s24] =	ssyncadd.s32 $0xFFFFF000  }
0x183: {  	[spmem:s0] =	stream.indirect.scatter.add.f32 [tilespmem:s6], [sflag:$0x1A], $0x80, s15, s22, $0xb8;
	[tilespmem:$0x1E280] =	vst v63  }
0x184: {  	_ =	swait.ge [sflag:s11], $0x1000  }
0x185: {  	s14 =	simm.s32 $0x6A00;
	[sflag:s11] =	ssyncset.done $0x0  }
0x186: {  	s16 =	simm.s32 $0x12;
	s21 =	simm.s32 $0x800;
	[sflag:s11] =	ssyncadd.s32 $0xFFFFF000  }
0x187: {  	[spmem:s0] =	stream.indirect.scatter.add.f32 [tilespmem:s14], [sflag:$0x1B], $0x80, s21, s22, $0xb8;
	[tilespmem:$0x1E280] =	vst v63  }
0x188: {  	_ =	swait.ge [sflag:s16], $0x1000  }
0x189: {  	s29 =	simm.s32 $0x880;
	[sflag:s16] =	ssyncset.done $0x0  }
0x18a: {  	s19 =	simm.s32 $0x13;
	s11 =	simm.s32 $0x7A00;
	[sflag:s16] =	ssyncadd.s32 $0xFFFFF000  }
0x18b: {  	[spmem:s0] =	stream.indirect.scatter.add.f32 [tilespmem:s11], [sflag:$0x1C], $0x80, s29, s22, $0xb8;
	[tilespmem:$0x1E280] =	vst v63  }
0x18c: {  	_ =	swait.ge [sflag:s19], $0x1000  }
0x18d: {  	s1 =	simm.s32 $0x900;
	[sflag:s19] =	ssyncset.done $0x0  }
0x18e: {  	s20 =	simm.s32 $0x14;
	s6 =	simm.s32 $0x8A00;
	[sflag:s19] =	ssyncadd.s32 $0xFFFFF000  }
0x18f: {  	[spmem:s0] =	stream.indirect.scatter.add.f32 [tilespmem:s6], [sflag:$0x1D], $0x80, s1, s22, $0xb8;
	[tilespmem:$0x1E280] =	vst v63  }
0x190: {  	_ =	swait.ge [sflag:s20], $0x1000  }
0x191: {  	[sflag:s20] =	ssyncset.done $0x0  }
0x192: {  	s24 =	simm.s32 $0x15;
	s6 =	simm.s32 $0x980;
	[sflag:s20] =	ssyncadd.s32 $0xFFFFF000  }
0x193: {  	[spmem:s0] =	stream.indirect.scatter.add.f32 [tilespmem:s7], [sflag:$0x1E], $0x80, s6, s22, $0xb8;
	[tilespmem:$0x1E280] =	vst v63  }
0x194: {  	_ =	swait.ge [sflag:s24], $0x1000  }
0x195: {  	s18 =	smov.u32 s17;
	s19 =	rddreg [dreg:$0x17];
	[sflag:s24] =	ssyncset.done $0x0  }
0x196: {  	s20 =	rddreg [dreg:$0x16];
	[sflag:s24] =	ssyncadd.s32 $0xFFFFF000;
	s19 =	sadd.s32 s18, s19  }
0x197: {  	[tilespmem:s3], [sflag:$0x1] =	stream.linear.gather [hbm4b:s19+s3], $0x20, $0x38;
	[tilespmem:$0x1E280] =	vst v63  }
0x198: {  	s7 =	simm.s32 $0x16;
	s0 =	sadd.s32 s18, s20  }
0x199: {  	[tilespmem:s28], [sflag:$0x1] =	stream.linear.gather [hbm4b:s0+s3], $0x20, $0x38;
	[tilespmem:$0x1E280] =	vst v63  }
0x19a: {  	_ =	swait.ge [sflag:s7], $0x1000  }
0x19b: {  	s28 =	simm.s32 $0x80;
	s14 =	rddreg [dreg:$0x15];
	[sflag:s7] =	ssyncset.done $0x0  }
0x19c: {  	s16 =	rddreg [dreg:$0x14];
	[sflag:s7] =	ssyncadd.s32 $0xFFFFF000;
	s19 =	sadd.s32 s18, s14  }
0x19d: {  	[tilespmem:s28], [sflag:$0x2] =	stream.linear.gather [hbm4b:s19+s3], $0x20, $0x38;
	[tilespmem:$0x1E280] =	vst v63  }
0x19e: {  	s24 =	simm.s32 $0x17;
	s20 =	sadd.s32 s18, s16  }
0x19f: {  	[tilespmem:s26], [sflag:$0x2] =	stream.linear.gather [hbm4b:s20+s3], $0x20, $0x38;
	[tilespmem:$0x1E280] =	vst v63  }
0x1a0: {  	_ =	swait.ge [sflag:s24], $0x1000  }
0x1a1: {  	s26 =	simm.s32 $0x100;
	s7 =	rddreg [dreg:$0x13];
	[sflag:s24] =	ssyncset.done $0x0  }
0x1a2: {  	s14 =	rddreg [dreg:$0x12];
	[sflag:s24] =	ssyncadd.s32 $0xFFFFF000;
	s19 =	sadd.s32 s18, s7  }
0x1a3: {  	[tilespmem:s26], [sflag:$0x3] =	stream.linear.gather [hbm4b:s19+s3], $0x20, $0x38;
	[tilespmem:$0x1E280] =	vst v63  }
0x1a4: {  	s16 =	sadd.s32 s18, s14;
	s19 =	simm.s32 $0x18  }
0x1a5: {  	[tilespmem:s5], [sflag:$0x3] =	stream.linear.gather [hbm4b:s16+s3], $0x20, $0x38;
	[tilespmem:$0x1E280] =	vst v63  }
0x1a6: {  	_ =	swait.ge [sflag:s19], $0x1000  }
0x1a7: {  	s5 =	simm.s32 $0x180;
	s20 =	rddreg [dreg:$0x11];
	[sflag:s19] =	ssyncset.done $0x0  }
0x1a8: {  	s24 =	rddreg [dreg:$0x10];
	[sflag:s19] =	ssyncadd.s32 $0xFFFFF000;
	s19 =	sadd.s32 s18, s20  }
0x1a9: {  	[tilespmem:s5], [sflag:$0x4] =	stream.linear.gather [hbm4b:s19+s3], $0x20, $0x38;
	[tilespmem:$0x1E280] =	vst v63  }
0x1aa: {  	s7 =	simm.s32 $0x19;
	s0 =	sadd.s32 s18, s24  }
0x1ab: {  	[tilespmem:s9], [sflag:$0x4] =	stream.linear.gather [hbm4b:s0+s3], $0x20, $0x38;
	[tilespmem:$0x1E280] =	vst v63  }
0x1ac: {  	_ =	swait.ge [sflag:s7], $0x1000  }
0x1ad: {  	s9 =	simm.s32 $0x200;
	s14 =	rddreg [dreg:$0xf];
	[sflag:s7] =	ssyncset.done $0x0  }
0x1ae: {  	s16 =	rddreg [dreg:$0xe];
	[sflag:s7] =	ssyncadd.s32 $0xFFFFF000;
	s19 =	sadd.s32 s18, s14  }
0x1af: {  	[tilespmem:s9], [sflag:$0x5] =	stream.linear.gather [hbm4b:s19+s3], $0x20, $0x38;
	[tilespmem:$0x1E280] =	vst v63  }
0x1b0: {  	s24 =	simm.s32 $0x1A;
	s20 =	sadd.s32 s18, s16  }
0x1b1: {  	[tilespmem:s13], [sflag:$0x5] =	stream.linear.gather [hbm4b:s20+s3], $0x20, $0x38;
	[tilespmem:$0x1E280] =	vst v63  }
0x1b2: {  	_ =	swait.ge [sflag:s24], $0x1000  }
0x1b3: {  	s13 =	simm.s32 $0x280;
	s7 =	rddreg [dreg:$0xd];
	[sflag:s24] =	ssyncset.done $0x0  }
0x1b4: {  	s14 =	rddreg [dreg:$0xc];
	[sflag:s24] =	ssyncadd.s32 $0xFFFFF000;
	s19 =	sadd.s32 s18, s7  }
0x1b5: {  	[tilespmem:s13], [sflag:$0x6] =	stream.linear.gather [hbm4b:s19+s3], $0x20, $0x38;
	[tilespmem:$0x1E280] =	vst v63  }
0x1b6: {  	s16 =	sadd.s32 s18, s14;
	s19 =	simm.s32 $0x1B  }
0x1b7: {  	[tilespmem:s15], [sflag:$0x6] =	stream.linear.gather [hbm4b:s16+s3], $0x20, $0x38;
	[tilespmem:$0x1E280] =	vst v63  }
0x1b8: {  	_ =	swait.ge [sflag:s19], $0x1000  }
0x1b9: {  	s15 =	simm.s32 $0x300;
	s20 =	rddreg [dreg:$0xb];
	[sflag:s19] =	ssyncset.done $0x0  }
0x1ba: {  	s24 =	rddreg [dreg:$0xa];
	[sflag:s19] =	ssyncadd.s32 $0xFFFFF000;
	s19 =	sadd.s32 s18, s20  }
0x1bb: {  	[tilespmem:s15], [sflag:$0x7] =	stream.linear.gather [hbm4b:s19+s3], $0x20, $0x38;
	[tilespmem:$0x1E280] =	vst v63  }
0x1bc: {  	s7 =	sadd.s32 s18, s24;
	s19 =	simm.s32 $0x1C  }
0x1bd: {  	[tilespmem:s21], [sflag:$0x7] =	stream.linear.gather [hbm4b:s7+s3], $0x20, $0x38;
	[tilespmem:$0x1E280] =	vst v63  }
0x1be: {  	_ =	swait.ge [sflag:s19], $0x1000  }
0x1bf: {  	s21 =	simm.s32 $0x380;
	s20 =	rddreg [dreg:$0x9];
	[sflag:s19] =	ssyncset.done $0x0  }
0x1c0: {  	s24 =	rddreg [dreg:$0x8];
	[sflag:s19] =	ssyncadd.s32 $0xFFFFF000;
	s19 =	sadd.s32 s18, s20  }
0x1c1: {  	[tilespmem:s21], [sflag:$0x8] =	stream.linear.gather [hbm4b:s19+s3], $0x20, $0x38;
	[tilespmem:$0x1E280] =	vst v63  }
0x1c2: {  	s7 =	sadd.s32 s18, s24;
	s19 =	simm.s32 $0x1D  }
0x1c3: {  	[tilespmem:s29], [sflag:$0x8] =	stream.linear.gather [hbm4b:s7+s3], $0x20, $0x38;
	[tilespmem:$0x1E280] =	vst v63  }
0x1c4: {  	_ =	swait.ge [sflag:s19], $0x1000  }
0x1c5: {  	s29 =	simm.s32 $0x400;
	s20 =	rddreg [dreg:$0x7];
	[sflag:s19] =	ssyncset.done $0x0  }
0x1c6: {  	s7 =	rddreg [dreg:$0x6];
	[sflag:s19] =	ssyncadd.s32 $0xFFFFF000;
	s19 =	sadd.s32 s18, s20  }
0x1c7: {  	[tilespmem:s29], [sflag:$0x9] =	stream.linear.gather [hbm4b:s19+s3], $0x20, $0x38;
	[tilespmem:$0x1E280] =	vst v63  }
0x1c8: {  	s7 =	sadd.s32 s18, s7;
	s20 =	simm.s32 $0x1E  }
0x1c9: {  	[tilespmem:s1], [sflag:$0x9] =	stream.linear.gather [hbm4b:s7+s3], $0x20, $0x38;
	[tilespmem:$0x1E280] =	vst v63  }
0x1ca: {  	_ =	swait.ge [sflag:s20], $0x1000  }
0x1cb: {  	s1 =	rddreg [dreg:$0x5];
	[sflag:s20] =	ssyncset.done $0x0  }
0x1cc: {  	s7 =	rddreg [dreg:$0x4];
	[sflag:s20] =	ssyncadd.s32 $0xFFFFF000;
	s19 =	sadd.s32 s18, s1  }
0x1cd: {  	[tilespmem:s4], [sflag:$0xA] =	stream.linear.gather [hbm4b:s19+s3], $0x20, $0x38;
	[tilespmem:$0x1E280] =	vst v63  }
0x1ce: {  	s18 =	sadd.s32 s18, s7  }
0x1cf: {  	[tilespmem:s6], [sflag:$0xA] =	stream.linear.gather [hbm4b:s18+s3], $0x20, $0x38;
	[tilespmem:$0x1E280] =	vst v63  }
0x1d0: {  	s6 =	simm.s32 $0x1  }
0x1d1: {  	_ =	swait.ge [sflag:s6], $0x20  }
0x1d2: {  	[sflag:s6] =	ssyncset.done $0x0  }
0x1d3: {  	[sflag:s6] =	ssyncadd.s32 $0xFFFFFFE0  }
0x1d4: {  	_ =	swait.ge [sflag:s6], $0x20  }
0x1d5: {  	[sflag:s6] =	ssyncset.done $0x0  }
0x1d6: {  	[sflag:s6] =	ssyncadd.s32 $0xFFFFFFE0  }
0x1d7: {  	[tilespmem:s8], [sflag:$0xB] =	stream.indirect.gather [hbm4b:s25+s22], $0x80, s3, s22, $0xb8;
	[tilespmem:$0x1E280] =	vst v63  }
0x1d8: {  	_ =	swait.ge [sflag:s10], $0x20  }
0x1d9: {  	[sflag:s10] =	ssyncset.done $0x0  }
0x1da: {  	[sflag:s10] =	ssyncadd.s32 $0xFFFFFFE0  }
0x1db: {  	_ =	swait.ge [sflag:s10], $0x20  }
0x1dc: {  	[sflag:s10] =	ssyncset.done $0x0  }
0x1dd: {  	[sflag:s10] =	ssyncadd.s32 $0xFFFFFFE0  }
0x1de: {  	[tilespmem:s12], [sflag:$0xC] =	stream.indirect.gather [hbm4b:s25+s22], $0x80, s28, s22, $0xb8;
	[tilespmem:$0x1E280] =	vst v63  }
0x1df: {  	_ =	swait.ge [sflag:s23], $0x20  }
0x1e0: {  	[sflag:s23] =	ssyncset.done $0x0  }
0x1e1: {  	[sflag:s23] =	ssyncadd.s32 $0xFFFFFFE0  }
0x1e2: {  	_ =	swait.ge [sflag:s23], $0x20  }
0x1e3: {  	[sflag:s23] =	ssyncset.done $0x0  }
0x1e4: {  	s20 =	simm.s32 $0x4;
	[sflag:s23] =	ssyncadd.s32 $0xFFFFFFE0  }
0x1e5: {  	[tilespmem:s30], [sflag:$0xD] =	stream.indirect.gather [hbm4b:s25+s22], $0x80, s26, s22, $0xb8;
	[tilespmem:$0x1E280] =	vst v63  }
0x1e6: {  	_ =	swait.ge [sflag:s20], $0x20  }
0x1e7: {  	[sflag:s20] =	ssyncset.done $0x0  }
0x1e8: {  	[sflag:s20] =	ssyncadd.s32 $0xFFFFFFE0  }
0x1e9: {  	_ =	swait.ge [sflag:s20], $0x20  }
0x1ea: {  	[sflag:s20] =	ssyncset.done $0x0  }
0x1eb: {  	[sflag:s20] =	ssyncadd.s32 $0xFFFFFFE0  }
0x1ec: {  	[tilespmem:s2], [sflag:$0xE] =	stream.indirect.gather [hbm4b:s25+s22], $0x80, s5, s22, $0xb8;
	[tilespmem:$0x1E280] =	vst v63  }
0x1ed: {  	s2 =	simm.s32 $0x5  }
0x1ee: {  	_ =	swait.ge [sflag:s2], $0x20  }
0x1ef: {  	[sflag:s2] =	ssyncset.done $0x0  }
0x1f0: {  	[sflag:s2] =	ssyncadd.s32 $0xFFFFFFE0  }
0x1f1: {  	_ =	swait.ge [sflag:s2], $0x20  }
0x1f2: {  	[sflag:s2] =	ssyncset.done $0x0  }
0x1f3: {  	s7 =	simm.s32 $0x4A00;
	[sflag:s2] =	ssyncadd.s32 $0xFFFFFFE0;
	s2 =	simm.s32 $0x6  }
0x1f4: {  	[tilespmem:s7], [sflag:$0xF] =	stream.indirect.gather [hbm4b:s25+s22], $0x80, s9, s22, $0xb8;
	[tilespmem:$0x1E280] =	vst v63  }
0x1f5: {  	_ =	swait.ge [sflag:s2], $0x20  }
0x1f6: {  	[sflag:s2] =	ssyncset.done $0x0  }
0x1f7: {  	[sflag:s2] =	ssyncadd.s32 $0xFFFFFFE0  }
0x1f8: {  	_ =	swait.ge [sflag:s2], $0x20  }
0x1f9: {  	[sflag:s2] =	ssyncset.done $0x0  }
0x1fa: {  	s7 =	simm.s32 $0x5A00;
	[sflag:s2] =	ssyncadd.s32 $0xFFFFFFE0;
	s2 =	simm.s32 $0x7  }
0x1fb: {  	[tilespmem:s7], [sflag:$0x10] =	stream.indirect.gather [hbm4b:s25+s22], $0x80, s13, s22, $0xb8;
	[tilespmem:$0x1E280] =	vst v63  }
0x1fc: {  	_ =	swait.ge [sflag:s2], $0x20  }
0x1fd: {  	[sflag:s2] =	ssyncset.done $0x0  }
0x1fe: {  	[sflag:s2] =	ssyncadd.s32 $0xFFFFFFE0  }
0x1ff: {  	_ =	swait.ge [sflag:s2], $0x20  }
0x200: {  	[sflag:s2] =	ssyncset.done $0x0  }
0x201: {  	s7 =	simm.s32 $0x6A00;
	[sflag:s2] =	ssyncadd.s32 $0xFFFFFFE0  }
0x202: {  	[tilespmem:s7], [sflag:$0x11] =	stream.indirect.gather [hbm4b:s25+s22], $0x80, s15, s22, $0xb8;
	[tilespmem:$0x1E280] =	vst v63  }
0x203: {  	s7 =	simm.s32 $0x8  }
0x204: {  	_ =	swait.ge [sflag:s7], $0x20  }
0x205: {  	[sflag:s7] =	ssyncset.done $0x0  }
0x206: {  	[sflag:s7] =	ssyncadd.s32 $0xFFFFFFE0  }
0x207: {  	_ =	swait.ge [sflag:s7], $0x20  }
0x208: {  	[sflag:s7] =	ssyncset.done $0x0  }
0x209: {  	[sflag:s7] =	ssyncadd.s32 $0xFFFFFFE0  }
0x20a: {  	[tilespmem:s11], [sflag:$0x12] =	stream.indirect.gather [hbm4b:s25+s22], $0x80, s21, s22, $0xb8;
	[tilespmem:$0x1E280] =	vst v63  }
0x20b: {  	s11 =	simm.s32 $0x9  }
0x20c: {  	_ =	swait.ge [sflag:s11], $0x20  }
0x20d: {  	[sflag:s11] =	ssyncset.done $0x0  }
0x20e: {  	[sflag:s11] =	ssyncadd.s32 $0xFFFFFFE0  }
0x20f: {  	p1 =	sne.s32 s17, $0x4B0;
	_ =	swait.ge [sflag:s11], $0x20  }
0x210: {  	s17 =	sadd.s32 $0x28, s17;
	s31 =	simm.s32 $0x900;
	[sflag:s11] =	ssyncset.done $0x0  }
0x211: {  	s0 =	simm.s32 $0x6A00;
	s2 =	simm.s32 $0x8A00;
	[sflag:s11] =	ssyncadd.s32 $0xFFFFFFE0  }
0x212: {  	[tilespmem:s2], [sflag:$0x13] =	stream.indirect.gather [hbm4b:s25+s22], $0x80, s29, s22, $0xb8;
	[tilespmem:$0x1E280] =	vst v63  }
0x213: {  	s14 =	simm.s32 $0x780;
	s16 =	simm.s32 $0x800;
	s2 =	simm.s32 $0xA  }
0x214: {  	s24 =	simm.s32 $0x880;
	s1 =	simm.s32 $0x480;
	_ =	swait.ge [sflag:s2], $0x20  }
.Ltmp0:
0x215: {  	s4 =	simm.s32 $0x980;
	[sflag:s2] =	ssyncset.done $0x0;
	(pc) =	sbr.rel @p1 .LBB2_2-.Ltmp0, $4  }
0x216: {  	s19 =	simm.s32 $0x3A00;
	s18 =	simm.s32 $0xA00;
	[sflag:s2] =	ssyncadd.s32 $0xFFFFFFE0  }
0x217: {  	s8 =	simm.s32 $0x1A00;
	s12 =	simm.s32 $0x2A00;
	_ =	swait.ge [sflag:s2], $0x20  }
0x218: {  	s30 =	simm.s32 $0x5A00;
	s20 =	simm.s32 $0x4A00;
	[sflag:s2] =	ssyncset.done $0x0  }
0x219: {  	s7 =	simm.s32 $0x7A00;
	s11 =	simm.s32 $0x8A00;
	[sflag:s2] =	ssyncadd.s32 $0xFFFFFFE0  }
0x21a: {  	s10 =	simm.s32 $0x9A00;
	s17 =	simm.s32 $0xB  }
0x21b: {  	[tilespmem:s10], [sflag:$0x14] =	stream.indirect.gather [hbm4b:s25+s22], $0x80, s1, s22, $0xb8;
	[tilespmem:$0x1E280] =	vst v63  }
0x21c: {  	_ =	swait.ge [sflag:s17], $0x1000  }
0x21d: {  	[sflag:s17] =	ssyncset.done $0x0  }
0x21e: {  	[sflag:s17] =	ssyncadd.s32 $0xFFFFF000  }
0x21f: {  	s23 =	simm.s32 $0x500;
	s17 =	simm.s32 $0xC;
	s2 =	rddreg [dreg:$0x2]  }
0x220: {  	[spmem:s2] =	stream.indirect.scatter.add.f32 [tilespmem:s18], [sflag:$0x15], $0x80, s23, s22, $0xb8;
	[tilespmem:$0x1E280] =	vst v63  }
0x221: {  	_ =	swait.ge [sflag:s17], $0x1000  }
0x222: {  	[sflag:s17] =	ssyncset.done $0x0  }
0x223: {  	s18 =	simm.s32 $0x580;
	s23 =	simm.s32 $0xD;
	[sflag:s17] =	ssyncadd.s32 $0xFFFFF000  }
0x224: {  	[spmem:s2] =	stream.indirect.scatter.add.f32 [tilespmem:s8], [sflag:$0x16], $0x80, s18, s22, $0xb8;
	[tilespmem:$0x1E280] =	vst v63  }
0x225: {  	_ =	swait.ge [sflag:s23], $0x1000  }
0x226: {  	[sflag:s23] =	ssyncset.done $0x0  }
0x227: {  	s8 =	simm.s32 $0x600;
	[sflag:s23] =	ssyncadd.s32 $0xFFFFF000  }
0x228: {  	[spmem:s2] =	stream.indirect.scatter.add.f32 [tilespmem:s12], [sflag:$0x17], $0x80, s8, s22, $0xb8;
	[tilespmem:$0x1E280] =	vst v63  }
0x229: {  	s12 =	simm.s32 $0xE  }
0x22a: {  	_ =	swait.ge [sflag:s12], $0x1000  }
0x22b: {  	[sflag:s12] =	ssyncset.done $0x0  }
0x22c: {  	s17 =	simm.s32 $0x680;
	s18 =	simm.s32 $0xF;
	[sflag:s12] =	ssyncadd.s32 $0xFFFFF000  }
0x22d: {  	[spmem:s2] =	stream.indirect.scatter.add.f32 [tilespmem:s19], [sflag:$0x18], $0x80, s17, s22, $0xb8;
	[tilespmem:$0x1E280] =	vst v63  }
0x22e: {  	_ =	swait.ge [sflag:s18], $0x1000  }
0x22f: {  	[sflag:s18] =	ssyncset.done $0x0  }
0x230: {  	s19 =	simm.s32 $0x700;
	[sflag:s18] =	ssyncadd.s32 $0xFFFFF000  }
0x231: {  	[spmem:s2] =	stream.indirect.scatter.add.f32 [tilespmem:s20], [sflag:$0x19], $0x80, s19, s22, $0xb8;
	[tilespmem:$0x1E280] =	vst v63  }
0x232: {  	s20 =	simm.s32 $0x10  }
0x233: {  	_ =	swait.ge [sflag:s20], $0x1000  }
0x234: {  	[sflag:s20] =	ssyncset.done $0x0  }
0x235: {  	s23 =	simm.s32 $0x11;
	[sflag:s20] =	ssyncadd.s32 $0xFFFFF000  }
0x236: {  	[spmem:s2] =	stream.indirect.scatter.add.f32 [tilespmem:s30], [sflag:$0x1A], $0x80, s14, s22, $0xb8;
	[tilespmem:$0x1E280] =	vst v63  }
0x237: {  	_ =	swait.ge [sflag:s23], $0x1000  }
0x238: {  	[sflag:s23] =	ssyncset.done $0x0  }
0x239: {  	s1 =	simm.s32 $0x12;
	[sflag:s23] =	ssyncadd.s32 $0xFFFFF000  }
0x23a: {  	[spmem:s2] =	stream.indirect.scatter.add.f32 [tilespmem:s0], [sflag:$0x1B], $0x80, s16, s22, $0xb8;
	[tilespmem:$0x1E280] =	vst v63  }
0x23b: {  	_ =	swait.ge [sflag:s1], $0x1000  }
0x23c: {  	[sflag:s1] =	ssyncset.done $0x0  }
0x23d: {  	[sflag:s1] =	ssyncadd.s32 $0xFFFFF000  }
0x23e: {  	[spmem:s2] =	stream.indirect.scatter.add.f32 [tilespmem:s7], [sflag:$0x1C], $0x80, s24, s22, $0xb8;
	[tilespmem:$0x1E280] =	vst v63  }
0x23f: {  	s7 =	simm.s32 $0x13  }
0x240: {  	_ =	swait.ge [sflag:s7], $0x1000  }
0x241: {  	[sflag:s7] =	ssyncset.done $0x0  }
0x242: {  	s8 =	simm.s32 $0x14;
	[sflag:s7] =	ssyncadd.s32 $0xFFFFF000  }
0x243: {  	[spmem:s2] =	stream.indirect.scatter.add.f32 [tilespmem:s11], [sflag:$0x1D], $0x80, s31, s22, $0xb8;
	[tilespmem:$0x1E280] =	vst v63  }
0x244: {  	_ =	swait.ge [sflag:s8], $0x1000  }
0x245: {  	[sflag:s8] =	ssyncset.done $0x0  }
0x246: {  	[sflag:s8] =	ssyncadd.s32 $0xFFFFF000  }
0x247: {  	[spmem:s2] =	stream.indirect.scatter.add.f32 [tilespmem:s10], [sflag:$0x1E], $0x80, s4, s22, $0xb8;
	[tilespmem:$0x1E280] =	vst v63  }
0x248: {  	s10 =	simm.s32 $0x15  }
0x249: {  	_ =	swait.ge [sflag:s10], $0x1000  }
0x24a: {  	[sflag:s10] =	ssyncset.done $0x0  }
0x24b: {  	s11 =	simm.s32 $0x16;
	[sflag:s10] =	ssyncadd.s32 $0xFFFFF000  }
0x24c: {  	_ =	swait.ge [sflag:s11], $0x1000  }
0x24d: {  	[sflag:s11] =	ssyncset.done $0x0  }
0x24e: {  	s12 =	simm.s32 $0x17;
	[sflag:s11] =	ssyncadd.s32 $0xFFFFF000  }
0x24f: {  	_ =	swait.ge [sflag:s12], $0x1000  }
0x250: {  	[sflag:s12] =	ssyncset.done $0x0  }
0x251: {  	s14 =	simm.s32 $0x18;
	[sflag:s12] =	ssyncadd.s32 $0xFFFFF000  }
0x252: {  	_ =	swait.ge [sflag:s14], $0x1000  }
0x253: {  	[sflag:s14] =	ssyncset.done $0x0  }
0x254: {  	s16 =	simm.s32 $0x19;
	[sflag:s14] =	ssyncadd.s32 $0xFFFFF000  }
0x255: {  	_ =	swait.ge [sflag:s16], $0x1000  }
0x256: {  	[sflag:s16] =	ssyncset.done $0x0  }
0x257: {  	s17 =	simm.s32 $0x1A;
	[sflag:s16] =	ssyncadd.s32 $0xFFFFF000  }
0x258: {  	_ =	swait.ge [sflag:s17], $0x1000  }
0x259: {  	[sflag:s17] =	ssyncset.done $0x0  }
0x25a: {  	s18 =	simm.s32 $0x1B;
	[sflag:s17] =	ssyncadd.s32 $0xFFFFF000  }
0x25b: {  	_ =	swait.ge [sflag:s18], $0x1000  }
0x25c: {  	[sflag:s18] =	ssyncset.done $0x0  }
0x25d: {  	s19 =	simm.s32 $0x1C;
	[sflag:s18] =	ssyncadd.s32 $0xFFFFF000  }
0x25e: {  	_ =	swait.ge [sflag:s19], $0x1000  }
0x25f: {  	[sflag:s19] =	ssyncset.done $0x0  }
0x260: {  	s20 =	simm.s32 $0x1D;
	[sflag:s19] =	ssyncadd.s32 $0xFFFFF000  }
0x261: {  	_ =	swait.ge [sflag:s20], $0x1000  }
0x262: {  	[sflag:s20] =	ssyncset.done $0x0  }
0x263: {  	s23 =	simm.s32 $0x1E;
	[sflag:s20] =	ssyncadd.s32 $0xFFFFF000  }
0x264: {  	_ =	swait.ge [sflag:s23], $0x1000  }
0x265: {  	[sflag:s23] =	ssyncset.done $0x0  }
0x266: {  	[sflag:s23] =	ssyncadd.s32 $0xFFFFF000  }
0x267: {  	[bflag:$0x0] =	sbarrier.arrive $0xFFFF  }
0x268: {  	s18 =	sld [smem:$0x7FB]  }
0x269: {  	s0 =	sld [smem:$0x7E9];
	_ =	sdelay $0x1  }
0x26a: {  	s17 =	simm.s32 @p0 $0x1FDF  }
0x26b: {  	[hbm:s18], [sflag:s17] =	dma.local @p0 [spmem:s0], $0x2080  }
0x26c: {  	s17 =	simm.s32 @p0 $0x1F  }
0x26d: {  	_ =	swait.ge @p0 [sflag:s17], $0x2080  }
0x26e: {  	s0 =	sld [smem:$0x7EA]  }
0x26f: {  	[sflag:s17] =	ssyncset.done @p0 $0x0;
	s1 =	sld [smem:$0x7EB]  }
0x270: {  	[sflag:s17] =	ssyncadd.s32 @p0 $0xFFFFDF80;
	s17 =	sld [smem:$0x7F8];
	_ =	sdelay $0x2  }
0x271: {  	[hbm:s17], [sflag:s0] =	dma.local @!p0 [spmem:s1], $0x2780  }
0x272: {  	s17 =	simm.s32 @!p0 $0x1F  }
0x273: {  	_ =	swait.ge @!p0 [sflag:s17], $0x2780  }
0x274: {  	s24 =	sld [smem:$0x7E8]  }
0x275: {  	s31 =	sld [smem:$0x7FC];
	_ =	sdelay $0x1  }
0x276: {  	s0 =	sadd.s32 $0x1, s24  }
0x277: {  	p1 =	sne.s32 s0, s31  }
.Ltmp1:
0x278: {  	_ = 	snop;
	(pc) =	sbr.rel @p1 .LBB2_1-.Ltmp1, $3  }
0x279: {  	_ =	sdelay $0x1  }
0x27a: {  	[sflag:s17] =	ssyncset.done @!p0 $0x0  }
0x27b: {  	s30 =	simm.s32 $0x3;
	s10 =	simm.s32 $0x2;
	[sflag:s17] =	ssyncadd.s32 @!p0 $0xFFFFD880  }
0x27c: {  	_ =	sfence.sel $0x180000  }
0x27d: {  	[bflag:$0x0] =	sbarrier.arrive $0xFFFF  }
0x27e: {  	_ =	strace $0x9000004D  }
0x27f: {  	s0 =	stileid.u32;
	[bflag:$0x2] =	sbarrier.arrive $0xFFFF  }
0x280: {  	p0 =	sne.s32 s0, $0x0;
	s0 =	rddreg [dreg:$0x3]  }
0x281: {  	s0 =	sadd.s32 @!p0 $0x100000, s0  }
0x282: {  	[sflag:s0] =	ssyncadd.tile.s32 @!p0 $0x1;
	_ =	shalt  }
.Lfunc_end2:
_tile_overlayer_lowered:
.L_overlay_start_2:
0x283: {  	(tag) =	ssettag $0x2  }
0x284: {  	s0 =	rddreg [dreg:$0x0];
	s2 =	stileid.u32  }
0x285: {  	s1 =	rddreg [dreg:$0x1];
	p0 =	sne.s32 s2, $0x0  }
0x286: {  	s3 =	rddreg [dreg:$0x2];
	[bflag:$0x3] =	sbarrier.arrive $0xFFFF;
	s2 =	simm.s32 @!p0 $0x1C1F  }
0x287: {  	[timem:s3], [sflag:s2] =	dma.local @!p0 [hbm:s0], s1  }
0x288: {  	s0 =	simm.s32 @!p0 $0x1F  }
0x289: {  	_ =	swait.ge @!p0 [sflag:s0], s1  }
0x28a: {  	s1 =	ssub.s32 @!p0 $0x0, s1;
	[sflag:s0] =	ssyncset.done @!p0 $0x0  }
0x28b: {  	[sflag:s0] =	ssyncadd.s32 @!p0 s1  }
0x28c: {  	[bflag:$0x3] =	sbarrier.arrive $0xFFFF  }
0x28d: {  	_ =	shalt  }

// kernel: kernel.8.cloned.1.call-start
scs
__scs_entry_jumppad:
0x0: {  	(pc) =	sbr.rel $0x88, $3  }
0x1: {  	(tag) =	ssettag $0x0;
	lr =	simm.s32 $0x1  }
0x2: {  	[smem:$0x3F99] =	sst lr;
	_ =	strace $0xD0000000  }
0x3: {  	_ = 	snop  }
0x4: {  	_ = 	snop  }
0x5: {  	_ = 	snop  }
0x6: {  	_ = 	snop  }
0x7: {  	_ = 	snop  }
__scs_overlays_trampoline_lowered:
0x8: {  	[smem:$0x3FA8] =	sst s0  }
0x9: {  	[smem:$0x3FA9] =	sst s1  }
0xa: {  	[smem:$0x3FAA] =	sst s2  }
0xb: {  	[smem:$0x3FAB] =	sst s3  }
0xc: {  	[smem:$0x3FAC] =	sst s4  }
0xd: {  	[smem:$0x3FAD] =	sst s5  }
0xe: {  	[smem:$0x3FAE] =	sst s6  }
0xf: {  	[smem:$0x3FAF] =	sst s7  }
0x10: {  	[smem:$0x3FB0] =	sst s8  }
0x11: {  	[smem:$0x3FB1] =	sst s9;
	s0 =	simm.s32 @!p0 $0x0  }
0x12: {  	s1 =	sld [smem:$0x3F97];
	s0 =	simm.s32 @p0 $0x1  }
0x13: {  	[smem:$0x3FB2] =	sst s0;
	s0 =	simm.s32 @!p1 $0x0  }
0x14: {  	s2 =	sld [smem:$0x3F96];
	s0 =	simm.s32 @p1 $0x1  }
0x15: {  	[smem:$0x3FB3] =	sst s0;
	s0 =	simm.s32 @!p2 $0x0  }
0x16: {  	s3 =	sld [smem:$0x3FDB];
	s0 =	simm.s32 @p2 $0x1  }
0x17: {  	s4 =	simm.s32 $0x1BF5;
	[smem:$0x3FB5] =	sst s0  }
0x18: {  	s0 =	sld [smem:$0x3F98];
	_ =	swait.ge [sflag:s4], $0x0  }
0x19: {  	s7 =	sld [smem:$0x3F99]  }
0x1a: {  	s8 =	sadd.s32 $0xFFFFE003, lr  }
0x1b: {  	s9 =	sadd.s32 $0xFFFFFEF7, lr;
	s5 =	simm.s32 $0xFFFFFFFF;
	p2 =	slt.u32 s8, $0xFFFFF086  }
0x1c: {  	p1 =	slt.u32 s9, $0xF7A;
	s5 =	simm.s32 @!p2 $0x0  }
0x1d: {  	s5 =	simm.s32 @p1 $0x1;
	p0 =	seq.s32 s7, s2  }
0x1e: {  	s7 =	smul.u32 @!p0 $0xF7A, s2;
	p2 =	seq.s32 @!p0 s5, $0x0  }
0x1f: {  	s9 =	smul.u32 $0xF7A, s1;
	s8 =	simm.s32 @!p0 $0x1BF5;
	p2 =	por !p2, p0  }
0x20: {  	[sflag:s8] =	ssyncset.s32 @!p0 $0xFFFFF086;
	s6 =	sadd.s32 @!p0 s3, s7;
	s7 =	simm.s32 @!p0 $0x108  }
0x21: {  	s3 =	sadd.s32 s3, s9;
	s6 =	sadd.s32 @!p0 $0x88, s6;
	s7 =	simm.s32 @p2 $0x1082  }
0x22: {  	[simem:s7], [sflag:s8] =	dma.local @!p0 [hbm:s6], $0xF7A  }
0x23: {  	s9 =	sor.u32 $0xD0000000, s2;
	s6 =	simm.s32 $0x108;
	_ =	swait.ge @!p0 [sflag:s8], $0x0  }
0x24: {  	s3 =	sadd.s32 $0x88, s3;
	s6 =	simm.s32 @!p1 $0x1082;
	[sflag:s4] =	ssyncset.s32 $0xFFFFF086  }
0x25: {  	[simem:s6], [sflag:s4] =	dma.local [hbm:s3], $0xF7A  }
0x26: {  	[smem:$0x3F99] =	sst s1;
	(tag) =	ssettag s2;
	_ =	strace s9  }
0x27: {  	s1 =	sld [smem:$0x3FA9]  }
0x28: {  	s2 =	sld [smem:$0x3FAA]  }
0x29: {  	s4 =	sld [smem:$0x3FAC]  }
0x2a: {  	p0 =	seq.s32 s5, $0x0;
	s5 =	sld [smem:$0x3FAD]  }
0x2b: {  	s6 =	sld [smem:$0x3FAE]  }
0x2c: {  	s7 =	sld [smem:$0x3FAF]  }
0x2d: {  	s3 =	simm.s32 $0x108;
	s8 =	sld [smem:$0x3FB0]  }
0x2e: {  	s3 =	simm.s32 @!p0 $0x1082;
	s9 =	sld [smem:$0x3FB1]  }
0x2f: {  	lr =	sadd.s32 s0, s3;
	s0 =	sld [smem:$0x3FA8]  }
0x30: {  	s3 =	sld [smem:$0x3FAB]  }
0x31: {  	[smem:$0x3FB4] =	sst s10  }
0x32: {  	s10 =	sld [smem:$0x3FB2];
	_ =	sdelay $0x3  }
0x33: {  	p0 =	seq.s32 s10, $0x1;
	s10 =	sld [smem:$0x3FB4];
	_ =	sdelay $0x3  }
0x34: {  	[smem:$0x3FB4] =	sst s10  }
0x35: {  	s10 =	sld [smem:$0x3FB3];
	_ =	sdelay $0x3  }
0x36: {  	p1 =	seq.s32 s10, $0x1;
	s10 =	sld [smem:$0x3FB4];
	_ =	sdelay $0x3  }
0x37: {  	[smem:$0x3FB4] =	sst s10  }
0x38: {  	s10 =	sld [smem:$0x3FB5]  }
0x39: {  	_ = 	snop;
	(pc) =	sbr.ind lr, $3  }
0x3a: {  	_ = 	snop  }
0x3b: {  	_ = 	snop  }
0x3c: {  	p2 =	seq.s32 s10, $0x1;
	s10 =	sld [smem:$0x3FB4]  }
0x3d: {  	_ =	shalt  }
0x3e: {  	_ =	shalt  }
0x3f: {  	_ =	shalt  }
0x40: {  	_ =	shalt  }
0x41: {  	_ =	shalt  }
0x42: {  	_ =	shalt  }
0x43: {  	_ =	shalt  }
0x44: {  	_ =	shalt  }
0x45: {  	_ =	shalt  }
0x46: {  	_ =	shalt  }
0x47: {  	_ =	shalt  }
0x48: {  	_ =	shalt  }
0x49: {  	_ =	shalt  }
0x4a: {  	_ =	shalt  }
0x4b: {  	_ =	shalt  }
0x4c: {  	_ =	shalt  }
0x4d: {  	_ =	shalt  }
0x4e: {  	_ =	shalt  }
0x4f: {  	_ =	shalt  }
0x50: {  	_ =	shalt  }
0x51: {  	_ =	shalt  }
0x52: {  	_ =	shalt  }
0x53: {  	_ =	shalt  }
0x54: {  	_ =	shalt  }
0x55: {  	_ =	shalt  }
0x56: {  	_ =	shalt  }
0x57: {  	_ =	shalt  }
0x58: {  	_ =	shalt  }
0x59: {  	_ =	shalt  }
0x5a: {  	_ =	shalt  }
0x5b: {  	_ =	shalt  }
0x5c: {  	_ =	shalt  }
0x5d: {  	_ =	shalt  }
0x5e: {  	_ =	shalt  }
0x5f: {  	_ =	shalt  }
0x60: {  	_ =	shalt  }
0x61: {  	_ =	shalt  }
0x62: {  	_ =	shalt  }
0x63: {  	_ =	shalt  }
0x64: {  	_ =	shalt  }
0x65: {  	_ =	shalt  }
0x66: {  	_ =	shalt  }
0x67: {  	_ =	shalt  }
0x68: {  	_ =	shalt  }
0x69: {  	_ =	shalt  }
0x6a: {  	_ =	shalt  }
0x6b: {  	_ =	shalt  }
0x6c: {  	_ =	shalt  }
0x6d: {  	_ =	shalt  }
0x6e: {  	_ =	shalt  }
0x6f: {  	_ =	shalt  }
0x70: {  	_ =	shalt  }
0x71: {  	_ =	shalt  }
0x72: {  	_ =	shalt  }
0x73: {  	_ =	shalt  }
0x74: {  	_ =	shalt  }
0x75: {  	_ =	shalt  }
0x76: {  	_ =	shalt  }
0x77: {  	_ =	shalt  }
0x78: {  	_ =	shalt  }
0x79: {  	_ =	shalt  }
0x7a: {  	_ =	shalt  }
0x7b: {  	_ =	shalt  }
0x7c: {  	_ =	shalt  }
0x7d: {  	_ =	shalt  }
0x7e: {  	_ =	shalt  }
0x7f: {  	_ =	shalt  }
0x80: {  	_ =	shalt  }
0x81: {  	_ =	shalt  }
0x82: {  	_ =	shalt  }
0x83: {  	_ =	shalt  }
0x84: {  	_ =	shalt  }
0x85: {  	_ =	shalt  }
0x86: {  	_ =	shalt  }
0x87: {  	_ =	shalt  }
.Lfunc_end0:
.L_simem_size_0:
called_computation_lowered:
.L_overlay_start_0:
0x88: {  	s2 =	sld [smem:$0x3FD9]  }
0x89: {  	s3 =	sld [smem:$0x3FFE];
	_ =	sdelay $0x1  }
0x8a: {  	s1 =	srdreg.scid  }
0x8b: {  	s0 =	sand.u32 $0x1, s1  }
0x8c: {  	s17 =	sshll.u32 s0, $0xA;
	s2 =	sadd.s32 s3, s2  }
0x8d: {  	s2 =	sadd.s32 s2, s17  }
0x8e: {  	[smem:$0x3FC0] =	sst s2  }
0x8f: {  	_ = 	snop  }
0x90: {  	s2 =	sld [smem:$0x3FD0];
	(tm) =	ssettm $0x1  }
0x91: {  	s18 =	sld [smem:$0x3FFB];
	_ =	sdelay $0x3  }
0x92: {  	_ =	strace s18  }
0x93: {  	s3 =	sld [smem:$0x3FFC];
	_ =	sdelay $0x3  }
0x94: {  	_ =	strace s3  }
0x95: {  	s3 =	sld [smem:$0x3FFD];
	_ =	sdelay $0x3  }
0x96: {  	_ =	strace s3  }
0x97: {  	_ =	strace $0x8FFFFFFF  }
0x98: {  	s19 =	sld [smem:$0x3FDB];
	_ =	sdelay $0x1  }
0x99: {  	s4 =	simm.s32 $_scs_section_size  }
0x9a: {  	s5 =	simm.s32 $_size__tile_overlayer_lowered;
	s6 =	simm.s32 $_tile_overlayer_lowered  }
0x9b: {  	s22 =	simm.s32 $0x1BFF;
	s21 =	sshll.u32 s6, $0x1;
	s3 =	sadd.s32 s4, s19  }
0x9c: {  	s7 =	simm.s32 $0x0;
	s20 =	sshll.u32 s5, $0x1;
	s5 =	sadd.s32 s21, s3  }
0x9d: {  	[timem:s7], [sflag:s22] =	dma.local [hbm:s5], s20  }
0x9e: {  	_ =	swait.ge [sflag:s22], s20  }
0x9f: {  	s4 =	ssub.s32 $0x0, s20;
	[sflag:s22] =	ssyncset.done $0x0  }
0xa0: {  	[sflag:s22] =	ssyncadd.s32 s4;
	_ =	sdelay $0x1  }
0xa1: {  	s23 =	simm.s32 $0x1B8B  }
0xa2: {  	_ =	swait.ge [sflag:s23], $0x1  }
0xa3: {  	[sflag:s23] =	ssyncset.done $0x0  }
0xa4: {  	s25 =	simm.s32 $0x1B8E;
	s24 =	sld [smem:$0x3FFE];
	[sflag:s23] =	ssyncadd.s32 $0xFFFFFFFF  }
0xa5: {  	s26 =	simm.s32 $execute0_lowered;
	[smem:$0x3FD2] =	sst s25  }
0xa6: {  	s5 =	sshll.u32 s26, $0x1;
	_ =	strace $0x80000046;
	[dreg:$0x1] =	wrdreg $0xFFFFFFFF  }
0xa7: {  	s28 =	simm.s32 $_size_execute0_lowered;
	s3 =	sadd.s32 s3, s5;
	[dreg:$0x0] =	wrdreg $0x0  }
0xa8: {  	s5 =	sshll.u32 s28, $0x1;
	[dreg:$0x2] =	wrdreg s3  }
0xa9: {  	[dreg:$0x3] =	wrdreg s5  }
0xaa: {  	[dreg:$0x4] =	wrdreg $0xC0  }
0xab: {  	_ =	task [dreg:s7], $0x5FFFF  }
0xac: {  	[dreg:$0x1] =	wrdreg $0xFFFFFFFF  }
0xad: {  	[dreg:$0x0] =	wrdreg $0x60  }
0xae: {  	[dreg:$0x2] =	wrdreg s2  }
0xaf: {  	[dreg:$0x3] =	wrdreg s24  }
0xb0: {  	[dreg:$0x4] =	wrdreg $0x44000  }
0xb1: {  	[dreg:$0x5] =	wrdreg $0x9  }
0xb2: {  	_ =	task.clear_ibuf [dreg:s7], $0x6FFFF;
	_ =	strace $0x90000046  }
0xb3: {  	s29 =	simm.s32 $0x9;
	_ =	strace $0x80000048  }
0xb4: {  	_ =	swait.ge [sflag:s29], $0x1  }
0xb5: {  	[sflag:s29] =	ssyncadd.s32 $0xFFFFFFFF  }
0xb6: {  	_ =	strace $0x90000048  }
0xb7: {  	_ =	sfence  }
0xb8: {  	s30 =	sld [smem:$0x0];
	_ =	sdelay $0x2  }
0xb9: {  	s31 =	sshll.u32 s1, $0xD;
	s1 =	sshrl.u32 s1, $0x2  }
0xba: {  	s3 =	sand.u32 $0x4000, s31;
	s1 =	sadd.s32 s1, s30  }
0xbb: {  	s0 =	sor.u32 s3, s0;
	s1 =	sshll.u32 s1, $0x11  }
0xbc: {  	s0 =	sor.u32 s1, s0  }
0xbd: {  	s0 =	sadd.s32 $0x8F2B, s0  }
0xbe: {  	[sflag:s0] =	ssyncadd.remote.s32 $0x1  }
0xbf: {  	_ =	sfence.sel $0xFFFF  }
0xc0: {  	[dreg:$0x0] =	wrdreg $0xFFFFFFFF;
	(pc) =	sbr.abs _section_cstart, $3  }
0xc1: {  	[dreg:$0x1] =	wrdreg $0xFFFFFFFF  }
0xc2: {  	_ =	task.clear_ibuf [dreg:s7], $0x2FFFF;
	_ =	strace $0x9FFFFFFF  }
0xc3: {  	(tm) =	ssettm $0x7FFFFFFF  }
tec
execute0_lowered:
.L_overlay_start_1:
0x0: {  	(tag) =	ssettag $0x1  }
0x1: {  	s0 =	rddreg [dreg:$0x0]  }
0x2: {  	s3 =	rddreg [dreg:$0x1]  }
0x3: {  	s1 =	rddreg [dreg:$0x2];
	s2 =	simm.s32 $0x0;
	s15 =	srdreg.scid  }
0x4: {  	s10 =	stileid.u32;
	s28 =	simm.s32 $0x380;
	s29 =	simm.s32 $0x1  }
0x5: {  	s30 =	simm.s32 $0x2;
	s31 =	simm.s32 $0x3;
	[smem:$0x7FF] =	sst s2  }
0x6: {  	s4 =	sadd.s32 $0x5E00, s3;
	s5 =	sadd.s32 $0x3600, s3;
	s7 =	smul.u32 $0x4F000, s10  }
0x7: {  	s16 =	sshll.u32 s10, $0x1;
	s3 =	sadd.s32 $0x6600, s3;
	s18 =	smul.u32 $0x13C00, s10  }
0x8: {  	s9 =	sadd.s32 $0x128400, s1;
	_ =	strace $0x80000047;
	[dreg:$0xc] =	wrdreg s4  }
0x9: {  	s20 =	smul.u32 $0x5000, s10;
	p0 =	seq.s32 s10, $0xF;
	[dreg:$0xd] =	wrdreg s5  }
0xa: {  	s10 =	simm.s32 $0xA;
	s4 =	sand.u32 $0x1, s15;
	[dreg:$0xf] =	wrdreg s9  }
0xb: {  	s6 =	ssub.s32 $0x2, s4;
	s5 =	sor.u32 s4, s16;
	s17 =	smul.u32 $0x138800, s4  }
0xc: {  	s7 =	sshrl.u32 s7, $0x2;
	s4 =	smul.u32 $0x2800, s4;
	s8 =	sshrl.u32 s6, $0x1  }
0xd: {  	s5 =	smul.u32 $0x2800, s5;
	s7 =	sadd.s32 s7, s1;
	s6 =	ssub.s32 s6, s8  }
0xe: {  	[dreg:$0xe] =	wrdreg s7;
	s7 =	sadd.s32 s18, s17;
	s4 =	sadd.s32 s4, s20  }
0xf: {  	s8 =	sshrl.u32 s17, $0x3;
	s5 =	sshrl.u32 s5, $0x3;
	s9 =	sshrl.u32 s7, $0x3  }
0x10: {  	s13 =	sor.u32 $0x700, s4;
	s15 =	sor.u32 $0x680, s4;
	s17 =	sor.u32 $0x600, s4  }
0x11: {  	s18 =	sor.u32 $0x580, s4;
	s19 =	sadd.s32 s0, s5;
	s5 =	sadd.s32 s3, s9  }
0x12: {  	s7 =	sshrl.u32 s13, $0x3;
	s16 =	sshrl.u32 s15, $0x3;
	[dreg:$0x10] =	wrdreg s19  }
0x13: {  	s20 =	sshrl.u32 s18, $0x3;
	s11 =	sadd.s32 $0x10, s19;
	[dreg:$0x18] =	wrdreg s5  }
0x14: {  	s3 =	sadd.s32 s3, s8;
	s21 =	sadd.s32 $0x20, s19;
	[dreg:$0x11] =	wrdreg s11  }
0x15: {  	s9 =	simm.s32 $0x9;
	s22 =	sadd.s32 $0x30, s19;
	[dreg:$0x12] =	wrdreg s21  }
0x16: {  	s13 =	simm.s32 $0xD;
	s23 =	sadd.s32 $0x40, s19;
	[dreg:$0x13] =	wrdreg s22  }
0x17: {  	s15 =	simm.s32 $0xF;
	s24 =	sadd.s32 $0x50, s19;
	[dreg:$0x14] =	wrdreg s23  }
0x18: {  	s25 =	sadd.s32 $0x60, s19;
	s26 =	sadd.s32 $0x70, s19;
	[dreg:$0x15] =	wrdreg s24  }
0x19: {  	s14 =	sadd.s32 s7, s0;
	s7 =	sshrl.u32 s17, $0x3;
	[dreg:$0x16] =	wrdreg s25  }
0x1a: {  	s3 =	sadd.s32 $0x25080, s3;
	s17 =	simm.s32 $0x0;
	[dreg:$0x17] =	wrdreg s26  }
0x1b: {  	s11 =	sor.u32 $0x780, s4;
	[dreg:$0x5] =	wrdreg s14;
	s19 =	sadd.s32 s7, s0  }
0x1c: {  	s21 =	sadd.s32 s20, s0;
	s22 =	sor.u32 $0x500, s4;
	s24 =	sor.u32 $0x480, s4  }
0x1d: {  	s4 =	sor.u32 $0x400, s4;
	[dreg:$0x19] =	wrdreg s3;
	s26 =	smax.u32 s6, $0x1  }
0x1e: {  	s3 =	simm.s32 $0x5;
	s6 =	simm.s32 $0x7;
	[dreg:$0x7] =	wrdreg s19  }
0x1f: {  	s14 =	simm.s32 $0xE;
	s12 =	sshrl.u32 s11, $0x3;
	[dreg:$0x8] =	wrdreg s21  }
0x20: {  	s23 =	sshrl.u32 s22, $0x3;
	s7 =	sshrl.u32 s24, $0x3;
	s4 =	sshrl.u32 s4, $0x3  }
0x21: {  	[dreg:$0x1a] =	wrdreg s26;
	s19 =	simm.s32 $0x400;
	s21 =	simm.s32 $0x80  }
0x22: {  	s22 =	simm.s32 $0x100;
	s24 =	simm.s32 $0x200;
	s26 =	simm.s32 $0x300  }
0x23: {  	s11 =	simm.s32 $0xB;
	s5 =	sadd.s32 s12, s0;
	s25 =	sadd.s32 s7, s0  }
0x24: {  	s7 =	simm.s32 $0x8;
	s12 =	simm.s32 $0xC;
	[dreg:$0x4] =	wrdreg s5  }
0x25: {  	s5 =	sadd.s32 s16, s0;
	[dreg:$0xa] =	wrdreg s25;
	s25 =	simm.s32 $0x280  }
0x26: {  	s16 =	simm.s32 $0x10;
	[dreg:$0x6] =	wrdreg s5;
	s5 =	sadd.s32 s23, s0  }
0x27: {  	s0 =	sadd.s32 s4, s0;
	s23 =	simm.s32 $0x180;
	[dreg:$0x9] =	wrdreg s5  }
0x28: {  	s4 =	simm.s32 $0x6;
	[dreg:$0xb] =	wrdreg s0;
	s0 =	simm.s32 $0x4  }
.LBB2_1:
0x29: {  	s5 =	rddreg [dreg:$0xf]  }
0x2a: {  	s18 =	rddreg [dreg:$0xd];
	s8 =	sshrl.u32 @p0 s5, $0x3  }
0x2b: {  	s5 =	simm.s32 @p0 $0x1FD1;
	[dreg:$0x1b] =	wrdreg s8  }
0x2c: {  	[spmem:s8], [sflag:s5] =	dma.local @p0 [hbm:s18], $0x2080  }
0x2d: {  	s5 =	simm.s32 @p0 $0x11  }
0x2e: {  	s8 =	stileid.u32;
	_ =	swait.ge @p0 [sflag:s5], $0x2080  }
0x2f: {  	s8 =	sshll.u32 @!p0 s8, $0x6;
	[sflag:s5] =	ssyncset.done @p0 $0x0  }
0x30: {  	s8 =	sor.u32 @!p0 $0x1C11, s8;
	[sflag:s5] =	ssyncadd.s32 @p0 $0xFFFFDF80;
	s5 =	rddreg [dreg:$0xe]  }
0x31: {  	[dreg:$0x1c] =	wrdreg s8;
	s20 =	sshrl.u32 @!p0 s5, $0x3;
	s5 =	simm.s32 @!p0 $0x11  }
0x32: {  	[spmem:s20], [sflag:s8] =	dma.local @!p0 [hbm:s18], $0x2780  }
0x33: {  	_ =	swait.ge @!p0 [sflag:s5], $0x2780  }
0x34: {  	[sflag:s5] =	ssyncset.done @!p0 $0x0  }
0x35: {  	s18 =	simm.s32 $0x11;
	s8 =	rddreg [dreg:$0xc];
	[sflag:s5] =	ssyncadd.s32 @!p0 $0xFFFFD880  }
0x36: {  	[tilespmem:s19], [sflag:$0x11] =	stream.linear.gather [hbm4b:s8+s2], $0x4000, $0x38;
	[tilespmem:$0x17C80] =	vst v63  }
0x37: {  	_ =	swait.ge [sflag:s18], $0x4000  }
0x38: {  	[sflag:s18] =	ssyncset.done $0x0  }
0x39: {  	s8 =	rddreg [dreg:$0x10];
	[sflag:s18] =	ssyncadd.s32 $0xFFFFC000  }
0x3a: {  	[tilespmem:s2], [sflag:$0x1] =	stream.linear.gather [hbm4b:s8+s2], $0x80, $0x38;
	[tilespmem:$0x17C80] =	vst v63  }
0x3b: {  	s18 =	rddreg [dreg:$0x11]  }
0x3c: {  	[tilespmem:s21], [sflag:$0x2] =	stream.linear.gather [hbm4b:s18+s2], $0x80, $0x38;
	[tilespmem:$0x17C80] =	vst v63  }
0x3d: {  	s8 =	rddreg [dreg:$0x12]  }
0x3e: {  	[tilespmem:s22], [sflag:$0x3] =	stream.linear.gather [hbm4b:s8+s2], $0x80, $0x38;
	[tilespmem:$0x17C80] =	vst v63  }
0x3f: {  	s18 =	rddreg [dreg:$0x13]  }
0x40: {  	[tilespmem:s23], [sflag:$0x4] =	stream.linear.gather [hbm4b:s18+s2], $0x80, $0x38;
	[tilespmem:$0x17C80] =	vst v63  }
0x41: {  	s8 =	rddreg [dreg:$0x14]  }
0x42: {  	[tilespmem:s24], [sflag:$0x5] =	stream.linear.gather [hbm4b:s8+s2], $0x80, $0x38;
	[tilespmem:$0x17C80] =	vst v63  }
0x43: {  	s18 =	rddreg [dreg:$0x15]  }
0x44: {  	[tilespmem:s25], [sflag:$0x6] =	stream.linear.gather [hbm4b:s18+s2], $0x80, $0x38;
	[tilespmem:$0x17C80] =	vst v63  }
0x45: {  	s8 =	rddreg [dreg:$0x16]  }
0x46: {  	[tilespmem:s26], [sflag:$0x7] =	stream.linear.gather [hbm4b:s8+s2], $0x80, $0x38;
	[tilespmem:$0x17C80] =	vst v63  }
0x47: {  	s18 =	rddreg [dreg:$0x17]  }
0x48: {  	[tilespmem:s28], [sflag:$0x8] =	stream.linear.gather [hbm4b:s18+s2], $0x80, $0x38;
	[tilespmem:$0x17C80] =	vst v63  }
0x49: {  	[bflag:$0x0] =	sbarrier.arrive $0xFFFF  }
0x4a: {  	_ =	swait.ge [sflag:s29], $0x80  }
0x4b: {  	[sflag:s29] =	ssyncset.done $0x0  }
0x4c: {  	[sflag:s29] =	ssyncadd.s32 $0xFFFFFF80  }
0x4d: {  	[spmem:s1] =	stream.indirect.scatter.add.f32 [tilespmem:s19], [sflag:$0x9], $0x80, s2, s21, $0xb8;
	[tilespmem:$0x17C80] =	vst v63  }
0x4e: {  	_ =	swait.ge [sflag:s30], $0x80  }
0x4f: {  	[sflag:s30] =	ssyncset.done $0x0  }
0x50: {  	[sflag:s30] =	ssyncadd.s32 $0xFFFFFF80  }
0x51: {  	[spmem:s1] =	stream.indirect.scatter.add.f32 [tilespmem:s19], [sflag:$0xA], $0x80, s21, s21, $0xb8;
	[tilespmem:$0x17C80] =	vst v63  }
0x52: {  	_ =	swait.ge [sflag:s31], $0x80  }
0x53: {  	[sflag:s31] =	ssyncset.done $0x0  }
0x54: {  	[sflag:s31] =	ssyncadd.s32 $0xFFFFFF80  }
0x55: {  	[spmem:s1] =	stream.indirect.scatter.add.f32 [tilespmem:s19], [sflag:$0xB], $0x80, s22, s21, $0xb8;
	[tilespmem:$0x17C80] =	vst v63  }
0x56: {  	_ =	swait.ge [sflag:s0], $0x80  }
0x57: {  	[sflag:s0] =	ssyncset.done $0x0  }
0x58: {  	[sflag:s0] =	ssyncadd.s32 $0xFFFFFF80  }
0x59: {  	[spmem:s1] =	stream.indirect.scatter.add.f32 [tilespmem:s19], [sflag:$0xC], $0x80, s23, s21, $0xb8;
	[tilespmem:$0x17C80] =	vst v63  }
0x5a: {  	_ =	swait.ge [sflag:s3], $0x80  }
0x5b: {  	[sflag:s3] =	ssyncset.done $0x0  }
0x5c: {  	[sflag:s3] =	ssyncadd.s32 $0xFFFFFF80  }
0x5d: {  	[spmem:s1] =	stream.indirect.scatter.add.f32 [tilespmem:s19], [sflag:$0xD], $0x80, s24, s21, $0xb8;
	[tilespmem:$0x17C80] =	vst v63  }
0x5e: {  	_ =	swait.ge [sflag:s4], $0x80  }
0x5f: {  	[sflag:s4] =	ssyncset.done $0x0  }
0x60: {  	[sflag:s4] =	ssyncadd.s32 $0xFFFFFF80  }
0x61: {  	[spmem:s1] =	stream.indirect.scatter.add.f32 [tilespmem:s19], [sflag:$0xE], $0x80, s25, s21, $0xb8;
	[tilespmem:$0x17C80] =	vst v63  }
0x62: {  	_ =	swait.ge [sflag:s6], $0x80  }
0x63: {  	[sflag:s6] =	ssyncset.done $0x0  }
0x64: {  	[sflag:s6] =	ssyncadd.s32 $0xFFFFFF80  }
0x65: {  	[spmem:s1] =	stream.indirect.scatter.add.f32 [tilespmem:s19], [sflag:$0xF], $0x80, s26, s21, $0xb8;
	[tilespmem:$0x17C80] =	vst v63  }
0x66: {  	_ =	swait.ge [sflag:s7], $0x80  }
0x67: {  	[sflag:s7] =	ssyncset.done $0x0  }
0x68: {  	[sflag:s7] =	ssyncadd.s32 $0xFFFFFF80  }
0x69: {  	[spmem:s1] =	stream.indirect.scatter.add.f32 [tilespmem:s19], [sflag:$0x10], $0x80, s28, s21, $0xb8;
	[tilespmem:$0x17C80] =	vst v63  }
0x6a: {  	_ =	swait.ge [sflag:s9], $0x4000  }
0x6b: {  	s8 =	rddreg [dreg:$0xb];
	[sflag:s9] =	ssyncset.done $0x0  }
0x6c: {  	[sflag:s9] =	ssyncadd.s32 $0xFFFFC000;
	s5 =	sadd.s32 $0x0, s8  }
0x6d: {  	[tilespmem:s2], [sflag:$0x1] =	stream.linear.gather [hbm4b:s5+s2], $0x80, $0x38;
	[tilespmem:$0x17C80] =	vst v63  }
0x6e: {  	_ =	swait.ge [sflag:s10], $0x4000  }
0x6f: {  	s18 =	rddreg [dreg:$0xa];
	[sflag:s10] =	ssyncset.done $0x0  }
0x70: {  	[sflag:s10] =	ssyncadd.s32 $0xFFFFC000;
	s5 =	sadd.s32 $0x0, s18  }
0x71: {  	[tilespmem:s21], [sflag:$0x2] =	stream.linear.gather [hbm4b:s5+s2], $0x80, $0x38;
	[tilespmem:$0x17C80] =	vst v63  }
0x72: {  	_ =	swait.ge [sflag:s11], $0x4000  }
0x73: {  	s8 =	rddreg [dreg:$0x9];
	[sflag:s11] =	ssyncset.done $0x0  }
0x74: {  	[sflag:s11] =	ssyncadd.s32 $0xFFFFC000;
	s5 =	sadd.s32 $0x0, s8  }
0x75: {  	[tilespmem:s22], [sflag:$0x3] =	stream.linear.gather [hbm4b:s5+s2], $0x80, $0x38;
	[tilespmem:$0x17C80] =	vst v63  }
0x76: {  	_ =	swait.ge [sflag:s12], $0x4000  }
0x77: {  	s18 =	rddreg [dreg:$0x8];
	[sflag:s12] =	ssyncset.done $0x0  }
0x78: {  	[sflag:s12] =	ssyncadd.s32 $0xFFFFC000;
	s5 =	sadd.s32 $0x0, s18  }
0x79: {  	[tilespmem:s23], [sflag:$0x4] =	stream.linear.gather [hbm4b:s5+s2], $0x80, $0x38;
	[tilespmem:$0x17C80] =	vst v63  }
0x7a: {  	_ =	swait.ge [sflag:s13], $0x4000  }
0x7b: {  	s8 =	rddreg [dreg:$0x7];
	[sflag:s13] =	ssyncset.done $0x0  }
0x7c: {  	[sflag:s13] =	ssyncadd.s32 $0xFFFFC000;
	s5 =	sadd.s32 $0x0, s8  }
0x7d: {  	[tilespmem:s24], [sflag:$0x5] =	stream.linear.gather [hbm4b:s5+s2], $0x80, $0x38;
	[tilespmem:$0x17C80] =	vst v63  }
0x7e: {  	_ =	swait.ge [sflag:s14], $0x4000  }
0x7f: {  	s18 =	rddreg [dreg:$0x6];
	[sflag:s14] =	ssyncset.done $0x0  }
0x80: {  	[sflag:s14] =	ssyncadd.s32 $0xFFFFC000;
	s5 =	sadd.s32 $0x0, s18  }
0x81: {  	[tilespmem:s25], [sflag:$0x6] =	stream.linear.gather [hbm4b:s5+s2], $0x80, $0x38;
	[tilespmem:$0x17C80] =	vst v63  }
0x82: {  	_ =	swait.ge [sflag:s15], $0x4000  }
0x83: {  	s8 =	rddreg [dreg:$0x5];
	[sflag:s15] =	ssyncset.done $0x0  }
0x84: {  	[sflag:s15] =	ssyncadd.s32 $0xFFFFC000;
	s5 =	sadd.s32 $0x0, s8  }
0x85: {  	[tilespmem:s26], [sflag:$0x7] =	stream.linear.gather [hbm4b:s5+s2], $0x80, $0x38;
	[tilespmem:$0x17C80] =	vst v63  }
0x86: {  	_ =	swait.ge [sflag:s16], $0x4000  }
0x87: {  	s18 =	rddreg [dreg:$0x4];
	[sflag:s16] =	ssyncset.done $0x0  }
0x88: {  	[sflag:s16] =	ssyncadd.s32 $0xFFFFC000;
	s5 =	sadd.s32 $0x0, s18  }
0x89: {  	[tilespmem:s28], [sflag:$0x8] =	stream.linear.gather [hbm4b:s5+s2], $0x80, $0x38;
	[tilespmem:$0x17C80] =	vst v63  }
0x8a: {  	_ =	swait.ge [sflag:s29], $0x80  }
0x8b: {  	[sflag:s29] =	ssyncset.done $0x0  }
0x8c: {  	[sflag:s29] =	ssyncadd.s32 $0xFFFFFF80  }
0x8d: {  	[spmem:s1] =	stream.indirect.scatter.add.f32 [tilespmem:s19], [sflag:$0x9], $0x80, s2, s21, $0xb8;
	[tilespmem:$0x17C80] =	vst v63  }
0x8e: {  	_ =	swait.ge [sflag:s30], $0x80  }
0x8f: {  	[sflag:s30] =	ssyncset.done $0x0  }
0x90: {  	[sflag:s30] =	ssyncadd.s32 $0xFFFFFF80  }
0x91: {  	[spmem:s1] =	stream.indirect.scatter.add.f32 [tilespmem:s19], [sflag:$0xA], $0x80, s21, s21, $0xb8;
	[tilespmem:$0x17C80] =	vst v63  }
0x92: {  	_ =	swait.ge [sflag:s31], $0x80  }
0x93: {  	[sflag:s31] =	ssyncset.done $0x0  }
0x94: {  	[sflag:s31] =	ssyncadd.s32 $0xFFFFFF80  }
0x95: {  	[spmem:s1] =	stream.indirect.scatter.add.f32 [tilespmem:s19], [sflag:$0xB], $0x80, s22, s21, $0xb8;
	[tilespmem:$0x17C80] =	vst v63  }
0x96: {  	_ =	swait.ge [sflag:s0], $0x80  }
0x97: {  	[sflag:s0] =	ssyncset.done $0x0  }
0x98: {  	[sflag:s0] =	ssyncadd.s32 $0xFFFFFF80  }
0x99: {  	[spmem:s1] =	stream.indirect.scatter.add.f32 [tilespmem:s19], [sflag:$0xC], $0x80, s23, s21, $0xb8;
	[tilespmem:$0x17C80] =	vst v63  }
0x9a: {  	_ =	swait.ge [sflag:s3], $0x80  }
0x9b: {  	[sflag:s3] =	ssyncset.done $0x0  }
0x9c: {  	[sflag:s3] =	ssyncadd.s32 $0xFFFFFF80  }
0x9d: {  	[spmem:s1] =	stream.indirect.scatter.add.f32 [tilespmem:s19], [sflag:$0xD], $0x80, s24, s21, $0xb8;
	[tilespmem:$0x17C80] =	vst v63  }
0x9e: {  	_ =	swait.ge [sflag:s4], $0x80  }
0x9f: {  	[sflag:s4] =	ssyncset.done $0x0  }
0xa0: {  	[sflag:s4] =	ssyncadd.s32 $0xFFFFFF80  }
0xa1: {  	[spmem:s1] =	stream.indirect.scatter.add.f32 [tilespmem:s19], [sflag:$0xE], $0x80, s25, s21, $0xb8;
	[tilespmem:$0x17C80] =	vst v63  }
0xa2: {  	_ =	swait.ge [sflag:s6], $0x80  }
0xa3: {  	[sflag:s6] =	ssyncset.done $0x0  }
0xa4: {  	[sflag:s6] =	ssyncadd.s32 $0xFFFFFF80  }
0xa5: {  	[spmem:s1] =	stream.indirect.scatter.add.f32 [tilespmem:s19], [sflag:$0xF], $0x80, s26, s21, $0xb8;
	[tilespmem:$0x17C80] =	vst v63  }
0xa6: {  	_ =	swait.ge [sflag:s7], $0x80  }
0xa7: {  	[sflag:s7] =	ssyncset.done $0x0  }
0xa8: {  	s5 =	simm.s32 $0x80;
	[sflag:s7] =	ssyncadd.s32 $0xFFFFFF80  }
.LBB2_2:
0xa9: {  	[spmem:s1] =	stream.indirect.scatter.add.f32 [tilespmem:s19], [sflag:$0x10], $0x80, s28, s21, $0xb8;
	[tilespmem:$0x17C80] =	vst v63  }
0xaa: {  	_ =	swait.ge [sflag:s9], $0x4000  }
0xab: {  	s18 =	smov.u32 s5;
	s8 =	rddreg [dreg:$0xb];
	[sflag:s9] =	ssyncset.done $0x0  }
0xac: {  	[sflag:s9] =	ssyncadd.s32 $0xFFFFC000;
	s8 =	sadd.s32 s18, s8  }
0xad: {  	[tilespmem:s2], [sflag:$0x1] =	stream.linear.gather [hbm4b:s8+s2], $0x80, $0x38;
	[tilespmem:$0x17C80] =	vst v63  }
0xae: {  	_ =	swait.ge [sflag:s10], $0x4000  }
0xaf: {  	s8 =	rddreg [dreg:$0xa];
	[sflag:s10] =	ssyncset.done $0x0  }
0xb0: {  	[sflag:s10] =	ssyncadd.s32 $0xFFFFC000;
	s8 =	sadd.s32 s18, s8  }
0xb1: {  	[tilespmem:s21], [sflag:$0x2] =	stream.linear.gather [hbm4b:s8+s2], $0x80, $0x38;
	[tilespmem:$0x17C80] =	vst v63  }
0xb2: {  	_ =	swait.ge [sflag:s11], $0x4000  }
0xb3: {  	s8 =	rddreg [dreg:$0x9];
	[sflag:s11] =	ssyncset.done $0x0  }
0xb4: {  	[sflag:s11] =	ssyncadd.s32 $0xFFFFC000;
	s8 =	sadd.s32 s18, s8  }
0xb5: {  	[tilespmem:s22], [sflag:$0x3] =	stream.linear.gather [hbm4b:s8+s2], $0x80, $0x38;
	[tilespmem:$0x17C80] =	vst v63  }
0xb6: {  	_ =	swait.ge [sflag:s12], $0x4000  }
0xb7: {  	s8 =	rddreg [dreg:$0x8];
	[sflag:s12] =	ssyncset.done $0x0  }
0xb8: {  	[sflag:s12] =	ssyncadd.s32 $0xFFFFC000;
	s8 =	sadd.s32 s18, s8  }
0xb9: {  	[tilespmem:s23], [sflag:$0x4] =	stream.linear.gather [hbm4b:s8+s2], $0x80, $0x38;
	[tilespmem:$0x17C80] =	vst v63  }
0xba: {  	_ =	swait.ge [sflag:s13], $0x4000  }
0xbb: {  	s8 =	rddreg [dreg:$0x7];
	[sflag:s13] =	ssyncset.done $0x0  }
0xbc: {  	[sflag:s13] =	ssyncadd.s32 $0xFFFFC000;
	s8 =	sadd.s32 s18, s8  }
0xbd: {  	[tilespmem:s24], [sflag:$0x5] =	stream.linear.gather [hbm4b:s8+s2], $0x80, $0x38;
	[tilespmem:$0x17C80] =	vst v63  }
0xbe: {  	_ =	swait.ge [sflag:s14], $0x4000  }
0xbf: {  	s8 =	rddreg [dreg:$0x6];
	[sflag:s14] =	ssyncset.done $0x0  }
0xc0: {  	[sflag:s14] =	ssyncadd.s32 $0xFFFFC000;
	s8 =	sadd.s32 s18, s8  }
0xc1: {  	[tilespmem:s25], [sflag:$0x6] =	stream.linear.gather [hbm4b:s8+s2], $0x80, $0x38;
	[tilespmem:$0x17C80] =	vst v63  }
0xc2: {  	_ =	swait.ge [sflag:s15], $0x4000  }
0xc3: {  	s8 =	rddreg [dreg:$0x5];
	[sflag:s15] =	ssyncset.done $0x0  }
0xc4: {  	[sflag:s15] =	ssyncadd.s32 $0xFFFFC000;
	s8 =	sadd.s32 s18, s8  }
0xc5: {  	[tilespmem:s26], [sflag:$0x7] =	stream.linear.gather [hbm4b:s8+s2], $0x80, $0x38;
	[tilespmem:$0x17C80] =	vst v63  }
0xc6: {  	_ =	swait.ge [sflag:s16], $0x4000  }
0xc7: {  	s8 =	rddreg [dreg:$0x4];
	[sflag:s16] =	ssyncset.done $0x0  }
0xc8: {  	[sflag:s16] =	ssyncadd.s32 $0xFFFFC000;
	s8 =	sadd.s32 s18, s8  }
0xc9: {  	[tilespmem:s28], [sflag:$0x8] =	stream.linear.gather [hbm4b:s8+s2], $0x80, $0x38;
	[tilespmem:$0x17C80] =	vst v63  }
0xca: {  	_ =	swait.ge [sflag:s29], $0x80  }
0xcb: {  	[sflag:s29] =	ssyncset.done $0x0  }
0xcc: {  	[sflag:s29] =	ssyncadd.s32 $0xFFFFFF80  }
0xcd: {  	[spmem:s1] =	stream.indirect.scatter.add.f32 [tilespmem:s19], [sflag:$0x9], $0x80, s2, s21, $0xb8;
	[tilespmem:$0x17C80] =	vst v63  }
0xce: {  	_ =	swait.ge [sflag:s30], $0x80  }
0xcf: {  	[sflag:s30] =	ssyncset.done $0x0  }
0xd0: {  	[sflag:s30] =	ssyncadd.s32 $0xFFFFFF80  }
0xd1: {  	[spmem:s1] =	stream.indirect.scatter.add.f32 [tilespmem:s19], [sflag:$0xA], $0x80, s21, s21, $0xb8;
	[tilespmem:$0x17C80] =	vst v63  }
0xd2: {  	_ =	swait.ge [sflag:s31], $0x80  }
0xd3: {  	[sflag:s31] =	ssyncset.done $0x0  }
0xd4: {  	[sflag:s31] =	ssyncadd.s32 $0xFFFFFF80  }
0xd5: {  	[spmem:s1] =	stream.indirect.scatter.add.f32 [tilespmem:s19], [sflag:$0xB], $0x80, s22, s21, $0xb8;
	[tilespmem:$0x17C80] =	vst v63  }
0xd6: {  	_ =	swait.ge [sflag:s0], $0x80  }
0xd7: {  	[sflag:s0] =	ssyncset.done $0x0  }
0xd8: {  	[sflag:s0] =	ssyncadd.s32 $0xFFFFFF80  }
0xd9: {  	[spmem:s1] =	stream.indirect.scatter.add.f32 [tilespmem:s19], [sflag:$0xC], $0x80, s23, s21, $0xb8;
	[tilespmem:$0x17C80] =	vst v63  }
0xda: {  	_ =	swait.ge [sflag:s3], $0x80  }
0xdb: {  	[sflag:s3] =	ssyncset.done $0x0  }
0xdc: {  	[sflag:s3] =	ssyncadd.s32 $0xFFFFFF80  }
0xdd: {  	[spmem:s1] =	stream.indirect.scatter.add.f32 [tilespmem:s19], [sflag:$0xD], $0x80, s24, s21, $0xb8;
	[tilespmem:$0x17C80] =	vst v63  }
0xde: {  	_ =	swait.ge [sflag:s4], $0x80  }
0xdf: {  	[sflag:s4] =	ssyncset.done $0x0  }
0xe0: {  	[sflag:s4] =	ssyncadd.s32 $0xFFFFFF80  }
0xe1: {  	[spmem:s1] =	stream.indirect.scatter.add.f32 [tilespmem:s19], [sflag:$0xE], $0x80, s25, s21, $0xb8;
	[tilespmem:$0x17C80] =	vst v63  }
0xe2: {  	_ =	swait.ge [sflag:s6], $0x80  }
0xe3: {  	p1 =	sne.s32 s5, $0x400;
	[sflag:s6] =	ssyncset.done $0x0  }
.Ltmp0:
0xe4: {  	[sflag:s6] =	ssyncadd.s32 $0xFFFFFF80;
	(pc) =	sbr.rel @p1 .LBB2_2-.Ltmp0, $4  }
0xe5: {  	[spmem:s1] =	stream.indirect.scatter.add.f32 [tilespmem:s19], [sflag:$0xF], $0x80, s26, s21, $0xb8;
	[tilespmem:$0x17C80] =	vst v63  }
0xe6: {  	_ =	swait.ge [sflag:s7], $0x80  }
0xe7: {  	[sflag:s7] =	ssyncset.done $0x0  }
0xe8: {  	s5 =	sadd.s32 $0x80, s5;
	[sflag:s7] =	ssyncadd.s32 $0xFFFFFF80  }
0xe9: {  	[spmem:s1] =	stream.indirect.scatter.add.f32 [tilespmem:s19], [sflag:$0x10], $0x80, s28, s21, $0xb8;
	[tilespmem:$0x17C80] =	vst v63  }
0xea: {  	_ =	swait.ge [sflag:s9], $0x4000  }
0xeb: {  	[sflag:s9] =	ssyncset.done $0x0  }
0xec: {  	[sflag:s9] =	ssyncadd.s32 $0xFFFFC000  }
0xed: {  	_ =	swait.ge [sflag:s10], $0x4000  }
0xee: {  	[sflag:s10] =	ssyncset.done $0x0  }
0xef: {  	[sflag:s10] =	ssyncadd.s32 $0xFFFFC000  }
0xf0: {  	_ =	swait.ge [sflag:s11], $0x4000  }
0xf1: {  	[sflag:s11] =	ssyncset.done $0x0  }
0xf2: {  	[sflag:s11] =	ssyncadd.s32 $0xFFFFC000  }
0xf3: {  	_ =	swait.ge [sflag:s12], $0x4000  }
0xf4: {  	[sflag:s12] =	ssyncset.done $0x0  }
0xf5: {  	[sflag:s12] =	ssyncadd.s32 $0xFFFFC000  }
0xf6: {  	_ =	swait.ge [sflag:s13], $0x4000  }
0xf7: {  	[sflag:s13] =	ssyncset.done $0x0  }
0xf8: {  	[sflag:s13] =	ssyncadd.s32 $0xFFFFC000  }
0xf9: {  	_ =	swait.ge [sflag:s14], $0x4000  }
0xfa: {  	[sflag:s14] =	ssyncset.done $0x0  }
0xfb: {  	[sflag:s14] =	ssyncadd.s32 $0xFFFFC000  }
0xfc: {  	_ =	swait.ge [sflag:s15], $0x4000  }
0xfd: {  	[sflag:s15] =	ssyncset.done $0x0  }
0xfe: {  	[sflag:s15] =	ssyncadd.s32 $0xFFFFC000  }
0xff: {  	_ =	swait.ge [sflag:s16], $0x4000  }
0x100: {  	[sflag:s16] =	ssyncset.done $0x0  }
0x101: {  	[sflag:s16] =	ssyncadd.s32 $0xFFFFC000  }
0x102: {  	[bflag:$0x0] =	sbarrier.arrive $0xFFFF  }
0x103: {  	s8 =	rddreg [dreg:$0x19]  }
0x104: {  	s5 =	simm.s32 @p0 $0x1FD1;
	s18 =	rddreg [dreg:$0x1b]  }
0x105: {  	[hbm:s8], [sflag:s5] =	dma.local @p0 [spmem:s18], $0x2080  }
0x106: {  	s5 =	simm.s32 @p0 $0x11  }
0x107: {  	_ =	swait.ge @p0 [sflag:s5], $0x2080  }
0x108: {  	[sflag:s5] =	ssyncset.done @p0 $0x0;
	s8 =	rddreg [dreg:$0x1c]  }
0x109: {  	[sflag:s5] =	ssyncadd.s32 @p0 $0xFFFFDF80;
	s5 =	rddreg [dreg:$0x18]  }
0x10a: {  	[hbm:s5], [sflag:s8] =	dma.local @!p0 [spmem:s20], $0x2780  }
0x10b: {  	s5 =	simm.s32 @!p0 $0x11  }
0x10c: {  	_ =	swait.ge @!p0 [sflag:s5], $0x2780  }
0x10d: {  	s17 =	sadd.s32 $0x1, s17;
	s20 =	rddreg [dreg:$0x1a]  }
0x10e: {  	p1 =	sne.s32 s17, s20  }
.Ltmp1:
0x10f: {  	_ = 	snop;
	(pc) =	sbr.rel @p1 .LBB2_1-.Ltmp1, $3  }
0x110: {  	_ =	sdelay $0x1  }
0x111: {  	[sflag:s5] =	ssyncset.done @!p0 $0x0  }
0x112: {  	[sflag:s5] =	ssyncadd.s32 @!p0 $0xFFFFD880  }
0x113: {  	_ =	sfence.sel $0x180000  }
0x114: {  	[bflag:$0x0] =	sbarrier.arrive $0xFFFF  }
0x115: {  	_ =	strace $0x90000047  }
0x116: {  	s0 =	stileid.u32;
	[bflag:$0x2] =	sbarrier.arrive $0xFFFF  }
0x117: {  	p0 =	sne.s32 s0, $0x0;
	s0 =	rddreg [dreg:$0x3]  }
0x118: {  	s0 =	sadd.s32 @!p0 $0x100000, s0  }
0x119: {  	[sflag:s0] =	ssyncadd.tile.s32 @!p0 $0x1;
	_ =	shalt  }
.Lfunc_end2:
_tile_overlayer_lowered:
.L_overlay_start_2:
0x11a: {  	(tag) =	ssettag $0x2  }
0x11b: {  	s0 =	rddreg [dreg:$0x0];
	s2 =	stileid.u32  }
0x11c: {  	s1 =	rddreg [dreg:$0x1];
	p0 =	sne.s32 s2, $0x0  }
0x11d: {  	s3 =	rddreg [dreg:$0x2];
	[bflag:$0x3] =	sbarrier.arrive $0xFFFF;
	s2 =	simm.s32 @!p0 $0x1C11  }
0x11e: {  	[timem:s3], [sflag:s2] =	dma.local @!p0 [hbm:s0], s1  }
0x11f: {  	s0 =	simm.s32 @!p0 $0x11  }
0x120: {  	_ =	swait.ge @!p0 [sflag:s0], s1  }
0x121: {  	s1 =	ssub.s32 @!p0 $0x0, s1;
	[sflag:s0] =	ssyncset.done @!p0 $0x0  }
0x122: {  	[sflag:s0] =	ssyncadd.s32 @!p0 s1  }
0x123: {  	[bflag:$0x3] =	sbarrier.arrive $0xFFFF  }
0x124: {  	_ =	shalt  }

</sc_bundles>
